<compile_context>
chip_gen: v7x
topology: tpu7x:2x2x1
jax: 0.10.2.dev20260603
libtpu: 0.0.44.dev20260713+nightly
codegen_flags: <defaults>
</compile_context>

<pallas_src>
import functools

import jax
import jax.numpy as jnp
import numpy as np
from jax import lax
from jax.experimental import pallas as pl
from jax.experimental.pallas import tpu as pltpu
from jax.experimental.pallas import tpu_sc as plsc

N, E, H, DE = 10000, 320000, 128, 16
NC, NS = 2, 16
NW = NC * NS
EPW = E // NW
C = 80
CH = EPW // C
AW = H + 16
ZR = 40
NZCH = N // ZR

_PERM = np.concatenate(
    [np.arange(32 * g, 32 * (g + 1)).reshape(16, 2).T.reshape(32)
     for g in range(4)]).astype(np.int32)


def _pack16(x):
    bits = lax.bitcast_convert_type(x, jnp.int32)
    return (bits + 0x7FFF + ((bits >> 16) & 1)) >> 16


def _pq_body(h_ref, wse_ref, wso_ref, wde_ref, wdo_ref, p_ref, q_ref):
    hb = h_ref[...]

    def packed(we_ref, wo_ref):
        ev = _pack16(jnp.dot(hb, we_ref[...],
                             preferred_element_type=jnp.float32))
        od = _pack16(jnp.dot(hb, wo_ref[...],
                             preferred_element_type=jnp.float32))
        return (od << 16) | (ev & 0xFFFF)

    p_ref[...] = packed(wse_ref, wso_ref)
    q_ref[...] = packed(wde_ref, wdo_ref)


def _pq(h, ws, wd):
    BN = 2000
    hspec = pl.BlockSpec((BN, H), lambda i: (i, 0))
    wspec = pl.BlockSpec((H, H // 2), lambda i: (0, 0))
    ospec = pl.BlockSpec((BN, H // 2), lambda i: (i, 0))
    return pl.pallas_call(
        _pq_body,
        grid=(N // BN,),
        in_specs=[hspec, wspec, wspec, wspec, wspec],
        out_specs=[ospec, ospec],
        out_shape=[
            jax.ShapeDtypeStruct((N, H // 2), jnp.int32),
            jax.ShapeDtypeStruct((N, H // 2), jnp.int32),
        ],
    )(h, ws[:, 0::2], ws[:, 1::2], wd[:, 0::2], wd[:, 1::2])


def _r_body(ea_ref, wae_ref, wao_ref, b1e_ref, b1o_ref, r_ref):
    ea = ea_ref[...]
    ev = _pack16(jnp.dot(ea, wae_ref[...], preferred_element_type=jnp.float32)
                 + b1e_ref[...])
    od = _pack16(jnp.dot(ea, wao_ref[...], preferred_element_type=jnp.float32)
                 + b1o_ref[...])
    r_ref[...] = (od << 16) | (ev & 0xFFFF)


def _r(edge_attr, wa, b1):
    BE = 4000
    wspec = pl.BlockSpec((DE, H // 2), lambda i: (0, 0))
    bspec = pl.BlockSpec((1, H // 2), lambda i: (0, 0))
    return pl.pallas_call(
        _r_body,
        grid=(E // BE,),
        in_specs=[
            pl.BlockSpec((BE, DE), lambda i: (i, 0)),
            wspec, wspec, bspec, bspec,
        ],
        out_specs=pl.BlockSpec((BE, H // 2), lambda i: (i, 0)),
        out_shape=jax.ShapeDtypeStruct((E, H // 2), jnp.int32),
    )(edge_attr, wa[:, 0::2], wa[:, 1::2],
      b1[:, 0::2], b1[:, 1::2])


def _sc_edge_body(p_hbm, q_hbm, r_hbm, src_hbm, dst_hbm, out_hbm,
                  acc_s, sidx_v, didx_v, pg_v, qg_v, rg_v, te_v,
                  sem_si, sem_di, sem_p, sem_q, sem_p2, sem_q2):
    cid = lax.axis_index("c")
    sid = lax.axis_index("s")
    wid = sid * NC + cid

    def zrow(i, _):
        for v in range(AW // 16):
            te_v[i, pl.ds(v * 16, 16)] = jnp.zeros((16,), jnp.float32)
        return 0
    lax.fori_loop(0, ZR, zrow, 0)
    for k in range((NZCH + NS - 1) // NS):
        zc = sid + NS * k
        @pl.when(zc < NZCH)
        def _():
            pltpu.sync_copy(te_v.at[pl.ds(0, ZR)], acc_s.at[pl.ds(zc * ZR, ZR)])

    def onerow(i, _):
        te_v[i, pl.ds(H, 16)] = jnp.ones((16,), jnp.float32)
        return 0
    lax.fori_loop(0, C, onerow, 0)

    plsc.subcore_barrier()

    e0 = wid * EPW

    def issue_idx(ci, b):
        base = pl.multiple_of(e0 + ci * C, 8)
        pltpu.async_copy(src_hbm.at[pl.ds(base, C)], sidx_v[b], sem_si[b])
        pltpu.async_copy(dst_hbm.at[pl.ds(base, C)], didx_v[b], sem_di[b])

    def wait_idx(b):
        pltpu.make_async_copy(src_hbm.at[pl.ds(0, C)], sidx_v[b],
                              sem_si[b]).wait()
        pltpu.make_async_copy(dst_hbm.at[pl.ds(0, C)], didx_v[b],
                              sem_di[b]).wait()

    HC = C // 2

    def issue_gather(ci, b):
        pltpu.async_copy(p_hbm.at[sidx_v[b]], pg_v[b], sem_p[b])
        pltpu.async_copy(q_hbm.at[didx_v[b]], qg_v[b], sem_q[b])

    def wait_gather(b):
        pltpu.make_async_copy(p_hbm.at[sidx_v[b]], pg_v[b], sem_p[b]).wait()
        pltpu.make_async_copy(q_hbm.at[didx_v[b]], qg_v[b], sem_q[b]).wait()

    def issue_r(ci, h):
        base = pl.multiple_of(e0 + ci * C + h * HC, 8)
        pltpu.async_copy(r_hbm.at[pl.ds(base, HC)], rg_v[h], sem_p2[h])

    def wait_r(h):
        pltpu.make_async_copy(r_hbm.at[pl.ds(0, HC)], rg_v[h],
                              sem_p2[h]).wait()

    issue_idx(0, 0)
    wait_idx(0)
    issue_gather(0, 0)
    issue_r(0, 0)
    issue_r(0, 1)
    issue_idx(1, 1)

    hi_mask = jnp.full((16,), -65536, jnp.int32)

    def compute_scatter(i, b):
        wait_gather(b)

        def half(h):
            wait_r(h)

            def row(k, _):
                for g in range(H // 32):
                    s16 = pl.ds(16 * g, 16)
                    sa = pl.ds(32 * g, 16)
                    sb = pl.ds(32 * g + 16, 16)
                    pi = pg_v[b][h * HC + k, s16]
                    qi = qg_v[b][h * HC + k, s16]
                    ri = rg_v[h][k, s16]
                    pa = lax.bitcast_convert_type(pi << 16, jnp.float32)
                    pb = lax.bitcast_convert_type(pi & hi_mask, jnp.float32)
                    qa = lax.bitcast_convert_type(qi << 16, jnp.float32)
                    qb = lax.bitcast_convert_type(qi & hi_mask, jnp.float32)
                    ra = lax.bitcast_convert_type(ri << 16, jnp.float32)
                    rb = lax.bitcast_convert_type(ri & hi_mask, jnp.float32)
                    te_v[h * HC + k, sa] = jnp.maximum(pa + qa + ra, 0.0)
                    te_v[h * HC + k, sb] = jnp.maximum(pb + qb + rb, 0.0)
                return 0
            lax.fori_loop(0, HC, row, 0)

            @pl.when(i + 1 < CH)
            def _():
                issue_r(i + 1, h)

        half(0)
        half(1)

        pltpu.sync_copy(te_v, acc_s.at[didx_v[b]], add=True)

    def pair(i0, _):
        for b in (0, 1):
            i = i0 + b
            nb = 1 - b
            @pl.when(i + 1 < CH)
            def _():
                wait_idx(nb)
                issue_gather(i + 1, nb)
            compute_scatter(i, b)

            @pl.when(i + 2 < CH)
            def _():
                issue_idx(i + 2, b)
        return 0
    lax.fori_loop(0, CH // 2, lambda k, c: pair(2 * k, c), 0)
    if CH % 2 == 1:
        compute_scatter(CH - 1, (CH - 1) % 2)

    plsc.subcore_barrier()

    for k in range((NZCH + NS - 1) // NS):
        zc = sid + NS * k
        @pl.when(zc < NZCH)
        def _():
            pltpu.sync_copy(acc_s.at[pl.ds(zc * ZR, ZR)], te_v.at[pl.ds(0, ZR)])
            pltpu.sync_copy(te_v.at[pl.ds(0, ZR)],
                            out_hbm.at[pl.ds(cid * N + zc * ZR, ZR)])


def _sc_edge(p, q, r, src, dst):
    mesh = plsc.VectorSubcoreMesh(
        core_axis_name="c", subcore_axis_name="s", num_cores=NC,
        num_subcores=NS)
    fn = functools.partial(
        pl.kernel,
        out_type=jax.ShapeDtypeStruct((NC * N, AW), jnp.float32),
        mesh=mesh,
        compiler_params=pltpu.CompilerParams(use_tc_tiling_on_sc=False),
        scratch_types=[
            pltpu.VMEM_SHARED((N, AW), jnp.float32),
            [pltpu.VMEM((C,), jnp.int32)] * 2,
            [pltpu.VMEM((C,), jnp.int32)] * 2,
            [pltpu.VMEM((C, H // 2), jnp.int32)] * 2,
            [pltpu.VMEM((C, H // 2), jnp.int32)] * 2,
            [pltpu.VMEM((C // 2, H // 2), jnp.int32)] * 2,
            pltpu.VMEM((C, AW), jnp.float32),
            [pltpu.SemaphoreType.DMA] * 2,
            [pltpu.SemaphoreType.DMA] * 2,
            [pltpu.SemaphoreType.DMA] * 2,
            [pltpu.SemaphoreType.DMA] * 2,
            [pltpu.SemaphoreType.DMA] * 2,
            [pltpu.SemaphoreType.DMA] * 2,
        ],
    )(_sc_edge_body)
    return fn(p, q, r, src, dst)


def _node_body(h_ref, a0_ref, a1_ref, ew2_ref, eb2_ref, w1h_ref, w1a_ref,
               b1_ref, w2_ref, b2_ref, g_ref, b_ref, o_ref):
    acc = a0_ref[...] + a1_ref[...]
    s = acc[:, :H]
    deg = acc[:, H:H + 1]
    agg = (jnp.dot(s, ew2_ref[...], preferred_element_type=jnp.float32)
           + deg * eb2_ref[...])
    hb = h_ref[...]
    u = jnp.maximum(
        jnp.dot(hb, w1h_ref[...], preferred_element_type=jnp.float32)
        + jnp.dot(agg, w1a_ref[...], preferred_element_type=jnp.float32)
        + b1_ref[...], 0.0)
    hu = jnp.dot(u, w2_ref[...], preferred_element_type=jnp.float32) + b2_ref[...]
    x = hb + hu
    mean = jnp.mean(x, axis=-1, keepdims=True)
    d = x - mean
    var = jnp.mean(d * d, axis=-1, keepdims=True)
    o_ref[...] = d * lax.rsqrt(var + 1e-5) * g_ref[...] + b_ref[...]


def _node(h, acc, ew2, eb2, w1h, w1a, b1, w2, b2, g, b):
    BN = 2000
    nb = N // BN
    wspec = pl.BlockSpec((H, H), lambda i: (0, 0))
    bspec = pl.BlockSpec((1, H), lambda i: (0, 0))
    return pl.pallas_call(
        _node_body,
        grid=(nb,),
        in_specs=[
            pl.BlockSpec((BN, H), lambda i: (i, 0)),
            pl.BlockSpec((BN, AW), lambda i: (i, 0)),
            pl.BlockSpec((BN, AW), lambda i, _nb=nb: (i + _nb, 0)),
            wspec, bspec, wspec, wspec, bspec, wspec, bspec, bspec, bspec,
        ],
        out_specs=pl.BlockSpec((BN, H), lambda i: (i, 0)),
        out_shape=jax.ShapeDtypeStruct((N, H), jnp.float32),
    )(h, acc, acc, ew2, eb2, w1h, w1a, b1, w2, b2, g, b)


def kernel(h, edge_index, edge_attr, eW1, eb1, eW2, eb2, nW1, nb1, nW2, nb2,
           ln_g, ln_b):
    src = edge_index[0].astype(jnp.int32)
    dst = edge_index[1].astype(jnp.int32)
    perm = jnp.asarray(_PERM)
    ws, wd, wa = eW1[:H], eW1[H:2 * H], eW1[2 * H:]
    p, q = _pq(h, ws, wd)
    r = _r(edge_attr, wa, eb1.reshape(1, H))
    acc = _sc_edge(p, q, r, src, dst)
    return _node(h, acc, eW2[perm], eb2.reshape(1, H), nW1[:H], nW1[H:],
                 nb1.reshape(1, H), nW2, nb2.reshape(1, H), ln_g.reshape(1, H),
                 ln_b.reshape(1, H))

# --- scband reference (transcript-rebuilt; emitter-appended) ---
"""Pipeline reference for scband-edge-mpnnlayer-70428873720249 (READ-ONLY COPY).

The authoritative reference and input builder live on the scoring server;
editing this copy changes nothing except your own understanding.
"""

import jax, jax.numpy as jnp
import numpy as np

N, E, H, DE, HM, HU = 10000, 320000, 128, 16, 128, 128

def setup_inputs(seed: int = 0) -> dict:
    key = jax.random.key(seed)
    ks = jax.random.split(key, 13)
    h = jax.random.normal(ks[0], (N, H), dtype=jnp.float32)
    edge_index = jax.random.randint(ks[1], (2, E), 0, N)
    edge_attr = jax.random.normal(ks[2], (E, DE), dtype=jnp.float32)
    def lin(k, fan_in, fan_out):
        bound = 1.0 / np.sqrt(fan_in)
        kw, kb = jax.random.split(k)
        W = jax.random.uniform(kw, (fan_in, fan_out), jnp.float32, -bound, bound)
        b = jax.random.uniform(kb, (fan_out,), jnp.float32, -bound, bound)
        return W, b
    eW1, eb1 = lin(ks[3], 2 * H + DE, HM)
    eW2, eb2 = lin(ks[4], HM, H)
    nW1, nb1 = lin(ks[5], 2 * H, HU)
    nW2, nb2 = lin(ks[6], HU, H)
    ln_g = jnp.ones((H,), jnp.float32)
    ln_b = jnp.zeros((H,), jnp.float32)
    return {"h": h, "edge_index": edge_index, "edge_attr": edge_attr,
            "eW1": eW1, "eb1": eb1, "eW2": eW2, "eb2": eb2,
            "nW1": nW1, "nb1": nb1, "nW2": nW2, "nb2": nb2,
            "ln_g": ln_g, "ln_b": ln_b}

def _mlp2(x, W1, b1, W2, b2):
    return jnp.maximum(x @ W1 + b1, 0.0) @ W2 + b2

def reference(h, edge_index, edge_attr, eW1, eb1, eW2, eb2, nW1, nb1, nW2, nb2, ln_g, ln_b):
    src = edge_index[0]
    dst = edge_index[1]
    h_src = jnp.take(h, src, axis=0)
    h_dst = jnp.take(h, dst, axis=0)
    m_in = jnp.concatenate([h_src, h_dst, edge_attr], axis=1)
    m = _mlp2(m_in, eW1, eb1, eW2, eb2)
    agg = jax.ops.segment_sum(m, dst, num_segments=h.shape[0])
    h_upd = _mlp2(jnp.concatenate([h, agg], axis=1), nW1, nb1, nW2, nb2)
    x = h + h_upd
    mean = jnp.mean(x, axis=-1, keepdims=True)
    var = jnp.var(x, axis=-1, keepdims=True)
    out = (x - mean) / jnp.sqrt(var + 1e-5) * ln_g + ln_b
    return out

if __name__ == "__main__":
    import jax
    _d = setup_inputs()
    print(jax.jit(kernel)(*tuple(_d.values())))

</pallas_src>

<mosaic_0001>
#map = affine_map<(d0, d1) -> (0, 0)>
#map1 = affine_map<(d0, d1) -> (0)>
module attributes {stable_mosaic.version = 14 : i64} {
  func.func @_sc_edge_body(%arg0: i32, %arg1: i32, %arg2: memref<10000x64xi32, #tpu.memory_space<hbm>>, %arg3: memref<10000x64xi32, #tpu.memory_space<hbm>>, %arg4: memref<320000x64xi32, #tpu.memory_space<hbm>>, %arg5: memref<320000xi32, #tpu.memory_space<hbm>>, %arg6: memref<320000xi32, #tpu.memory_space<hbm>>, %arg7: memref<20000x144xf32, #tpu.memory_space<hbm>>, %arg8: memref<10000x144xf32, #tpu.memory_space<vmem_shared>>, %arg9: memref<80xi32, #tpu.memory_space<vmem>>, %arg10: memref<80xi32, #tpu.memory_space<vmem>>, %arg11: memref<80xi32, #tpu.memory_space<vmem>>, %arg12: memref<80xi32, #tpu.memory_space<vmem>>, %arg13: memref<80x64xi32, #tpu.memory_space<vmem>>, %arg14: memref<80x64xi32, #tpu.memory_space<vmem>>, %arg15: memref<80x64xi32, #tpu.memory_space<vmem>>, %arg16: memref<80x64xi32, #tpu.memory_space<vmem>>, %arg17: memref<40x64xi32, #tpu.memory_space<vmem>>, %arg18: memref<40x64xi32, #tpu.memory_space<vmem>>, %arg19: memref<80x144xf32, #tpu.memory_space<vmem>>, %arg20: memref<!tpu.dma_semaphore, #tpu.memory_space<semaphore_mem>>, %arg21: memref<!tpu.dma_semaphore, #tpu.memory_space<semaphore_mem>>, %arg22: memref<!tpu.dma_semaphore, #tpu.memory_space<semaphore_mem>>, %arg23: memref<!tpu.dma_semaphore, #tpu.memory_space<semaphore_mem>>, %arg24: memref<!tpu.dma_semaphore, #tpu.memory_space<semaphore_mem>>, %arg25: memref<!tpu.dma_semaphore, #tpu.memory_space<semaphore_mem>>, %arg26: memref<!tpu.dma_semaphore, #tpu.memory_space<semaphore_mem>>, %arg27: memref<!tpu.dma_semaphore, #tpu.memory_space<semaphore_mem>>, %arg28: memref<!tpu.dma_semaphore, #tpu.memory_space<semaphore_mem>>, %arg29: memref<!tpu.dma_semaphore, #tpu.memory_space<semaphore_mem>>, %arg30: memref<!tpu.dma_semaphore, #tpu.memory_space<semaphore_mem>>, %arg31: memref<!tpu.dma_semaphore, #tpu.memory_space<semaphore_mem>>) attributes {dimension_semantics = [#tpu.dimension_semantics<core_parallel>, #tpu.dimension_semantics<subcore_parallel>], iteration_bounds = array<i64: 2, 16>, scalar_prefetch = 0 : i64, scratch_operands = 24 : i64, tpu.core_type = #tpu.core_type<sc_vector_subcore>, window_params = [{transform_indices = #map}, {transform_indices = #map}, {transform_indices = #map}, {transform_indices = #map1}, {transform_indices = #map1}, {transform_indices = #map}]} {
    %mul3A = arith.constant 2 : i32
    %mul3A_0 = arith.muli %arg1, %mul3A : i32
    %add3A = arith.addi %mul3A_0, %arg0 : i32
    %scan3A = arith.constant 0 : i32
    %scan3A_1 = arith.constant 0 : i32
    %scan3A_2 = arith.constant 40 : i32
    %scan3A_3 = arith.addi %scan3A_1, %scan3A_2 : i32
    %scan3A_4 = arith.constant 1 : i32
    %scan3A_5 = scf.for %scan3A_321 = %scan3A_1 to %scan3A_3 step %scan3A_4 iter_args(%scan3A_322 = %scan3A) -> (i32)  : i32 {
      %broadcast_in_dim3A_323 = arith.constant 0.000000e+00 : f32
      %broadcast_in_dim3A_324 = vector.broadcast %broadcast_in_dim3A_323 : f32 to vector<16xf32>
      %swap3A = arith.index_cast %scan3A_321 : i32 to index
      %swap3A_325 = arith.constant 0 : index
      %swap3A_326 = tpu.vector_load %arg19[%swap3A, %swap3A_325] {strides = array<i32>} : memref<80x144xf32, #tpu.memory_space<vmem>>, vector<1x16xf32>,
      %swap3A_327 = vector.shape_cast %swap3A_326 : vector<1x16xf32> to vector<16xf32>
      %swap3A_328 = vector.shape_cast %broadcast_in_dim3A_324 : vector<16xf32> to vector<1x16xf32>
      tpu.vector_store %arg19[%swap3A, %swap3A_325], %swap3A_328 {strides = array<i32>} : memref<80x144xf32, #tpu.memory_space<vmem>>, vector<1x16xf32>,
      %broadcast_in_dim3A_329 = arith.constant 0.000000e+00 : f32
      %broadcast_in_dim3A_330 = vector.broadcast %broadcast_in_dim3A_329 : f32 to vector<16xf32>
      %swap3A_331 = arith.index_cast %scan3A_321 : i32 to index
      %swap3A_332 = arith.constant 16 : index
      %swap3A_333 = tpu.vector_load %arg19[%swap3A_331, %swap3A_332] {strides = array<i32>} : memref<80x144xf32, #tpu.memory_space<vmem>>, vector<1x16xf32>,
      %swap3A_334 = vector.shape_cast %swap3A_333 : vector<1x16xf32> to vector<16xf32>
      %swap3A_335 = vector.shape_cast %broadcast_in_dim3A_330 : vector<16xf32> to vector<1x16xf32>
      tpu.vector_store %arg19[%swap3A_331, %swap3A_332], %swap3A_335 {strides = array<i32>} : memref<80x144xf32, #tpu.memory_space<vmem>>, vector<1x16xf32>,
      %broadcast_in_dim3A_336 = arith.constant 0.000000e+00 : f32
      %broadcast_in_dim3A_337 = vector.broadcast %broadcast_in_dim3A_336 : f32 to vector<16xf32>
      %swap3A_338 = arith.index_cast %scan3A_321 : i32 to index
      %swap3A_339 = arith.constant 32 : index
      %swap3A_340 = tpu.vector_load %arg19[%swap3A_338, %swap3A_339] {strides = array<i32>} : memref<80x144xf32, #tpu.memory_space<vmem>>, vector<1x16xf32>,
      %swap3A_341 = vector.shape_cast %swap3A_340 : vector<1x16xf32> to vector<16xf32>
      %swap3A_342 = vector.shape_cast %broadcast_in_dim3A_337 : vector<16xf32> to vector<1x16xf32>
      tpu.vector_store %arg19[%swap3A_338, %swap3A_339], %swap3A_342 {strides = array<i32>} : memref<80x144xf32, #tpu.memory_space<vmem>>, vector<1x16xf32>,
      %broadcast_in_dim3A_343 = arith.constant 0.000000e+00 : f32
      %broadcast_in_dim3A_344 = vector.broadcast %broadcast_in_dim3A_343 : f32 to vector<16xf32>
      %swap3A_345 = arith.index_cast %scan3A_321 : i32 to index
      %swap3A_346 = arith.constant 48 : index
      %swap3A_347 = tpu.vector_load %arg19[%swap3A_345, %swap3A_346] {strides = array<i32>} : memref<80x144xf32, #tpu.memory_space<vmem>>, vector<1x16xf32>,
      %swap3A_348 = vector.shape_cast %swap3A_347 : vector<1x16xf32> to vector<16xf32>
      %swap3A_349 = vector.shape_cast %broadcast_in_dim3A_344 : vector<16xf32> to vector<1x16xf32>
      tpu.vector_store %arg19[%swap3A_345, %swap3A_346], %swap3A_349 {strides = array<i32>} : memref<80x144xf32, #tpu.memory_space<vmem>>, vector<1x16xf32>,
      %broadcast_in_dim3A_350 = arith.constant 0.000000e+00 : f32
      %broadcast_in_dim3A_351 = vector.broadcast %broadcast_in_dim3A_350 : f32 to vector<16xf32>
      %swap3A_352 = arith.index_cast %scan3A_321 : i32 to index
      %swap3A_353 = arith.constant 64 : index
      %swap3A_354 = tpu.vector_load %arg19[%swap3A_352, %swap3A_353] {strides = array<i32>} : memref<80x144xf32, #tpu.memory_space<vmem>>, vector<1x16xf32>,
      %swap3A_355 = vector.shape_cast %swap3A_354 : vector<1x16xf32> to vector<16xf32>
      %swap3A_356 = vector.shape_cast %broadcast_in_dim3A_351 : vector<16xf32> to vector<1x16xf32>
      tpu.vector_store %arg19[%swap3A_352, %swap3A_353], %swap3A_356 {strides = array<i32>} : memref<80x144xf32, #tpu.memory_space<vmem>>, vector<1x16xf32>,
      %broadcast_in_dim3A_357 = arith.constant 0.000000e+00 : f32
      %broadcast_in_dim3A_358 = vector.broadcast %broadcast_in_dim3A_357 : f32 to vector<16xf32>
      %swap3A_359 = arith.index_cast %scan3A_321 : i32 to index
      %swap3A_360 = arith.constant 80 : index
      %swap3A_361 = tpu.vector_load %arg19[%swap3A_359, %swap3A_360] {strides = array<i32>} : memref<80x144xf32, #tpu.memory_space<vmem>>, vector<1x16xf32>,
      %swap3A_362 = vector.shape_cast %swap3A_361 : vector<1x16xf32> to vector<16xf32>
      %swap3A_363 = vector.shape_cast %broadcast_in_dim3A_358 : vector<16xf32> to vector<1x16xf32>
      tpu.vector_store %arg19[%swap3A_359, %swap3A_360], %swap3A_363 {strides = array<i32>} : memref<80x144xf32, #tpu.memory_space<vmem>>, vector<1x16xf32>,
      %broadcast_in_dim3A_364 = arith.constant 0.000000e+00 : f32
      %broadcast_in_dim3A_365 = vector.broadcast %broadcast_in_dim3A_364 : f32 to vector<16xf32>
      %swap3A_366 = arith.index_cast %scan3A_321 : i32 to index
      %swap3A_367 = arith.constant 96 : index
      %swap3A_368 = tpu.vector_load %arg19[%swap3A_366, %swap3A_367] {strides = array<i32>} : memref<80x144xf32, #tpu.memory_space<vmem>>, vector<1x16xf32>,
      %swap3A_369 = vector.shape_cast %swap3A_368 : vector<1x16xf32> to vector<16xf32>
      %swap3A_370 = vector.shape_cast %broadcast_in_dim3A_365 : vector<16xf32> to vector<1x16xf32>
      tpu.vector_store %arg19[%swap3A_366, %swap3A_367], %swap3A_370 {strides = array<i32>} : memref<80x144xf32, #tpu.memory_space<vmem>>, vector<1x16xf32>,
      %broadcast_in_dim3A_371 = arith.constant 0.000000e+00 : f32
      %broadcast_in_dim3A_372 = vector.broadcast %broadcast_in_dim3A_371 : f32 to vector<16xf32>
      %swap3A_373 = arith.index_cast %scan3A_321 : i32 to index
      %swap3A_374 = arith.constant 112 : index
      %swap3A_375 = tpu.vector_load %arg19[%swap3A_373, %swap3A_374] {strides = array<i32>} : memref<80x144xf32, #tpu.memory_space<vmem>>, vector<1x16xf32>,
      %swap3A_376 = vector.shape_cast %swap3A_375 : vector<1x16xf32> to vector<16xf32>
      %swap3A_377 = vector.shape_cast %broadcast_in_dim3A_372 : vector<16xf32> to vector<1x16xf32>
      tpu.vector_store %arg19[%swap3A_373, %swap3A_374], %swap3A_377 {strides = array<i32>} : memref<80x144xf32, #tpu.memory_space<vmem>>, vector<1x16xf32>,
      %broadcast_in_dim3A_378 = arith.constant 0.000000e+00 : f32
      %broadcast_in_dim3A_379 = vector.broadcast %broadcast_in_dim3A_378 : f32 to vector<16xf32>
      %swap3A_380 = arith.index_cast %scan3A_321 : i32 to index
      %swap3A_381 = arith.constant 128 : index
      %swap3A_382 = tpu.vector_load %arg19[%swap3A_380, %swap3A_381] {strides = array<i32>} : memref<80x144xf32, #tpu.memory_space<vmem>>, vector<1x16xf32>,
      %swap3A_383 = vector.shape_cast %swap3A_382 : vector<1x16xf32> to vector<16xf32>
      %swap3A_384 = vector.shape_cast %broadcast_in_dim3A_379 : vector<16xf32> to vector<1x16xf32>
      tpu.vector_store %arg19[%swap3A_380, %swap3A_381], %swap3A_384 {strides = array<i32>} : memref<80x144xf32, #tpu.memory_space<vmem>>, vector<1x16xf32>,
      %scan3A_385 = arith.constant 0 : i32
      scf.yield %scan3A_385 : i32
    }
    %scan3A_6 = arith.constant 40 : i32
    %add3A_7 = arith.constant 0 : i32
    %add3A_8 = arith.addi %arg1, %add3A_7 : i32
    %lt3A = arith.constant 250 : i32
    %lt3A_9 = arith.cmpi slt, %add3A_8, %lt3A : i32
    %convert_element_type3A = arith.extui %lt3A_9 : i1 to i32
    %cond3A = arith.constant 0 : i32
    %cond3A_10 = arith.cmpi ne, %convert_element_type3A, %cond3A : i32
    scf.if %cond3A_10 {
      %mul3A_321 = arith.constant 40 : i32
      %mul3A_322 = arith.muli %add3A_8, %mul3A_321 : i32
      "tpu.region"() ({
        %run_scoped3A = tpu.sem_alloc : memref<!tpu.dma_semaphore, #tpu.memory_space<semaphore_mem>>
        %dma_start3A_323 = arith.constant 0 : i32
        %dma_start3A_324 = arith.constant 0 : i32
        %dma_start3A_325 = tpu.memref_slice %arg19[%dma_start3A_323, %dma_start3A_324] : memref<80x144xf32, #tpu.memory_space<vmem>> -> memref<40x144xf32, #tpu.memory_space<vmem>>
        %dma_start3A_326 = arith.constant 0 : i32
        %dma_start3A_327 = tpu.memref_slice %arg8[%mul3A_322, %dma_start3A_326] : memref<10000x144xf32, #tpu.memory_space<vmem_shared>> -> memref<40x144xf32, #tpu.memory_space<vmem_shared>>
        %dma_start3A_328 = arith.constant 0 : i32
        %dma_start3A_329 = tpu.memref_slice %arg8[%mul3A_322, %dma_start3A_328] : memref<10000x144xf32, #tpu.memory_space<vmem_shared>> -> memref<40x144xf32, #tpu.memory_space<vmem_shared>>
        %dma_start3A_330 = arith.constant 0 : i32
        %dma_start3A_331 = arith.constant 0 : i32
        %dma_start3A_332 = tpu.memref_slice %arg19[%dma_start3A_330, %dma_start3A_331] : memref<80x144xf32, #tpu.memory_space<vmem>> -> memref<40x144xf32, #tpu.memory_space<vmem>>
        tpu.enqueue_dma source(%dma_start3A_332 : memref<40x144xf32, #tpu.memory_space<vmem>>) target(%dma_start3A_329 : memref<40x144xf32, #tpu.memory_space<vmem_shared>>) target_semaphore(%run_scoped3A : memref<!tpu.dma_semaphore, #tpu.memory_space<semaphore_mem>>)
        %dma_wait3A_333 = arith.constant 0 : i32
        %dma_wait3A_334 = arith.constant 0 : i32
        %dma_wait3A_335 = tpu.memref_slice %arg19[%dma_wait3A_333, %dma_wait3A_334] : memref<80x144xf32, #tpu.memory_space<vmem>> -> memref<40x144xf32, #tpu.memory_space<vmem>>
        %dma_wait3A_336 = arith.constant 0 : i32
        %dma_wait3A_337 = tpu.memref_slice %arg8[%mul3A_322, %dma_wait3A_336] : memref<10000x144xf32, #tpu.memory_space<vmem_shared>> -> memref<40x144xf32, #tpu.memory_space<vmem_shared>>
        %dma_wait3A_338 = arith.constant 0 : i32
        %dma_wait3A_339 = tpu.memref_slice %arg8[%mul3A_322, %dma_wait3A_338] : memref<10000x144xf32, #tpu.memory_space<vmem_shared>> -> memref<40x144xf32, #tpu.memory_space<vmem_shared>>
        %dma_wait3A_340 = arith.constant 0 : i32
        %dma_wait3A_341 = arith.constant 0 : i32
        %dma_wait3A_342 = tpu.memref_slice %arg19[%dma_wait3A_340, %dma_wait3A_341] : memref<80x144xf32, #tpu.memory_space<vmem>> -> memref<40x144xf32, #tpu.memory_space<vmem>>
        tpu.wait_dma2 semaphore(%run_scoped3A : memref<!tpu.dma_semaphore, #tpu.memory_space<semaphore_mem>>) src(%dma_wait3A_342 : memref<40x144xf32, #tpu.memory_space<vmem>>) dst(%dma_wait3A_339 : memref<40x144xf32, #tpu.memory_space<vmem_shared>>)
        tpu.yield
      }) : () -> ()
    } else {
    }
    %add3A_11 = arith.constant 16 : i32
    %add3A_12 = arith.addi %arg1, %add3A_11 : i32
    %lt3A_13 = arith.constant 250 : i32
    %lt3A_14 = arith.cmpi slt, %add3A_12, %lt3A_13 : i32
    %convert_element_type3A_15 = arith.extui %lt3A_14 : i1 to i32
    %cond3A_16 = arith.constant 0 : i32
    %cond3A_17 = arith.cmpi ne, %convert_element_type3A_15, %cond3A_16 : i32
    scf.if %cond3A_17 {
      %mul3A_321 = arith.constant 40 : i32
      %mul3A_322 = arith.muli %add3A_12, %mul3A_321 : i32
      "tpu.region"() ({
        %run_scoped3A = tpu.sem_alloc : memref<!tpu.dma_semaphore, #tpu.memory_space<semaphore_mem>>
        %dma_start3A_323 = arith.constant 0 : i32
        %dma_start3A_324 = arith.constant 0 : i32
        %dma_start3A_325 = tpu.memref_slice %arg19[%dma_start3A_323, %dma_start3A_324] : memref<80x144xf32, #tpu.memory_space<vmem>> -> memref<40x144xf32, #tpu.memory_space<vmem>>
        %dma_start3A_326 = arith.constant 0 : i32
        %dma_start3A_327 = tpu.memref_slice %arg8[%mul3A_322, %dma_start3A_326] : memref<10000x144xf32, #tpu.memory_space<vmem_shared>> -> memref<40x144xf32, #tpu.memory_space<vmem_shared>>
        %dma_start3A_328 = arith.constant 0 : i32
        %dma_start3A_329 = tpu.memref_slice %arg8[%mul3A_322, %dma_start3A_328] : memref<10000x144xf32, #tpu.memory_space<vmem_shared>> -> memref<40x144xf32, #tpu.memory_space<vmem_shared>>
        %dma_start3A_330 = arith.constant 0 : i32
        %dma_start3A_331 = arith.constant 0 : i32
        %dma_start3A_332 = tpu.memref_slice %arg19[%dma_start3A_330, %dma_start3A_331] : memref<80x144xf32, #tpu.memory_space<vmem>> -> memref<40x144xf32, #tpu.memory_space<vmem>>
        tpu.enqueue_dma source(%dma_start3A_332 : memref<40x144xf32, #tpu.memory_space<vmem>>) target(%dma_start3A_329 : memref<40x144xf32, #tpu.memory_space<vmem_shared>>) target_semaphore(%run_scoped3A : memref<!tpu.dma_semaphore, #tpu.memory_space<semaphore_mem>>)
        %dma_wait3A_333 = arith.constant 0 : i32
        %dma_wait3A_334 = arith.constant 0 : i32
        %dma_wait3A_335 = tpu.memref_slice %arg19[%dma_wait3A_333, %dma_wait3A_334] : memref<80x144xf32, #tpu.memory_space<vmem>> -> memref<40x144xf32, #tpu.memory_space<vmem>>
        %dma_wait3A_336 = arith.constant 0 : i32
        %dma_wait3A_337 = tpu.memref_slice %arg8[%mul3A_322, %dma_wait3A_336] : memref<10000x144xf32, #tpu.memory_space<vmem_shared>> -> memref<40x144xf32, #tpu.memory_space<vmem_shared>>
        %dma_wait3A_338 = arith.constant 0 : i32
        %dma_wait3A_339 = tpu.memref_slice %arg8[%mul3A_322, %dma_wait3A_338] : memref<10000x144xf32, #tpu.memory_space<vmem_shared>> -> memref<40x144xf32, #tpu.memory_space<vmem_shared>>
        %dma_wait3A_340 = arith.constant 0 : i32
        %dma_wait3A_341 = arith.constant 0 : i32
        %dma_wait3A_342 = tpu.memref_slice %arg19[%dma_wait3A_340, %dma_wait3A_341] : memref<80x144xf32, #tpu.memory_space<vmem>> -> memref<40x144xf32, #tpu.memory_space<vmem>>
        tpu.wait_dma2 semaphore(%run_scoped3A : memref<!tpu.dma_semaphore, #tpu.memory_space<semaphore_mem>>) src(%dma_wait3A_342 : memref<40x144xf32, #tpu.memory_space<vmem>>) dst(%dma_wait3A_339 : memref<40x144xf32, #tpu.memory_space<vmem_shared>>)
        tpu.yield
      }) : () -> ()
    } else {
    }
    %add3A_18 = arith.constant 32 : i32
    %add3A_19 = arith.addi %arg1, %add3A_18 : i32
    %lt3A_20 = arith.constant 250 : i32
    %lt3A_21 = arith.cmpi slt, %add3A_19, %lt3A_20 : i32
    %convert_element_type3A_22 = arith.extui %lt3A_21 : i1 to i32
    %cond3A_23 = arith.constant 0 : i32
    %cond3A_24 = arith.cmpi ne, %convert_element_type3A_22, %cond3A_23 : i32
    scf.if %cond3A_24 {
      %mul3A_321 = arith.constant 40 : i32
      %mul3A_322 = arith.muli %add3A_19, %mul3A_321 : i32
      "tpu.region"() ({
        %run_scoped3A = tpu.sem_alloc : memref<!tpu.dma_semaphore, #tpu.memory_space<semaphore_mem>>
        %dma_start3A_323 = arith.constant 0 : i32
        %dma_start3A_324 = arith.constant 0 : i32
        %dma_start3A_325 = tpu.memref_slice %arg19[%dma_start3A_323, %dma_start3A_324] : memref<80x144xf32, #tpu.memory_space<vmem>> -> memref<40x144xf32, #tpu.memory_space<vmem>>
        %dma_start3A_326 = arith.constant 0 : i32
        %dma_start3A_327 = tpu.memref_slice %arg8[%mul3A_322, %dma_start3A_326] : memref<10000x144xf32, #tpu.memory_space<vmem_shared>> -> memref<40x144xf32, #tpu.memory_space<vmem_shared>>
        %dma_start3A_328 = arith.constant 0 : i32
        %dma_start3A_329 = tpu.memref_slice %arg8[%mul3A_322, %dma_start3A_328] : memref<10000x144xf32, #tpu.memory_space<vmem_shared>> -> memref<40x144xf32, #tpu.memory_space<vmem_shared>>
        %dma_start3A_330 = arith.constant 0 : i32
        %dma_start3A_331 = arith.constant 0 : i32
        %dma_start3A_332 = tpu.memref_slice %arg19[%dma_start3A_330, %dma_start3A_331] : memref<80x144xf32, #tpu.memory_space<vmem>> -> memref<40x144xf32, #tpu.memory_space<vmem>>
        tpu.enqueue_dma source(%dma_start3A_332 : memref<40x144xf32, #tpu.memory_space<vmem>>) target(%dma_start3A_329 : memref<40x144xf32, #tpu.memory_space<vmem_shared>>) target_semaphore(%run_scoped3A : memref<!tpu.dma_semaphore, #tpu.memory_space<semaphore_mem>>)
        %dma_wait3A_333 = arith.constant 0 : i32
        %dma_wait3A_334 = arith.constant 0 : i32
        %dma_wait3A_335 = tpu.memref_slice %arg19[%dma_wait3A_333, %dma_wait3A_334] : memref<80x144xf32, #tpu.memory_space<vmem>> -> memref<40x144xf32, #tpu.memory_space<vmem>>
        %dma_wait3A_336 = arith.constant 0 : i32
        %dma_wait3A_337 = tpu.memref_slice %arg8[%mul3A_322, %dma_wait3A_336] : memref<10000x144xf32, #tpu.memory_space<vmem_shared>> -> memref<40x144xf32, #tpu.memory_space<vmem_shared>>
        %dma_wait3A_338 = arith.constant 0 : i32
        %dma_wait3A_339 = tpu.memref_slice %arg8[%mul3A_322, %dma_wait3A_338] : memref<10000x144xf32, #tpu.memory_space<vmem_shared>> -> memref<40x144xf32, #tpu.memory_space<vmem_shared>>
        %dma_wait3A_340 = arith.constant 0 : i32
        %dma_wait3A_341 = arith.constant 0 : i32
        %dma_wait3A_342 = tpu.memref_slice %arg19[%dma_wait3A_340, %dma_wait3A_341] : memref<80x144xf32, #tpu.memory_space<vmem>> -> memref<40x144xf32, #tpu.memory_space<vmem>>
        tpu.wait_dma2 semaphore(%run_scoped3A : memref<!tpu.dma_semaphore, #tpu.memory_space<semaphore_mem>>) src(%dma_wait3A_342 : memref<40x144xf32, #tpu.memory_space<vmem>>) dst(%dma_wait3A_339 : memref<40x144xf32, #tpu.memory_space<vmem_shared>>)
        tpu.yield
      }) : () -> ()
    } else {
    }
    %add3A_25 = arith.constant 48 : i32
    %add3A_26 = arith.addi %arg1, %add3A_25 : i32
    %lt3A_27 = arith.constant 250 : i32
    %lt3A_28 = arith.cmpi slt, %add3A_26, %lt3A_27 : i32
    %convert_element_type3A_29 = arith.extui %lt3A_28 : i1 to i32
    %cond3A_30 = arith.constant 0 : i32
    %cond3A_31 = arith.cmpi ne, %convert_element_type3A_29, %cond3A_30 : i32
    scf.if %cond3A_31 {
      %mul3A_321 = arith.constant 40 : i32
      %mul3A_322 = arith.muli %add3A_26, %mul3A_321 : i32
      "tpu.region"() ({
        %run_scoped3A = tpu.sem_alloc : memref<!tpu.dma_semaphore, #tpu.memory_space<semaphore_mem>>
        %dma_start3A_323 = arith.constant 0 : i32
        %dma_start3A_324 = arith.constant 0 : i32
        %dma_start3A_325 = tpu.memref_slice %arg19[%dma_start3A_323, %dma_start3A_324] : memref<80x144xf32, #tpu.memory_space<vmem>> -> memref<40x144xf32, #tpu.memory_space<vmem>>
        %dma_start3A_326 = arith.constant 0 : i32
        %dma_start3A_327 = tpu.memref_slice %arg8[%mul3A_322, %dma_start3A_326] : memref<10000x144xf32, #tpu.memory_space<vmem_shared>> -> memref<40x144xf32, #tpu.memory_space<vmem_shared>>
        %dma_start3A_328 = arith.constant 0 : i32
        %dma_start3A_329 = tpu.memref_slice %arg8[%mul3A_322, %dma_start3A_328] : memref<10000x144xf32, #tpu.memory_space<vmem_shared>> -> memref<40x144xf32, #tpu.memory_space<vmem_shared>>
        %dma_start3A_330 = arith.constant 0 : i32
        %dma_start3A_331 = arith.constant 0 : i32
        %dma_start3A_332 = tpu.memref_slice %arg19[%dma_start3A_330, %dma_start3A_331] : memref<80x144xf32, #tpu.memory_space<vmem>> -> memref<40x144xf32, #tpu.memory_space<vmem>>
        tpu.enqueue_dma source(%dma_start3A_332 : memref<40x144xf32, #tpu.memory_space<vmem>>) target(%dma_start3A_329 : memref<40x144xf32, #tpu.memory_space<vmem_shared>>) target_semaphore(%run_scoped3A : memref<!tpu.dma_semaphore, #tpu.memory_space<semaphore_mem>>)
        %dma_wait3A_333 = arith.constant 0 : i32
        %dma_wait3A_334 = arith.constant 0 : i32
        %dma_wait3A_335 = tpu.memref_slice %arg19[%dma_wait3A_333, %dma_wait3A_334] : memref<80x144xf32, #tpu.memory_space<vmem>> -> memref<40x144xf32, #tpu.memory_space<vmem>>
        %dma_wait3A_336 = arith.constant 0 : i32
        %dma_wait3A_337 = tpu.memref_slice %arg8[%mul3A_322, %dma_wait3A_336] : memref<10000x144xf32, #tpu.memory_space<vmem_shared>> -> memref<40x144xf32, #tpu.memory_space<vmem_shared>>
        %dma_wait3A_338 = arith.constant 0 : i32
        %dma_wait3A_339 = tpu.memref_slice %arg8[%mul3A_322, %dma_wait3A_338] : memref<10000x144xf32, #tpu.memory_space<vmem_shared>> -> memref<40x144xf32, #tpu.memory_space<vmem_shared>>
        %dma_wait3A_340 = arith.constant 0 : i32
        %dma_wait3A_341 = arith.constant 0 : i32
        %dma_wait3A_342 = tpu.memref_slice %arg19[%dma_wait3A_340, %dma_wait3A_341] : memref<80x144xf32, #tpu.memory_space<vmem>> -> memref<40x144xf32, #tpu.memory_space<vmem>>
        tpu.wait_dma2 semaphore(%run_scoped3A : memref<!tpu.dma_semaphore, #tpu.memory_space<semaphore_mem>>) src(%dma_wait3A_342 : memref<40x144xf32, #tpu.memory_space<vmem>>) dst(%dma_wait3A_339 : memref<40x144xf32, #tpu.memory_space<vmem_shared>>)
        tpu.yield
      }) : () -> ()
    } else {
    }
    %add3A_32 = arith.constant 64 : i32
    %add3A_33 = arith.addi %arg1, %add3A_32 : i32
    %lt3A_34 = arith.constant 250 : i32
    %lt3A_35 = arith.cmpi slt, %add3A_33, %lt3A_34 : i32
    %convert_element_type3A_36 = arith.extui %lt3A_35 : i1 to i32
    %cond3A_37 = arith.constant 0 : i32
    %cond3A_38 = arith.cmpi ne, %convert_element_type3A_36, %cond3A_37 : i32
    scf.if %cond3A_38 {
      %mul3A_321 = arith.constant 40 : i32
      %mul3A_322 = arith.muli %add3A_33, %mul3A_321 : i32
      "tpu.region"() ({
        %run_scoped3A = tpu.sem_alloc : memref<!tpu.dma_semaphore, #tpu.memory_space<semaphore_mem>>
        %dma_start3A_323 = arith.constant 0 : i32
        %dma_start3A_324 = arith.constant 0 : i32
        %dma_start3A_325 = tpu.memref_slice %arg19[%dma_start3A_323, %dma_start3A_324] : memref<80x144xf32, #tpu.memory_space<vmem>> -> memref<40x144xf32, #tpu.memory_space<vmem>>
        %dma_start3A_326 = arith.constant 0 : i32
        %dma_start3A_327 = tpu.memref_slice %arg8[%mul3A_322, %dma_start3A_326] : memref<10000x144xf32, #tpu.memory_space<vmem_shared>> -> memref<40x144xf32, #tpu.memory_space<vmem_shared>>
        %dma_start3A_328 = arith.constant 0 : i32
        %dma_start3A_329 = tpu.memref_slice %arg8[%mul3A_322, %dma_start3A_328] : memref<10000x144xf32, #tpu.memory_space<vmem_shared>> -> memref<40x144xf32, #tpu.memory_space<vmem_shared>>
        %dma_start3A_330 = arith.constant 0 : i32
        %dma_start3A_331 = arith.constant 0 : i32
        %dma_start3A_332 = tpu.memref_slice %arg19[%dma_start3A_330, %dma_start3A_331] : memref<80x144xf32, #tpu.memory_space<vmem>> -> memref<40x144xf32, #tpu.memory_space<vmem>>
        tpu.enqueue_dma source(%dma_start3A_332 : memref<40x144xf32, #tpu.memory_space<vmem>>) target(%dma_start3A_329 : memref<40x144xf32, #tpu.memory_space<vmem_shared>>) target_semaphore(%run_scoped3A : memref<!tpu.dma_semaphore, #tpu.memory_space<semaphore_mem>>)
        %dma_wait3A_333 = arith.constant 0 : i32
        %dma_wait3A_334 = arith.constant 0 : i32
        %dma_wait3A_335 = tpu.memref_slice %arg19[%dma_wait3A_333, %dma_wait3A_334] : memref<80x144xf32, #tpu.memory_space<vmem>> -> memref<40x144xf32, #tpu.memory_space<vmem>>
        %dma_wait3A_336 = arith.constant 0 : i32
        %dma_wait3A_337 = tpu.memref_slice %arg8[%mul3A_322, %dma_wait3A_336] : memref<10000x144xf32, #tpu.memory_space<vmem_shared>> -> memref<40x144xf32, #tpu.memory_space<vmem_shared>>
        %dma_wait3A_338 = arith.constant 0 : i32
        %dma_wait3A_339 = tpu.memref_slice %arg8[%mul3A_322, %dma_wait3A_338] : memref<10000x144xf32, #tpu.memory_space<vmem_shared>> -> memref<40x144xf32, #tpu.memory_space<vmem_shared>>
        %dma_wait3A_340 = arith.constant 0 : i32
        %dma_wait3A_341 = arith.constant 0 : i32
        %dma_wait3A_342 = tpu.memref_slice %arg19[%dma_wait3A_340, %dma_wait3A_341] : memref<80x144xf32, #tpu.memory_space<vmem>> -> memref<40x144xf32, #tpu.memory_space<vmem>>
        tpu.wait_dma2 semaphore(%run_scoped3A : memref<!tpu.dma_semaphore, #tpu.memory_space<semaphore_mem>>) src(%dma_wait3A_342 : memref<40x144xf32, #tpu.memory_space<vmem>>) dst(%dma_wait3A_339 : memref<40x144xf32, #tpu.memory_space<vmem_shared>>)
        tpu.yield
      }) : () -> ()
    } else {
    }
    %add3A_39 = arith.constant 80 : i32
    %add3A_40 = arith.addi %arg1, %add3A_39 : i32
    %lt3A_41 = arith.constant 250 : i32
    %lt3A_42 = arith.cmpi slt, %add3A_40, %lt3A_41 : i32
    %convert_element_type3A_43 = arith.extui %lt3A_42 : i1 to i32
    %cond3A_44 = arith.constant 0 : i32
    %cond3A_45 = arith.cmpi ne, %convert_element_type3A_43, %cond3A_44 : i32
    scf.if %cond3A_45 {
      %mul3A_321 = arith.constant 40 : i32
      %mul3A_322 = arith.muli %add3A_40, %mul3A_321 : i32
      "tpu.region"() ({
        %run_scoped3A = tpu.sem_alloc : memref<!tpu.dma_semaphore, #tpu.memory_space<semaphore_mem>>
        %dma_start3A_323 = arith.constant 0 : i32
        %dma_start3A_324 = arith.constant 0 : i32
        %dma_start3A_325 = tpu.memref_slice %arg19[%dma_start3A_323, %dma_start3A_324] : memref<80x144xf32, #tpu.memory_space<vmem>> -> memref<40x144xf32, #tpu.memory_space<vmem>>
        %dma_start3A_326 = arith.constant 0 : i32
        %dma_start3A_327 = tpu.memref_slice %arg8[%mul3A_322, %dma_start3A_326] : memref<10000x144xf32, #tpu.memory_space<vmem_shared>> -> memref<40x144xf32, #tpu.memory_space<vmem_shared>>
        %dma_start3A_328 = arith.constant 0 : i32
        %dma_start3A_329 = tpu.memref_slice %arg8[%mul3A_322, %dma_start3A_328] : memref<10000x144xf32, #tpu.memory_space<vmem_shared>> -> memref<40x144xf32, #tpu.memory_space<vmem_shared>>
        %dma_start3A_330 = arith.constant 0 : i32
        %dma_start3A_331 = arith.constant 0 : i32
        %dma_start3A_332 = tpu.memref_slice %arg19[%dma_start3A_330, %dma_start3A_331] : memref<80x144xf32, #tpu.memory_space<vmem>> -> memref<40x144xf32, #tpu.memory_space<vmem>>
        tpu.enqueue_dma source(%dma_start3A_332 : memref<40x144xf32, #tpu.memory_space<vmem>>) target(%dma_start3A_329 : memref<40x144xf32, #tpu.memory_space<vmem_shared>>) target_semaphore(%run_scoped3A : memref<!tpu.dma_semaphore, #tpu.memory_space<semaphore_mem>>)
        %dma_wait3A_333 = arith.constant 0 : i32
        %dma_wait3A_334 = arith.constant 0 : i32
        %dma_wait3A_335 = tpu.memref_slice %arg19[%dma_wait3A_333, %dma_wait3A_334] : memref<80x144xf32, #tpu.memory_space<vmem>> -> memref<40x144xf32, #tpu.memory_space<vmem>>
        %dma_wait3A_336 = arith.constant 0 : i32
        %dma_wait3A_337 = tpu.memref_slice %arg8[%mul3A_322, %dma_wait3A_336] : memref<10000x144xf32, #tpu.memory_space<vmem_shared>> -> memref<40x144xf32, #tpu.memory_space<vmem_shared>>
        %dma_wait3A_338 = arith.constant 0 : i32
        %dma_wait3A_339 = tpu.memref_slice %arg8[%mul3A_322, %dma_wait3A_338] : memref<10000x144xf32, #tpu.memory_space<vmem_shared>> -> memref<40x144xf32, #tpu.memory_space<vmem_shared>>
        %dma_wait3A_340 = arith.constant 0 : i32
        %dma_wait3A_341 = arith.constant 0 : i32
        %dma_wait3A_342 = tpu.memref_slice %arg19[%dma_wait3A_340, %dma_wait3A_341] : memref<80x144xf32, #tpu.memory_space<vmem>> -> memref<40x144xf32, #tpu.memory_space<vmem>>
        tpu.wait_dma2 semaphore(%run_scoped3A : memref<!tpu.dma_semaphore, #tpu.memory_space<semaphore_mem>>) src(%dma_wait3A_342 : memref<40x144xf32, #tpu.memory_space<vmem>>) dst(%dma_wait3A_339 : memref<40x144xf32, #tpu.memory_space<vmem_shared>>)
        tpu.yield
      }) : () -> ()
    } else {
    }
    %add3A_46 = arith.constant 96 : i32
    %add3A_47 = arith.addi %arg1, %add3A_46 : i32
    %lt3A_48 = arith.constant 250 : i32
    %lt3A_49 = arith.cmpi slt, %add3A_47, %lt3A_48 : i32
    %convert_element_type3A_50 = arith.extui %lt3A_49 : i1 to i32
    %cond3A_51 = arith.constant 0 : i32
    %cond3A_52 = arith.cmpi ne, %convert_element_type3A_50, %cond3A_51 : i32
    scf.if %cond3A_52 {
      %mul3A_321 = arith.constant 40 : i32
      %mul3A_322 = arith.muli %add3A_47, %mul3A_321 : i32
      "tpu.region"() ({
        %run_scoped3A = tpu.sem_alloc : memref<!tpu.dma_semaphore, #tpu.memory_space<semaphore_mem>>
        %dma_start3A_323 = arith.constant 0 : i32
        %dma_start3A_324 = arith.constant 0 : i32
        %dma_start3A_325 = tpu.memref_slice %arg19[%dma_start3A_323, %dma_start3A_324] : memref<80x144xf32, #tpu.memory_space<vmem>> -> memref<40x144xf32, #tpu.memory_space<vmem>>
        %dma_start3A_326 = arith.constant 0 : i32
        %dma_start3A_327 = tpu.memref_slice %arg8[%mul3A_322, %dma_start3A_326] : memref<10000x144xf32, #tpu.memory_space<vmem_shared>> -> memref<40x144xf32, #tpu.memory_space<vmem_shared>>
        %dma_start3A_328 = arith.constant 0 : i32
        %dma_start3A_329 = tpu.memref_slice %arg8[%mul3A_322, %dma_start3A_328] : memref<10000x144xf32, #tpu.memory_space<vmem_shared>> -> memref<40x144xf32, #tpu.memory_space<vmem_shared>>
        %dma_start3A_330 = arith.constant 0 : i32
        %dma_start3A_331 = arith.constant 0 : i32
        %dma_start3A_332 = tpu.memref_slice %arg19[%dma_start3A_330, %dma_start3A_331] : memref<80x144xf32, #tpu.memory_space<vmem>> -> memref<40x144xf32, #tpu.memory_space<vmem>>
        tpu.enqueue_dma source(%dma_start3A_332 : memref<40x144xf32, #tpu.memory_space<vmem>>) target(%dma_start3A_329 : memref<40x144xf32, #tpu.memory_space<vmem_shared>>) target_semaphore(%run_scoped3A : memref<!tpu.dma_semaphore, #tpu.memory_space<semaphore_mem>>)
        %dma_wait3A_333 = arith.constant 0 : i32
        %dma_wait3A_334 = arith.constant 0 : i32
        %dma_wait3A_335 = tpu.memref_slice %arg19[%dma_wait3A_333, %dma_wait3A_334] : memref<80x144xf32, #tpu.memory_space<vmem>> -> memref<40x144xf32, #tpu.memory_space<vmem>>
        %dma_wait3A_336 = arith.constant 0 : i32
        %dma_wait3A_337 = tpu.memref_slice %arg8[%mul3A_322, %dma_wait3A_336] : memref<10000x144xf32, #tpu.memory_space<vmem_shared>> -> memref<40x144xf32, #tpu.memory_space<vmem_shared>>
        %dma_wait3A_338 = arith.constant 0 : i32
        %dma_wait3A_339 = tpu.memref_slice %arg8[%mul3A_322, %dma_wait3A_338] : memref<10000x144xf32, #tpu.memory_space<vmem_shared>> -> memref<40x144xf32, #tpu.memory_space<vmem_shared>>
        %dma_wait3A_340 = arith.constant 0 : i32
        %dma_wait3A_341 = arith.constant 0 : i32
        %dma_wait3A_342 = tpu.memref_slice %arg19[%dma_wait3A_340, %dma_wait3A_341] : memref<80x144xf32, #tpu.memory_space<vmem>> -> memref<40x144xf32, #tpu.memory_space<vmem>>
        tpu.wait_dma2 semaphore(%run_scoped3A : memref<!tpu.dma_semaphore, #tpu.memory_space<semaphore_mem>>) src(%dma_wait3A_342 : memref<40x144xf32, #tpu.memory_space<vmem>>) dst(%dma_wait3A_339 : memref<40x144xf32, #tpu.memory_space<vmem_shared>>)
        tpu.yield
      }) : () -> ()
    } else {
    }
    %add3A_53 = arith.constant 112 : i32
    %add3A_54 = arith.addi %arg1, %add3A_53 : i32
    %lt3A_55 = arith.constant 250 : i32
    %lt3A_56 = arith.cmpi slt, %add3A_54, %lt3A_55 : i32
    %convert_element_type3A_57 = arith.extui %lt3A_56 : i1 to i32
    %cond3A_58 = arith.constant 0 : i32
    %cond3A_59 = arith.cmpi ne, %convert_element_type3A_57, %cond3A_58 : i32
    scf.if %cond3A_59 {
      %mul3A_321 = arith.constant 40 : i32
      %mul3A_322 = arith.muli %add3A_54, %mul3A_321 : i32
      "tpu.region"() ({
        %run_scoped3A = tpu.sem_alloc : memref<!tpu.dma_semaphore, #tpu.memory_space<semaphore_mem>>
        %dma_start3A_323 = arith.constant 0 : i32
        %dma_start3A_324 = arith.constant 0 : i32
        %dma_start3A_325 = tpu.memref_slice %arg19[%dma_start3A_323, %dma_start3A_324] : memref<80x144xf32, #tpu.memory_space<vmem>> -> memref<40x144xf32, #tpu.memory_space<vmem>>
        %dma_start3A_326 = arith.constant 0 : i32
        %dma_start3A_327 = tpu.memref_slice %arg8[%mul3A_322, %dma_start3A_326] : memref<10000x144xf32, #tpu.memory_space<vmem_shared>> -> memref<40x144xf32, #tpu.memory_space<vmem_shared>>
        %dma_start3A_328 = arith.constant 0 : i32
        %dma_start3A_329 = tpu.memref_slice %arg8[%mul3A_322, %dma_start3A_328] : memref<10000x144xf32, #tpu.memory_space<vmem_shared>> -> memref<40x144xf32, #tpu.memory_space<vmem_shared>>
        %dma_start3A_330 = arith.constant 0 : i32
        %dma_start3A_331 = arith.constant 0 : i32
        %dma_start3A_332 = tpu.memref_slice %arg19[%dma_start3A_330, %dma_start3A_331] : memref<80x144xf32, #tpu.memory_space<vmem>> -> memref<40x144xf32, #tpu.memory_space<vmem>>
        tpu.enqueue_dma source(%dma_start3A_332 : memref<40x144xf32, #tpu.memory_space<vmem>>) target(%dma_start3A_329 : memref<40x144xf32, #tpu.memory_space<vmem_shared>>) target_semaphore(%run_scoped3A : memref<!tpu.dma_semaphore, #tpu.memory_space<semaphore_mem>>)
        %dma_wait3A_333 = arith.constant 0 : i32
        %dma_wait3A_334 = arith.constant 0 : i32
        %dma_wait3A_335 = tpu.memref_slice %arg19[%dma_wait3A_333, %dma_wait3A_334] : memref<80x144xf32, #tpu.memory_space<vmem>> -> memref<40x144xf32, #tpu.memory_space<vmem>>
        %dma_wait3A_336 = arith.constant 0 : i32
        %dma_wait3A_337 = tpu.memref_slice %arg8[%mul3A_322, %dma_wait3A_336] : memref<10000x144xf32, #tpu.memory_space<vmem_shared>> -> memref<40x144xf32, #tpu.memory_space<vmem_shared>>
        %dma_wait3A_338 = arith.constant 0 : i32
        %dma_wait3A_339 = tpu.memref_slice %arg8[%mul3A_322, %dma_wait3A_338] : memref<10000x144xf32, #tpu.memory_space<vmem_shared>> -> memref<40x144xf32, #tpu.memory_space<vmem_shared>>
        %dma_wait3A_340 = arith.constant 0 : i32
        %dma_wait3A_341 = arith.constant 0 : i32
        %dma_wait3A_342 = tpu.memref_slice %arg19[%dma_wait3A_340, %dma_wait3A_341] : memref<80x144xf32, #tpu.memory_space<vmem>> -> memref<40x144xf32, #tpu.memory_space<vmem>>
        tpu.wait_dma2 semaphore(%run_scoped3A : memref<!tpu.dma_semaphore, #tpu.memory_space<semaphore_mem>>) src(%dma_wait3A_342 : memref<40x144xf32, #tpu.memory_space<vmem>>) dst(%dma_wait3A_339 : memref<40x144xf32, #tpu.memory_space<vmem_shared>>)
        tpu.yield
      }) : () -> ()
    } else {
    }
    %add3A_60 = arith.constant 128 : i32
    %add3A_61 = arith.addi %arg1, %add3A_60 : i32
    %lt3A_62 = arith.constant 250 : i32
    %lt3A_63 = arith.cmpi slt, %add3A_61, %lt3A_62 : i32
    %convert_element_type3A_64 = arith.extui %lt3A_63 : i1 to i32
    %cond3A_65 = arith.constant 0 : i32
    %cond3A_66 = arith.cmpi ne, %convert_element_type3A_64, %cond3A_65 : i32
    scf.if %cond3A_66 {
      %mul3A_321 = arith.constant 40 : i32
      %mul3A_322 = arith.muli %add3A_61, %mul3A_321 : i32
      "tpu.region"() ({
        %run_scoped3A = tpu.sem_alloc : memref<!tpu.dma_semaphore, #tpu.memory_space<semaphore_mem>>
        %dma_start3A_323 = arith.constant 0 : i32
        %dma_start3A_324 = arith.constant 0 : i32
        %dma_start3A_325 = tpu.memref_slice %arg19[%dma_start3A_323, %dma_start3A_324] : memref<80x144xf32, #tpu.memory_space<vmem>> -> memref<40x144xf32, #tpu.memory_space<vmem>>
        %dma_start3A_326 = arith.constant 0 : i32
        %dma_start3A_327 = tpu.memref_slice %arg8[%mul3A_322, %dma_start3A_326] : memref<10000x144xf32, #tpu.memory_space<vmem_shared>> -> memref<40x144xf32, #tpu.memory_space<vmem_shared>>
        %dma_start3A_328 = arith.constant 0 : i32
        %dma_start3A_329 = tpu.memref_slice %arg8[%mul3A_322, %dma_start3A_328] : memref<10000x144xf32, #tpu.memory_space<vmem_shared>> -> memref<40x144xf32, #tpu.memory_space<vmem_shared>>
        %dma_start3A_330 = arith.constant 0 : i32
        %dma_start3A_331 = arith.constant 0 : i32
        %dma_start3A_332 = tpu.memref_slice %arg19[%dma_start3A_330, %dma_start3A_331] : memref<80x144xf32, #tpu.memory_space<vmem>> -> memref<40x144xf32, #tpu.memory_space<vmem>>
        tpu.enqueue_dma source(%dma_start3A_332 : memref<40x144xf32, #tpu.memory_space<vmem>>) target(%dma_start3A_329 : memref<40x144xf32, #tpu.memory_space<vmem_shared>>) target_semaphore(%run_scoped3A : memref<!tpu.dma_semaphore, #tpu.memory_space<semaphore_mem>>)
        %dma_wait3A_333 = arith.constant 0 : i32
        %dma_wait3A_334 = arith.constant 0 : i32
        %dma_wait3A_335 = tpu.memref_slice %arg19[%dma_wait3A_333, %dma_wait3A_334] : memref<80x144xf32, #tpu.memory_space<vmem>> -> memref<40x144xf32, #tpu.memory_space<vmem>>
        %dma_wait3A_336 = arith.constant 0 : i32
        %dma_wait3A_337 = tpu.memref_slice %arg8[%mul3A_322, %dma_wait3A_336] : memref<10000x144xf32, #tpu.memory_space<vmem_shared>> -> memref<40x144xf32, #tpu.memory_space<vmem_shared>>
        %dma_wait3A_338 = arith.constant 0 : i32
        %dma_wait3A_339 = tpu.memref_slice %arg8[%mul3A_322, %dma_wait3A_338] : memref<10000x144xf32, #tpu.memory_space<vmem_shared>> -> memref<40x144xf32, #tpu.memory_space<vmem_shared>>
        %dma_wait3A_340 = arith.constant 0 : i32
        %dma_wait3A_341 = arith.constant 0 : i32
        %dma_wait3A_342 = tpu.memref_slice %arg19[%dma_wait3A_340, %dma_wait3A_341] : memref<80x144xf32, #tpu.memory_space<vmem>> -> memref<40x144xf32, #tpu.memory_space<vmem>>
        tpu.wait_dma2 semaphore(%run_scoped3A : memref<!tpu.dma_semaphore, #tpu.memory_space<semaphore_mem>>) src(%dma_wait3A_342 : memref<40x144xf32, #tpu.memory_space<vmem>>) dst(%dma_wait3A_339 : memref<40x144xf32, #tpu.memory_space<vmem_shared>>)
        tpu.yield
      }) : () -> ()
    } else {
    }
    %add3A_67 = arith.constant 144 : i32
    %add3A_68 = arith.addi %arg1, %add3A_67 : i32
    %lt3A_69 = arith.constant 250 : i32
    %lt3A_70 = arith.cmpi slt, %add3A_68, %lt3A_69 : i32
    %convert_element_type3A_71 = arith.extui %lt3A_70 : i1 to i32
    %cond3A_72 = arith.constant 0 : i32
    %cond3A_73 = arith.cmpi ne, %convert_element_type3A_71, %cond3A_72 : i32
    scf.if %cond3A_73 {
      %mul3A_321 = arith.constant 40 : i32
      %mul3A_322 = arith.muli %add3A_68, %mul3A_321 : i32
      "tpu.region"() ({
        %run_scoped3A = tpu.sem_alloc : memref<!tpu.dma_semaphore, #tpu.memory_space<semaphore_mem>>
        %dma_start3A_323 = arith.constant 0 : i32
        %dma_start3A_324 = arith.constant 0 : i32
        %dma_start3A_325 = tpu.memref_slice %arg19[%dma_start3A_323, %dma_start3A_324] : memref<80x144xf32, #tpu.memory_space<vmem>> -> memref<40x144xf32, #tpu.memory_space<vmem>>
        %dma_start3A_326 = arith.constant 0 : i32
        %dma_start3A_327 = tpu.memref_slice %arg8[%mul3A_322, %dma_start3A_326] : memref<10000x144xf32, #tpu.memory_space<vmem_shared>> -> memref<40x144xf32, #tpu.memory_space<vmem_shared>>
        %dma_start3A_328 = arith.constant 0 : i32
        %dma_start3A_329 = tpu.memref_slice %arg8[%mul3A_322, %dma_start3A_328] : memref<10000x144xf32, #tpu.memory_space<vmem_shared>> -> memref<40x144xf32, #tpu.memory_space<vmem_shared>>
        %dma_start3A_330 = arith.constant 0 : i32
        %dma_start3A_331 = arith.constant 0 : i32
        %dma_start3A_332 = tpu.memref_slice %arg19[%dma_start3A_330, %dma_start3A_331] : memref<80x144xf32, #tpu.memory_space<vmem>> -> memref<40x144xf32, #tpu.memory_space<vmem>>
        tpu.enqueue_dma source(%dma_start3A_332 : memref<40x144xf32, #tpu.memory_space<vmem>>) target(%dma_start3A_329 : memref<40x144xf32, #tpu.memory_space<vmem_shared>>) target_semaphore(%run_scoped3A : memref<!tpu.dma_semaphore, #tpu.memory_space<semaphore_mem>>)
        %dma_wait3A_333 = arith.constant 0 : i32
        %dma_wait3A_334 = arith.constant 0 : i32
        %dma_wait3A_335 = tpu.memref_slice %arg19[%dma_wait3A_333, %dma_wait3A_334] : memref<80x144xf32, #tpu.memory_space<vmem>> -> memref<40x144xf32, #tpu.memory_space<vmem>>
        %dma_wait3A_336 = arith.constant 0 : i32
        %dma_wait3A_337 = tpu.memref_slice %arg8[%mul3A_322, %dma_wait3A_336] : memref<10000x144xf32, #tpu.memory_space<vmem_shared>> -> memref<40x144xf32, #tpu.memory_space<vmem_shared>>
        %dma_wait3A_338 = arith.constant 0 : i32
        %dma_wait3A_339 = tpu.memref_slice %arg8[%mul3A_322, %dma_wait3A_338] : memref<10000x144xf32, #tpu.memory_space<vmem_shared>> -> memref<40x144xf32, #tpu.memory_space<vmem_shared>>
        %dma_wait3A_340 = arith.constant 0 : i32
        %dma_wait3A_341 = arith.constant 0 : i32
        %dma_wait3A_342 = tpu.memref_slice %arg19[%dma_wait3A_340, %dma_wait3A_341] : memref<80x144xf32, #tpu.memory_space<vmem>> -> memref<40x144xf32, #tpu.memory_space<vmem>>
        tpu.wait_dma2 semaphore(%run_scoped3A : memref<!tpu.dma_semaphore, #tpu.memory_space<semaphore_mem>>) src(%dma_wait3A_342 : memref<40x144xf32, #tpu.memory_space<vmem>>) dst(%dma_wait3A_339 : memref<40x144xf32, #tpu.memory_space<vmem_shared>>)
        tpu.yield
      }) : () -> ()
    } else {
    }
    %add3A_74 = arith.constant 160 : i32
    %add3A_75 = arith.addi %arg1, %add3A_74 : i32
    %lt3A_76 = arith.constant 250 : i32
    %lt3A_77 = arith.cmpi slt, %add3A_75, %lt3A_76 : i32
    %convert_element_type3A_78 = arith.extui %lt3A_77 : i1 to i32
    %cond3A_79 = arith.constant 0 : i32
    %cond3A_80 = arith.cmpi ne, %convert_element_type3A_78, %cond3A_79 : i32
    scf.if %cond3A_80 {
      %mul3A_321 = arith.constant 40 : i32
      %mul3A_322 = arith.muli %add3A_75, %mul3A_321 : i32
      "tpu.region"() ({
        %run_scoped3A = tpu.sem_alloc : memref<!tpu.dma_semaphore, #tpu.memory_space<semaphore_mem>>
        %dma_start3A_323 = arith.constant 0 : i32
        %dma_start3A_324 = arith.constant 0 : i32
        %dma_start3A_325 = tpu.memref_slice %arg19[%dma_start3A_323, %dma_start3A_324] : memref<80x144xf32, #tpu.memory_space<vmem>> -> memref<40x144xf32, #tpu.memory_space<vmem>>
        %dma_start3A_326 = arith.constant 0 : i32
        %dma_start3A_327 = tpu.memref_slice %arg8[%mul3A_322, %dma_start3A_326] : memref<10000x144xf32, #tpu.memory_space<vmem_shared>> -> memref<40x144xf32, #tpu.memory_space<vmem_shared>>
        %dma_start3A_328 = arith.constant 0 : i32
        %dma_start3A_329 = tpu.memref_slice %arg8[%mul3A_322, %dma_start3A_328] : memref<10000x144xf32, #tpu.memory_space<vmem_shared>> -> memref<40x144xf32, #tpu.memory_space<vmem_shared>>
        %dma_start3A_330 = arith.constant 0 : i32
        %dma_start3A_331 = arith.constant 0 : i32
        %dma_start3A_332 = tpu.memref_slice %arg19[%dma_start3A_330, %dma_start3A_331] : memref<80x144xf32, #tpu.memory_space<vmem>> -> memref<40x144xf32, #tpu.memory_space<vmem>>
        tpu.enqueue_dma source(%dma_start3A_332 : memref<40x144xf32, #tpu.memory_space<vmem>>) target(%dma_start3A_329 : memref<40x144xf32, #tpu.memory_space<vmem_shared>>) target_semaphore(%run_scoped3A : memref<!tpu.dma_semaphore, #tpu.memory_space<semaphore_mem>>)
        %dma_wait3A_333 = arith.constant 0 : i32
        %dma_wait3A_334 = arith.constant 0 : i32
        %dma_wait3A_335 = tpu.memref_slice %arg19[%dma_wait3A_333, %dma_wait3A_334] : memref<80x144xf32, #tpu.memory_space<vmem>> -> memref<40x144xf32, #tpu.memory_space<vmem>>
        %dma_wait3A_336 = arith.constant 0 : i32
        %dma_wait3A_337 = tpu.memref_slice %arg8[%mul3A_322, %dma_wait3A_336] : memref<10000x144xf32, #tpu.memory_space<vmem_shared>> -> memref<40x144xf32, #tpu.memory_space<vmem_shared>>
        %dma_wait3A_338 = arith.constant 0 : i32
        %dma_wait3A_339 = tpu.memref_slice %arg8[%mul3A_322, %dma_wait3A_338] : memref<10000x144xf32, #tpu.memory_space<vmem_shared>> -> memref<40x144xf32, #tpu.memory_space<vmem_shared>>
        %dma_wait3A_340 = arith.constant 0 : i32
        %dma_wait3A_341 = arith.constant 0 : i32
        %dma_wait3A_342 = tpu.memref_slice %arg19[%dma_wait3A_340, %dma_wait3A_341] : memref<80x144xf32, #tpu.memory_space<vmem>> -> memref<40x144xf32, #tpu.memory_space<vmem>>
        tpu.wait_dma2 semaphore(%run_scoped3A : memref<!tpu.dma_semaphore, #tpu.memory_space<semaphore_mem>>) src(%dma_wait3A_342 : memref<40x144xf32, #tpu.memory_space<vmem>>) dst(%dma_wait3A_339 : memref<40x144xf32, #tpu.memory_space<vmem_shared>>)
        tpu.yield
      }) : () -> ()
    } else {
    }
    %add3A_81 = arith.constant 176 : i32
    %add3A_82 = arith.addi %arg1, %add3A_81 : i32
    %lt3A_83 = arith.constant 250 : i32
    %lt3A_84 = arith.cmpi slt, %add3A_82, %lt3A_83 : i32
    %convert_element_type3A_85 = arith.extui %lt3A_84 : i1 to i32
    %cond3A_86 = arith.constant 0 : i32
    %cond3A_87 = arith.cmpi ne, %convert_element_type3A_85, %cond3A_86 : i32
    scf.if %cond3A_87 {
      %mul3A_321 = arith.constant 40 : i32
      %mul3A_322 = arith.muli %add3A_82, %mul3A_321 : i32
      "tpu.region"() ({
        %run_scoped3A = tpu.sem_alloc : memref<!tpu.dma_semaphore, #tpu.memory_space<semaphore_mem>>
        %dma_start3A_323 = arith.constant 0 : i32
        %dma_start3A_324 = arith.constant 0 : i32
        %dma_start3A_325 = tpu.memref_slice %arg19[%dma_start3A_323, %dma_start3A_324] : memref<80x144xf32, #tpu.memory_space<vmem>> -> memref<40x144xf32, #tpu.memory_space<vmem>>
        %dma_start3A_326 = arith.constant 0 : i32
        %dma_start3A_327 = tpu.memref_slice %arg8[%mul3A_322, %dma_start3A_326] : memref<10000x144xf32, #tpu.memory_space<vmem_shared>> -> memref<40x144xf32, #tpu.memory_space<vmem_shared>>
        %dma_start3A_328 = arith.constant 0 : i32
        %dma_start3A_329 = tpu.memref_slice %arg8[%mul3A_322, %dma_start3A_328] : memref<10000x144xf32, #tpu.memory_space<vmem_shared>> -> memref<40x144xf32, #tpu.memory_space<vmem_shared>>
        %dma_start3A_330 = arith.constant 0 : i32
        %dma_start3A_331 = arith.constant 0 : i32
        %dma_start3A_332 = tpu.memref_slice %arg19[%dma_start3A_330, %dma_start3A_331] : memref<80x144xf32, #tpu.memory_space<vmem>> -> memref<40x144xf32, #tpu.memory_space<vmem>>
        tpu.enqueue_dma source(%dma_start3A_332 : memref<40x144xf32, #tpu.memory_space<vmem>>) target(%dma_start3A_329 : memref<40x144xf32, #tpu.memory_space<vmem_shared>>) target_semaphore(%run_scoped3A : memref<!tpu.dma_semaphore, #tpu.memory_space<semaphore_mem>>)
        %dma_wait3A_333 = arith.constant 0 : i32
        %dma_wait3A_334 = arith.constant 0 : i32
        %dma_wait3A_335 = tpu.memref_slice %arg19[%dma_wait3A_333, %dma_wait3A_334] : memref<80x144xf32, #tpu.memory_space<vmem>> -> memref<40x144xf32, #tpu.memory_space<vmem>>
        %dma_wait3A_336 = arith.constant 0 : i32
        %dma_wait3A_337 = tpu.memref_slice %arg8[%mul3A_322, %dma_wait3A_336] : memref<10000x144xf32, #tpu.memory_space<vmem_shared>> -> memref<40x144xf32, #tpu.memory_space<vmem_shared>>
        %dma_wait3A_338 = arith.constant 0 : i32
        %dma_wait3A_339 = tpu.memref_slice %arg8[%mul3A_322, %dma_wait3A_338] : memref<10000x144xf32, #tpu.memory_space<vmem_shared>> -> memref<40x144xf32, #tpu.memory_space<vmem_shared>>
        %dma_wait3A_340 = arith.constant 0 : i32
        %dma_wait3A_341 = arith.constant 0 : i32
        %dma_wait3A_342 = tpu.memref_slice %arg19[%dma_wait3A_340, %dma_wait3A_341] : memref<80x144xf32, #tpu.memory_space<vmem>> -> memref<40x144xf32, #tpu.memory_space<vmem>>
        tpu.wait_dma2 semaphore(%run_scoped3A : memref<!tpu.dma_semaphore, #tpu.memory_space<semaphore_mem>>) src(%dma_wait3A_342 : memref<40x144xf32, #tpu.memory_space<vmem>>) dst(%dma_wait3A_339 : memref<40x144xf32, #tpu.memory_space<vmem_shared>>)
        tpu.yield
      }) : () -> ()
    } else {
    }
    %add3A_88 = arith.constant 192 : i32
    %add3A_89 = arith.addi %arg1, %add3A_88 : i32
    %lt3A_90 = arith.constant 250 : i32
    %lt3A_91 = arith.cmpi slt, %add3A_89, %lt3A_90 : i32
    %convert_element_type3A_92 = arith.extui %lt3A_91 : i1 to i32
    %cond3A_93 = arith.constant 0 : i32
    %cond3A_94 = arith.cmpi ne, %convert_element_type3A_92, %cond3A_93 : i32
    scf.if %cond3A_94 {
      %mul3A_321 = arith.constant 40 : i32
      %mul3A_322 = arith.muli %add3A_89, %mul3A_321 : i32
      "tpu.region"() ({
        %run_scoped3A = tpu.sem_alloc : memref<!tpu.dma_semaphore, #tpu.memory_space<semaphore_mem>>
        %dma_start3A_323 = arith.constant 0 : i32
        %dma_start3A_324 = arith.constant 0 : i32
        %dma_start3A_325 = tpu.memref_slice %arg19[%dma_start3A_323, %dma_start3A_324] : memref<80x144xf32, #tpu.memory_space<vmem>> -> memref<40x144xf32, #tpu.memory_space<vmem>>
        %dma_start3A_326 = arith.constant 0 : i32
        %dma_start3A_327 = tpu.memref_slice %arg8[%mul3A_322, %dma_start3A_326] : memref<10000x144xf32, #tpu.memory_space<vmem_shared>> -> memref<40x144xf32, #tpu.memory_space<vmem_shared>>
        %dma_start3A_328 = arith.constant 0 : i32
        %dma_start3A_329 = tpu.memref_slice %arg8[%mul3A_322, %dma_start3A_328] : memref<10000x144xf32, #tpu.memory_space<vmem_shared>> -> memref<40x144xf32, #tpu.memory_space<vmem_shared>>
        %dma_start3A_330 = arith.constant 0 : i32
        %dma_start3A_331 = arith.constant 0 : i32
        %dma_start3A_332 = tpu.memref_slice %arg19[%dma_start3A_330, %dma_start3A_331] : memref<80x144xf32, #tpu.memory_space<vmem>> -> memref<40x144xf32, #tpu.memory_space<vmem>>
        tpu.enqueue_dma source(%dma_start3A_332 : memref<40x144xf32, #tpu.memory_space<vmem>>) target(%dma_start3A_329 : memref<40x144xf32, #tpu.memory_space<vmem_shared>>) target_semaphore(%run_scoped3A : memref<!tpu.dma_semaphore, #tpu.memory_space<semaphore_mem>>)
        %dma_wait3A_333 = arith.constant 0 : i32
        %dma_wait3A_334 = arith.constant 0 : i32
        %dma_wait3A_335 = tpu.memref_slice %arg19[%dma_wait3A_333, %dma_wait3A_334] : memref<80x144xf32, #tpu.memory_space<vmem>> -> memref<40x144xf32, #tpu.memory_space<vmem>>
        %dma_wait3A_336 = arith.constant 0 : i32
        %dma_wait3A_337 = tpu.memref_slice %arg8[%mul3A_322, %dma_wait3A_336] : memref<10000x144xf32, #tpu.memory_space<vmem_shared>> -> memref<40x144xf32, #tpu.memory_space<vmem_shared>>
        %dma_wait3A_338 = arith.constant 0 : i32
        %dma_wait3A_339 = tpu.memref_slice %arg8[%mul3A_322, %dma_wait3A_338] : memref<10000x144xf32, #tpu.memory_space<vmem_shared>> -> memref<40x144xf32, #tpu.memory_space<vmem_shared>>
        %dma_wait3A_340 = arith.constant 0 : i32
        %dma_wait3A_341 = arith.constant 0 : i32
        %dma_wait3A_342 = tpu.memref_slice %arg19[%dma_wait3A_340, %dma_wait3A_341] : memref<80x144xf32, #tpu.memory_space<vmem>> -> memref<40x144xf32, #tpu.memory_space<vmem>>
        tpu.wait_dma2 semaphore(%run_scoped3A : memref<!tpu.dma_semaphore, #tpu.memory_space<semaphore_mem>>) src(%dma_wait3A_342 : memref<40x144xf32, #tpu.memory_space<vmem>>) dst(%dma_wait3A_339 : memref<40x144xf32, #tpu.memory_space<vmem_shared>>)
        tpu.yield
      }) : () -> ()
    } else {
    }
    %add3A_95 = arith.constant 208 : i32
    %add3A_96 = arith.addi %arg1, %add3A_95 : i32
    %lt3A_97 = arith.constant 250 : i32
    %lt3A_98 = arith.cmpi slt, %add3A_96, %lt3A_97 : i32
    %convert_element_type3A_99 = arith.extui %lt3A_98 : i1 to i32
    %cond3A_100 = arith.constant 0 : i32
    %cond3A_101 = arith.cmpi ne, %convert_element_type3A_99, %cond3A_100 : i32
    scf.if %cond3A_101 {
      %mul3A_321 = arith.constant 40 : i32
      %mul3A_322 = arith.muli %add3A_96, %mul3A_321 : i32
      "tpu.region"() ({
        %run_scoped3A = tpu.sem_alloc : memref<!tpu.dma_semaphore, #tpu.memory_space<semaphore_mem>>
        %dma_start3A_323 = arith.constant 0 : i32
        %dma_start3A_324 = arith.constant 0 : i32
        %dma_start3A_325 = tpu.memref_slice %arg19[%dma_start3A_323, %dma_start3A_324] : memref<80x144xf32, #tpu.memory_space<vmem>> -> memref<40x144xf32, #tpu.memory_space<vmem>>
        %dma_start3A_326 = arith.constant 0 : i32
        %dma_start3A_327 = tpu.memref_slice %arg8[%mul3A_322, %dma_start3A_326] : memref<10000x144xf32, #tpu.memory_space<vmem_shared>> -> memref<40x144xf32, #tpu.memory_space<vmem_shared>>
        %dma_start3A_328 = arith.constant 0 : i32
        %dma_start3A_329 = tpu.memref_slice %arg8[%mul3A_322, %dma_start3A_328] : memref<10000x144xf32, #tpu.memory_space<vmem_shared>> -> memref<40x144xf32, #tpu.memory_space<vmem_shared>>
        %dma_start3A_330 = arith.constant 0 : i32
        %dma_start3A_331 = arith.constant 0 : i32
        %dma_start3A_332 = tpu.memref_slice %arg19[%dma_start3A_330, %dma_start3A_331] : memref<80x144xf32, #tpu.memory_space<vmem>> -> memref<40x144xf32, #tpu.memory_space<vmem>>
        tpu.enqueue_dma source(%dma_start3A_332 : memref<40x144xf32, #tpu.memory_space<vmem>>) target(%dma_start3A_329 : memref<40x144xf32, #tpu.memory_space<vmem_shared>>) target_semaphore(%run_scoped3A : memref<!tpu.dma_semaphore, #tpu.memory_space<semaphore_mem>>)
        %dma_wait3A_333 = arith.constant 0 : i32
        %dma_wait3A_334 = arith.constant 0 : i32
        %dma_wait3A_335 = tpu.memref_slice %arg19[%dma_wait3A_333, %dma_wait3A_334] : memref<80x144xf32, #tpu.memory_space<vmem>> -> memref<40x144xf32, #tpu.memory_space<vmem>>
        %dma_wait3A_336 = arith.constant 0 : i32
        %dma_wait3A_337 = tpu.memref_slice %arg8[%mul3A_322, %dma_wait3A_336] : memref<10000x144xf32, #tpu.memory_space<vmem_shared>> -> memref<40x144xf32, #tpu.memory_space<vmem_shared>>
        %dma_wait3A_338 = arith.constant 0 : i32
        %dma_wait3A_339 = tpu.memref_slice %arg8[%mul3A_322, %dma_wait3A_338] : memref<10000x144xf32, #tpu.memory_space<vmem_shared>> -> memref<40x144xf32, #tpu.memory_space<vmem_shared>>
        %dma_wait3A_340 = arith.constant 0 : i32
        %dma_wait3A_341 = arith.constant 0 : i32
        %dma_wait3A_342 = tpu.memref_slice %arg19[%dma_wait3A_340, %dma_wait3A_341] : memref<80x144xf32, #tpu.memory_space<vmem>> -> memref<40x144xf32, #tpu.memory_space<vmem>>
        tpu.wait_dma2 semaphore(%run_scoped3A : memref<!tpu.dma_semaphore, #tpu.memory_space<semaphore_mem>>) src(%dma_wait3A_342 : memref<40x144xf32, #tpu.memory_space<vmem>>) dst(%dma_wait3A_339 : memref<40x144xf32, #tpu.memory_space<vmem_shared>>)
        tpu.yield
      }) : () -> ()
    } else {
    }
    %add3A_102 = arith.constant 224 : i32
    %add3A_103 = arith.addi %arg1, %add3A_102 : i32
    %lt3A_104 = arith.constant 250 : i32
    %lt3A_105 = arith.cmpi slt, %add3A_103, %lt3A_104 : i32
    %convert_element_type3A_106 = arith.extui %lt3A_105 : i1 to i32
    %cond3A_107 = arith.constant 0 : i32
    %cond3A_108 = arith.cmpi ne, %convert_element_type3A_106, %cond3A_107 : i32
    scf.if %cond3A_108 {
      %mul3A_321 = arith.constant 40 : i32
      %mul3A_322 = arith.muli %add3A_103, %mul3A_321 : i32
      "tpu.region"() ({
        %run_scoped3A = tpu.sem_alloc : memref<!tpu.dma_semaphore, #tpu.memory_space<semaphore_mem>>
        %dma_start3A_323 = arith.constant 0 : i32
        %dma_start3A_324 = arith.constant 0 : i32
        %dma_start3A_325 = tpu.memref_slice %arg19[%dma_start3A_323, %dma_start3A_324] : memref<80x144xf32, #tpu.memory_space<vmem>> -> memref<40x144xf32, #tpu.memory_space<vmem>>
        %dma_start3A_326 = arith.constant 0 : i32
        %dma_start3A_327 = tpu.memref_slice %arg8[%mul3A_322, %dma_start3A_326] : memref<10000x144xf32, #tpu.memory_space<vmem_shared>> -> memref<40x144xf32, #tpu.memory_space<vmem_shared>>
        %dma_start3A_328 = arith.constant 0 : i32
        %dma_start3A_329 = tpu.memref_slice %arg8[%mul3A_322, %dma_start3A_328] : memref<10000x144xf32, #tpu.memory_space<vmem_shared>> -> memref<40x144xf32, #tpu.memory_space<vmem_shared>>
        %dma_start3A_330 = arith.constant 0 : i32
        %dma_start3A_331 = arith.constant 0 : i32
        %dma_start3A_332 = tpu.memref_slice %arg19[%dma_start3A_330, %dma_start3A_331] : memref<80x144xf32, #tpu.memory_space<vmem>> -> memref<40x144xf32, #tpu.memory_space<vmem>>
        tpu.enqueue_dma source(%dma_start3A_332 : memref<40x144xf32, #tpu.memory_space<vmem>>) target(%dma_start3A_329 : memref<40x144xf32, #tpu.memory_space<vmem_shared>>) target_semaphore(%run_scoped3A : memref<!tpu.dma_semaphore, #tpu.memory_space<semaphore_mem>>)
        %dma_wait3A_333 = arith.constant 0 : i32
        %dma_wait3A_334 = arith.constant 0 : i32
        %dma_wait3A_335 = tpu.memref_slice %arg19[%dma_wait3A_333, %dma_wait3A_334] : memref<80x144xf32, #tpu.memory_space<vmem>> -> memref<40x144xf32, #tpu.memory_space<vmem>>
        %dma_wait3A_336 = arith.constant 0 : i32
        %dma_wait3A_337 = tpu.memref_slice %arg8[%mul3A_322, %dma_wait3A_336] : memref<10000x144xf32, #tpu.memory_space<vmem_shared>> -> memref<40x144xf32, #tpu.memory_space<vmem_shared>>
        %dma_wait3A_338 = arith.constant 0 : i32
        %dma_wait3A_339 = tpu.memref_slice %arg8[%mul3A_322, %dma_wait3A_338] : memref<10000x144xf32, #tpu.memory_space<vmem_shared>> -> memref<40x144xf32, #tpu.memory_space<vmem_shared>>
        %dma_wait3A_340 = arith.constant 0 : i32
        %dma_wait3A_341 = arith.constant 0 : i32
        %dma_wait3A_342 = tpu.memref_slice %arg19[%dma_wait3A_340, %dma_wait3A_341] : memref<80x144xf32, #tpu.memory_space<vmem>> -> memref<40x144xf32, #tpu.memory_space<vmem>>
        tpu.wait_dma2 semaphore(%run_scoped3A : memref<!tpu.dma_semaphore, #tpu.memory_space<semaphore_mem>>) src(%dma_wait3A_342 : memref<40x144xf32, #tpu.memory_space<vmem>>) dst(%dma_wait3A_339 : memref<40x144xf32, #tpu.memory_space<vmem_shared>>)
        tpu.yield
      }) : () -> ()
    } else {
    }
    %add3A_109 = arith.constant 240 : i32
    %add3A_110 = arith.addi %arg1, %add3A_109 : i32
    %lt3A_111 = arith.constant 250 : i32
    %lt3A_112 = arith.cmpi slt, %add3A_110, %lt3A_111 : i32
    %convert_element_type3A_113 = arith.extui %lt3A_112 : i1 to i32
    %cond3A_114 = arith.constant 0 : i32
    %cond3A_115 = arith.cmpi ne, %convert_element_type3A_113, %cond3A_114 : i32
    scf.if %cond3A_115 {
      %mul3A_321 = arith.constant 40 : i32
      %mul3A_322 = arith.muli %add3A_110, %mul3A_321 : i32
      "tpu.region"() ({
        %run_scoped3A = tpu.sem_alloc : memref<!tpu.dma_semaphore, #tpu.memory_space<semaphore_mem>>
        %dma_start3A_323 = arith.constant 0 : i32
        %dma_start3A_324 = arith.constant 0 : i32
        %dma_start3A_325 = tpu.memref_slice %arg19[%dma_start3A_323, %dma_start3A_324] : memref<80x144xf32, #tpu.memory_space<vmem>> -> memref<40x144xf32, #tpu.memory_space<vmem>>
        %dma_start3A_326 = arith.constant 0 : i32
        %dma_start3A_327 = tpu.memref_slice %arg8[%mul3A_322, %dma_start3A_326] : memref<10000x144xf32, #tpu.memory_space<vmem_shared>> -> memref<40x144xf32, #tpu.memory_space<vmem_shared>>
        %dma_start3A_328 = arith.constant 0 : i32
        %dma_start3A_329 = tpu.memref_slice %arg8[%mul3A_322, %dma_start3A_328] : memref<10000x144xf32, #tpu.memory_space<vmem_shared>> -> memref<40x144xf32, #tpu.memory_space<vmem_shared>>
        %dma_start3A_330 = arith.constant 0 : i32
        %dma_start3A_331 = arith.constant 0 : i32
        %dma_start3A_332 = tpu.memref_slice %arg19[%dma_start3A_330, %dma_start3A_331] : memref<80x144xf32, #tpu.memory_space<vmem>> -> memref<40x144xf32, #tpu.memory_space<vmem>>
        tpu.enqueue_dma source(%dma_start3A_332 : memref<40x144xf32, #tpu.memory_space<vmem>>) target(%dma_start3A_329 : memref<40x144xf32, #tpu.memory_space<vmem_shared>>) target_semaphore(%run_scoped3A : memref<!tpu.dma_semaphore, #tpu.memory_space<semaphore_mem>>)
        %dma_wait3A_333 = arith.constant 0 : i32
        %dma_wait3A_334 = arith.constant 0 : i32
        %dma_wait3A_335 = tpu.memref_slice %arg19[%dma_wait3A_333, %dma_wait3A_334] : memref<80x144xf32, #tpu.memory_space<vmem>> -> memref<40x144xf32, #tpu.memory_space<vmem>>
        %dma_wait3A_336 = arith.constant 0 : i32
        %dma_wait3A_337 = tpu.memref_slice %arg8[%mul3A_322, %dma_wait3A_336] : memref<10000x144xf32, #tpu.memory_space<vmem_shared>> -> memref<40x144xf32, #tpu.memory_space<vmem_shared>>
        %dma_wait3A_338 = arith.constant 0 : i32
        %dma_wait3A_339 = tpu.memref_slice %arg8[%mul3A_322, %dma_wait3A_338] : memref<10000x144xf32, #tpu.memory_space<vmem_shared>> -> memref<40x144xf32, #tpu.memory_space<vmem_shared>>
        %dma_wait3A_340 = arith.constant 0 : i32
        %dma_wait3A_341 = arith.constant 0 : i32
        %dma_wait3A_342 = tpu.memref_slice %arg19[%dma_wait3A_340, %dma_wait3A_341] : memref<80x144xf32, #tpu.memory_space<vmem>> -> memref<40x144xf32, #tpu.memory_space<vmem>>
        tpu.wait_dma2 semaphore(%run_scoped3A : memref<!tpu.dma_semaphore, #tpu.memory_space<semaphore_mem>>) src(%dma_wait3A_342 : memref<40x144xf32, #tpu.memory_space<vmem>>) dst(%dma_wait3A_339 : memref<40x144xf32, #tpu.memory_space<vmem_shared>>)
        tpu.yield
      }) : () -> ()
    } else {
    }
    %scan3A_116 = arith.constant 0 : i32
    %scan3A_117 = arith.constant 0 : i32
    %scan3A_118 = arith.constant 80 : i32
    %scan3A_119 = arith.addi %scan3A_117, %scan3A_118 : i32
    %scan3A_120 = arith.constant 1 : i32
    %scan3A_121 = scf.for %scan3A_321 = %scan3A_117 to %scan3A_119 step %scan3A_120 iter_args(%scan3A_322 = %scan3A_116) -> (i32)  : i32 {
      %broadcast_in_dim3A_323 = arith.constant 1.000000e+00 : f32
      %broadcast_in_dim3A_324 = vector.broadcast %broadcast_in_dim3A_323 : f32 to vector<16xf32>
      %swap3A = arith.index_cast %scan3A_321 : i32 to index
      %swap3A_325 = arith.constant 128 : index
      %swap3A_326 = tpu.vector_load %arg19[%swap3A, %swap3A_325] {strides = array<i32>} : memref<80x144xf32, #tpu.memory_space<vmem>>, vector<1x16xf32>,
      %swap3A_327 = vector.shape_cast %swap3A_326 : vector<1x16xf32> to vector<16xf32>
      %swap3A_328 = vector.shape_cast %broadcast_in_dim3A_324 : vector<16xf32> to vector<1x16xf32>
      tpu.vector_store %arg19[%swap3A, %swap3A_325], %swap3A_328 {strides = array<i32>} : memref<80x144xf32, #tpu.memory_space<vmem>>, vector<1x16xf32>,
      %scan3A_329 = arith.constant 0 : i32
      scf.yield %scan3A_329 : i32
    }
    %scan3A_122 = arith.constant 80 : i32
    %barrier3A = arith.constant 0 : index
    tpu.barrier barrier_id(%barrier3A)
    %mul3A_123 = arith.constant 10000 : i32
    %mul3A_124 = arith.muli %add3A, %mul3A_123 : i32
    %add3A_125 = arith.constant 0 : i32
    %add3A_126 = arith.addi %mul3A_124, %add3A_125 : i32
    %multiple_of3A = tpu.assume_multiple %add3A_126, 8 : i32
    %dma_start3A = tpu.memref_slice %arg5[%multiple_of3A] : memref<320000xi32, #tpu.memory_space<hbm>> -> memref<80xi32, #tpu.memory_space<hbm>>
    %dma_start3A_127 = tpu.memref_slice %arg5[%multiple_of3A] : memref<320000xi32, #tpu.memory_space<hbm>> -> memref<80xi32, #tpu.memory_space<hbm>>
    tpu.enqueue_dma source(%dma_start3A_127 : memref<80xi32, #tpu.memory_space<hbm>>) target(%arg9 : memref<80xi32, #tpu.memory_space<vmem>>) target_semaphore(%arg20 : memref<!tpu.dma_semaphore, #tpu.memory_space<semaphore_mem>>)
    %dma_start3A_128 = tpu.memref_slice %arg6[%multiple_of3A] : memref<320000xi32, #tpu.memory_space<hbm>> -> memref<80xi32, #tpu.memory_space<hbm>>
    %dma_start3A_129 = tpu.memref_slice %arg6[%multiple_of3A] : memref<320000xi32, #tpu.memory_space<hbm>> -> memref<80xi32, #tpu.memory_space<hbm>>
    tpu.enqueue_dma source(%dma_start3A_129 : memref<80xi32, #tpu.memory_space<hbm>>) target(%arg11 : memref<80xi32, #tpu.memory_space<vmem>>) target_semaphore(%arg22 : memref<!tpu.dma_semaphore, #tpu.memory_space<semaphore_mem>>)
    %dma_wait3A = arith.constant 0 : i32
    %dma_wait3A_130 = tpu.memref_slice %arg5[%dma_wait3A] : memref<320000xi32, #tpu.memory_space<hbm>> -> memref<80xi32, #tpu.memory_space<hbm>>
    %dma_wait3A_131 = arith.constant 0 : i32
    %dma_wait3A_132 = tpu.memref_slice %arg5[%dma_wait3A_131] : memref<320000xi32, #tpu.memory_space<hbm>> -> memref<80xi32, #tpu.memory_space<hbm>>
    tpu.wait_dma2 semaphore(%arg20 : memref<!tpu.dma_semaphore, #tpu.memory_space<semaphore_mem>>) src(%dma_wait3A_132 : memref<80xi32, #tpu.memory_space<hbm>>) dst(%arg9 : memref<80xi32, #tpu.memory_space<vmem>>)
    %dma_wait3A_133 = arith.constant 0 : i32
    %dma_wait3A_134 = tpu.memref_slice %arg6[%dma_wait3A_133] : memref<320000xi32, #tpu.memory_space<hbm>> -> memref<80xi32, #tpu.memory_space<hbm>>
    %dma_wait3A_135 = arith.constant 0 : i32
    %dma_wait3A_136 = tpu.memref_slice %arg6[%dma_wait3A_135] : memref<320000xi32, #tpu.memory_space<hbm>> -> memref<80xi32, #tpu.memory_space<hbm>>
    tpu.wait_dma2 semaphore(%arg22 : memref<!tpu.dma_semaphore, #tpu.memory_space<semaphore_mem>>) src(%dma_wait3A_136 : memref<80xi32, #tpu.memory_space<hbm>>) dst(%arg11 : memref<80xi32, #tpu.memory_space<vmem>>)
    %dma_start3A_137 = arith.constant 0 : i32
    %dma_start3A_138 = arith.constant 0 : i32
    %dma_start3A_139 = tpu.memref_slice %arg2[%dma_start3A_137, %dma_start3A_138] : memref<10000x64xi32, #tpu.memory_space<hbm>> -> memref<10000x64xi32, #tpu.memory_space<hbm>>
    tpu.enqueue_indirect_dma source(%dma_start3A_139 : memref<10000x64xi32, #tpu.memory_space<hbm>>) target(%arg13 : memref<80x64xi32, #tpu.memory_space<vmem>>) offsets(%arg9 : memref<80xi32, #tpu.memory_space<vmem>>) semaphore(%arg24 : memref<!tpu.dma_semaphore, #tpu.memory_space<semaphore_mem>>)
    %dma_start3A_140 = arith.constant 0 : i32
    %dma_start3A_141 = arith.constant 0 : i32
    %dma_start3A_142 = tpu.memref_slice %arg3[%dma_start3A_140, %dma_start3A_141] : memref<10000x64xi32, #tpu.memory_space<hbm>> -> memref<10000x64xi32, #tpu.memory_space<hbm>>
    tpu.enqueue_indirect_dma source(%dma_start3A_142 : memref<10000x64xi32, #tpu.memory_space<hbm>>) target(%arg15 : memref<80x64xi32, #tpu.memory_space<vmem>>) offsets(%arg11 : memref<80xi32, #tpu.memory_space<vmem>>) semaphore(%arg26 : memref<!tpu.dma_semaphore, #tpu.memory_space<semaphore_mem>>)
    %add3A_143 = arith.constant 0 : i32
    %add3A_144 = arith.addi %mul3A_124, %add3A_143 : i32
    %add3A_145 = arith.constant 0 : i32
    %add3A_146 = arith.addi %add3A_144, %add3A_145 : i32
    %multiple_of3A_147 = tpu.assume_multiple %add3A_146, 8 : i32
    %dma_start3A_148 = arith.constant 0 : i32
    %dma_start3A_149 = tpu.memref_slice %arg4[%multiple_of3A_147, %dma_start3A_148] : memref<320000x64xi32, #tpu.memory_space<hbm>> -> memref<40x64xi32, #tpu.memory_space<hbm>>
    %dma_start3A_150 = arith.constant 0 : i32
    %dma_start3A_151 = tpu.memref_slice %arg4[%multiple_of3A_147, %dma_start3A_150] : memref<320000x64xi32, #tpu.memory_space<hbm>> -> memref<40x64xi32, #tpu.memory_space<hbm>>
    tpu.enqueue_dma source(%dma_start3A_151 : memref<40x64xi32, #tpu.memory_space<hbm>>) target(%arg17 : memref<40x64xi32, #tpu.memory_space<vmem>>) target_semaphore(%arg28 : memref<!tpu.dma_semaphore, #tpu.memory_space<semaphore_mem>>)
    %add3A_152 = arith.constant 0 : i32
    %add3A_153 = arith.addi %mul3A_124, %add3A_152 : i32
    %add3A_154 = arith.constant 40 : i32
    %add3A_155 = arith.addi %add3A_153, %add3A_154 : i32
    %multiple_of3A_156 = tpu.assume_multiple %add3A_155, 8 : i32
    %dma_start3A_157 = arith.constant 0 : i32
    %dma_start3A_158 = tpu.memref_slice %arg4[%multiple_of3A_156, %dma_start3A_157] : memref<320000x64xi32, #tpu.memory_space<hbm>> -> memref<40x64xi32, #tpu.memory_space<hbm>>
    %dma_start3A_159 = arith.constant 0 : i32
    %dma_start3A_160 = tpu.memref_slice %arg4[%multiple_of3A_156, %dma_start3A_159] : memref<320000x64xi32, #tpu.memory_space<hbm>> -> memref<40x64xi32, #tpu.memory_space<hbm>>
    tpu.enqueue_dma source(%dma_start3A_160 : memref<40x64xi32, #tpu.memory_space<hbm>>) target(%arg18 : memref<40x64xi32, #tpu.memory_space<vmem>>) target_semaphore(%arg29 : memref<!tpu.dma_semaphore, #tpu.memory_space<semaphore_mem>>)
    %add3A_161 = arith.constant 80 : i32
    %add3A_162 = arith.addi %mul3A_124, %add3A_161 : i32
    %multiple_of3A_163 = tpu.assume_multiple %add3A_162, 8 : i32
    %dma_start3A_164 = tpu.memref_slice %arg5[%multiple_of3A_163] : memref<320000xi32, #tpu.memory_space<hbm>> -> memref<80xi32, #tpu.memory_space<hbm>>
    %dma_start3A_165 = tpu.memref_slice %arg5[%multiple_of3A_163] : memref<320000xi32, #tpu.memory_space<hbm>> -> memref<80xi32, #tpu.memory_space<hbm>>
    tpu.enqueue_dma source(%dma_start3A_165 : memref<80xi32, #tpu.memory_space<hbm>>) target(%arg10 : memref<80xi32, #tpu.memory_space<vmem>>) target_semaphore(%arg21 : memref<!tpu.dma_semaphore, #tpu.memory_space<semaphore_mem>>)
    %dma_start3A_166 = tpu.memref_slice %arg6[%multiple_of3A_163] : memref<320000xi32, #tpu.memory_space<hbm>> -> memref<80xi32, #tpu.memory_space<hbm>>
    %dma_start3A_167 = tpu.memref_slice %arg6[%multiple_of3A_163] : memref<320000xi32, #tpu.memory_space<hbm>> -> memref<80xi32, #tpu.memory_space<hbm>>
    tpu.enqueue_dma source(%dma_start3A_167 : memref<80xi32, #tpu.memory_space<hbm>>) target(%arg12 : memref<80xi32, #tpu.memory_space<vmem>>) target_semaphore(%arg23 : memref<!tpu.dma_semaphore, #tpu.memory_space<semaphore_mem>>)
    %broadcast_in_dim3A = arith.constant -65536 : i32
    %broadcast_in_dim3A_168 = vector.broadcast %broadcast_in_dim3A : i32 to vector<16xi32>
    %scan3A_169 = arith.constant 0 : i32
    %scan3A_170 = arith.constant 0 : i32
    %scan3A_171 = arith.constant 62 : i32
    %scan3A_172 = arith.addi %scan3A_170, %scan3A_171 : i32
    %scan3A_173 = arith.constant 1 : i32
    %scan3A_174 = scf.for %scan3A_321 = %scan3A_170 to %scan3A_172 step %scan3A_173 iter_args(%scan3A_322 = %scan3A_169) -> (i32)  : i32 {
      %mul3A_323 = arith.constant 2 : i32
      %mul3A_324 = arith.muli %mul3A_323, %scan3A_321 : i32
      %add3A_325 = arith.constant 0 : i32
      %add3A_326 = arith.addi %mul3A_324, %add3A_325 : i32
      %add3A_327 = arith.constant 1 : i32
      %add3A_328 = arith.addi %add3A_326, %add3A_327 : i32
      %lt3A_329 = arith.constant 125 : i32
      %lt3A_330 = arith.cmpi slt, %add3A_328, %lt3A_329 : i32
      %convert_element_type3A_331 = arith.extui %lt3A_330 : i1 to i32
      %cond3A_332 = arith.constant 0 : i32
      %cond3A_333 = arith.cmpi ne, %convert_element_type3A_331, %cond3A_332 : i32
      scf.if %cond3A_333 {
        %dma_wait3A_450 = arith.constant 0 : i32
        %dma_wait3A_451 = tpu.memref_slice %arg5[%dma_wait3A_450] : memref<320000xi32, #tpu.memory_space<hbm>> -> memref<80xi32, #tpu.memory_space<hbm>>
        %dma_wait3A_452 = arith.constant 0 : i32
        %dma_wait3A_453 = tpu.memref_slice %arg5[%dma_wait3A_452] : memref<320000xi32, #tpu.memory_space<hbm>> -> memref<80xi32, #tpu.memory_space<hbm>>
        tpu.wait_dma2 semaphore(%arg21 : memref<!tpu.dma_semaphore, #tpu.memory_space<semaphore_mem>>) src(%dma_wait3A_453 : memref<80xi32, #tpu.memory_space<hbm>>) dst(%arg10 : memref<80xi32, #tpu.memory_space<vmem>>)
        %dma_wait3A_454 = arith.constant 0 : i32
        %dma_wait3A_455 = tpu.memref_slice %arg6[%dma_wait3A_454] : memref<320000xi32, #tpu.memory_space<hbm>> -> memref<80xi32, #tpu.memory_space<hbm>>
        %dma_wait3A_456 = arith.constant 0 : i32
        %dma_wait3A_457 = tpu.memref_slice %arg6[%dma_wait3A_456] : memref<320000xi32, #tpu.memory_space<hbm>> -> memref<80xi32, #tpu.memory_space<hbm>>
        tpu.wait_dma2 semaphore(%arg23 : memref<!tpu.dma_semaphore, #tpu.memory_space<semaphore_mem>>) src(%dma_wait3A_457 : memref<80xi32, #tpu.memory_space<hbm>>) dst(%arg12 : memref<80xi32, #tpu.memory_space<vmem>>)
        %add3A_458 = arith.constant 1 : i32
        %add3A_459 = arith.addi %add3A_326, %add3A_458 : i32
        %dma_start3A_460 = arith.constant 0 : i32
        %dma_start3A_461 = arith.constant 0 : i32
        %dma_start3A_462 = tpu.memref_slice %arg2[%dma_start3A_460, %dma_start3A_461] : memref<10000x64xi32, #tpu.memory_space<hbm>> -> memref<10000x64xi32, #tpu.memory_space<hbm>>
        tpu.enqueue_indirect_dma source(%dma_start3A_462 : memref<10000x64xi32, #tpu.memory_space<hbm>>) target(%arg14 : memref<80x64xi32, #tpu.memory_space<vmem>>) offsets(%arg10 : memref<80xi32, #tpu.memory_space<vmem>>) semaphore(%arg25 : memref<!tpu.dma_semaphore, #tpu.memory_space<semaphore_mem>>)
        %dma_start3A_463 = arith.constant 0 : i32
        %dma_start3A_464 = arith.constant 0 : i32
        %dma_start3A_465 = tpu.memref_slice %arg3[%dma_start3A_463, %dma_start3A_464] : memref<10000x64xi32, #tpu.memory_space<hbm>> -> memref<10000x64xi32, #tpu.memory_space<hbm>>
        tpu.enqueue_indirect_dma source(%dma_start3A_465 : memref<10000x64xi32, #tpu.memory_space<hbm>>) target(%arg16 : memref<80x64xi32, #tpu.memory_space<vmem>>) offsets(%arg12 : memref<80xi32, #tpu.memory_space<vmem>>) semaphore(%arg27 : memref<!tpu.dma_semaphore, #tpu.memory_space<semaphore_mem>>)
      } else {
      }
      %dma_wait3A_334 = arith.constant 0 : i32
      %dma_wait3A_335 = arith.constant 0 : i32
      %dma_wait3A_336 = tpu.memref_slice %arg2[%dma_wait3A_334, %dma_wait3A_335] : memref<10000x64xi32, #tpu.memory_space<hbm>> -> memref<10000x64xi32, #tpu.memory_space<hbm>>
      tpu.wait_indirect_dma semaphore(%arg24 : memref<!tpu.dma_semaphore, #tpu.memory_space<semaphore_mem>>) src(%dma_wait3A_336 : memref<10000x64xi32, #tpu.memory_space<hbm>>) dst(%arg13 : memref<80x64xi32, #tpu.memory_space<vmem>>)
      %dma_wait3A_337 = arith.constant 0 : i32
      %dma_wait3A_338 = arith.constant 0 : i32
      %dma_wait3A_339 = tpu.memref_slice %arg3[%dma_wait3A_337, %dma_wait3A_338] : memref<10000x64xi32, #tpu.memory_space<hbm>> -> memref<10000x64xi32, #tpu.memory_space<hbm>>
      tpu.wait_indirect_dma semaphore(%arg26 : memref<!tpu.dma_semaphore, #tpu.memory_space<semaphore_mem>>) src(%dma_wait3A_339 : memref<10000x64xi32, #tpu.memory_space<hbm>>) dst(%arg15 : memref<80x64xi32, #tpu.memory_space<vmem>>)
      %dma_wait3A_340 = arith.constant 0 : i32
      %dma_wait3A_341 = arith.constant 0 : i32
      %dma_wait3A_342 = tpu.memref_slice %arg4[%dma_wait3A_340, %dma_wait3A_341] : memref<320000x64xi32, #tpu.memory_space<hbm>> -> memref<40x64xi32, #tpu.memory_space<hbm>>
      %dma_wait3A_343 = arith.constant 0 : i32
      %dma_wait3A_344 = arith.constant 0 : i32
      %dma_wait3A_345 = tpu.memref_slice %arg4[%dma_wait3A_343, %dma_wait3A_344] : memref<320000x64xi32, #tpu.memory_space<hbm>> -> memref<40x64xi32, #tpu.memory_space<hbm>>
      tpu.wait_dma2 semaphore(%arg28 : memref<!tpu.dma_semaphore, #tpu.memory_space<semaphore_mem>>) src(%dma_wait3A_345 : memref<40x64xi32, #tpu.memory_space<hbm>>) dst(%arg17 : memref<40x64xi32, #tpu.memory_space<vmem>>)
      %scan3A_346 = arith.constant 0 : i32
      %scan3A_347 = arith.constant 0 : i32
      %scan3A_348 = arith.constant 40 : i32
      %scan3A_349 = arith.addi %scan3A_347, %scan3A_348 : i32
      %scan3A_350 = arith.constant 1 : i32
      %scan3A_351 = scf.for %scan3A_450 = %scan3A_347 to %scan3A_349 step %scan3A_350 iter_args(%scan3A_451 = %scan3A_346) -> (i32)  : i32 {
        %add3A_452 = arith.constant 0 : i32
        %add3A_453 = arith.addi %add3A_452, %scan3A_450 : i32
        %get3A = arith.index_cast %add3A_453 : i32 to index
        %get3A_454 = arith.constant 0 : index
        %get3A_455 = tpu.vector_load %arg13[%get3A, %get3A_454] {strides = array<i32>} : memref<80x64xi32, #tpu.memory_space<vmem>>, vector<1x16xi32>,
        %get3A_456 = vector.shape_cast %get3A_455 : vector<1x16xi32> to vector<16xi32>
        %add3A_457 = arith.constant 0 : i32
        %add3A_458 = arith.addi %add3A_457, %scan3A_450 : i32
        %get3A_459 = arith.index_cast %add3A_458 : i32 to index
        %get3A_460 = arith.constant 0 : index
        %get3A_461 = tpu.vector_load %arg15[%get3A_459, %get3A_460] {strides = array<i32>} : memref<80x64xi32, #tpu.memory_space<vmem>>, vector<1x16xi32>,
        %get3A_462 = vector.shape_cast %get3A_461 : vector<1x16xi32> to vector<16xi32>
        %get3A_463 = arith.index_cast %scan3A_450 : i32 to index
        %get3A_464 = arith.constant 0 : index
        %get3A_465 = tpu.vector_load %arg17[%get3A_463, %get3A_464] {strides = array<i32>} : memref<40x64xi32, #tpu.memory_space<vmem>>, vector<1x16xi32>,
        %get3A_466 = vector.shape_cast %get3A_465 : vector<1x16xi32> to vector<16xi32>
        %shift_left3A = arith.constant 16 : i32
        %shift_left3A_467 = vector.broadcast %shift_left3A : i32 to vector<16xi32>
        %shift_left3A_468 = arith.shli %get3A_456, %shift_left3A_467 : vector<16xi32>
        %bitcast_convert_type3A = tpu.bitcast %shift_left3A_468 : vector<16xi32> -> vector<16xf32>
        %and3A = arith.andi %get3A_456, %broadcast_in_dim3A_168 : vector<16xi32>
        %bitcast_convert_type3A_469 = tpu.bitcast %and3A : vector<16xi32> -> vector<16xf32>
        %shift_left3A_470 = arith.constant 16 : i32
        %shift_left3A_471 = vector.broadcast %shift_left3A_470 : i32 to vector<16xi32>
        %shift_left3A_472 = arith.shli %get3A_462, %shift_left3A_471 : vector<16xi32>
        %bitcast_convert_type3A_473 = tpu.bitcast %shift_left3A_472 : vector<16xi32> -> vector<16xf32>
        %and3A_474 = arith.andi %get3A_462, %broadcast_in_dim3A_168 : vector<16xi32>
        %bitcast_convert_type3A_475 = tpu.bitcast %and3A_474 : vector<16xi32> -> vector<16xf32>
        %shift_left3A_476 = arith.constant 16 : i32
        %shift_left3A_477 = vector.broadcast %shift_left3A_476 : i32 to vector<16xi32>
        %shift_left3A_478 = arith.shli %get3A_466, %shift_left3A_477 : vector<16xi32>
        %bitcast_convert_type3A_479 = tpu.bitcast %shift_left3A_478 : vector<16xi32> -> vector<16xf32>
        %and3A_480 = arith.andi %get3A_466, %broadcast_in_dim3A_168 : vector<16xi32>
        %bitcast_convert_type3A_481 = tpu.bitcast %and3A_480 : vector<16xi32> -> vector<16xf32>
        %add3A_482 = arith.addf %bitcast_convert_type3A, %bitcast_convert_type3A_473 : vector<16xf32>
        %add3A_483 = arith.addf %add3A_482, %bitcast_convert_type3A_479 : vector<16xf32>
        %max3A = arith.constant 0.000000e+00 : f32
        %max3A_484 = vector.broadcast %max3A : f32 to vector<16xf32>
        %max3A_485 = arith.maximumf %add3A_483, %max3A_484 : vector<16xf32>
        %add3A_486 = arith.constant 0 : i32
        %add3A_487 = arith.addi %add3A_486, %scan3A_450 : i32
        %swap3A = arith.index_cast %add3A_487 : i32 to index
        %swap3A_488 = arith.constant 0 : index
        %swap3A_489 = tpu.vector_load %arg19[%swap3A, %swap3A_488] {strides = array<i32>} : memref<80x144xf32, #tpu.memory_space<vmem>>, vector<1x16xf32>,
        %swap3A_490 = vector.shape_cast %swap3A_489 : vector<1x16xf32> to vector<16xf32>
        %swap3A_491 = vector.shape_cast %max3A_485 : vector<16xf32> to vector<1x16xf32>
        tpu.vector_store %arg19[%swap3A, %swap3A_488], %swap3A_491 {strides = array<i32>} : memref<80x144xf32, #tpu.memory_space<vmem>>, vector<1x16xf32>,
        %add3A_492 = arith.addf %bitcast_convert_type3A_469, %bitcast_convert_type3A_475 : vector<16xf32>
        %add3A_493 = arith.addf %add3A_492, %bitcast_convert_type3A_481 : vector<16xf32>
        %max3A_494 = arith.constant 0.000000e+00 : f32
        %max3A_495 = vector.broadcast %max3A_494 : f32 to vector<16xf32>
        %max3A_496 = arith.maximumf %add3A_493, %max3A_495 : vector<16xf32>
        %add3A_497 = arith.constant 0 : i32
        %add3A_498 = arith.addi %add3A_497, %scan3A_450 : i32
        %swap3A_499 = arith.index_cast %add3A_498 : i32 to index
        %swap3A_500 = arith.constant 16 : index
        %swap3A_501 = tpu.vector_load %arg19[%swap3A_499, %swap3A_500] {strides = array<i32>} : memref<80x144xf32, #tpu.memory_space<vmem>>, vector<1x16xf32>,
        %swap3A_502 = vector.shape_cast %swap3A_501 : vector<1x16xf32> to vector<16xf32>
        %swap3A_503 = vector.shape_cast %max3A_496 : vector<16xf32> to vector<1x16xf32>
        tpu.vector_store %arg19[%swap3A_499, %swap3A_500], %swap3A_503 {strides = array<i32>} : memref<80x144xf32, #tpu.memory_space<vmem>>, vector<1x16xf32>,
        %add3A_504 = arith.constant 0 : i32
        %add3A_505 = arith.addi %add3A_504, %scan3A_450 : i32
        %get3A_506 = arith.index_cast %add3A_505 : i32 to index
        %get3A_507 = arith.constant 16 : index
        %get3A_508 = tpu.vector_load %arg13[%get3A_506, %get3A_507] {strides = array<i32>} : memref<80x64xi32, #tpu.memory_space<vmem>>, vector<1x16xi32>,
        %get3A_509 = vector.shape_cast %get3A_508 : vector<1x16xi32> to vector<16xi32>
        %add3A_510 = arith.constant 0 : i32
        %add3A_511 = arith.addi %add3A_510, %scan3A_450 : i32
        %get3A_512 = arith.index_cast %add3A_511 : i32 to index
        %get3A_513 = arith.constant 16 : index
        %get3A_514 = tpu.vector_load %arg15[%get3A_512, %get3A_513] {strides = array<i32>} : memref<80x64xi32, #tpu.memory_space<vmem>>, vector<1x16xi32>,
        %get3A_515 = vector.shape_cast %get3A_514 : vector<1x16xi32> to vector<16xi32>
        %get3A_516 = arith.index_cast %scan3A_450 : i32 to index
        %get3A_517 = arith.constant 16 : index
        %get3A_518 = tpu.vector_load %arg17[%get3A_516, %get3A_517] {strides = array<i32>} : memref<40x64xi32, #tpu.memory_space<vmem>>, vector<1x16xi32>,
        %get3A_519 = vector.shape_cast %get3A_518 : vector<1x16xi32> to vector<16xi32>
        %shift_left3A_520 = arith.constant 16 : i32
        %shift_left3A_521 = vector.broadcast %shift_left3A_520 : i32 to vector<16xi32>
        %shift_left3A_522 = arith.shli %get3A_509, %shift_left3A_521 : vector<16xi32>
        %bitcast_convert_type3A_523 = tpu.bitcast %shift_left3A_522 : vector<16xi32> -> vector<16xf32>
        %and3A_524 = arith.andi %get3A_509, %broadcast_in_dim3A_168 : vector<16xi32>
        %bitcast_convert_type3A_525 = tpu.bitcast %and3A_524 : vector<16xi32> -> vector<16xf32>
        %shift_left3A_526 = arith.constant 16 : i32
        %shift_left3A_527 = vector.broadcast %shift_left3A_526 : i32 to vector<16xi32>
        %shift_left3A_528 = arith.shli %get3A_515, %shift_left3A_527 : vector<16xi32>
        %bitcast_convert_type3A_529 = tpu.bitcast %shift_left3A_528 : vector<16xi32> -> vector<16xf32>
        %and3A_530 = arith.andi %get3A_515, %broadcast_in_dim3A_168 : vector<16xi32>
        %bitcast_convert_type3A_531 = tpu.bitcast %and3A_530 : vector<16xi32> -> vector<16xf32>
        %shift_left3A_532 = arith.constant 16 : i32
        %shift_left3A_533 = vector.broadcast %shift_left3A_532 : i32 to vector<16xi32>
        %shift_left3A_534 = arith.shli %get3A_519, %shift_left3A_533 : vector<16xi32>
        %bitcast_convert_type3A_535 = tpu.bitcast %shift_left3A_534 : vector<16xi32> -> vector<16xf32>
        %and3A_536 = arith.andi %get3A_519, %broadcast_in_dim3A_168 : vector<16xi32>
        %bitcast_convert_type3A_537 = tpu.bitcast %and3A_536 : vector<16xi32> -> vector<16xf32>
        %add3A_538 = arith.addf %bitcast_convert_type3A_523, %bitcast_convert_type3A_529 : vector<16xf32>
        %add3A_539 = arith.addf %add3A_538, %bitcast_convert_type3A_535 : vector<16xf32>
        %max3A_540 = arith.constant 0.000000e+00 : f32
        %max3A_541 = vector.broadcast %max3A_540 : f32 to vector<16xf32>
        %max3A_542 = arith.maximumf %add3A_539, %max3A_541 : vector<16xf32>
        %add3A_543 = arith.constant 0 : i32
        %add3A_544 = arith.addi %add3A_543, %scan3A_450 : i32
        %swap3A_545 = arith.index_cast %add3A_544 : i32 to index
        %swap3A_546 = arith.constant 32 : index
        %swap3A_547 = tpu.vector_load %arg19[%swap3A_545, %swap3A_546] {strides = array<i32>} : memref<80x144xf32, #tpu.memory_space<vmem>>, vector<1x16xf32>,
        %swap3A_548 = vector.shape_cast %swap3A_547 : vector<1x16xf32> to vector<16xf32>
        %swap3A_549 = vector.shape_cast %max3A_542 : vector<16xf32> to vector<1x16xf32>
        tpu.vector_store %arg19[%swap3A_545, %swap3A_546], %swap3A_549 {strides = array<i32>} : memref<80x144xf32, #tpu.memory_space<vmem>>, vector<1x16xf32>,
        %add3A_550 = arith.addf %bitcast_convert_type3A_525, %bitcast_convert_type3A_531 : vector<16xf32>
        %add3A_551 = arith.addf %add3A_550, %bitcast_convert_type3A_537 : vector<16xf32>
        %max3A_552 = arith.constant 0.000000e+00 : f32
        %max3A_553 = vector.broadcast %max3A_552 : f32 to vector<16xf32>
        %max3A_554 = arith.maximumf %add3A_551, %max3A_553 : vector<16xf32>
        %add3A_555 = arith.constant 0 : i32
        %add3A_556 = arith.addi %add3A_555, %scan3A_450 : i32
        %swap3A_557 = arith.index_cast %add3A_556 : i32 to index
        %swap3A_558 = arith.constant 48 : index
        %swap3A_559 = tpu.vector_load %arg19[%swap3A_557, %swap3A_558] {strides = array<i32>} : memref<80x144xf32, #tpu.memory_space<vmem>>, vector<1x16xf32>,
        %swap3A_560 = vector.shape_cast %swap3A_559 : vector<1x16xf32> to vector<16xf32>
        %swap3A_561 = vector.shape_cast %max3A_554 : vector<16xf32> to vector<1x16xf32>
        tpu.vector_store %arg19[%swap3A_557, %swap3A_558], %swap3A_561 {strides = array<i32>} : memref<80x144xf32, #tpu.memory_space<vmem>>, vector<1x16xf32>,
        %add3A_562 = arith.constant 0 : i32
        %add3A_563 = arith.addi %add3A_562, %scan3A_450 : i32
        %get3A_564 = arith.index_cast %add3A_563 : i32 to index
        %get3A_565 = arith.constant 32 : index
        %get3A_566 = tpu.vector_load %arg13[%get3A_564, %get3A_565] {strides = array<i32>} : memref<80x64xi32, #tpu.memory_space<vmem>>, vector<1x16xi32>,
        %get3A_567 = vector.shape_cast %get3A_566 : vector<1x16xi32> to vector<16xi32>
        %add3A_568 = arith.constant 0 : i32
        %add3A_569 = arith.addi %add3A_568, %scan3A_450 : i32
        %get3A_570 = arith.index_cast %add3A_569 : i32 to index
        %get3A_571 = arith.constant 32 : index
        %get3A_572 = tpu.vector_load %arg15[%get3A_570, %get3A_571] {strides = array<i32>} : memref<80x64xi32, #tpu.memory_space<vmem>>, vector<1x16xi32>,
        %get3A_573 = vector.shape_cast %get3A_572 : vector<1x16xi32> to vector<16xi32>
        %get3A_574 = arith.index_cast %scan3A_450 : i32 to index
        %get3A_575 = arith.constant 32 : index
        %get3A_576 = tpu.vector_load %arg17[%get3A_574, %get3A_575] {strides = array<i32>} : memref<40x64xi32, #tpu.memory_space<vmem>>, vector<1x16xi32>,
        %get3A_577 = vector.shape_cast %get3A_576 : vector<1x16xi32> to vector<16xi32>
        %shift_left3A_578 = arith.constant 16 : i32
        %shift_left3A_579 = vector.broadcast %shift_left3A_578 : i32 to vector<16xi32>
        %shift_left3A_580 = arith.shli %get3A_567, %shift_left3A_579 : vector<16xi32>
        %bitcast_convert_type3A_581 = tpu.bitcast %shift_left3A_580 : vector<16xi32> -> vector<16xf32>
        %and3A_582 = arith.andi %get3A_567, %broadcast_in_dim3A_168 : vector<16xi32>
        %bitcast_convert_type3A_583 = tpu.bitcast %and3A_582 : vector<16xi32> -> vector<16xf32>
        %shift_left3A_584 = arith.constant 16 : i32
        %shift_left3A_585 = vector.broadcast %shift_left3A_584 : i32 to vector<16xi32>
        %shift_left3A_586 = arith.shli %get3A_573, %shift_left3A_585 : vector<16xi32>
        %bitcast_convert_type3A_587 = tpu.bitcast %shift_left3A_586 : vector<16xi32> -> vector<16xf32>
        %and3A_588 = arith.andi %get3A_573, %broadcast_in_dim3A_168 : vector<16xi32>
        %bitcast_convert_type3A_589 = tpu.bitcast %and3A_588 : vector<16xi32> -> vector<16xf32>
        %shift_left3A_590 = arith.constant 16 : i32
        %shift_left3A_591 = vector.broadcast %shift_left3A_590 : i32 to vector<16xi32>
        %shift_left3A_592 = arith.shli %get3A_577, %shift_left3A_591 : vector<16xi32>
        %bitcast_convert_type3A_593 = tpu.bitcast %shift_left3A_592 : vector<16xi32> -> vector<16xf32>
        %and3A_594 = arith.andi %get3A_577, %broadcast_in_dim3A_168 : vector<16xi32>
        %bitcast_convert_type3A_595 = tpu.bitcast %and3A_594 : vector<16xi32> -> vector<16xf32>
        %add3A_596 = arith.addf %bitcast_convert_type3A_581, %bitcast_convert_type3A_587 : vector<16xf32>
        %add3A_597 = arith.addf %add3A_596, %bitcast_convert_type3A_593 : vector<16xf32>
        %max3A_598 = arith.constant 0.000000e+00 : f32
        %max3A_599 = vector.broadcast %max3A_598 : f32 to vector<16xf32>
        %max3A_600 = arith.maximumf %add3A_597, %max3A_599 : vector<16xf32>
        %add3A_601 = arith.constant 0 : i32
        %add3A_602 = arith.addi %add3A_601, %scan3A_450 : i32
        %swap3A_603 = arith.index_cast %add3A_602 : i32 to index
        %swap3A_604 = arith.constant 64 : index
        %swap3A_605 = tpu.vector_load %arg19[%swap3A_603, %swap3A_604] {strides = array<i32>} : memref<80x144xf32, #tpu.memory_space<vmem>>, vector<1x16xf32>,
        %swap3A_606 = vector.shape_cast %swap3A_605 : vector<1x16xf32> to vector<16xf32>
        %swap3A_607 = vector.shape_cast %max3A_600 : vector<16xf32> to vector<1x16xf32>
        tpu.vector_store %arg19[%swap3A_603, %swap3A_604], %swap3A_607 {strides = array<i32>} : memref<80x144xf32, #tpu.memory_space<vmem>>, vector<1x16xf32>,
        %add3A_608 = arith.addf %bitcast_convert_type3A_583, %bitcast_convert_type3A_589 : vector<16xf32>
        %add3A_609 = arith.addf %add3A_608, %bitcast_convert_type3A_595 : vector<16xf32>
        %max3A_610 = arith.constant 0.000000e+00 : f32
        %max3A_611 = vector.broadcast %max3A_610 : f32 to vector<16xf32>
        %max3A_612 = arith.maximumf %add3A_609, %max3A_611 : vector<16xf32>
        %add3A_613 = arith.constant 0 : i32
        %add3A_614 = arith.addi %add3A_613, %scan3A_450 : i32
        %swap3A_615 = arith.index_cast %add3A_614 : i32 to index
        %swap3A_616 = arith.constant 80 : index
        %swap3A_617 = tpu.vector_load %arg19[%swap3A_615, %swap3A_616] {strides = array<i32>} : memref<80x144xf32, #tpu.memory_space<vmem>>, vector<1x16xf32>,
        %swap3A_618 = vector.shape_cast %swap3A_617 : vector<1x16xf32> to vector<16xf32>
        %swap3A_619 = vector.shape_cast %max3A_612 : vector<16xf32> to vector<1x16xf32>
        tpu.vector_store %arg19[%swap3A_615, %swap3A_616], %swap3A_619 {strides = array<i32>} : memref<80x144xf32, #tpu.memory_space<vmem>>, vector<1x16xf32>,
        %add3A_620 = arith.constant 0 : i32
        %add3A_621 = arith.addi %add3A_620, %scan3A_450 : i32
        %get3A_622 = arith.index_cast %add3A_621 : i32 to index
        %get3A_623 = arith.constant 48 : index
        %get3A_624 = tpu.vector_load %arg13[%get3A_622, %get3A_623] {strides = array<i32>} : memref<80x64xi32, #tpu.memory_space<vmem>>, vector<1x16xi32>,
        %get3A_625 = vector.shape_cast %get3A_624 : vector<1x16xi32> to vector<16xi32>
        %add3A_626 = arith.constant 0 : i32
        %add3A_627 = arith.addi %add3A_626, %scan3A_450 : i32
        %get3A_628 = arith.index_cast %add3A_627 : i32 to index
        %get3A_629 = arith.constant 48 : index
        %get3A_630 = tpu.vector_load %arg15[%get3A_628, %get3A_629] {strides = array<i32>} : memref<80x64xi32, #tpu.memory_space<vmem>>, vector<1x16xi32>,
        %get3A_631 = vector.shape_cast %get3A_630 : vector<1x16xi32> to vector<16xi32>
        %get3A_632 = arith.index_cast %scan3A_450 : i32 to index
        %get3A_633 = arith.constant 48 : index
        %get3A_634 = tpu.vector_load %arg17[%get3A_632, %get3A_633] {strides = array<i32>} : memref<40x64xi32, #tpu.memory_space<vmem>>, vector<1x16xi32>,
        %get3A_635 = vector.shape_cast %get3A_634 : vector<1x16xi32> to vector<16xi32>
        %shift_left3A_636 = arith.constant 16 : i32
        %shift_left3A_637 = vector.broadcast %shift_left3A_636 : i32 to vector<16xi32>
        %shift_left3A_638 = arith.shli %get3A_625, %shift_left3A_637 : vector<16xi32>
        %bitcast_convert_type3A_639 = tpu.bitcast %shift_left3A_638 : vector<16xi32> -> vector<16xf32>
        %and3A_640 = arith.andi %get3A_625, %broadcast_in_dim3A_168 : vector<16xi32>
        %bitcast_convert_type3A_641 = tpu.bitcast %and3A_640 : vector<16xi32> -> vector<16xf32>
        %shift_left3A_642 = arith.constant 16 : i32
        %shift_left3A_643 = vector.broadcast %shift_left3A_642 : i32 to vector<16xi32>
        %shift_left3A_644 = arith.shli %get3A_631, %shift_left3A_643 : vector<16xi32>
        %bitcast_convert_type3A_645 = tpu.bitcast %shift_left3A_644 : vector<16xi32> -> vector<16xf32>
        %and3A_646 = arith.andi %get3A_631, %broadcast_in_dim3A_168 : vector<16xi32>
        %bitcast_convert_type3A_647 = tpu.bitcast %and3A_646 : vector<16xi32> -> vector<16xf32>
        %shift_left3A_648 = arith.constant 16 : i32
        %shift_left3A_649 = vector.broadcast %shift_left3A_648 : i32 to vector<16xi32>
        %shift_left3A_650 = arith.shli %get3A_635, %shift_left3A_649 : vector<16xi32>
        %bitcast_convert_type3A_651 = tpu.bitcast %shift_left3A_650 : vector<16xi32> -> vector<16xf32>
        %and3A_652 = arith.andi %get3A_635, %broadcast_in_dim3A_168 : vector<16xi32>
        %bitcast_convert_type3A_653 = tpu.bitcast %and3A_652 : vector<16xi32> -> vector<16xf32>
        %add3A_654 = arith.addf %bitcast_convert_type3A_639, %bitcast_convert_type3A_645 : vector<16xf32>
        %add3A_655 = arith.addf %add3A_654, %bitcast_convert_type3A_651 : vector<16xf32>
        %max3A_656 = arith.constant 0.000000e+00 : f32
        %max3A_657 = vector.broadcast %max3A_656 : f32 to vector<16xf32>
        %max3A_658 = arith.maximumf %add3A_655, %max3A_657 : vector<16xf32>
        %add3A_659 = arith.constant 0 : i32
        %add3A_660 = arith.addi %add3A_659, %scan3A_450 : i32
        %swap3A_661 = arith.index_cast %add3A_660 : i32 to index
        %swap3A_662 = arith.constant 96 : index
        %swap3A_663 = tpu.vector_load %arg19[%swap3A_661, %swap3A_662] {strides = array<i32>} : memref<80x144xf32, #tpu.memory_space<vmem>>, vector<1x16xf32>,
        %swap3A_664 = vector.shape_cast %swap3A_663 : vector<1x16xf32> to vector<16xf32>
        %swap3A_665 = vector.shape_cast %max3A_658 : vector<16xf32> to vector<1x16xf32>
        tpu.vector_store %arg19[%swap3A_661, %swap3A_662], %swap3A_665 {strides = array<i32>} : memref<80x144xf32, #tpu.memory_space<vmem>>, vector<1x16xf32>,
        %add3A_666 = arith.addf %bitcast_convert_type3A_641, %bitcast_convert_type3A_647 : vector<16xf32>
        %add3A_667 = arith.addf %add3A_666, %bitcast_convert_type3A_653 : vector<16xf32>
        %max3A_668 = arith.constant 0.000000e+00 : f32
        %max3A_669 = vector.broadcast %max3A_668 : f32 to vector<16xf32>
        %max3A_670 = arith.maximumf %add3A_667, %max3A_669 : vector<16xf32>
        %add3A_671 = arith.constant 0 : i32
        %add3A_672 = arith.addi %add3A_671, %scan3A_450 : i32
        %swap3A_673 = arith.index_cast %add3A_672 : i32 to index
        %swap3A_674 = arith.constant 112 : index
        %swap3A_675 = tpu.vector_load %arg19[%swap3A_673, %swap3A_674] {strides = array<i32>} : memref<80x144xf32, #tpu.memory_space<vmem>>, vector<1x16xf32>,
        %swap3A_676 = vector.shape_cast %swap3A_675 : vector<1x16xf32> to vector<16xf32>
        %swap3A_677 = vector.shape_cast %max3A_670 : vector<16xf32> to vector<1x16xf32>
        tpu.vector_store %arg19[%swap3A_673, %swap3A_674], %swap3A_677 {strides = array<i32>} : memref<80x144xf32, #tpu.memory_space<vmem>>, vector<1x16xf32>,
        %scan3A_678 = arith.constant 0 : i32
        scf.yield %scan3A_678 : i32
      }
      %scan3A_352 = arith.constant 40 : i32
      %add3A_353 = arith.constant 1 : i32
      %add3A_354 = arith.addi %add3A_326, %add3A_353 : i32
      %lt3A_355 = arith.constant 125 : i32
      %lt3A_356 = arith.cmpi slt, %add3A_354, %lt3A_355 : i32
      %convert_element_type3A_357 = arith.extui %lt3A_356 : i1 to i32
      %cond3A_358 = arith.constant 0 : i32
      %cond3A_359 = arith.cmpi ne, %convert_element_type3A_357, %cond3A_358 : i32
      scf.if %cond3A_359 {
        %add3A_450 = arith.constant 1 : i32
        %add3A_451 = arith.addi %add3A_326, %add3A_450 : i32
        %mul3A_452 = arith.constant 80 : i32
        %mul3A_453 = arith.muli %add3A_451, %mul3A_452 : i32
        %add3A_454 = arith.addi %mul3A_124, %mul3A_453 : i32
        %add3A_455 = arith.constant 0 : i32
        %add3A_456 = arith.addi %add3A_454, %add3A_455 : i32
        %multiple_of3A_457 = tpu.assume_multiple %add3A_456, 8 : i32
        %dma_start3A_458 = arith.constant 0 : i32
        %dma_start3A_459 = tpu.memref_slice %arg4[%multiple_of3A_457, %dma_start3A_458] : memref<320000x64xi32, #tpu.memory_space<hbm>> -> memref<40x64xi32, #tpu.memory_space<hbm>>
        %dma_start3A_460 = arith.constant 0 : i32
        %dma_start3A_461 = tpu.memref_slice %arg4[%multiple_of3A_457, %dma_start3A_460] : memref<320000x64xi32, #tpu.memory_space<hbm>> -> memref<40x64xi32, #tpu.memory_space<hbm>>
        tpu.enqueue_dma source(%dma_start3A_461 : memref<40x64xi32, #tpu.memory_space<hbm>>) target(%arg17 : memref<40x64xi32, #tpu.memory_space<vmem>>) target_semaphore(%arg28 : memref<!tpu.dma_semaphore, #tpu.memory_space<semaphore_mem>>)
      } else {
      }
      %dma_wait3A_360 = arith.constant 0 : i32
      %dma_wait3A_361 = arith.constant 0 : i32
      %dma_wait3A_362 = tpu.memref_slice %arg4[%dma_wait3A_360, %dma_wait3A_361] : memref<320000x64xi32, #tpu.memory_space<hbm>> -> memref<40x64xi32, #tpu.memory_space<hbm>>
      %dma_wait3A_363 = arith.constant 0 : i32
      %dma_wait3A_364 = arith.constant 0 : i32
      %dma_wait3A_365 = tpu.memref_slice %arg4[%dma_wait3A_363, %dma_wait3A_364] : memref<320000x64xi32, #tpu.memory_space<hbm>> -> memref<40x64xi32, #tpu.memory_space<hbm>>
      tpu.wait_dma2 semaphore(%arg29 : memref<!tpu.dma_semaphore, #tpu.memory_space<semaphore_mem>>) src(%dma_wait3A_365 : memref<40x64xi32, #tpu.memory_space<hbm>>) dst(%arg18 : memref<40x64xi32, #tpu.memory_space<vmem>>)
      %scan3A_366 = arith.constant 0 : i32
      %scan3A_367 = arith.constant 0 : i32
      %scan3A_368 = arith.constant 40 : i32
      %scan3A_369 = arith.addi %scan3A_367, %scan3A_368 : i32
      %scan3A_370 = arith.constant 1 : i32
      %scan3A_371 = scf.for %scan3A_450 = %scan3A_367 to %scan3A_369 step %scan3A_370 iter_args(%scan3A_451 = %scan3A_366) -> (i32)  : i32 {
        %add3A_452 = arith.constant 40 : i32
        %add3A_453 = arith.addi %add3A_452, %scan3A_450 : i32
        %get3A = arith.index_cast %add3A_453 : i32 to index
        %get3A_454 = arith.constant 0 : index
        %get3A_455 = tpu.vector_load %arg13[%get3A, %get3A_454] {strides = array<i32>} : memref<80x64xi32, #tpu.memory_space<vmem>>, vector<1x16xi32>,
        %get3A_456 = vector.shape_cast %get3A_455 : vector<1x16xi32> to vector<16xi32>
        %add3A_457 = arith.constant 40 : i32
        %add3A_458 = arith.addi %add3A_457, %scan3A_450 : i32
        %get3A_459 = arith.index_cast %add3A_458 : i32 to index
        %get3A_460 = arith.constant 0 : index
        %get3A_461 = tpu.vector_load %arg15[%get3A_459, %get3A_460] {strides = array<i32>} : memref<80x64xi32, #tpu.memory_space<vmem>>, vector<1x16xi32>,
        %get3A_462 = vector.shape_cast %get3A_461 : vector<1x16xi32> to vector<16xi32>
        %get3A_463 = arith.index_cast %scan3A_450 : i32 to index
        %get3A_464 = arith.constant 0 : index
        %get3A_465 = tpu.vector_load %arg18[%get3A_463, %get3A_464] {strides = array<i32>} : memref<40x64xi32, #tpu.memory_space<vmem>>, vector<1x16xi32>,
        %get3A_466 = vector.shape_cast %get3A_465 : vector<1x16xi32> to vector<16xi32>
        %shift_left3A = arith.constant 16 : i32
        %shift_left3A_467 = vector.broadcast %shift_left3A : i32 to vector<16xi32>
        %shift_left3A_468 = arith.shli %get3A_456, %shift_left3A_467 : vector<16xi32>
        %bitcast_convert_type3A = tpu.bitcast %shift_left3A_468 : vector<16xi32> -> vector<16xf32>
        %and3A = arith.andi %get3A_456, %broadcast_in_dim3A_168 : vector<16xi32>
        %bitcast_convert_type3A_469 = tpu.bitcast %and3A : vector<16xi32> -> vector<16xf32>
        %shift_left3A_470 = arith.constant 16 : i32
        %shift_left3A_471 = vector.broadcast %shift_left3A_470 : i32 to vector<16xi32>
        %shift_left3A_472 = arith.shli %get3A_462, %shift_left3A_471 : vector<16xi32>
        %bitcast_convert_type3A_473 = tpu.bitcast %shift_left3A_472 : vector<16xi32> -> vector<16xf32>
        %and3A_474 = arith.andi %get3A_462, %broadcast_in_dim3A_168 : vector<16xi32>
        %bitcast_convert_type3A_475 = tpu.bitcast %and3A_474 : vector<16xi32> -> vector<16xf32>
        %shift_left3A_476 = arith.constant 16 : i32
        %shift_left3A_477 = vector.broadcast %shift_left3A_476 : i32 to vector<16xi32>
        %shift_left3A_478 = arith.shli %get3A_466, %shift_left3A_477 : vector<16xi32>
        %bitcast_convert_type3A_479 = tpu.bitcast %shift_left3A_478 : vector<16xi32> -> vector<16xf32>
        %and3A_480 = arith.andi %get3A_466, %broadcast_in_dim3A_168 : vector<16xi32>
        %bitcast_convert_type3A_481 = tpu.bitcast %and3A_480 : vector<16xi32> -> vector<16xf32>
        %add3A_482 = arith.addf %bitcast_convert_type3A, %bitcast_convert_type3A_473 : vector<16xf32>
        %add3A_483 = arith.addf %add3A_482, %bitcast_convert_type3A_479 : vector<16xf32>
        %max3A = arith.constant 0.000000e+00 : f32
        %max3A_484 = vector.broadcast %max3A : f32 to vector<16xf32>
        %max3A_485 = arith.maximumf %add3A_483, %max3A_484 : vector<16xf32>
        %add3A_486 = arith.constant 40 : i32
        %add3A_487 = arith.addi %add3A_486, %scan3A_450 : i32
        %swap3A = arith.index_cast %add3A_487 : i32 to index
        %swap3A_488 = arith.constant 0 : index
        %swap3A_489 = tpu.vector_load %arg19[%swap3A, %swap3A_488] {strides = array<i32>} : memref<80x144xf32, #tpu.memory_space<vmem>>, vector<1x16xf32>,
        %swap3A_490 = vector.shape_cast %swap3A_489 : vector<1x16xf32> to vector<16xf32>
        %swap3A_491 = vector.shape_cast %max3A_485 : vector<16xf32> to vector<1x16xf32>
        tpu.vector_store %arg19[%swap3A, %swap3A_488], %swap3A_491 {strides = array<i32>} : memref<80x144xf32, #tpu.memory_space<vmem>>, vector<1x16xf32>,
        %add3A_492 = arith.addf %bitcast_convert_type3A_469, %bitcast_convert_type3A_475 : vector<16xf32>
        %add3A_493 = arith.addf %add3A_492, %bitcast_convert_type3A_481 : vector<16xf32>
        %max3A_494 = arith.constant 0.000000e+00 : f32
        %max3A_495 = vector.broadcast %max3A_494 : f32 to vector<16xf32>
        %max3A_496 = arith.maximumf %add3A_493, %max3A_495 : vector<16xf32>
        %add3A_497 = arith.constant 40 : i32
        %add3A_498 = arith.addi %add3A_497, %scan3A_450 : i32
        %swap3A_499 = arith.index_cast %add3A_498 : i32 to index
        %swap3A_500 = arith.constant 16 : index
        %swap3A_501 = tpu.vector_load %arg19[%swap3A_499, %swap3A_500] {strides = array<i32>} : memref<80x144xf32, #tpu.memory_space<vmem>>, vector<1x16xf32>,
        %swap3A_502 = vector.shape_cast %swap3A_501 : vector<1x16xf32> to vector<16xf32>
        %swap3A_503 = vector.shape_cast %max3A_496 : vector<16xf32> to vector<1x16xf32>
        tpu.vector_store %arg19[%swap3A_499, %swap3A_500], %swap3A_503 {strides = array<i32>} : memref<80x144xf32, #tpu.memory_space<vmem>>, vector<1x16xf32>,
        %add3A_504 = arith.constant 40 : i32
        %add3A_505 = arith.addi %add3A_504, %scan3A_450 : i32
        %get3A_506 = arith.index_cast %add3A_505 : i32 to index
        %get3A_507 = arith.constant 16 : index
        %get3A_508 = tpu.vector_load %arg13[%get3A_506, %get3A_507] {strides = array<i32>} : memref<80x64xi32, #tpu.memory_space<vmem>>, vector<1x16xi32>,
        %get3A_509 = vector.shape_cast %get3A_508 : vector<1x16xi32> to vector<16xi32>
        %add3A_510 = arith.constant 40 : i32
        %add3A_511 = arith.addi %add3A_510, %scan3A_450 : i32
        %get3A_512 = arith.index_cast %add3A_511 : i32 to index
        %get3A_513 = arith.constant 16 : index
        %get3A_514 = tpu.vector_load %arg15[%get3A_512, %get3A_513] {strides = array<i32>} : memref<80x64xi32, #tpu.memory_space<vmem>>, vector<1x16xi32>,
        %get3A_515 = vector.shape_cast %get3A_514 : vector<1x16xi32> to vector<16xi32>
        %get3A_516 = arith.index_cast %scan3A_450 : i32 to index
        %get3A_517 = arith.constant 16 : index
        %get3A_518 = tpu.vector_load %arg18[%get3A_516, %get3A_517] {strides = array<i32>} : memref<40x64xi32, #tpu.memory_space<vmem>>, vector<1x16xi32>,
        %get3A_519 = vector.shape_cast %get3A_518 : vector<1x16xi32> to vector<16xi32>
        %shift_left3A_520 = arith.constant 16 : i32
        %shift_left3A_521 = vector.broadcast %shift_left3A_520 : i32 to vector<16xi32>
        %shift_left3A_522 = arith.shli %get3A_509, %shift_left3A_521 : vector<16xi32>
        %bitcast_convert_type3A_523 = tpu.bitcast %shift_left3A_522 : vector<16xi32> -> vector<16xf32>
        %and3A_524 = arith.andi %get3A_509, %broadcast_in_dim3A_168 : vector<16xi32>
        %bitcast_convert_type3A_525 = tpu.bitcast %and3A_524 : vector<16xi32> -> vector<16xf32>
        %shift_left3A_526 = arith.constant 16 : i32
        %shift_left3A_527 = vector.broadcast %shift_left3A_526 : i32 to vector<16xi32>
        %shift_left3A_528 = arith.shli %get3A_515, %shift_left3A_527 : vector<16xi32>
        %bitcast_convert_type3A_529 = tpu.bitcast %shift_left3A_528 : vector<16xi32> -> vector<16xf32>
        %and3A_530 = arith.andi %get3A_515, %broadcast_in_dim3A_168 : vector<16xi32>
        %bitcast_convert_type3A_531 = tpu.bitcast %and3A_530 : vector<16xi32> -> vector<16xf32>
        %shift_left3A_532 = arith.constant 16 : i32
        %shift_left3A_533 = vector.broadcast %shift_left3A_532 : i32 to vector<16xi32>
        %shift_left3A_534 = arith.shli %get3A_519, %shift_left3A_533 : vector<16xi32>
        %bitcast_convert_type3A_535 = tpu.bitcast %shift_left3A_534 : vector<16xi32> -> vector<16xf32>
        %and3A_536 = arith.andi %get3A_519, %broadcast_in_dim3A_168 : vector<16xi32>
        %bitcast_convert_type3A_537 = tpu.bitcast %and3A_536 : vector<16xi32> -> vector<16xf32>
        %add3A_538 = arith.addf %bitcast_convert_type3A_523, %bitcast_convert_type3A_529 : vector<16xf32>
        %add3A_539 = arith.addf %add3A_538, %bitcast_convert_type3A_535 : vector<16xf32>
        %max3A_540 = arith.constant 0.000000e+00 : f32
        %max3A_541 = vector.broadcast %max3A_540 : f32 to vector<16xf32>
        %max3A_542 = arith.maximumf %add3A_539, %max3A_541 : vector<16xf32>
        %add3A_543 = arith.constant 40 : i32
        %add3A_544 = arith.addi %add3A_543, %scan3A_450 : i32
        %swap3A_545 = arith.index_cast %add3A_544 : i32 to index
        %swap3A_546 = arith.constant 32 : index
        %swap3A_547 = tpu.vector_load %arg19[%swap3A_545, %swap3A_546] {strides = array<i32>} : memref<80x144xf32, #tpu.memory_space<vmem>>, vector<1x16xf32>,
        %swap3A_548 = vector.shape_cast %swap3A_547 : vector<1x16xf32> to vector<16xf32>
        %swap3A_549 = vector.shape_cast %max3A_542 : vector<16xf32> to vector<1x16xf32>
        tpu.vector_store %arg19[%swap3A_545, %swap3A_546], %swap3A_549 {strides = array<i32>} : memref<80x144xf32, #tpu.memory_space<vmem>>, vector<1x16xf32>,
        %add3A_550 = arith.addf %bitcast_convert_type3A_525, %bitcast_convert_type3A_531 : vector<16xf32>
        %add3A_551 = arith.addf %add3A_550, %bitcast_convert_type3A_537 : vector<16xf32>
        %max3A_552 = arith.constant 0.000000e+00 : f32
        %max3A_553 = vector.broadcast %max3A_552 : f32 to vector<16xf32>
        %max3A_554 = arith.maximumf %add3A_551, %max3A_553 : vector<16xf32>
        %add3A_555 = arith.constant 40 : i32
        %add3A_556 = arith.addi %add3A_555, %scan3A_450 : i32
        %swap3A_557 = arith.index_cast %add3A_556 : i32 to index
        %swap3A_558 = arith.constant 48 : index
        %swap3A_559 = tpu.vector_load %arg19[%swap3A_557, %swap3A_558] {strides = array<i32>} : memref<80x144xf32, #tpu.memory_space<vmem>>, vector<1x16xf32>,
        %swap3A_560 = vector.shape_cast %swap3A_559 : vector<1x16xf32> to vector<16xf32>
        %swap3A_561 = vector.shape_cast %max3A_554 : vector<16xf32> to vector<1x16xf32>
        tpu.vector_store %arg19[%swap3A_557, %swap3A_558], %swap3A_561 {strides = array<i32>} : memref<80x144xf32, #tpu.memory_space<vmem>>, vector<1x16xf32>,
        %add3A_562 = arith.constant 40 : i32
        %add3A_563 = arith.addi %add3A_562, %scan3A_450 : i32
        %get3A_564 = arith.index_cast %add3A_563 : i32 to index
        %get3A_565 = arith.constant 32 : index
        %get3A_566 = tpu.vector_load %arg13[%get3A_564, %get3A_565] {strides = array<i32>} : memref<80x64xi32, #tpu.memory_space<vmem>>, vector<1x16xi32>,
        %get3A_567 = vector.shape_cast %get3A_566 : vector<1x16xi32> to vector<16xi32>
        %add3A_568 = arith.constant 40 : i32
        %add3A_569 = arith.addi %add3A_568, %scan3A_450 : i32
        %get3A_570 = arith.index_cast %add3A_569 : i32 to index
        %get3A_571 = arith.constant 32 : index
        %get3A_572 = tpu.vector_load %arg15[%get3A_570, %get3A_571] {strides = array<i32>} : memref<80x64xi32, #tpu.memory_space<vmem>>, vector<1x16xi32>,
        %get3A_573 = vector.shape_cast %get3A_572 : vector<1x16xi32> to vector<16xi32>
        %get3A_574 = arith.index_cast %scan3A_450 : i32 to index
        %get3A_575 = arith.constant 32 : index
        %get3A_576 = tpu.vector_load %arg18[%get3A_574, %get3A_575] {strides = array<i32>} : memref<40x64xi32, #tpu.memory_space<vmem>>, vector<1x16xi32>,
        %get3A_577 = vector.shape_cast %get3A_576 : vector<1x16xi32> to vector<16xi32>
        %shift_left3A_578 = arith.constant 16 : i32
        %shift_left3A_579 = vector.broadcast %shift_left3A_578 : i32 to vector<16xi32>
        %shift_left3A_580 = arith.shli %get3A_567, %shift_left3A_579 : vector<16xi32>
        %bitcast_convert_type3A_581 = tpu.bitcast %shift_left3A_580 : vector<16xi32> -> vector<16xf32>
        %and3A_582 = arith.andi %get3A_567, %broadcast_in_dim3A_168 : vector<16xi32>
        %bitcast_convert_type3A_583 = tpu.bitcast %and3A_582 : vector<16xi32> -> vector<16xf32>
        %shift_left3A_584 = arith.constant 16 : i32
        %shift_left3A_585 = vector.broadcast %shift_left3A_584 : i32 to vector<16xi32>
        %shift_left3A_586 = arith.shli %get3A_573, %shift_left3A_585 : vector<16xi32>
        %bitcast_convert_type3A_587 = tpu.bitcast %shift_left3A_586 : vector<16xi32> -> vector<16xf32>
        %and3A_588 = arith.andi %get3A_573, %broadcast_in_dim3A_168 : vector<16xi32>
        %bitcast_convert_type3A_589 = tpu.bitcast %and3A_588 : vector<16xi32> -> vector<16xf32>
        %shift_left3A_590 = arith.constant 16 : i32
        %shift_left3A_591 = vector.broadcast %shift_left3A_590 : i32 to vector<16xi32>
        %shift_left3A_592 = arith.shli %get3A_577, %shift_left3A_591 : vector<16xi32>
        %bitcast_convert_type3A_593 = tpu.bitcast %shift_left3A_592 : vector<16xi32> -> vector<16xf32>
        %and3A_594 = arith.andi %get3A_577, %broadcast_in_dim3A_168 : vector<16xi32>
        %bitcast_convert_type3A_595 = tpu.bitcast %and3A_594 : vector<16xi32> -> vector<16xf32>
        %add3A_596 = arith.addf %bitcast_convert_type3A_581, %bitcast_convert_type3A_587 : vector<16xf32>
        %add3A_597 = arith.addf %add3A_596, %bitcast_convert_type3A_593 : vector<16xf32>
        %max3A_598 = arith.constant 0.000000e+00 : f32
        %max3A_599 = vector.broadcast %max3A_598 : f32 to vector<16xf32>
        %max3A_600 = arith.maximumf %add3A_597, %max3A_599 : vector<16xf32>
        %add3A_601 = arith.constant 40 : i32
        %add3A_602 = arith.addi %add3A_601, %scan3A_450 : i32
        %swap3A_603 = arith.index_cast %add3A_602 : i32 to index
        %swap3A_604 = arith.constant 64 : index
        %swap3A_605 = tpu.vector_load %arg19[%swap3A_603, %swap3A_604] {strides = array<i32>} : memref<80x144xf32, #tpu.memory_space<vmem>>, vector<1x16xf32>,
        %swap3A_606 = vector.shape_cast %swap3A_605 : vector<1x16xf32> to vector<16xf32>
        %swap3A_607 = vector.shape_cast %max3A_600 : vector<16xf32> to vector<1x16xf32>
        tpu.vector_store %arg19[%swap3A_603, %swap3A_604], %swap3A_607 {strides = array<i32>} : memref<80x144xf32, #tpu.memory_space<vmem>>, vector<1x16xf32>,
        %add3A_608 = arith.addf %bitcast_convert_type3A_583, %bitcast_convert_type3A_589 : vector<16xf32>
        %add3A_609 = arith.addf %add3A_608, %bitcast_convert_type3A_595 : vector<16xf32>
        %max3A_610 = arith.constant 0.000000e+00 : f32
        %max3A_611 = vector.broadcast %max3A_610 : f32 to vector<16xf32>
        %max3A_612 = arith.maximumf %add3A_609, %max3A_611 : vector<16xf32>
        %add3A_613 = arith.constant 40 : i32
        %add3A_614 = arith.addi %add3A_613, %scan3A_450 : i32
        %swap3A_615 = arith.index_cast %add3A_614 : i32 to index
        %swap3A_616 = arith.constant 80 : index
        %swap3A_617 = tpu.vector_load %arg19[%swap3A_615, %swap3A_616] {strides = array<i32>} : memref<80x144xf32, #tpu.memory_space<vmem>>, vector<1x16xf32>,
        %swap3A_618 = vector.shape_cast %swap3A_617 : vector<1x16xf32> to vector<16xf32>
        %swap3A_619 = vector.shape_cast %max3A_612 : vector<16xf32> to vector<1x16xf32>
        tpu.vector_store %arg19[%swap3A_615, %swap3A_616], %swap3A_619 {strides = array<i32>} : memref<80x144xf32, #tpu.memory_space<vmem>>, vector<1x16xf32>,
        %add3A_620 = arith.constant 40 : i32
        %add3A_621 = arith.addi %add3A_620, %scan3A_450 : i32
        %get3A_622 = arith.index_cast %add3A_621 : i32 to index
        %get3A_623 = arith.constant 48 : index
        %get3A_624 = tpu.vector_load %arg13[%get3A_622, %get3A_623] {strides = array<i32>} : memref<80x64xi32, #tpu.memory_space<vmem>>, vector<1x16xi32>,
        %get3A_625 = vector.shape_cast %get3A_624 : vector<1x16xi32> to vector<16xi32>
        %add3A_626 = arith.constant 40 : i32
        %add3A_627 = arith.addi %add3A_626, %scan3A_450 : i32
        %get3A_628 = arith.index_cast %add3A_627 : i32 to index
        %get3A_629 = arith.constant 48 : index
        %get3A_630 = tpu.vector_load %arg15[%get3A_628, %get3A_629] {strides = array<i32>} : memref<80x64xi32, #tpu.memory_space<vmem>>, vector<1x16xi32>,
        %get3A_631 = vector.shape_cast %get3A_630 : vector<1x16xi32> to vector<16xi32>
        %get3A_632 = arith.index_cast %scan3A_450 : i32 to index
        %get3A_633 = arith.constant 48 : index
        %get3A_634 = tpu.vector_load %arg18[%get3A_632, %get3A_633] {strides = array<i32>} : memref<40x64xi32, #tpu.memory_space<vmem>>, vector<1x16xi32>,
        %get3A_635 = vector.shape_cast %get3A_634 : vector<1x16xi32> to vector<16xi32>
        %shift_left3A_636 = arith.constant 16 : i32
        %shift_left3A_637 = vector.broadcast %shift_left3A_636 : i32 to vector<16xi32>
        %shift_left3A_638 = arith.shli %get3A_625, %shift_left3A_637 : vector<16xi32>
        %bitcast_convert_type3A_639 = tpu.bitcast %shift_left3A_638 : vector<16xi32> -> vector<16xf32>
        %and3A_640 = arith.andi %get3A_625, %broadcast_in_dim3A_168 : vector<16xi32>
        %bitcast_convert_type3A_641 = tpu.bitcast %and3A_640 : vector<16xi32> -> vector<16xf32>
        %shift_left3A_642 = arith.constant 16 : i32
        %shift_left3A_643 = vector.broadcast %shift_left3A_642 : i32 to vector<16xi32>
        %shift_left3A_644 = arith.shli %get3A_631, %shift_left3A_643 : vector<16xi32>
        %bitcast_convert_type3A_645 = tpu.bitcast %shift_left3A_644 : vector<16xi32> -> vector<16xf32>
        %and3A_646 = arith.andi %get3A_631, %broadcast_in_dim3A_168 : vector<16xi32>
        %bitcast_convert_type3A_647 = tpu.bitcast %and3A_646 : vector<16xi32> -> vector<16xf32>
        %shift_left3A_648 = arith.constant 16 : i32
        %shift_left3A_649 = vector.broadcast %shift_left3A_648 : i32 to vector<16xi32>
        %shift_left3A_650 = arith.shli %get3A_635, %shift_left3A_649 : vector<16xi32>
        %bitcast_convert_type3A_651 = tpu.bitcast %shift_left3A_650 : vector<16xi32> -> vector<16xf32>
        %and3A_652 = arith.andi %get3A_635, %broadcast_in_dim3A_168 : vector<16xi32>
        %bitcast_convert_type3A_653 = tpu.bitcast %and3A_652 : vector<16xi32> -> vector<16xf32>
        %add3A_654 = arith.addf %bitcast_convert_type3A_639, %bitcast_convert_type3A_645 : vector<16xf32>
        %add3A_655 = arith.addf %add3A_654, %bitcast_convert_type3A_651 : vector<16xf32>
        %max3A_656 = arith.constant 0.000000e+00 : f32
        %max3A_657 = vector.broadcast %max3A_656 : f32 to vector<16xf32>
        %max3A_658 = arith.maximumf %add3A_655, %max3A_657 : vector<16xf32>
        %add3A_659 = arith.constant 40 : i32
        %add3A_660 = arith.addi %add3A_659, %scan3A_450 : i32
        %swap3A_661 = arith.index_cast %add3A_660 : i32 to index
        %swap3A_662 = arith.constant 96 : index
        %swap3A_663 = tpu.vector_load %arg19[%swap3A_661, %swap3A_662] {strides = array<i32>} : memref<80x144xf32, #tpu.memory_space<vmem>>, vector<1x16xf32>,
        %swap3A_664 = vector.shape_cast %swap3A_663 : vector<1x16xf32> to vector<16xf32>
        %swap3A_665 = vector.shape_cast %max3A_658 : vector<16xf32> to vector<1x16xf32>
        tpu.vector_store %arg19[%swap3A_661, %swap3A_662], %swap3A_665 {strides = array<i32>} : memref<80x144xf32, #tpu.memory_space<vmem>>, vector<1x16xf32>,
        %add3A_666 = arith.addf %bitcast_convert_type3A_641, %bitcast_convert_type3A_647 : vector<16xf32>
        %add3A_667 = arith.addf %add3A_666, %bitcast_convert_type3A_653 : vector<16xf32>
        %max3A_668 = arith.constant 0.000000e+00 : f32
        %max3A_669 = vector.broadcast %max3A_668 : f32 to vector<16xf32>
        %max3A_670 = arith.maximumf %add3A_667, %max3A_669 : vector<16xf32>
        %add3A_671 = arith.constant 40 : i32
        %add3A_672 = arith.addi %add3A_671, %scan3A_450 : i32
        %swap3A_673 = arith.index_cast %add3A_672 : i32 to index
        %swap3A_674 = arith.constant 112 : index
        %swap3A_675 = tpu.vector_load %arg19[%swap3A_673, %swap3A_674] {strides = array<i32>} : memref<80x144xf32, #tpu.memory_space<vmem>>, vector<1x16xf32>,
        %swap3A_676 = vector.shape_cast %swap3A_675 : vector<1x16xf32> to vector<16xf32>
        %swap3A_677 = vector.shape_cast %max3A_670 : vector<16xf32> to vector<1x16xf32>
        tpu.vector_store %arg19[%swap3A_673, %swap3A_674], %swap3A_677 {strides = array<i32>} : memref<80x144xf32, #tpu.memory_space<vmem>>, vector<1x16xf32>,
        %scan3A_678 = arith.constant 0 : i32
        scf.yield %scan3A_678 : i32
      }
      %scan3A_372 = arith.constant 40 : i32
      %add3A_373 = arith.constant 1 : i32
      %add3A_374 = arith.addi %add3A_326, %add3A_373 : i32
      %lt3A_375 = arith.constant 125 : i32
      %lt3A_376 = arith.cmpi slt, %add3A_374, %lt3A_375 : i32
      %convert_element_type3A_377 = arith.extui %lt3A_376 : i1 to i32
      %cond3A_378 = arith.constant 0 : i32
      %cond3A_379 = arith.cmpi ne, %convert_element_type3A_377, %cond3A_378 : i32
      scf.if %cond3A_379 {
        %add3A_450 = arith.constant 1 : i32
        %add3A_451 = arith.addi %add3A_326, %add3A_450 : i32
        %mul3A_452 = arith.constant 80 : i32
        %mul3A_453 = arith.muli %add3A_451, %mul3A_452 : i32
        %add3A_454 = arith.addi %mul3A_124, %mul3A_453 : i32
        %add3A_455 = arith.constant 40 : i32
        %add3A_456 = arith.addi %add3A_454, %add3A_455 : i32
        %multiple_of3A_457 = tpu.assume_multiple %add3A_456, 8 : i32
        %dma_start3A_458 = arith.constant 0 : i32
        %dma_start3A_459 = tpu.memref_slice %arg4[%multiple_of3A_457, %dma_start3A_458] : memref<320000x64xi32, #tpu.memory_space<hbm>> -> memref<40x64xi32, #tpu.memory_space<hbm>>
        %dma_start3A_460 = arith.constant 0 : i32
        %dma_start3A_461 = tpu.memref_slice %arg4[%multiple_of3A_457, %dma_start3A_460] : memref<320000x64xi32, #tpu.memory_space<hbm>> -> memref<40x64xi32, #tpu.memory_space<hbm>>
        tpu.enqueue_dma source(%dma_start3A_461 : memref<40x64xi32, #tpu.memory_space<hbm>>) target(%arg18 : memref<40x64xi32, #tpu.memory_space<vmem>>) target_semaphore(%arg29 : memref<!tpu.dma_semaphore, #tpu.memory_space<semaphore_mem>>)
      } else {
      }
      "tpu.region"() ({
        %run_scoped3A = tpu.sem_alloc : memref<!tpu.dma_semaphore, #tpu.memory_space<semaphore_mem>>
        %dma_start3A_450 = arith.constant 0 : i32
        %dma_start3A_451 = arith.constant 0 : i32
        %dma_start3A_452 = tpu.memref_slice %arg8[%dma_start3A_450, %dma_start3A_451] : memref<10000x144xf32, #tpu.memory_space<vmem_shared>> -> memref<10000x144xf32, #tpu.memory_space<vmem_shared>>
        tpu.enqueue_indirect_dma source(%arg19 : memref<80x144xf32, #tpu.memory_space<vmem>>) target(%dma_start3A_452 : memref<10000x144xf32, #tpu.memory_space<vmem_shared>>) offsets(%arg11 : memref<80xi32, #tpu.memory_space<vmem>>) semaphore(%run_scoped3A : memref<!tpu.dma_semaphore, #tpu.memory_space<semaphore_mem>>) {add = true}
        %dma_wait3A_453 = arith.constant 0 : i32
        %dma_wait3A_454 = arith.constant 0 : i32
        %dma_wait3A_455 = tpu.memref_slice %arg8[%dma_wait3A_453, %dma_wait3A_454] : memref<10000x144xf32, #tpu.memory_space<vmem_shared>> -> memref<10000x144xf32, #tpu.memory_space<vmem_shared>>
        tpu.wait_indirect_dma semaphore(%run_scoped3A : memref<!tpu.dma_semaphore, #tpu.memory_space<semaphore_mem>>) src(%arg19 : memref<80x144xf32, #tpu.memory_space<vmem>>) dst(%dma_wait3A_455 : memref<10000x144xf32, #tpu.memory_space<vmem_shared>>)
        tpu.yield
      }) : () -> ()
      %add3A_380 = arith.constant 2 : i32
      %add3A_381 = arith.addi %add3A_326, %add3A_380 : i32
      %lt3A_382 = arith.constant 125 : i32
      %lt3A_383 = arith.cmpi slt, %add3A_381, %lt3A_382 : i32
      %convert_element_type3A_384 = arith.extui %lt3A_383 : i1 to i32
      %cond3A_385 = arith.constant 0 : i32
      %cond3A_386 = arith.cmpi ne, %convert_element_type3A_384, %cond3A_385 : i32
      scf.if %cond3A_386 {
        %add3A_450 = arith.constant 2 : i32
        %add3A_451 = arith.addi %add3A_326, %add3A_450 : i32
        %mul3A_452 = arith.constant 80 : i32
        %mul3A_453 = arith.muli %add3A_451, %mul3A_452 : i32
        %add3A_454 = arith.addi %mul3A_124, %mul3A_453 : i32
        %multiple_of3A_455 = tpu.assume_multiple %add3A_454, 8 : i32
        %dma_start3A_456 = tpu.memref_slice %arg5[%multiple_of3A_455] : memref<320000xi32, #tpu.memory_space<hbm>> -> memref<80xi32, #tpu.memory_space<hbm>>
        %dma_start3A_457 = tpu.memref_slice %arg5[%multiple_of3A_455] : memref<320000xi32, #tpu.memory_space<hbm>> -> memref<80xi32, #tpu.memory_space<hbm>>
        tpu.enqueue_dma source(%dma_start3A_457 : memref<80xi32, #tpu.memory_space<hbm>>) target(%arg9 : memref<80xi32, #tpu.memory_space<vmem>>) target_semaphore(%arg20 : memref<!tpu.dma_semaphore, #tpu.memory_space<semaphore_mem>>)
        %dma_start3A_458 = tpu.memref_slice %arg6[%multiple_of3A_455] : memref<320000xi32, #tpu.memory_space<hbm>> -> memref<80xi32, #tpu.memory_space<hbm>>
        %dma_start3A_459 = tpu.memref_slice %arg6[%multiple_of3A_455] : memref<320000xi32, #tpu.memory_space<hbm>> -> memref<80xi32, #tpu.memory_space<hbm>>
        tpu.enqueue_dma source(%dma_start3A_459 : memref<80xi32, #tpu.memory_space<hbm>>) target(%arg11 : memref<80xi32, #tpu.memory_space<vmem>>) target_semaphore(%arg22 : memref<!tpu.dma_semaphore, #tpu.memory_space<semaphore_mem>>)
      } else {
      }
      %add3A_387 = arith.constant 1 : i32
      %add3A_388 = arith.addi %mul3A_324, %add3A_387 : i32
      %add3A_389 = arith.constant 1 : i32
      %add3A_390 = arith.addi %add3A_388, %add3A_389 : i32
      %lt3A_391 = arith.constant 125 : i32
      %lt3A_392 = arith.cmpi slt, %add3A_390, %lt3A_391 : i32
      %convert_element_type3A_393 = arith.extui %lt3A_392 : i1 to i32
      %cond3A_394 = arith.constant 0 : i32
      %cond3A_395 = arith.cmpi ne, %convert_element_type3A_393, %cond3A_394 : i32
      scf.if %cond3A_395 {
        %dma_wait3A_450 = arith.constant 0 : i32
        %dma_wait3A_451 = tpu.memref_slice %arg5[%dma_wait3A_450] : memref<320000xi32, #tpu.memory_space<hbm>> -> memref<80xi32, #tpu.memory_space<hbm>>
        %dma_wait3A_452 = arith.constant 0 : i32
        %dma_wait3A_453 = tpu.memref_slice %arg5[%dma_wait3A_452] : memref<320000xi32, #tpu.memory_space<hbm>> -> memref<80xi32, #tpu.memory_space<hbm>>
        tpu.wait_dma2 semaphore(%arg20 : memref<!tpu.dma_semaphore, #tpu.memory_space<semaphore_mem>>) src(%dma_wait3A_453 : memref<80xi32, #tpu.memory_space<hbm>>) dst(%arg9 : memref<80xi32, #tpu.memory_space<vmem>>)
        %dma_wait3A_454 = arith.constant 0 : i32
        %dma_wait3A_455 = tpu.memref_slice %arg6[%dma_wait3A_454] : memref<320000xi32, #tpu.memory_space<hbm>> -> memref<80xi32, #tpu.memory_space<hbm>>
        %dma_wait3A_456 = arith.constant 0 : i32
        %dma_wait3A_457 = tpu.memref_slice %arg6[%dma_wait3A_456] : memref<320000xi32, #tpu.memory_space<hbm>> -> memref<80xi32, #tpu.memory_space<hbm>>
        tpu.wait_dma2 semaphore(%arg22 : memref<!tpu.dma_semaphore, #tpu.memory_space<semaphore_mem>>) src(%dma_wait3A_457 : memref<80xi32, #tpu.memory_space<hbm>>) dst(%arg11 : memref<80xi32, #tpu.memory_space<vmem>>)
        %add3A_458 = arith.constant 1 : i32
        %add3A_459 = arith.addi %add3A_388, %add3A_458 : i32
        %dma_start3A_460 = arith.constant 0 : i32
        %dma_start3A_461 = arith.constant 0 : i32
        %dma_start3A_462 = tpu.memref_slice %arg2[%dma_start3A_460, %dma_start3A_461] : memref<10000x64xi32, #tpu.memory_space<hbm>> -> memref<10000x64xi32, #tpu.memory_space<hbm>>
        tpu.enqueue_indirect_dma source(%dma_start3A_462 : memref<10000x64xi32, #tpu.memory_space<hbm>>) target(%arg13 : memref<80x64xi32, #tpu.memory_space<vmem>>) offsets(%arg9 : memref<80xi32, #tpu.memory_space<vmem>>) semaphore(%arg24 : memref<!tpu.dma_semaphore, #tpu.memory_space<semaphore_mem>>)
        %dma_start3A_463 = arith.constant 0 : i32
        %dma_start3A_464 = arith.constant 0 : i32
        %dma_start3A_465 = tpu.memref_slice %arg3[%dma_start3A_463, %dma_start3A_464] : memref<10000x64xi32, #tpu.memory_space<hbm>> -> memref<10000x64xi32, #tpu.memory_space<hbm>>
        tpu.enqueue_indirect_dma source(%dma_start3A_465 : memref<10000x64xi32, #tpu.memory_space<hbm>>) target(%arg15 : memref<80x64xi32, #tpu.memory_space<vmem>>) offsets(%arg11 : memref<80xi32, #tpu.memory_space<vmem>>) semaphore(%arg26 : memref<!tpu.dma_semaphore, #tpu.memory_space<semaphore_mem>>)
      } else {
      }
      %dma_wait3A_396 = arith.constant 0 : i32
      %dma_wait3A_397 = arith.constant 0 : i32
      %dma_wait3A_398 = tpu.memref_slice %arg2[%dma_wait3A_396, %dma_wait3A_397] : memref<10000x64xi32, #tpu.memory_space<hbm>> -> memref<10000x64xi32, #tpu.memory_space<hbm>>
      tpu.wait_indirect_dma semaphore(%arg25 : memref<!tpu.dma_semaphore, #tpu.memory_space<semaphore_mem>>) src(%dma_wait3A_398 : memref<10000x64xi32, #tpu.memory_space<hbm>>) dst(%arg14 : memref<80x64xi32, #tpu.memory_space<vmem>>)
      %dma_wait3A_399 = arith.constant 0 : i32
      %dma_wait3A_400 = arith.constant 0 : i32
      %dma_wait3A_401 = tpu.memref_slice %arg3[%dma_wait3A_399, %dma_wait3A_400] : memref<10000x64xi32, #tpu.memory_space<hbm>> -> memref<10000x64xi32, #tpu.memory_space<hbm>>
      tpu.wait_indirect_dma semaphore(%arg27 : memref<!tpu.dma_semaphore, #tpu.memory_space<semaphore_mem>>) src(%dma_wait3A_401 : memref<10000x64xi32, #tpu.memory_space<hbm>>) dst(%arg16 : memref<80x64xi32, #tpu.memory_space<vmem>>)
      %dma_wait3A_402 = arith.constant 0 : i32
      %dma_wait3A_403 = arith.constant 0 : i32
      %dma_wait3A_404 = tpu.memref_slice %arg4[%dma_wait3A_402, %dma_wait3A_403] : memref<320000x64xi32, #tpu.memory_space<hbm>> -> memref<40x64xi32, #tpu.memory_space<hbm>>
      %dma_wait3A_405 = arith.constant 0 : i32
      %dma_wait3A_406 = arith.constant 0 : i32
      %dma_wait3A_407 = tpu.memref_slice %arg4[%dma_wait3A_405, %dma_wait3A_406] : memref<320000x64xi32, #tpu.memory_space<hbm>> -> memref<40x64xi32, #tpu.memory_space<hbm>>
      tpu.wait_dma2 semaphore(%arg28 : memref<!tpu.dma_semaphore, #tpu.memory_space<semaphore_mem>>) src(%dma_wait3A_407 : memref<40x64xi32, #tpu.memory_space<hbm>>) dst(%arg17 : memref<40x64xi32, #tpu.memory_space<vmem>>)
      %scan3A_408 = arith.constant 0 : i32
      %scan3A_409 = arith.constant 0 : i32
      %scan3A_410 = arith.constant 40 : i32
      %scan3A_411 = arith.addi %scan3A_409, %scan3A_410 : i32
      %scan3A_412 = arith.constant 1 : i32
      %scan3A_413 = scf.for %scan3A_450 = %scan3A_409 to %scan3A_411 step %scan3A_412 iter_args(%scan3A_451 = %scan3A_408) -> (i32)  : i32 {
        %add3A_452 = arith.constant 0 : i32
        %add3A_453 = arith.addi %add3A_452, %scan3A_450 : i32
        %get3A = arith.index_cast %add3A_453 : i32 to index
        %get3A_454 = arith.constant 0 : index
        %get3A_455 = tpu.vector_load %arg14[%get3A, %get3A_454] {strides = array<i32>} : memref<80x64xi32, #tpu.memory_space<vmem>>, vector<1x16xi32>,
        %get3A_456 = vector.shape_cast %get3A_455 : vector<1x16xi32> to vector<16xi32>
        %add3A_457 = arith.constant 0 : i32
        %add3A_458 = arith.addi %add3A_457, %scan3A_450 : i32
        %get3A_459 = arith.index_cast %add3A_458 : i32 to index
        %get3A_460 = arith.constant 0 : index
        %get3A_461 = tpu.vector_load %arg16[%get3A_459, %get3A_460] {strides = array<i32>} : memref<80x64xi32, #tpu.memory_space<vmem>>, vector<1x16xi32>,
        %get3A_462 = vector.shape_cast %get3A_461 : vector<1x16xi32> to vector<16xi32>
        %get3A_463 = arith.index_cast %scan3A_450 : i32 to index
        %get3A_464 = arith.constant 0 : index
        %get3A_465 = tpu.vector_load %arg17[%get3A_463, %get3A_464] {strides = array<i32>} : memref<40x64xi32, #tpu.memory_space<vmem>>, vector<1x16xi32>,
        %get3A_466 = vector.shape_cast %get3A_465 : vector<1x16xi32> to vector<16xi32>
        %shift_left3A = arith.constant 16 : i32
        %shift_left3A_467 = vector.broadcast %shift_left3A : i32 to vector<16xi32>
        %shift_left3A_468 = arith.shli %get3A_456, %shift_left3A_467 : vector<16xi32>
        %bitcast_convert_type3A = tpu.bitcast %shift_left3A_468 : vector<16xi32> -> vector<16xf32>
        %and3A = arith.andi %get3A_456, %broadcast_in_dim3A_168 : vector<16xi32>
        %bitcast_convert_type3A_469 = tpu.bitcast %and3A : vector<16xi32> -> vector<16xf32>
        %shift_left3A_470 = arith.constant 16 : i32
        %shift_left3A_471 = vector.broadcast %shift_left3A_470 : i32 to vector<16xi32>
        %shift_left3A_472 = arith.shli %get3A_462, %shift_left3A_471 : vector<16xi32>
        %bitcast_convert_type3A_473 = tpu.bitcast %shift_left3A_472 : vector<16xi32> -> vector<16xf32>
        %and3A_474 = arith.andi %get3A_462, %broadcast_in_dim3A_168 : vector<16xi32>
        %bitcast_convert_type3A_475 = tpu.bitcast %and3A_474 : vector<16xi32> -> vector<16xf32>
        %shift_left3A_476 = arith.constant 16 : i32
        %shift_left3A_477 = vector.broadcast %shift_left3A_476 : i32 to vector<16xi32>
        %shift_left3A_478 = arith.shli %get3A_466, %shift_left3A_477 : vector<16xi32>
        %bitcast_convert_type3A_479 = tpu.bitcast %shift_left3A_478 : vector<16xi32> -> vector<16xf32>
        %and3A_480 = arith.andi %get3A_466, %broadcast_in_dim3A_168 : vector<16xi32>
        %bitcast_convert_type3A_481 = tpu.bitcast %and3A_480 : vector<16xi32> -> vector<16xf32>
        %add3A_482 = arith.addf %bitcast_convert_type3A, %bitcast_convert_type3A_473 : vector<16xf32>
        %add3A_483 = arith.addf %add3A_482, %bitcast_convert_type3A_479 : vector<16xf32>
        %max3A = arith.constant 0.000000e+00 : f32
        %max3A_484 = vector.broadcast %max3A : f32 to vector<16xf32>
        %max3A_485 = arith.maximumf %add3A_483, %max3A_484 : vector<16xf32>
        %add3A_486 = arith.constant 0 : i32
        %add3A_487 = arith.addi %add3A_486, %scan3A_450 : i32
        %swap3A = arith.index_cast %add3A_487 : i32 to index
        %swap3A_488 = arith.constant 0 : index
        %swap3A_489 = tpu.vector_load %arg19[%swap3A, %swap3A_488] {strides = array<i32>} : memref<80x144xf32, #tpu.memory_space<vmem>>, vector<1x16xf32>,
        %swap3A_490 = vector.shape_cast %swap3A_489 : vector<1x16xf32> to vector<16xf32>
        %swap3A_491 = vector.shape_cast %max3A_485 : vector<16xf32> to vector<1x16xf32>
        tpu.vector_store %arg19[%swap3A, %swap3A_488], %swap3A_491 {strides = array<i32>} : memref<80x144xf32, #tpu.memory_space<vmem>>, vector<1x16xf32>,
        %add3A_492 = arith.addf %bitcast_convert_type3A_469, %bitcast_convert_type3A_475 : vector<16xf32>
        %add3A_493 = arith.addf %add3A_492, %bitcast_convert_type3A_481 : vector<16xf32>
        %max3A_494 = arith.constant 0.000000e+00 : f32
        %max3A_495 = vector.broadcast %max3A_494 : f32 to vector<16xf32>
        %max3A_496 = arith.maximumf %add3A_493, %max3A_495 : vector<16xf32>
        %add3A_497 = arith.constant 0 : i32
        %add3A_498 = arith.addi %add3A_497, %scan3A_450 : i32
        %swap3A_499 = arith.index_cast %add3A_498 : i32 to index
        %swap3A_500 = arith.constant 16 : index
        %swap3A_501 = tpu.vector_load %arg19[%swap3A_499, %swap3A_500] {strides = array<i32>} : memref<80x144xf32, #tpu.memory_space<vmem>>, vector<1x16xf32>,
        %swap3A_502 = vector.shape_cast %swap3A_501 : vector<1x16xf32> to vector<16xf32>
        %swap3A_503 = vector.shape_cast %max3A_496 : vector<16xf32> to vector<1x16xf32>
        tpu.vector_store %arg19[%swap3A_499, %swap3A_500], %swap3A_503 {strides = array<i32>} : memref<80x144xf32, #tpu.memory_space<vmem>>, vector<1x16xf32>,
        %add3A_504 = arith.constant 0 : i32
        %add3A_505 = arith.addi %add3A_504, %scan3A_450 : i32
        %get3A_506 = arith.index_cast %add3A_505 : i32 to index
        %get3A_507 = arith.constant 16 : index
        %get3A_508 = tpu.vector_load %arg14[%get3A_506, %get3A_507] {strides = array<i32>} : memref<80x64xi32, #tpu.memory_space<vmem>>, vector<1x16xi32>,
        %get3A_509 = vector.shape_cast %get3A_508 : vector<1x16xi32> to vector<16xi32>
        %add3A_510 = arith.constant 0 : i32
        %add3A_511 = arith.addi %add3A_510, %scan3A_450 : i32
        %get3A_512 = arith.index_cast %add3A_511 : i32 to index
        %get3A_513 = arith.constant 16 : index
        %get3A_514 = tpu.vector_load %arg16[%get3A_512, %get3A_513] {strides = array<i32>} : memref<80x64xi32, #tpu.memory_space<vmem>>, vector<1x16xi32>,
        %get3A_515 = vector.shape_cast %get3A_514 : vector<1x16xi32> to vector<16xi32>
        %get3A_516 = arith.index_cast %scan3A_450 : i32 to index
        %get3A_517 = arith.constant 16 : index
        %get3A_518 = tpu.vector_load %arg17[%get3A_516, %get3A_517] {strides = array<i32>} : memref<40x64xi32, #tpu.memory_space<vmem>>, vector<1x16xi32>,
        %get3A_519 = vector.shape_cast %get3A_518 : vector<1x16xi32> to vector<16xi32>
        %shift_left3A_520 = arith.constant 16 : i32
        %shift_left3A_521 = vector.broadcast %shift_left3A_520 : i32 to vector<16xi32>
        %shift_left3A_522 = arith.shli %get3A_509, %shift_left3A_521 : vector<16xi32>
        %bitcast_convert_type3A_523 = tpu.bitcast %shift_left3A_522 : vector<16xi32> -> vector<16xf32>
        %and3A_524 = arith.andi %get3A_509, %broadcast_in_dim3A_168 : vector<16xi32>
        %bitcast_convert_type3A_525 = tpu.bitcast %and3A_524 : vector<16xi32> -> vector<16xf32>
        %shift_left3A_526 = arith.constant 16 : i32
        %shift_left3A_527 = vector.broadcast %shift_left3A_526 : i32 to vector<16xi32>
        %shift_left3A_528 = arith.shli %get3A_515, %shift_left3A_527 : vector<16xi32>
        %bitcast_convert_type3A_529 = tpu.bitcast %shift_left3A_528 : vector<16xi32> -> vector<16xf32>
        %and3A_530 = arith.andi %get3A_515, %broadcast_in_dim3A_168 : vector<16xi32>
        %bitcast_convert_type3A_531 = tpu.bitcast %and3A_530 : vector<16xi32> -> vector<16xf32>
        %shift_left3A_532 = arith.constant 16 : i32
        %shift_left3A_533 = vector.broadcast %shift_left3A_532 : i32 to vector<16xi32>
        %shift_left3A_534 = arith.shli %get3A_519, %shift_left3A_533 : vector<16xi32>
        %bitcast_convert_type3A_535 = tpu.bitcast %shift_left3A_534 : vector<16xi32> -> vector<16xf32>
        %and3A_536 = arith.andi %get3A_519, %broadcast_in_dim3A_168 : vector<16xi32>
        %bitcast_convert_type3A_537 = tpu.bitcast %and3A_536 : vector<16xi32> -> vector<16xf32>
        %add3A_538 = arith.addf %bitcast_convert_type3A_523, %bitcast_convert_type3A_529 : vector<16xf32>
        %add3A_539 = arith.addf %add3A_538, %bitcast_convert_type3A_535 : vector<16xf32>
        %max3A_540 = arith.constant 0.000000e+00 : f32
        %max3A_541 = vector.broadcast %max3A_540 : f32 to vector<16xf32>
        %max3A_542 = arith.maximumf %add3A_539, %max3A_541 : vector<16xf32>
        %add3A_543 = arith.constant 0 : i32
        %add3A_544 = arith.addi %add3A_543, %scan3A_450 : i32
        %swap3A_545 = arith.index_cast %add3A_544 : i32 to index
        %swap3A_546 = arith.constant 32 : index
        %swap3A_547 = tpu.vector_load %arg19[%swap3A_545, %swap3A_546] {strides = array<i32>} : memref<80x144xf32, #tpu.memory_space<vmem>>, vector<1x16xf32>,
        %swap3A_548 = vector.shape_cast %swap3A_547 : vector<1x16xf32> to vector<16xf32>
        %swap3A_549 = vector.shape_cast %max3A_542 : vector<16xf32> to vector<1x16xf32>
        tpu.vector_store %arg19[%swap3A_545, %swap3A_546], %swap3A_549 {strides = array<i32>} : memref<80x144xf32, #tpu.memory_space<vmem>>, vector<1x16xf32>,
        %add3A_550 = arith.addf %bitcast_convert_type3A_525, %bitcast_convert_type3A_531 : vector<16xf32>
        %add3A_551 = arith.addf %add3A_550, %bitcast_convert_type3A_537 : vector<16xf32>
        %max3A_552 = arith.constant 0.000000e+00 : f32
        %max3A_553 = vector.broadcast %max3A_552 : f32 to vector<16xf32>
        %max3A_554 = arith.maximumf %add3A_551, %max3A_553 : vector<16xf32>
        %add3A_555 = arith.constant 0 : i32
        %add3A_556 = arith.addi %add3A_555, %scan3A_450 : i32
        %swap3A_557 = arith.index_cast %add3A_556 : i32 to index
        %swap3A_558 = arith.constant 48 : index
        %swap3A_559 = tpu.vector_load %arg19[%swap3A_557, %swap3A_558] {strides = array<i32>} : memref<80x144xf32, #tpu.memory_space<vmem>>, vector<1x16xf32>,
        %swap3A_560 = vector.shape_cast %swap3A_559 : vector<1x16xf32> to vector<16xf32>
        %swap3A_561 = vector.shape_cast %max3A_554 : vector<16xf32> to vector<1x16xf32>
        tpu.vector_store %arg19[%swap3A_557, %swap3A_558], %swap3A_561 {strides = array<i32>} : memref<80x144xf32, #tpu.memory_space<vmem>>, vector<1x16xf32>,
        %add3A_562 = arith.constant 0 : i32
        %add3A_563 = arith.addi %add3A_562, %scan3A_450 : i32
        %get3A_564 = arith.index_cast %add3A_563 : i32 to index
        %get3A_565 = arith.constant 32 : index
        %get3A_566 = tpu.vector_load %arg14[%get3A_564, %get3A_565] {strides = array<i32>} : memref<80x64xi32, #tpu.memory_space<vmem>>, vector<1x16xi32>,
        %get3A_567 = vector.shape_cast %get3A_566 : vector<1x16xi32> to vector<16xi32>
        %add3A_568 = arith.constant 0 : i32
        %add3A_569 = arith.addi %add3A_568, %scan3A_450 : i32
        %get3A_570 = arith.index_cast %add3A_569 : i32 to index
        %get3A_571 = arith.constant 32 : index
        %get3A_572 = tpu.vector_load %arg16[%get3A_570, %get3A_571] {strides = array<i32>} : memref<80x64xi32, #tpu.memory_space<vmem>>, vector<1x16xi32>,
        %get3A_573 = vector.shape_cast %get3A_572 : vector<1x16xi32> to vector<16xi32>
        %get3A_574 = arith.index_cast %scan3A_450 : i32 to index
        %get3A_575 = arith.constant 32 : index
        %get3A_576 = tpu.vector_load %arg17[%get3A_574, %get3A_575] {strides = array<i32>} : memref<40x64xi32, #tpu.memory_space<vmem>>, vector<1x16xi32>,
        %get3A_577 = vector.shape_cast %get3A_576 : vector<1x16xi32> to vector<16xi32>
        %shift_left3A_578 = arith.constant 16 : i32
        %shift_left3A_579 = vector.broadcast %shift_left3A_578 : i32 to vector<16xi32>
        %shift_left3A_580 = arith.shli %get3A_567, %shift_left3A_579 : vector<16xi32>
        %bitcast_convert_type3A_581 = tpu.bitcast %shift_left3A_580 : vector<16xi32> -> vector<16xf32>
        %and3A_582 = arith.andi %get3A_567, %broadcast_in_dim3A_168 : vector<16xi32>
        %bitcast_convert_type3A_583 = tpu.bitcast %and3A_582 : vector<16xi32> -> vector<16xf32>
        %shift_left3A_584 = arith.constant 16 : i32
        %shift_left3A_585 = vector.broadcast %shift_left3A_584 : i32 to vector<16xi32>
        %shift_left3A_586 = arith.shli %get3A_573, %shift_left3A_585 : vector<16xi32>
        %bitcast_convert_type3A_587 = tpu.bitcast %shift_left3A_586 : vector<16xi32> -> vector<16xf32>
        %and3A_588 = arith.andi %get3A_573, %broadcast_in_dim3A_168 : vector<16xi32>
        %bitcast_convert_type3A_589 = tpu.bitcast %and3A_588 : vector<16xi32> -> vector<16xf32>
        %shift_left3A_590 = arith.constant 16 : i32
        %shift_left3A_591 = vector.broadcast %shift_left3A_590 : i32 to vector<16xi32>
        %shift_left3A_592 = arith.shli %get3A_577, %shift_left3A_591 : vector<16xi32>
        %bitcast_convert_type3A_593 = tpu.bitcast %shift_left3A_592 : vector<16xi32> -> vector<16xf32>
        %and3A_594 = arith.andi %get3A_577, %broadcast_in_dim3A_168 : vector<16xi32>
        %bitcast_convert_type3A_595 = tpu.bitcast %and3A_594 : vector<16xi32> -> vector<16xf32>
        %add3A_596 = arith.addf %bitcast_convert_type3A_581, %bitcast_convert_type3A_587 : vector<16xf32>
        %add3A_597 = arith.addf %add3A_596, %bitcast_convert_type3A_593 : vector<16xf32>
        %max3A_598 = arith.constant 0.000000e+00 : f32
        %max3A_599 = vector.broadcast %max3A_598 : f32 to vector<16xf32>
        %max3A_600 = arith.maximumf %add3A_597, %max3A_599 : vector<16xf32>
        %add3A_601 = arith.constant 0 : i32
        %add3A_602 = arith.addi %add3A_601, %scan3A_450 : i32
        %swap3A_603 = arith.index_cast %add3A_602 : i32 to index
        %swap3A_604 = arith.constant 64 : index
        %swap3A_605 = tpu.vector_load %arg19[%swap3A_603, %swap3A_604] {strides = array<i32>} : memref<80x144xf32, #tpu.memory_space<vmem>>, vector<1x16xf32>,
        %swap3A_606 = vector.shape_cast %swap3A_605 : vector<1x16xf32> to vector<16xf32>
        %swap3A_607 = vector.shape_cast %max3A_600 : vector<16xf32> to vector<1x16xf32>
        tpu.vector_store %arg19[%swap3A_603, %swap3A_604], %swap3A_607 {strides = array<i32>} : memref<80x144xf32, #tpu.memory_space<vmem>>, vector<1x16xf32>,
        %add3A_608 = arith.addf %bitcast_convert_type3A_583, %bitcast_convert_type3A_589 : vector<16xf32>
        %add3A_609 = arith.addf %add3A_608, %bitcast_convert_type3A_595 : vector<16xf32>
        %max3A_610 = arith.constant 0.000000e+00 : f32
        %max3A_611 = vector.broadcast %max3A_610 : f32 to vector<16xf32>
        %max3A_612 = arith.maximumf %add3A_609, %max3A_611 : vector<16xf32>
        %add3A_613 = arith.constant 0 : i32
        %add3A_614 = arith.addi %add3A_613, %scan3A_450 : i32
        %swap3A_615 = arith.index_cast %add3A_614 : i32 to index
        %swap3A_616 = arith.constant 80 : index
        %swap3A_617 = tpu.vector_load %arg19[%swap3A_615, %swap3A_616] {strides = array<i32>} : memref<80x144xf32, #tpu.memory_space<vmem>>, vector<1x16xf32>,
        %swap3A_618 = vector.shape_cast %swap3A_617 : vector<1x16xf32> to vector<16xf32>
        %swap3A_619 = vector.shape_cast %max3A_612 : vector<16xf32> to vector<1x16xf32>
        tpu.vector_store %arg19[%swap3A_615, %swap3A_616], %swap3A_619 {strides = array<i32>} : memref<80x144xf32, #tpu.memory_space<vmem>>, vector<1x16xf32>,
        %add3A_620 = arith.constant 0 : i32
        %add3A_621 = arith.addi %add3A_620, %scan3A_450 : i32
        %get3A_622 = arith.index_cast %add3A_621 : i32 to index
        %get3A_623 = arith.constant 48 : index
        %get3A_624 = tpu.vector_load %arg14[%get3A_622, %get3A_623] {strides = array<i32>} : memref<80x64xi32, #tpu.memory_space<vmem>>, vector<1x16xi32>,
        %get3A_625 = vector.shape_cast %get3A_624 : vector<1x16xi32> to vector<16xi32>
        %add3A_626 = arith.constant 0 : i32
        %add3A_627 = arith.addi %add3A_626, %scan3A_450 : i32
        %get3A_628 = arith.index_cast %add3A_627 : i32 to index
        %get3A_629 = arith.constant 48 : index
        %get3A_630 = tpu.vector_load %arg16[%get3A_628, %get3A_629] {strides = array<i32>} : memref<80x64xi32, #tpu.memory_space<vmem>>, vector<1x16xi32>,
        %get3A_631 = vector.shape_cast %get3A_630 : vector<1x16xi32> to vector<16xi32>
        %get3A_632 = arith.index_cast %scan3A_450 : i32 to index
        %get3A_633 = arith.constant 48 : index
        %get3A_634 = tpu.vector_load %arg17[%get3A_632, %get3A_633] {strides = array<i32>} : memref<40x64xi32, #tpu.memory_space<vmem>>, vector<1x16xi32>,
        %get3A_635 = vector.shape_cast %get3A_634 : vector<1x16xi32> to vector<16xi32>
        %shift_left3A_636 = arith.constant 16 : i32
        %shift_left3A_637 = vector.broadcast %shift_left3A_636 : i32 to vector<16xi32>
        %shift_left3A_638 = arith.shli %get3A_625, %shift_left3A_637 : vector<16xi32>
        %bitcast_convert_type3A_639 = tpu.bitcast %shift_left3A_638 : vector<16xi32> -> vector<16xf32>
        %and3A_640 = arith.andi %get3A_625, %broadcast_in_dim3A_168 : vector<16xi32>
        %bitcast_convert_type3A_641 = tpu.bitcast %and3A_640 : vector<16xi32> -> vector<16xf32>
        %shift_left3A_642 = arith.constant 16 : i32
        %shift_left3A_643 = vector.broadcast %shift_left3A_642 : i32 to vector<16xi32>
        %shift_left3A_644 = arith.shli %get3A_631, %shift_left3A_643 : vector<16xi32>
        %bitcast_convert_type3A_645 = tpu.bitcast %shift_left3A_644 : vector<16xi32> -> vector<16xf32>
        %and3A_646 = arith.andi %get3A_631, %broadcast_in_dim3A_168 : vector<16xi32>
        %bitcast_convert_type3A_647 = tpu.bitcast %and3A_646 : vector<16xi32> -> vector<16xf32>
        %shift_left3A_648 = arith.constant 16 : i32
        %shift_left3A_649 = vector.broadcast %shift_left3A_648 : i32 to vector<16xi32>
        %shift_left3A_650 = arith.shli %get3A_635, %shift_left3A_649 : vector<16xi32>
        %bitcast_convert_type3A_651 = tpu.bitcast %shift_left3A_650 : vector<16xi32> -> vector<16xf32>
        %and3A_652 = arith.andi %get3A_635, %broadcast_in_dim3A_168 : vector<16xi32>
        %bitcast_convert_type3A_653 = tpu.bitcast %and3A_652 : vector<16xi32> -> vector<16xf32>
        %add3A_654 = arith.addf %bitcast_convert_type3A_639, %bitcast_convert_type3A_645 : vector<16xf32>
        %add3A_655 = arith.addf %add3A_654, %bitcast_convert_type3A_651 : vector<16xf32>
        %max3A_656 = arith.constant 0.000000e+00 : f32
        %max3A_657 = vector.broadcast %max3A_656 : f32 to vector<16xf32>
        %max3A_658 = arith.maximumf %add3A_655, %max3A_657 : vector<16xf32>
        %add3A_659 = arith.constant 0 : i32
        %add3A_660 = arith.addi %add3A_659, %scan3A_450 : i32
        %swap3A_661 = arith.index_cast %add3A_660 : i32 to index
        %swap3A_662 = arith.constant 96 : index
        %swap3A_663 = tpu.vector_load %arg19[%swap3A_661, %swap3A_662] {strides = array<i32>} : memref<80x144xf32, #tpu.memory_space<vmem>>, vector<1x16xf32>,
        %swap3A_664 = vector.shape_cast %swap3A_663 : vector<1x16xf32> to vector<16xf32>
        %swap3A_665 = vector.shape_cast %max3A_658 : vector<16xf32> to vector<1x16xf32>
        tpu.vector_store %arg19[%swap3A_661, %swap3A_662], %swap3A_665 {strides = array<i32>} : memref<80x144xf32, #tpu.memory_space<vmem>>, vector<1x16xf32>,
        %add3A_666 = arith.addf %bitcast_convert_type3A_641, %bitcast_convert_type3A_647 : vector<16xf32>
        %add3A_667 = arith.addf %add3A_666, %bitcast_convert_type3A_653 : vector<16xf32>
        %max3A_668 = arith.constant 0.000000e+00 : f32
        %max3A_669 = vector.broadcast %max3A_668 : f32 to vector<16xf32>
        %max3A_670 = arith.maximumf %add3A_667, %max3A_669 : vector<16xf32>
        %add3A_671 = arith.constant 0 : i32
        %add3A_672 = arith.addi %add3A_671, %scan3A_450 : i32
        %swap3A_673 = arith.index_cast %add3A_672 : i32 to index
        %swap3A_674 = arith.constant 112 : index
        %swap3A_675 = tpu.vector_load %arg19[%swap3A_673, %swap3A_674] {strides = array<i32>} : memref<80x144xf32, #tpu.memory_space<vmem>>, vector<1x16xf32>,
        %swap3A_676 = vector.shape_cast %swap3A_675 : vector<1x16xf32> to vector<16xf32>
        %swap3A_677 = vector.shape_cast %max3A_670 : vector<16xf32> to vector<1x16xf32>
        tpu.vector_store %arg19[%swap3A_673, %swap3A_674], %swap3A_677 {strides = array<i32>} : memref<80x144xf32, #tpu.memory_space<vmem>>, vector<1x16xf32>,
        %scan3A_678 = arith.constant 0 : i32
        scf.yield %scan3A_678 : i32
      }
      %scan3A_414 = arith.constant 40 : i32
      %add3A_415 = arith.constant 1 : i32
      %add3A_416 = arith.addi %add3A_388, %add3A_415 : i32
      %lt3A_417 = arith.constant 125 : i32
      %lt3A_418 = arith.cmpi slt, %add3A_416, %lt3A_417 : i32
      %convert_element_type3A_419 = arith.extui %lt3A_418 : i1 to i32
      %cond3A_420 = arith.constant 0 : i32
      %cond3A_421 = arith.cmpi ne, %convert_element_type3A_419, %cond3A_420 : i32
      scf.if %cond3A_421 {
        %add3A_450 = arith.constant 1 : i32
        %add3A_451 = arith.addi %add3A_388, %add3A_450 : i32
        %mul3A_452 = arith.constant 80 : i32
        %mul3A_453 = arith.muli %add3A_451, %mul3A_452 : i32
        %add3A_454 = arith.addi %mul3A_124, %mul3A_453 : i32
        %add3A_455 = arith.constant 0 : i32
        %add3A_456 = arith.addi %add3A_454, %add3A_455 : i32
        %multiple_of3A_457 = tpu.assume_multiple %add3A_456, 8 : i32
        %dma_start3A_458 = arith.constant 0 : i32
        %dma_start3A_459 = tpu.memref_slice %arg4[%multiple_of3A_457, %dma_start3A_458] : memref<320000x64xi32, #tpu.memory_space<hbm>> -> memref<40x64xi32, #tpu.memory_space<hbm>>
        %dma_start3A_460 = arith.constant 0 : i32
        %dma_start3A_461 = tpu.memref_slice %arg4[%multiple_of3A_457, %dma_start3A_460] : memref<320000x64xi32, #tpu.memory_space<hbm>> -> memref<40x64xi32, #tpu.memory_space<hbm>>
        tpu.enqueue_dma source(%dma_start3A_461 : memref<40x64xi32, #tpu.memory_space<hbm>>) target(%arg17 : memref<40x64xi32, #tpu.memory_space<vmem>>) target_semaphore(%arg28 : memref<!tpu.dma_semaphore, #tpu.memory_space<semaphore_mem>>)
      } else {
      }
      %dma_wait3A_422 = arith.constant 0 : i32
      %dma_wait3A_423 = arith.constant 0 : i32
      %dma_wait3A_424 = tpu.memref_slice %arg4[%dma_wait3A_422, %dma_wait3A_423] : memref<320000x64xi32, #tpu.memory_space<hbm>> -> memref<40x64xi32, #tpu.memory_space<hbm>>
      %dma_wait3A_425 = arith.constant 0 : i32
      %dma_wait3A_426 = arith.constant 0 : i32
      %dma_wait3A_427 = tpu.memref_slice %arg4[%dma_wait3A_425, %dma_wait3A_426] : memref<320000x64xi32, #tpu.memory_space<hbm>> -> memref<40x64xi32, #tpu.memory_space<hbm>>
      tpu.wait_dma2 semaphore(%arg29 : memref<!tpu.dma_semaphore, #tpu.memory_space<semaphore_mem>>) src(%dma_wait3A_427 : memref<40x64xi32, #tpu.memory_space<hbm>>) dst(%arg18 : memref<40x64xi32, #tpu.memory_space<vmem>>)
      %scan3A_428 = arith.constant 0 : i32
      %scan3A_429 = arith.constant 0 : i32
      %scan3A_430 = arith.constant 40 : i32
      %scan3A_431 = arith.addi %scan3A_429, %scan3A_430 : i32
      %scan3A_432 = arith.constant 1 : i32
      %scan3A_433 = scf.for %scan3A_450 = %scan3A_429 to %scan3A_431 step %scan3A_432 iter_args(%scan3A_451 = %scan3A_428) -> (i32)  : i32 {
        %add3A_452 = arith.constant 40 : i32
        %add3A_453 = arith.addi %add3A_452, %scan3A_450 : i32
        %get3A = arith.index_cast %add3A_453 : i32 to index
        %get3A_454 = arith.constant 0 : index
        %get3A_455 = tpu.vector_load %arg14[%get3A, %get3A_454] {strides = array<i32>} : memref<80x64xi32, #tpu.memory_space<vmem>>, vector<1x16xi32>,
        %get3A_456 = vector.shape_cast %get3A_455 : vector<1x16xi32> to vector<16xi32>
        %add3A_457 = arith.constant 40 : i32
        %add3A_458 = arith.addi %add3A_457, %scan3A_450 : i32
        %get3A_459 = arith.index_cast %add3A_458 : i32 to index
        %get3A_460 = arith.constant 0 : index
        %get3A_461 = tpu.vector_load %arg16[%get3A_459, %get3A_460] {strides = array<i32>} : memref<80x64xi32, #tpu.memory_space<vmem>>, vector<1x16xi32>,
        %get3A_462 = vector.shape_cast %get3A_461 : vector<1x16xi32> to vector<16xi32>
        %get3A_463 = arith.index_cast %scan3A_450 : i32 to index
        %get3A_464 = arith.constant 0 : index
        %get3A_465 = tpu.vector_load %arg18[%get3A_463, %get3A_464] {strides = array<i32>} : memref<40x64xi32, #tpu.memory_space<vmem>>, vector<1x16xi32>,
        %get3A_466 = vector.shape_cast %get3A_465 : vector<1x16xi32> to vector<16xi32>
        %shift_left3A = arith.constant 16 : i32
        %shift_left3A_467 = vector.broadcast %shift_left3A : i32 to vector<16xi32>
        %shift_left3A_468 = arith.shli %get3A_456, %shift_left3A_467 : vector<16xi32>
        %bitcast_convert_type3A = tpu.bitcast %shift_left3A_468 : vector<16xi32> -> vector<16xf32>
        %and3A = arith.andi %get3A_456, %broadcast_in_dim3A_168 : vector<16xi32>
        %bitcast_convert_type3A_469 = tpu.bitcast %and3A : vector<16xi32> -> vector<16xf32>
        %shift_left3A_470 = arith.constant 16 : i32
        %shift_left3A_471 = vector.broadcast %shift_left3A_470 : i32 to vector<16xi32>
        %shift_left3A_472 = arith.shli %get3A_462, %shift_left3A_471 : vector<16xi32>
        %bitcast_convert_type3A_473 = tpu.bitcast %shift_left3A_472 : vector<16xi32> -> vector<16xf32>
        %and3A_474 = arith.andi %get3A_462, %broadcast_in_dim3A_168 : vector<16xi32>
        %bitcast_convert_type3A_475 = tpu.bitcast %and3A_474 : vector<16xi32> -> vector<16xf32>
        %shift_left3A_476 = arith.constant 16 : i32
        %shift_left3A_477 = vector.broadcast %shift_left3A_476 : i32 to vector<16xi32>
        %shift_left3A_478 = arith.shli %get3A_466, %shift_left3A_477 : vector<16xi32>
        %bitcast_convert_type3A_479 = tpu.bitcast %shift_left3A_478 : vector<16xi32> -> vector<16xf32>
        %and3A_480 = arith.andi %get3A_466, %broadcast_in_dim3A_168 : vector<16xi32>
        %bitcast_convert_type3A_481 = tpu.bitcast %and3A_480 : vector<16xi32> -> vector<16xf32>
        %add3A_482 = arith.addf %bitcast_convert_type3A, %bitcast_convert_type3A_473 : vector<16xf32>
        %add3A_483 = arith.addf %add3A_482, %bitcast_convert_type3A_479 : vector<16xf32>
        %max3A = arith.constant 0.000000e+00 : f32
        %max3A_484 = vector.broadcast %max3A : f32 to vector<16xf32>
        %max3A_485 = arith.maximumf %add3A_483, %max3A_484 : vector<16xf32>
        %add3A_486 = arith.constant 40 : i32
        %add3A_487 = arith.addi %add3A_486, %scan3A_450 : i32
        %swap3A = arith.index_cast %add3A_487 : i32 to index
        %swap3A_488 = arith.constant 0 : index
        %swap3A_489 = tpu.vector_load %arg19[%swap3A, %swap3A_488] {strides = array<i32>} : memref<80x144xf32, #tpu.memory_space<vmem>>, vector<1x16xf32>,
        %swap3A_490 = vector.shape_cast %swap3A_489 : vector<1x16xf32> to vector<16xf32>
        %swap3A_491 = vector.shape_cast %max3A_485 : vector<16xf32> to vector<1x16xf32>
        tpu.vector_store %arg19[%swap3A, %swap3A_488], %swap3A_491 {strides = array<i32>} : memref<80x144xf32, #tpu.memory_space<vmem>>, vector<1x16xf32>,
        %add3A_492 = arith.addf %bitcast_convert_type3A_469, %bitcast_convert_type3A_475 : vector<16xf32>
        %add3A_493 = arith.addf %add3A_492, %bitcast_convert_type3A_481 : vector<16xf32>
        %max3A_494 = arith.constant 0.000000e+00 : f32
        %max3A_495 = vector.broadcast %max3A_494 : f32 to vector<16xf32>
        %max3A_496 = arith.maximumf %add3A_493, %max3A_495 : vector<16xf32>
        %add3A_497 = arith.constant 40 : i32
        %add3A_498 = arith.addi %add3A_497, %scan3A_450 : i32
        %swap3A_499 = arith.index_cast %add3A_498 : i32 to index
        %swap3A_500 = arith.constant 16 : index
        %swap3A_501 = tpu.vector_load %arg19[%swap3A_499, %swap3A_500] {strides = array<i32>} : memref<80x144xf32, #tpu.memory_space<vmem>>, vector<1x16xf32>,
        %swap3A_502 = vector.shape_cast %swap3A_501 : vector<1x16xf32> to vector<16xf32>
        %swap3A_503 = vector.shape_cast %max3A_496 : vector<16xf32> to vector<1x16xf32>
        tpu.vector_store %arg19[%swap3A_499, %swap3A_500], %swap3A_503 {strides = array<i32>} : memref<80x144xf32, #tpu.memory_space<vmem>>, vector<1x16xf32>,
        %add3A_504 = arith.constant 40 : i32
        %add3A_505 = arith.addi %add3A_504, %scan3A_450 : i32
        %get3A_506 = arith.index_cast %add3A_505 : i32 to index
        %get3A_507 = arith.constant 16 : index
        %get3A_508 = tpu.vector_load %arg14[%get3A_506, %get3A_507] {strides = array<i32>} : memref<80x64xi32, #tpu.memory_space<vmem>>, vector<1x16xi32>,
        %get3A_509 = vector.shape_cast %get3A_508 : vector<1x16xi32> to vector<16xi32>
        %add3A_510 = arith.constant 40 : i32
        %add3A_511 = arith.addi %add3A_510, %scan3A_450 : i32
        %get3A_512 = arith.index_cast %add3A_511 : i32 to index
        %get3A_513 = arith.constant 16 : index
        %get3A_514 = tpu.vector_load %arg16[%get3A_512, %get3A_513] {strides = array<i32>} : memref<80x64xi32, #tpu.memory_space<vmem>>, vector<1x16xi32>,
        %get3A_515 = vector.shape_cast %get3A_514 : vector<1x16xi32> to vector<16xi32>
        %get3A_516 = arith.index_cast %scan3A_450 : i32 to index
        %get3A_517 = arith.constant 16 : index
        %get3A_518 = tpu.vector_load %arg18[%get3A_516, %get3A_517] {strides = array<i32>} : memref<40x64xi32, #tpu.memory_space<vmem>>, vector<1x16xi32>,
        %get3A_519 = vector.shape_cast %get3A_518 : vector<1x16xi32> to vector<16xi32>
        %shift_left3A_520 = arith.constant 16 : i32
        %shift_left3A_521 = vector.broadcast %shift_left3A_520 : i32 to vector<16xi32>
        %shift_left3A_522 = arith.shli %get3A_509, %shift_left3A_521 : vector<16xi32>
        %bitcast_convert_type3A_523 = tpu.bitcast %shift_left3A_522 : vector<16xi32> -> vector<16xf32>
        %and3A_524 = arith.andi %get3A_509, %broadcast_in_dim3A_168 : vector<16xi32>
        %bitcast_convert_type3A_525 = tpu.bitcast %and3A_524 : vector<16xi32> -> vector<16xf32>
        %shift_left3A_526 = arith.constant 16 : i32
        %shift_left3A_527 = vector.broadcast %shift_left3A_526 : i32 to vector<16xi32>
        %shift_left3A_528 = arith.shli %get3A_515, %shift_left3A_527 : vector<16xi32>
        %bitcast_convert_type3A_529 = tpu.bitcast %shift_left3A_528 : vector<16xi32> -> vector<16xf32>
        %and3A_530 = arith.andi %get3A_515, %broadcast_in_dim3A_168 : vector<16xi32>
        %bitcast_convert_type3A_531 = tpu.bitcast %and3A_530 : vector<16xi32> -> vector<16xf32>
        %shift_left3A_532 = arith.constant 16 : i32
        %shift_left3A_533 = vector.broadcast %shift_left3A_532 : i32 to vector<16xi32>
        %shift_left3A_534 = arith.shli %get3A_519, %shift_left3A_533 : vector<16xi32>
        %bitcast_convert_type3A_535 = tpu.bitcast %shift_left3A_534 : vector<16xi32> -> vector<16xf32>
        %and3A_536 = arith.andi %get3A_519, %broadcast_in_dim3A_168 : vector<16xi32>
        %bitcast_convert_type3A_537 = tpu.bitcast %and3A_536 : vector<16xi32> -> vector<16xf32>
        %add3A_538 = arith.addf %bitcast_convert_type3A_523, %bitcast_convert_type3A_529 : vector<16xf32>
        %add3A_539 = arith.addf %add3A_538, %bitcast_convert_type3A_535 : vector<16xf32>
        %max3A_540 = arith.constant 0.000000e+00 : f32
        %max3A_541 = vector.broadcast %max3A_540 : f32 to vector<16xf32>
        %max3A_542 = arith.maximumf %add3A_539, %max3A_541 : vector<16xf32>
        %add3A_543 = arith.constant 40 : i32
        %add3A_544 = arith.addi %add3A_543, %scan3A_450 : i32
        %swap3A_545 = arith.index_cast %add3A_544 : i32 to index
        %swap3A_546 = arith.constant 32 : index
        %swap3A_547 = tpu.vector_load %arg19[%swap3A_545, %swap3A_546] {strides = array<i32>} : memref<80x144xf32, #tpu.memory_space<vmem>>, vector<1x16xf32>,
        %swap3A_548 = vector.shape_cast %swap3A_547 : vector<1x16xf32> to vector<16xf32>
        %swap3A_549 = vector.shape_cast %max3A_542 : vector<16xf32> to vector<1x16xf32>
        tpu.vector_store %arg19[%swap3A_545, %swap3A_546], %swap3A_549 {strides = array<i32>} : memref<80x144xf32, #tpu.memory_space<vmem>>, vector<1x16xf32>,
        %add3A_550 = arith.addf %bitcast_convert_type3A_525, %bitcast_convert_type3A_531 : vector<16xf32>
        %add3A_551 = arith.addf %add3A_550, %bitcast_convert_type3A_537 : vector<16xf32>
        %max3A_552 = arith.constant 0.000000e+00 : f32
        %max3A_553 = vector.broadcast %max3A_552 : f32 to vector<16xf32>
        %max3A_554 = arith.maximumf %add3A_551, %max3A_553 : vector<16xf32>
        %add3A_555 = arith.constant 40 : i32
        %add3A_556 = arith.addi %add3A_555, %scan3A_450 : i32
        %swap3A_557 = arith.index_cast %add3A_556 : i32 to index
        %swap3A_558 = arith.constant 48 : index
        %swap3A_559 = tpu.vector_load %arg19[%swap3A_557, %swap3A_558] {strides = array<i32>} : memref<80x144xf32, #tpu.memory_space<vmem>>, vector<1x16xf32>,
        %swap3A_560 = vector.shape_cast %swap3A_559 : vector<1x16xf32> to vector<16xf32>
        %swap3A_561 = vector.shape_cast %max3A_554 : vector<16xf32> to vector<1x16xf32>
        tpu.vector_store %arg19[%swap3A_557, %swap3A_558], %swap3A_561 {strides = array<i32>} : memref<80x144xf32, #tpu.memory_space<vmem>>, vector<1x16xf32>,
        %add3A_562 = arith.constant 40 : i32
        %add3A_563 = arith.addi %add3A_562, %scan3A_450 : i32
        %get3A_564 = arith.index_cast %add3A_563 : i32 to index
        %get3A_565 = arith.constant 32 : index
        %get3A_566 = tpu.vector_load %arg14[%get3A_564, %get3A_565] {strides = array<i32>} : memref<80x64xi32, #tpu.memory_space<vmem>>, vector<1x16xi32>,
        %get3A_567 = vector.shape_cast %get3A_566 : vector<1x16xi32> to vector<16xi32>
        %add3A_568 = arith.constant 40 : i32
        %add3A_569 = arith.addi %add3A_568, %scan3A_450 : i32
        %get3A_570 = arith.index_cast %add3A_569 : i32 to index
        %get3A_571 = arith.constant 32 : index
        %get3A_572 = tpu.vector_load %arg16[%get3A_570, %get3A_571] {strides = array<i32>} : memref<80x64xi32, #tpu.memory_space<vmem>>, vector<1x16xi32>,
        %get3A_573 = vector.shape_cast %get3A_572 : vector<1x16xi32> to vector<16xi32>
        %get3A_574 = arith.index_cast %scan3A_450 : i32 to index
        %get3A_575 = arith.constant 32 : index
        %get3A_576 = tpu.vector_load %arg18[%get3A_574, %get3A_575] {strides = array<i32>} : memref<40x64xi32, #tpu.memory_space<vmem>>, vector<1x16xi32>,
        %get3A_577 = vector.shape_cast %get3A_576 : vector<1x16xi32> to vector<16xi32>
        %shift_left3A_578 = arith.constant 16 : i32
        %shift_left3A_579 = vector.broadcast %shift_left3A_578 : i32 to vector<16xi32>
        %shift_left3A_580 = arith.shli %get3A_567, %shift_left3A_579 : vector<16xi32>
        %bitcast_convert_type3A_581 = tpu.bitcast %shift_left3A_580 : vector<16xi32> -> vector<16xf32>
        %and3A_582 = arith.andi %get3A_567, %broadcast_in_dim3A_168 : vector<16xi32>
        %bitcast_convert_type3A_583 = tpu.bitcast %and3A_582 : vector<16xi32> -> vector<16xf32>
        %shift_left3A_584 = arith.constant 16 : i32
        %shift_left3A_585 = vector.broadcast %shift_left3A_584 : i32 to vector<16xi32>
        %shift_left3A_586 = arith.shli %get3A_573, %shift_left3A_585 : vector<16xi32>
        %bitcast_convert_type3A_587 = tpu.bitcast %shift_left3A_586 : vector<16xi32> -> vector<16xf32>
        %and3A_588 = arith.andi %get3A_573, %broadcast_in_dim3A_168 : vector<16xi32>
        %bitcast_convert_type3A_589 = tpu.bitcast %and3A_588 : vector<16xi32> -> vector<16xf32>
        %shift_left3A_590 = arith.constant 16 : i32
        %shift_left3A_591 = vector.broadcast %shift_left3A_590 : i32 to vector<16xi32>
        %shift_left3A_592 = arith.shli %get3A_577, %shift_left3A_591 : vector<16xi32>
        %bitcast_convert_type3A_593 = tpu.bitcast %shift_left3A_592 : vector<16xi32> -> vector<16xf32>
        %and3A_594 = arith.andi %get3A_577, %broadcast_in_dim3A_168 : vector<16xi32>
        %bitcast_convert_type3A_595 = tpu.bitcast %and3A_594 : vector<16xi32> -> vector<16xf32>
        %add3A_596 = arith.addf %bitcast_convert_type3A_581, %bitcast_convert_type3A_587 : vector<16xf32>
        %add3A_597 = arith.addf %add3A_596, %bitcast_convert_type3A_593 : vector<16xf32>
        %max3A_598 = arith.constant 0.000000e+00 : f32
        %max3A_599 = vector.broadcast %max3A_598 : f32 to vector<16xf32>
        %max3A_600 = arith.maximumf %add3A_597, %max3A_599 : vector<16xf32>
        %add3A_601 = arith.constant 40 : i32
        %add3A_602 = arith.addi %add3A_601, %scan3A_450 : i32
        %swap3A_603 = arith.index_cast %add3A_602 : i32 to index
        %swap3A_604 = arith.constant 64 : index
        %swap3A_605 = tpu.vector_load %arg19[%swap3A_603, %swap3A_604] {strides = array<i32>} : memref<80x144xf32, #tpu.memory_space<vmem>>, vector<1x16xf32>,
        %swap3A_606 = vector.shape_cast %swap3A_605 : vector<1x16xf32> to vector<16xf32>
        %swap3A_607 = vector.shape_cast %max3A_600 : vector<16xf32> to vector<1x16xf32>
        tpu.vector_store %arg19[%swap3A_603, %swap3A_604], %swap3A_607 {strides = array<i32>} : memref<80x144xf32, #tpu.memory_space<vmem>>, vector<1x16xf32>,
        %add3A_608 = arith.addf %bitcast_convert_type3A_583, %bitcast_convert_type3A_589 : vector<16xf32>
        %add3A_609 = arith.addf %add3A_608, %bitcast_convert_type3A_595 : vector<16xf32>
        %max3A_610 = arith.constant 0.000000e+00 : f32
        %max3A_611 = vector.broadcast %max3A_610 : f32 to vector<16xf32>
        %max3A_612 = arith.maximumf %add3A_609, %max3A_611 : vector<16xf32>
        %add3A_613 = arith.constant 40 : i32
        %add3A_614 = arith.addi %add3A_613, %scan3A_450 : i32
        %swap3A_615 = arith.index_cast %add3A_614 : i32 to index
        %swap3A_616 = arith.constant 80 : index
        %swap3A_617 = tpu.vector_load %arg19[%swap3A_615, %swap3A_616] {strides = array<i32>} : memref<80x144xf32, #tpu.memory_space<vmem>>, vector<1x16xf32>,
        %swap3A_618 = vector.shape_cast %swap3A_617 : vector<1x16xf32> to vector<16xf32>
        %swap3A_619 = vector.shape_cast %max3A_612 : vector<16xf32> to vector<1x16xf32>
        tpu.vector_store %arg19[%swap3A_615, %swap3A_616], %swap3A_619 {strides = array<i32>} : memref<80x144xf32, #tpu.memory_space<vmem>>, vector<1x16xf32>,
        %add3A_620 = arith.constant 40 : i32
        %add3A_621 = arith.addi %add3A_620, %scan3A_450 : i32
        %get3A_622 = arith.index_cast %add3A_621 : i32 to index
        %get3A_623 = arith.constant 48 : index
        %get3A_624 = tpu.vector_load %arg14[%get3A_622, %get3A_623] {strides = array<i32>} : memref<80x64xi32, #tpu.memory_space<vmem>>, vector<1x16xi32>,
        %get3A_625 = vector.shape_cast %get3A_624 : vector<1x16xi32> to vector<16xi32>
        %add3A_626 = arith.constant 40 : i32
        %add3A_627 = arith.addi %add3A_626, %scan3A_450 : i32
        %get3A_628 = arith.index_cast %add3A_627 : i32 to index
        %get3A_629 = arith.constant 48 : index
        %get3A_630 = tpu.vector_load %arg16[%get3A_628, %get3A_629] {strides = array<i32>} : memref<80x64xi32, #tpu.memory_space<vmem>>, vector<1x16xi32>,
        %get3A_631 = vector.shape_cast %get3A_630 : vector<1x16xi32> to vector<16xi32>
        %get3A_632 = arith.index_cast %scan3A_450 : i32 to index
        %get3A_633 = arith.constant 48 : index
        %get3A_634 = tpu.vector_load %arg18[%get3A_632, %get3A_633] {strides = array<i32>} : memref<40x64xi32, #tpu.memory_space<vmem>>, vector<1x16xi32>,
        %get3A_635 = vector.shape_cast %get3A_634 : vector<1x16xi32> to vector<16xi32>
        %shift_left3A_636 = arith.constant 16 : i32
        %shift_left3A_637 = vector.broadcast %shift_left3A_636 : i32 to vector<16xi32>
        %shift_left3A_638 = arith.shli %get3A_625, %shift_left3A_637 : vector<16xi32>
        %bitcast_convert_type3A_639 = tpu.bitcast %shift_left3A_638 : vector<16xi32> -> vector<16xf32>
        %and3A_640 = arith.andi %get3A_625, %broadcast_in_dim3A_168 : vector<16xi32>
        %bitcast_convert_type3A_641 = tpu.bitcast %and3A_640 : vector<16xi32> -> vector<16xf32>
        %shift_left3A_642 = arith.constant 16 : i32
        %shift_left3A_643 = vector.broadcast %shift_left3A_642 : i32 to vector<16xi32>
        %shift_left3A_644 = arith.shli %get3A_631, %shift_left3A_643 : vector<16xi32>
        %bitcast_convert_type3A_645 = tpu.bitcast %shift_left3A_644 : vector<16xi32> -> vector<16xf32>
        %and3A_646 = arith.andi %get3A_631, %broadcast_in_dim3A_168 : vector<16xi32>
        %bitcast_convert_type3A_647 = tpu.bitcast %and3A_646 : vector<16xi32> -> vector<16xf32>
        %shift_left3A_648 = arith.constant 16 : i32
        %shift_left3A_649 = vector.broadcast %shift_left3A_648 : i32 to vector<16xi32>
        %shift_left3A_650 = arith.shli %get3A_635, %shift_left3A_649 : vector<16xi32>
        %bitcast_convert_type3A_651 = tpu.bitcast %shift_left3A_650 : vector<16xi32> -> vector<16xf32>
        %and3A_652 = arith.andi %get3A_635, %broadcast_in_dim3A_168 : vector<16xi32>
        %bitcast_convert_type3A_653 = tpu.bitcast %and3A_652 : vector<16xi32> -> vector<16xf32>
        %add3A_654 = arith.addf %bitcast_convert_type3A_639, %bitcast_convert_type3A_645 : vector<16xf32>
        %add3A_655 = arith.addf %add3A_654, %bitcast_convert_type3A_651 : vector<16xf32>
        %max3A_656 = arith.constant 0.000000e+00 : f32
        %max3A_657 = vector.broadcast %max3A_656 : f32 to vector<16xf32>
        %max3A_658 = arith.maximumf %add3A_655, %max3A_657 : vector<16xf32>
        %add3A_659 = arith.constant 40 : i32
        %add3A_660 = arith.addi %add3A_659, %scan3A_450 : i32
        %swap3A_661 = arith.index_cast %add3A_660 : i32 to index
        %swap3A_662 = arith.constant 96 : index
        %swap3A_663 = tpu.vector_load %arg19[%swap3A_661, %swap3A_662] {strides = array<i32>} : memref<80x144xf32, #tpu.memory_space<vmem>>, vector<1x16xf32>,
        %swap3A_664 = vector.shape_cast %swap3A_663 : vector<1x16xf32> to vector<16xf32>
        %swap3A_665 = vector.shape_cast %max3A_658 : vector<16xf32> to vector<1x16xf32>
        tpu.vector_store %arg19[%swap3A_661, %swap3A_662], %swap3A_665 {strides = array<i32>} : memref<80x144xf32, #tpu.memory_space<vmem>>, vector<1x16xf32>,
        %add3A_666 = arith.addf %bitcast_convert_type3A_641, %bitcast_convert_type3A_647 : vector<16xf32>
        %add3A_667 = arith.addf %add3A_666, %bitcast_convert_type3A_653 : vector<16xf32>
        %max3A_668 = arith.constant 0.000000e+00 : f32
        %max3A_669 = vector.broadcast %max3A_668 : f32 to vector<16xf32>
        %max3A_670 = arith.maximumf %add3A_667, %max3A_669 : vector<16xf32>
        %add3A_671 = arith.constant 40 : i32
        %add3A_672 = arith.addi %add3A_671, %scan3A_450 : i32
        %swap3A_673 = arith.index_cast %add3A_672 : i32 to index
        %swap3A_674 = arith.constant 112 : index
        %swap3A_675 = tpu.vector_load %arg19[%swap3A_673, %swap3A_674] {strides = array<i32>} : memref<80x144xf32, #tpu.memory_space<vmem>>, vector<1x16xf32>,
        %swap3A_676 = vector.shape_cast %swap3A_675 : vector<1x16xf32> to vector<16xf32>
        %swap3A_677 = vector.shape_cast %max3A_670 : vector<16xf32> to vector<1x16xf32>
        tpu.vector_store %arg19[%swap3A_673, %swap3A_674], %swap3A_677 {strides = array<i32>} : memref<80x144xf32, #tpu.memory_space<vmem>>, vector<1x16xf32>,
        %scan3A_678 = arith.constant 0 : i32
        scf.yield %scan3A_678 : i32
      }
      %scan3A_434 = arith.constant 40 : i32
      %add3A_435 = arith.constant 1 : i32
      %add3A_436 = arith.addi %add3A_388, %add3A_435 : i32
      %lt3A_437 = arith.constant 125 : i32
      %lt3A_438 = arith.cmpi slt, %add3A_436, %lt3A_437 : i32
      %convert_element_type3A_439 = arith.extui %lt3A_438 : i1 to i32
      %cond3A_440 = arith.constant 0 : i32
      %cond3A_441 = arith.cmpi ne, %convert_element_type3A_439, %cond3A_440 : i32
      scf.if %cond3A_441 {
        %add3A_450 = arith.constant 1 : i32
        %add3A_451 = arith.addi %add3A_388, %add3A_450 : i32
        %mul3A_452 = arith.constant 80 : i32
        %mul3A_453 = arith.muli %add3A_451, %mul3A_452 : i32
        %add3A_454 = arith.addi %mul3A_124, %mul3A_453 : i32
        %add3A_455 = arith.constant 40 : i32
        %add3A_456 = arith.addi %add3A_454, %add3A_455 : i32
        %multiple_of3A_457 = tpu.assume_multiple %add3A_456, 8 : i32
        %dma_start3A_458 = arith.constant 0 : i32
        %dma_start3A_459 = tpu.memref_slice %arg4[%multiple_of3A_457, %dma_start3A_458] : memref<320000x64xi32, #tpu.memory_space<hbm>> -> memref<40x64xi32, #tpu.memory_space<hbm>>
        %dma_start3A_460 = arith.constant 0 : i32
        %dma_start3A_461 = tpu.memref_slice %arg4[%multiple_of3A_457, %dma_start3A_460] : memref<320000x64xi32, #tpu.memory_space<hbm>> -> memref<40x64xi32, #tpu.memory_space<hbm>>
        tpu.enqueue_dma source(%dma_start3A_461 : memref<40x64xi32, #tpu.memory_space<hbm>>) target(%arg18 : memref<40x64xi32, #tpu.memory_space<vmem>>) target_semaphore(%arg29 : memref<!tpu.dma_semaphore, #tpu.memory_space<semaphore_mem>>)
      } else {
      }
      "tpu.region"() ({
        %run_scoped3A = tpu.sem_alloc : memref<!tpu.dma_semaphore, #tpu.memory_space<semaphore_mem>>
        %dma_start3A_450 = arith.constant 0 : i32
        %dma_start3A_451 = arith.constant 0 : i32
        %dma_start3A_452 = tpu.memref_slice %arg8[%dma_start3A_450, %dma_start3A_451] : memref<10000x144xf32, #tpu.memory_space<vmem_shared>> -> memref<10000x144xf32, #tpu.memory_space<vmem_shared>>
        tpu.enqueue_indirect_dma source(%arg19 : memref<80x144xf32, #tpu.memory_space<vmem>>) target(%dma_start3A_452 : memref<10000x144xf32, #tpu.memory_space<vmem_shared>>) offsets(%arg12 : memref<80xi32, #tpu.memory_space<vmem>>) semaphore(%run_scoped3A : memref<!tpu.dma_semaphore, #tpu.memory_space<semaphore_mem>>) {add = true}
        %dma_wait3A_453 = arith.constant 0 : i32
        %dma_wait3A_454 = arith.constant 0 : i32
        %dma_wait3A_455 = tpu.memref_slice %arg8[%dma_wait3A_453, %dma_wait3A_454] : memref<10000x144xf32, #tpu.memory_space<vmem_shared>> -> memref<10000x144xf32, #tpu.memory_space<vmem_shared>>
        tpu.wait_indirect_dma semaphore(%run_scoped3A : memref<!tpu.dma_semaphore, #tpu.memory_space<semaphore_mem>>) src(%arg19 : memref<80x144xf32, #tpu.memory_space<vmem>>) dst(%dma_wait3A_455 : memref<10000x144xf32, #tpu.memory_space<vmem_shared>>)
        tpu.yield
      }) : () -> ()
      %add3A_442 = arith.constant 2 : i32
      %add3A_443 = arith.addi %add3A_388, %add3A_442 : i32
      %lt3A_444 = arith.constant 125 : i32
      %lt3A_445 = arith.cmpi slt, %add3A_443, %lt3A_444 : i32
      %convert_element_type3A_446 = arith.extui %lt3A_445 : i1 to i32
      %cond3A_447 = arith.constant 0 : i32
      %cond3A_448 = arith.cmpi ne, %convert_element_type3A_446, %cond3A_447 : i32
      scf.if %cond3A_448 {
        %add3A_450 = arith.constant 2 : i32
        %add3A_451 = arith.addi %add3A_388, %add3A_450 : i32
        %mul3A_452 = arith.constant 80 : i32
        %mul3A_453 = arith.muli %add3A_451, %mul3A_452 : i32
        %add3A_454 = arith.addi %mul3A_124, %mul3A_453 : i32
        %multiple_of3A_455 = tpu.assume_multiple %add3A_454, 8 : i32
        %dma_start3A_456 = tpu.memref_slice %arg5[%multiple_of3A_455] : memref<320000xi32, #tpu.memory_space<hbm>> -> memref<80xi32, #tpu.memory_space<hbm>>
        %dma_start3A_457 = tpu.memref_slice %arg5[%multiple_of3A_455] : memref<320000xi32, #tpu.memory_space<hbm>> -> memref<80xi32, #tpu.memory_space<hbm>>
        tpu.enqueue_dma source(%dma_start3A_457 : memref<80xi32, #tpu.memory_space<hbm>>) target(%arg10 : memref<80xi32, #tpu.memory_space<vmem>>) target_semaphore(%arg21 : memref<!tpu.dma_semaphore, #tpu.memory_space<semaphore_mem>>)
        %dma_start3A_458 = tpu.memref_slice %arg6[%multiple_of3A_455] : memref<320000xi32, #tpu.memory_space<hbm>> -> memref<80xi32, #tpu.memory_space<hbm>>
        %dma_start3A_459 = tpu.memref_slice %arg6[%multiple_of3A_455] : memref<320000xi32, #tpu.memory_space<hbm>> -> memref<80xi32, #tpu.memory_space<hbm>>
        tpu.enqueue_dma source(%dma_start3A_459 : memref<80xi32, #tpu.memory_space<hbm>>) target(%arg12 : memref<80xi32, #tpu.memory_space<vmem>>) target_semaphore(%arg23 : memref<!tpu.dma_semaphore, #tpu.memory_space<semaphore_mem>>)
      } else {
      }
      %scan3A_449 = arith.constant 0 : i32
      scf.yield %scan3A_449 : i32
    }
    %scan3A_175 = arith.constant 62 : i32
    %dma_wait3A_176 = arith.constant 0 : i32
    %dma_wait3A_177 = arith.constant 0 : i32
    %dma_wait3A_178 = tpu.memref_slice %arg2[%dma_wait3A_176, %dma_wait3A_177] : memref<10000x64xi32, #tpu.memory_space<hbm>> -> memref<10000x64xi32, #tpu.memory_space<hbm>>
    tpu.wait_indirect_dma semaphore(%arg24 : memref<!tpu.dma_semaphore, #tpu.memory_space<semaphore_mem>>) src(%dma_wait3A_178 : memref<10000x64xi32, #tpu.memory_space<hbm>>) dst(%arg13 : memref<80x64xi32, #tpu.memory_space<vmem>>)
    %dma_wait3A_179 = arith.constant 0 : i32
    %dma_wait3A_180 = arith.constant 0 : i32
    %dma_wait3A_181 = tpu.memref_slice %arg3[%dma_wait3A_179, %dma_wait3A_180] : memref<10000x64xi32, #tpu.memory_space<hbm>> -> memref<10000x64xi32, #tpu.memory_space<hbm>>
    tpu.wait_indirect_dma semaphore(%arg26 : memref<!tpu.dma_semaphore, #tpu.memory_space<semaphore_mem>>) src(%dma_wait3A_181 : memref<10000x64xi32, #tpu.memory_space<hbm>>) dst(%arg15 : memref<80x64xi32, #tpu.memory_space<vmem>>)
    %dma_wait3A_182 = arith.constant 0 : i32
    %dma_wait3A_183 = arith.constant 0 : i32
    %dma_wait3A_184 = tpu.memref_slice %arg4[%dma_wait3A_182, %dma_wait3A_183] : memref<320000x64xi32, #tpu.memory_space<hbm>> -> memref<40x64xi32, #tpu.memory_space<hbm>>
    %dma_wait3A_185 = arith.constant 0 : i32
    %dma_wait3A_186 = arith.constant 0 : i32
    %dma_wait3A_187 = tpu.memref_slice %arg4[%dma_wait3A_185, %dma_wait3A_186] : memref<320000x64xi32, #tpu.memory_space<hbm>> -> memref<40x64xi32, #tpu.memory_space<hbm>>
    tpu.wait_dma2 semaphore(%arg28 : memref<!tpu.dma_semaphore, #tpu.memory_space<semaphore_mem>>) src(%dma_wait3A_187 : memref<40x64xi32, #tpu.memory_space<hbm>>) dst(%arg17 : memref<40x64xi32, #tpu.memory_space<vmem>>)
    %scan3A_188 = arith.constant 0 : i32
    %scan3A_189 = arith.constant 0 : i32
    %scan3A_190 = arith.constant 40 : i32
    %scan3A_191 = arith.addi %scan3A_189, %scan3A_190 : i32
    %scan3A_192 = arith.constant 1 : i32
    %scan3A_193 = scf.for %scan3A_321 = %scan3A_189 to %scan3A_191 step %scan3A_192 iter_args(%scan3A_322 = %scan3A_188) -> (i32)  : i32 {
      %add3A_323 = arith.constant 0 : i32
      %add3A_324 = arith.addi %add3A_323, %scan3A_321 : i32
      %get3A = arith.index_cast %add3A_324 : i32 to index
      %get3A_325 = arith.constant 0 : index
      %get3A_326 = tpu.vector_load %arg13[%get3A, %get3A_325] {strides = array<i32>} : memref<80x64xi32, #tpu.memory_space<vmem>>, vector<1x16xi32>,
      %get3A_327 = vector.shape_cast %get3A_326 : vector<1x16xi32> to vector<16xi32>
      %add3A_328 = arith.constant 0 : i32
      %add3A_329 = arith.addi %add3A_328, %scan3A_321 : i32
      %get3A_330 = arith.index_cast %add3A_329 : i32 to index
      %get3A_331 = arith.constant 0 : index
      %get3A_332 = tpu.vector_load %arg15[%get3A_330, %get3A_331] {strides = array<i32>} : memref<80x64xi32, #tpu.memory_space<vmem>>, vector<1x16xi32>,
      %get3A_333 = vector.shape_cast %get3A_332 : vector<1x16xi32> to vector<16xi32>
      %get3A_334 = arith.index_cast %scan3A_321 : i32 to index
      %get3A_335 = arith.constant 0 : index
      %get3A_336 = tpu.vector_load %arg17[%get3A_334, %get3A_335] {strides = array<i32>} : memref<40x64xi32, #tpu.memory_space<vmem>>, vector<1x16xi32>,
      %get3A_337 = vector.shape_cast %get3A_336 : vector<1x16xi32> to vector<16xi32>
      %shift_left3A = arith.constant 16 : i32
      %shift_left3A_338 = vector.broadcast %shift_left3A : i32 to vector<16xi32>
      %shift_left3A_339 = arith.shli %get3A_327, %shift_left3A_338 : vector<16xi32>
      %bitcast_convert_type3A = tpu.bitcast %shift_left3A_339 : vector<16xi32> -> vector<16xf32>
      %and3A = arith.andi %get3A_327, %broadcast_in_dim3A_168 : vector<16xi32>
      %bitcast_convert_type3A_340 = tpu.bitcast %and3A : vector<16xi32> -> vector<16xf32>
      %shift_left3A_341 = arith.constant 16 : i32
      %shift_left3A_342 = vector.broadcast %shift_left3A_341 : i32 to vector<16xi32>
      %shift_left3A_343 = arith.shli %get3A_333, %shift_left3A_342 : vector<16xi32>
      %bitcast_convert_type3A_344 = tpu.bitcast %shift_left3A_343 : vector<16xi32> -> vector<16xf32>
      %and3A_345 = arith.andi %get3A_333, %broadcast_in_dim3A_168 : vector<16xi32>
      %bitcast_convert_type3A_346 = tpu.bitcast %and3A_345 : vector<16xi32> -> vector<16xf32>
      %shift_left3A_347 = arith.constant 16 : i32
      %shift_left3A_348 = vector.broadcast %shift_left3A_347 : i32 to vector<16xi32>
      %shift_left3A_349 = arith.shli %get3A_337, %shift_left3A_348 : vector<16xi32>
      %bitcast_convert_type3A_350 = tpu.bitcast %shift_left3A_349 : vector<16xi32> -> vector<16xf32>
      %and3A_351 = arith.andi %get3A_337, %broadcast_in_dim3A_168 : vector<16xi32>
      %bitcast_convert_type3A_352 = tpu.bitcast %and3A_351 : vector<16xi32> -> vector<16xf32>
      %add3A_353 = arith.addf %bitcast_convert_type3A, %bitcast_convert_type3A_344 : vector<16xf32>
      %add3A_354 = arith.addf %add3A_353, %bitcast_convert_type3A_350 : vector<16xf32>
      %max3A = arith.constant 0.000000e+00 : f32
      %max3A_355 = vector.broadcast %max3A : f32 to vector<16xf32>
      %max3A_356 = arith.maximumf %add3A_354, %max3A_355 : vector<16xf32>
      %add3A_357 = arith.constant 0 : i32
      %add3A_358 = arith.addi %add3A_357, %scan3A_321 : i32
      %swap3A = arith.index_cast %add3A_358 : i32 to index
      %swap3A_359 = arith.constant 0 : index
      %swap3A_360 = tpu.vector_load %arg19[%swap3A, %swap3A_359] {strides = array<i32>} : memref<80x144xf32, #tpu.memory_space<vmem>>, vector<1x16xf32>,
      %swap3A_361 = vector.shape_cast %swap3A_360 : vector<1x16xf32> to vector<16xf32>
      %swap3A_362 = vector.shape_cast %max3A_356 : vector<16xf32> to vector<1x16xf32>
      tpu.vector_store %arg19[%swap3A, %swap3A_359], %swap3A_362 {strides = array<i32>} : memref<80x144xf32, #tpu.memory_space<vmem>>, vector<1x16xf32>,
      %add3A_363 = arith.addf %bitcast_convert_type3A_340, %bitcast_convert_type3A_346 : vector<16xf32>
      %add3A_364 = arith.addf %add3A_363, %bitcast_convert_type3A_352 : vector<16xf32>
      %max3A_365 = arith.constant 0.000000e+00 : f32
      %max3A_366 = vector.broadcast %max3A_365 : f32 to vector<16xf32>
      %max3A_367 = arith.maximumf %add3A_364, %max3A_366 : vector<16xf32>
      %add3A_368 = arith.constant 0 : i32
      %add3A_369 = arith.addi %add3A_368, %scan3A_321 : i32
      %swap3A_370 = arith.index_cast %add3A_369 : i32 to index
      %swap3A_371 = arith.constant 16 : index
      %swap3A_372 = tpu.vector_load %arg19[%swap3A_370, %swap3A_371] {strides = array<i32>} : memref<80x144xf32, #tpu.memory_space<vmem>>, vector<1x16xf32>,
      %swap3A_373 = vector.shape_cast %swap3A_372 : vector<1x16xf32> to vector<16xf32>
      %swap3A_374 = vector.shape_cast %max3A_367 : vector<16xf32> to vector<1x16xf32>
      tpu.vector_store %arg19[%swap3A_370, %swap3A_371], %swap3A_374 {strides = array<i32>} : memref<80x144xf32, #tpu.memory_space<vmem>>, vector<1x16xf32>,
      %add3A_375 = arith.constant 0 : i32
      %add3A_376 = arith.addi %add3A_375, %scan3A_321 : i32
      %get3A_377 = arith.index_cast %add3A_376 : i32 to index
      %get3A_378 = arith.constant 16 : index
      %get3A_379 = tpu.vector_load %arg13[%get3A_377, %get3A_378] {strides = array<i32>} : memref<80x64xi32, #tpu.memory_space<vmem>>, vector<1x16xi32>,
      %get3A_380 = vector.shape_cast %get3A_379 : vector<1x16xi32> to vector<16xi32>
      %add3A_381 = arith.constant 0 : i32
      %add3A_382 = arith.addi %add3A_381, %scan3A_321 : i32
      %get3A_383 = arith.index_cast %add3A_382 : i32 to index
      %get3A_384 = arith.constant 16 : index
      %get3A_385 = tpu.vector_load %arg15[%get3A_383, %get3A_384] {strides = array<i32>} : memref<80x64xi32, #tpu.memory_space<vmem>>, vector<1x16xi32>,
      %get3A_386 = vector.shape_cast %get3A_385 : vector<1x16xi32> to vector<16xi32>
      %get3A_387 = arith.index_cast %scan3A_321 : i32 to index
      %get3A_388 = arith.constant 16 : index
      %get3A_389 = tpu.vector_load %arg17[%get3A_387, %get3A_388] {strides = array<i32>} : memref<40x64xi32, #tpu.memory_space<vmem>>, vector<1x16xi32>,
      %get3A_390 = vector.shape_cast %get3A_389 : vector<1x16xi32> to vector<16xi32>
      %shift_left3A_391 = arith.constant 16 : i32
      %shift_left3A_392 = vector.broadcast %shift_left3A_391 : i32 to vector<16xi32>
      %shift_left3A_393 = arith.shli %get3A_380, %shift_left3A_392 : vector<16xi32>
      %bitcast_convert_type3A_394 = tpu.bitcast %shift_left3A_393 : vector<16xi32> -> vector<16xf32>
      %and3A_395 = arith.andi %get3A_380, %broadcast_in_dim3A_168 : vector<16xi32>
      %bitcast_convert_type3A_396 = tpu.bitcast %and3A_395 : vector<16xi32> -> vector<16xf32>
      %shift_left3A_397 = arith.constant 16 : i32
      %shift_left3A_398 = vector.broadcast %shift_left3A_397 : i32 to vector<16xi32>
      %shift_left3A_399 = arith.shli %get3A_386, %shift_left3A_398 : vector<16xi32>
      %bitcast_convert_type3A_400 = tpu.bitcast %shift_left3A_399 : vector<16xi32> -> vector<16xf32>
      %and3A_401 = arith.andi %get3A_386, %broadcast_in_dim3A_168 : vector<16xi32>
      %bitcast_convert_type3A_402 = tpu.bitcast %and3A_401 : vector<16xi32> -> vector<16xf32>
      %shift_left3A_403 = arith.constant 16 : i32
      %shift_left3A_404 = vector.broadcast %shift_left3A_403 : i32 to vector<16xi32>
      %shift_left3A_405 = arith.shli %get3A_390, %shift_left3A_404 : vector<16xi32>
      %bitcast_convert_type3A_406 = tpu.bitcast %shift_left3A_405 : vector<16xi32> -> vector<16xf32>
      %and3A_407 = arith.andi %get3A_390, %broadcast_in_dim3A_168 : vector<16xi32>
      %bitcast_convert_type3A_408 = tpu.bitcast %and3A_407 : vector<16xi32> -> vector<16xf32>
      %add3A_409 = arith.addf %bitcast_convert_type3A_394, %bitcast_convert_type3A_400 : vector<16xf32>
      %add3A_410 = arith.addf %add3A_409, %bitcast_convert_type3A_406 : vector<16xf32>
      %max3A_411 = arith.constant 0.000000e+00 : f32
      %max3A_412 = vector.broadcast %max3A_411 : f32 to vector<16xf32>
      %max3A_413 = arith.maximumf %add3A_410, %max3A_412 : vector<16xf32>
      %add3A_414 = arith.constant 0 : i32
      %add3A_415 = arith.addi %add3A_414, %scan3A_321 : i32
      %swap3A_416 = arith.index_cast %add3A_415 : i32 to index
      %swap3A_417 = arith.constant 32 : index
      %swap3A_418 = tpu.vector_load %arg19[%swap3A_416, %swap3A_417] {strides = array<i32>} : memref<80x144xf32, #tpu.memory_space<vmem>>, vector<1x16xf32>,
      %swap3A_419 = vector.shape_cast %swap3A_418 : vector<1x16xf32> to vector<16xf32>
      %swap3A_420 = vector.shape_cast %max3A_413 : vector<16xf32> to vector<1x16xf32>
      tpu.vector_store %arg19[%swap3A_416, %swap3A_417], %swap3A_420 {strides = array<i32>} : memref<80x144xf32, #tpu.memory_space<vmem>>, vector<1x16xf32>,
      %add3A_421 = arith.addf %bitcast_convert_type3A_396, %bitcast_convert_type3A_402 : vector<16xf32>
      %add3A_422 = arith.addf %add3A_421, %bitcast_convert_type3A_408 : vector<16xf32>
      %max3A_423 = arith.constant 0.000000e+00 : f32
      %max3A_424 = vector.broadcast %max3A_423 : f32 to vector<16xf32>
      %max3A_425 = arith.maximumf %add3A_422, %max3A_424 : vector<16xf32>
      %add3A_426 = arith.constant 0 : i32
      %add3A_427 = arith.addi %add3A_426, %scan3A_321 : i32
      %swap3A_428 = arith.index_cast %add3A_427 : i32 to index
      %swap3A_429 = arith.constant 48 : index
      %swap3A_430 = tpu.vector_load %arg19[%swap3A_428, %swap3A_429] {strides = array<i32>} : memref<80x144xf32, #tpu.memory_space<vmem>>, vector<1x16xf32>,
      %swap3A_431 = vector.shape_cast %swap3A_430 : vector<1x16xf32> to vector<16xf32>
      %swap3A_432 = vector.shape_cast %max3A_425 : vector<16xf32> to vector<1x16xf32>
      tpu.vector_store %arg19[%swap3A_428, %swap3A_429], %swap3A_432 {strides = array<i32>} : memref<80x144xf32, #tpu.memory_space<vmem>>, vector<1x16xf32>,
      %add3A_433 = arith.constant 0 : i32
      %add3A_434 = arith.addi %add3A_433, %scan3A_321 : i32
      %get3A_435 = arith.index_cast %add3A_434 : i32 to index
      %get3A_436 = arith.constant 32 : index
      %get3A_437 = tpu.vector_load %arg13[%get3A_435, %get3A_436] {strides = array<i32>} : memref<80x64xi32, #tpu.memory_space<vmem>>, vector<1x16xi32>,
      %get3A_438 = vector.shape_cast %get3A_437 : vector<1x16xi32> to vector<16xi32>
      %add3A_439 = arith.constant 0 : i32
      %add3A_440 = arith.addi %add3A_439, %scan3A_321 : i32
      %get3A_441 = arith.index_cast %add3A_440 : i32 to index
      %get3A_442 = arith.constant 32 : index
      %get3A_443 = tpu.vector_load %arg15[%get3A_441, %get3A_442] {strides = array<i32>} : memref<80x64xi32, #tpu.memory_space<vmem>>, vector<1x16xi32>,
      %get3A_444 = vector.shape_cast %get3A_443 : vector<1x16xi32> to vector<16xi32>
      %get3A_445 = arith.index_cast %scan3A_321 : i32 to index
      %get3A_446 = arith.constant 32 : index
      %get3A_447 = tpu.vector_load %arg17[%get3A_445, %get3A_446] {strides = array<i32>} : memref<40x64xi32, #tpu.memory_space<vmem>>, vector<1x16xi32>,
      %get3A_448 = vector.shape_cast %get3A_447 : vector<1x16xi32> to vector<16xi32>
      %shift_left3A_449 = arith.constant 16 : i32
      %shift_left3A_450 = vector.broadcast %shift_left3A_449 : i32 to vector<16xi32>
      %shift_left3A_451 = arith.shli %get3A_438, %shift_left3A_450 : vector<16xi32>
      %bitcast_convert_type3A_452 = tpu.bitcast %shift_left3A_451 : vector<16xi32> -> vector<16xf32>
      %and3A_453 = arith.andi %get3A_438, %broadcast_in_dim3A_168 : vector<16xi32>
      %bitcast_convert_type3A_454 = tpu.bitcast %and3A_453 : vector<16xi32> -> vector<16xf32>
      %shift_left3A_455 = arith.constant 16 : i32
      %shift_left3A_456 = vector.broadcast %shift_left3A_455 : i32 to vector<16xi32>
      %shift_left3A_457 = arith.shli %get3A_444, %shift_left3A_456 : vector<16xi32>
      %bitcast_convert_type3A_458 = tpu.bitcast %shift_left3A_457 : vector<16xi32> -> vector<16xf32>
      %and3A_459 = arith.andi %get3A_444, %broadcast_in_dim3A_168 : vector<16xi32>
      %bitcast_convert_type3A_460 = tpu.bitcast %and3A_459 : vector<16xi32> -> vector<16xf32>
      %shift_left3A_461 = arith.constant 16 : i32
      %shift_left3A_462 = vector.broadcast %shift_left3A_461 : i32 to vector<16xi32>
      %shift_left3A_463 = arith.shli %get3A_448, %shift_left3A_462 : vector<16xi32>
      %bitcast_convert_type3A_464 = tpu.bitcast %shift_left3A_463 : vector<16xi32> -> vector<16xf32>
      %and3A_465 = arith.andi %get3A_448, %broadcast_in_dim3A_168 : vector<16xi32>
      %bitcast_convert_type3A_466 = tpu.bitcast %and3A_465 : vector<16xi32> -> vector<16xf32>
      %add3A_467 = arith.addf %bitcast_convert_type3A_452, %bitcast_convert_type3A_458 : vector<16xf32>
      %add3A_468 = arith.addf %add3A_467, %bitcast_convert_type3A_464 : vector<16xf32>
      %max3A_469 = arith.constant 0.000000e+00 : f32
      %max3A_470 = vector.broadcast %max3A_469 : f32 to vector<16xf32>
      %max3A_471 = arith.maximumf %add3A_468, %max3A_470 : vector<16xf32>
      %add3A_472 = arith.constant 0 : i32
      %add3A_473 = arith.addi %add3A_472, %scan3A_321 : i32
      %swap3A_474 = arith.index_cast %add3A_473 : i32 to index
      %swap3A_475 = arith.constant 64 : index
      %swap3A_476 = tpu.vector_load %arg19[%swap3A_474, %swap3A_475] {strides = array<i32>} : memref<80x144xf32, #tpu.memory_space<vmem>>, vector<1x16xf32>,
      %swap3A_477 = vector.shape_cast %swap3A_476 : vector<1x16xf32> to vector<16xf32>
      %swap3A_478 = vector.shape_cast %max3A_471 : vector<16xf32> to vector<1x16xf32>
      tpu.vector_store %arg19[%swap3A_474, %swap3A_475], %swap3A_478 {strides = array<i32>} : memref<80x144xf32, #tpu.memory_space<vmem>>, vector<1x16xf32>,
      %add3A_479 = arith.addf %bitcast_convert_type3A_454, %bitcast_convert_type3A_460 : vector<16xf32>
      %add3A_480 = arith.addf %add3A_479, %bitcast_convert_type3A_466 : vector<16xf32>
      %max3A_481 = arith.constant 0.000000e+00 : f32
      %max3A_482 = vector.broadcast %max3A_481 : f32 to vector<16xf32>
      %max3A_483 = arith.maximumf %add3A_480, %max3A_482 : vector<16xf32>
      %add3A_484 = arith.constant 0 : i32
      %add3A_485 = arith.addi %add3A_484, %scan3A_321 : i32
      %swap3A_486 = arith.index_cast %add3A_485 : i32 to index
      %swap3A_487 = arith.constant 80 : index
      %swap3A_488 = tpu.vector_load %arg19[%swap3A_486, %swap3A_487] {strides = array<i32>} : memref<80x144xf32, #tpu.memory_space<vmem>>, vector<1x16xf32>,
      %swap3A_489 = vector.shape_cast %swap3A_488 : vector<1x16xf32> to vector<16xf32>
      %swap3A_490 = vector.shape_cast %max3A_483 : vector<16xf32> to vector<1x16xf32>
      tpu.vector_store %arg19[%swap3A_486, %swap3A_487], %swap3A_490 {strides = array<i32>} : memref<80x144xf32, #tpu.memory_space<vmem>>, vector<1x16xf32>,
      %add3A_491 = arith.constant 0 : i32
      %add3A_492 = arith.addi %add3A_491, %scan3A_321 : i32
      %get3A_493 = arith.index_cast %add3A_492 : i32 to index
      %get3A_494 = arith.constant 48 : index
      %get3A_495 = tpu.vector_load %arg13[%get3A_493, %get3A_494] {strides = array<i32>} : memref<80x64xi32, #tpu.memory_space<vmem>>, vector<1x16xi32>,
      %get3A_496 = vector.shape_cast %get3A_495 : vector<1x16xi32> to vector<16xi32>
      %add3A_497 = arith.constant 0 : i32
      %add3A_498 = arith.addi %add3A_497, %scan3A_321 : i32
      %get3A_499 = arith.index_cast %add3A_498 : i32 to index
      %get3A_500 = arith.constant 48 : index
      %get3A_501 = tpu.vector_load %arg15[%get3A_499, %get3A_500] {strides = array<i32>} : memref<80x64xi32, #tpu.memory_space<vmem>>, vector<1x16xi32>,
      %get3A_502 = vector.shape_cast %get3A_501 : vector<1x16xi32> to vector<16xi32>
      %get3A_503 = arith.index_cast %scan3A_321 : i32 to index
      %get3A_504 = arith.constant 48 : index
      %get3A_505 = tpu.vector_load %arg17[%get3A_503, %get3A_504] {strides = array<i32>} : memref<40x64xi32, #tpu.memory_space<vmem>>, vector<1x16xi32>,
      %get3A_506 = vector.shape_cast %get3A_505 : vector<1x16xi32> to vector<16xi32>
      %shift_left3A_507 = arith.constant 16 : i32
      %shift_left3A_508 = vector.broadcast %shift_left3A_507 : i32 to vector<16xi32>
      %shift_left3A_509 = arith.shli %get3A_496, %shift_left3A_508 : vector<16xi32>
      %bitcast_convert_type3A_510 = tpu.bitcast %shift_left3A_509 : vector<16xi32> -> vector<16xf32>
      %and3A_511 = arith.andi %get3A_496, %broadcast_in_dim3A_168 : vector<16xi32>
      %bitcast_convert_type3A_512 = tpu.bitcast %and3A_511 : vector<16xi32> -> vector<16xf32>
      %shift_left3A_513 = arith.constant 16 : i32
      %shift_left3A_514 = vector.broadcast %shift_left3A_513 : i32 to vector<16xi32>
      %shift_left3A_515 = arith.shli %get3A_502, %shift_left3A_514 : vector<16xi32>
      %bitcast_convert_type3A_516 = tpu.bitcast %shift_left3A_515 : vector<16xi32> -> vector<16xf32>
      %and3A_517 = arith.andi %get3A_502, %broadcast_in_dim3A_168 : vector<16xi32>
      %bitcast_convert_type3A_518 = tpu.bitcast %and3A_517 : vector<16xi32> -> vector<16xf32>
      %shift_left3A_519 = arith.constant 16 : i32
      %shift_left3A_520 = vector.broadcast %shift_left3A_519 : i32 to vector<16xi32>
      %shift_left3A_521 = arith.shli %get3A_506, %shift_left3A_520 : vector<16xi32>
      %bitcast_convert_type3A_522 = tpu.bitcast %shift_left3A_521 : vector<16xi32> -> vector<16xf32>
      %and3A_523 = arith.andi %get3A_506, %broadcast_in_dim3A_168 : vector<16xi32>
      %bitcast_convert_type3A_524 = tpu.bitcast %and3A_523 : vector<16xi32> -> vector<16xf32>
      %add3A_525 = arith.addf %bitcast_convert_type3A_510, %bitcast_convert_type3A_516 : vector<16xf32>
      %add3A_526 = arith.addf %add3A_525, %bitcast_convert_type3A_522 : vector<16xf32>
      %max3A_527 = arith.constant 0.000000e+00 : f32
      %max3A_528 = vector.broadcast %max3A_527 : f32 to vector<16xf32>
      %max3A_529 = arith.maximumf %add3A_526, %max3A_528 : vector<16xf32>
      %add3A_530 = arith.constant 0 : i32
      %add3A_531 = arith.addi %add3A_530, %scan3A_321 : i32
      %swap3A_532 = arith.index_cast %add3A_531 : i32 to index
      %swap3A_533 = arith.constant 96 : index
      %swap3A_534 = tpu.vector_load %arg19[%swap3A_532, %swap3A_533] {strides = array<i32>} : memref<80x144xf32, #tpu.memory_space<vmem>>, vector<1x16xf32>,
      %swap3A_535 = vector.shape_cast %swap3A_534 : vector<1x16xf32> to vector<16xf32>
      %swap3A_536 = vector.shape_cast %max3A_529 : vector<16xf32> to vector<1x16xf32>
      tpu.vector_store %arg19[%swap3A_532, %swap3A_533], %swap3A_536 {strides = array<i32>} : memref<80x144xf32, #tpu.memory_space<vmem>>, vector<1x16xf32>,
      %add3A_537 = arith.addf %bitcast_convert_type3A_512, %bitcast_convert_type3A_518 : vector<16xf32>
      %add3A_538 = arith.addf %add3A_537, %bitcast_convert_type3A_524 : vector<16xf32>
      %max3A_539 = arith.constant 0.000000e+00 : f32
      %max3A_540 = vector.broadcast %max3A_539 : f32 to vector<16xf32>
      %max3A_541 = arith.maximumf %add3A_538, %max3A_540 : vector<16xf32>
      %add3A_542 = arith.constant 0 : i32
      %add3A_543 = arith.addi %add3A_542, %scan3A_321 : i32
      %swap3A_544 = arith.index_cast %add3A_543 : i32 to index
      %swap3A_545 = arith.constant 112 : index
      %swap3A_546 = tpu.vector_load %arg19[%swap3A_544, %swap3A_545] {strides = array<i32>} : memref<80x144xf32, #tpu.memory_space<vmem>>, vector<1x16xf32>,
      %swap3A_547 = vector.shape_cast %swap3A_546 : vector<1x16xf32> to vector<16xf32>
      %swap3A_548 = vector.shape_cast %max3A_541 : vector<16xf32> to vector<1x16xf32>
      tpu.vector_store %arg19[%swap3A_544, %swap3A_545], %swap3A_548 {strides = array<i32>} : memref<80x144xf32, #tpu.memory_space<vmem>>, vector<1x16xf32>,
      %scan3A_549 = arith.constant 0 : i32
      scf.yield %scan3A_549 : i32
    }
    %scan3A_194 = arith.constant 40 : i32
    %dma_wait3A_195 = arith.constant 0 : i32
    %dma_wait3A_196 = arith.constant 0 : i32
    %dma_wait3A_197 = tpu.memref_slice %arg4[%dma_wait3A_195, %dma_wait3A_196] : memref<320000x64xi32, #tpu.memory_space<hbm>> -> memref<40x64xi32, #tpu.memory_space<hbm>>
    %dma_wait3A_198 = arith.constant 0 : i32
    %dma_wait3A_199 = arith.constant 0 : i32
    %dma_wait3A_200 = tpu.memref_slice %arg4[%dma_wait3A_198, %dma_wait3A_199] : memref<320000x64xi32, #tpu.memory_space<hbm>> -> memref<40x64xi32, #tpu.memory_space<hbm>>
    tpu.wait_dma2 semaphore(%arg29 : memref<!tpu.dma_semaphore, #tpu.memory_space<semaphore_mem>>) src(%dma_wait3A_200 : memref<40x64xi32, #tpu.memory_space<hbm>>) dst(%arg18 : memref<40x64xi32, #tpu.memory_space<vmem>>)
    %scan3A_201 = arith.constant 0 : i32
    %scan3A_202 = arith.constant 0 : i32
    %scan3A_203 = arith.constant 40 : i32
    %scan3A_204 = arith.addi %scan3A_202, %scan3A_203 : i32
    %scan3A_205 = arith.constant 1 : i32
    %scan3A_206 = scf.for %scan3A_321 = %scan3A_202 to %scan3A_204 step %scan3A_205 iter_args(%scan3A_322 = %scan3A_201) -> (i32)  : i32 {
      %add3A_323 = arith.constant 40 : i32
      %add3A_324 = arith.addi %add3A_323, %scan3A_321 : i32
      %get3A = arith.index_cast %add3A_324 : i32 to index
      %get3A_325 = arith.constant 0 : index
      %get3A_326 = tpu.vector_load %arg13[%get3A, %get3A_325] {strides = array<i32>} : memref<80x64xi32, #tpu.memory_space<vmem>>, vector<1x16xi32>,
      %get3A_327 = vector.shape_cast %get3A_326 : vector<1x16xi32> to vector<16xi32>
      %add3A_328 = arith.constant 40 : i32
      %add3A_329 = arith.addi %add3A_328, %scan3A_321 : i32
      %get3A_330 = arith.index_cast %add3A_329 : i32 to index
      %get3A_331 = arith.constant 0 : index
      %get3A_332 = tpu.vector_load %arg15[%get3A_330, %get3A_331] {strides = array<i32>} : memref<80x64xi32, #tpu.memory_space<vmem>>, vector<1x16xi32>,
      %get3A_333 = vector.shape_cast %get3A_332 : vector<1x16xi32> to vector<16xi32>
      %get3A_334 = arith.index_cast %scan3A_321 : i32 to index
      %get3A_335 = arith.constant 0 : index
      %get3A_336 = tpu.vector_load %arg18[%get3A_334, %get3A_335] {strides = array<i32>} : memref<40x64xi32, #tpu.memory_space<vmem>>, vector<1x16xi32>,
      %get3A_337 = vector.shape_cast %get3A_336 : vector<1x16xi32> to vector<16xi32>
      %shift_left3A = arith.constant 16 : i32
      %shift_left3A_338 = vector.broadcast %shift_left3A : i32 to vector<16xi32>
      %shift_left3A_339 = arith.shli %get3A_327, %shift_left3A_338 : vector<16xi32>
      %bitcast_convert_type3A = tpu.bitcast %shift_left3A_339 : vector<16xi32> -> vector<16xf32>
      %and3A = arith.andi %get3A_327, %broadcast_in_dim3A_168 : vector<16xi32>
      %bitcast_convert_type3A_340 = tpu.bitcast %and3A : vector<16xi32> -> vector<16xf32>
      %shift_left3A_341 = arith.constant 16 : i32
      %shift_left3A_342 = vector.broadcast %shift_left3A_341 : i32 to vector<16xi32>
      %shift_left3A_343 = arith.shli %get3A_333, %shift_left3A_342 : vector<16xi32>
      %bitcast_convert_type3A_344 = tpu.bitcast %shift_left3A_343 : vector<16xi32> -> vector<16xf32>
      %and3A_345 = arith.andi %get3A_333, %broadcast_in_dim3A_168 : vector<16xi32>
      %bitcast_convert_type3A_346 = tpu.bitcast %and3A_345 : vector<16xi32> -> vector<16xf32>
      %shift_left3A_347 = arith.constant 16 : i32
      %shift_left3A_348 = vector.broadcast %shift_left3A_347 : i32 to vector<16xi32>
      %shift_left3A_349 = arith.shli %get3A_337, %shift_left3A_348 : vector<16xi32>
      %bitcast_convert_type3A_350 = tpu.bitcast %shift_left3A_349 : vector<16xi32> -> vector<16xf32>
      %and3A_351 = arith.andi %get3A_337, %broadcast_in_dim3A_168 : vector<16xi32>
      %bitcast_convert_type3A_352 = tpu.bitcast %and3A_351 : vector<16xi32> -> vector<16xf32>
      %add3A_353 = arith.addf %bitcast_convert_type3A, %bitcast_convert_type3A_344 : vector<16xf32>
      %add3A_354 = arith.addf %add3A_353, %bitcast_convert_type3A_350 : vector<16xf32>
      %max3A = arith.constant 0.000000e+00 : f32
      %max3A_355 = vector.broadcast %max3A : f32 to vector<16xf32>
      %max3A_356 = arith.maximumf %add3A_354, %max3A_355 : vector<16xf32>
      %add3A_357 = arith.constant 40 : i32
      %add3A_358 = arith.addi %add3A_357, %scan3A_321 : i32
      %swap3A = arith.index_cast %add3A_358 : i32 to index
      %swap3A_359 = arith.constant 0 : index
      %swap3A_360 = tpu.vector_load %arg19[%swap3A, %swap3A_359] {strides = array<i32>} : memref<80x144xf32, #tpu.memory_space<vmem>>, vector<1x16xf32>,
      %swap3A_361 = vector.shape_cast %swap3A_360 : vector<1x16xf32> to vector<16xf32>
      %swap3A_362 = vector.shape_cast %max3A_356 : vector<16xf32> to vector<1x16xf32>
      tpu.vector_store %arg19[%swap3A, %swap3A_359], %swap3A_362 {strides = array<i32>} : memref<80x144xf32, #tpu.memory_space<vmem>>, vector<1x16xf32>,
      %add3A_363 = arith.addf %bitcast_convert_type3A_340, %bitcast_convert_type3A_346 : vector<16xf32>
      %add3A_364 = arith.addf %add3A_363, %bitcast_convert_type3A_352 : vector<16xf32>
      %max3A_365 = arith.constant 0.000000e+00 : f32
      %max3A_366 = vector.broadcast %max3A_365 : f32 to vector<16xf32>
      %max3A_367 = arith.maximumf %add3A_364, %max3A_366 : vector<16xf32>
      %add3A_368 = arith.constant 40 : i32
      %add3A_369 = arith.addi %add3A_368, %scan3A_321 : i32
      %swap3A_370 = arith.index_cast %add3A_369 : i32 to index
      %swap3A_371 = arith.constant 16 : index
      %swap3A_372 = tpu.vector_load %arg19[%swap3A_370, %swap3A_371] {strides = array<i32>} : memref<80x144xf32, #tpu.memory_space<vmem>>, vector<1x16xf32>,
      %swap3A_373 = vector.shape_cast %swap3A_372 : vector<1x16xf32> to vector<16xf32>
      %swap3A_374 = vector.shape_cast %max3A_367 : vector<16xf32> to vector<1x16xf32>
      tpu.vector_store %arg19[%swap3A_370, %swap3A_371], %swap3A_374 {strides = array<i32>} : memref<80x144xf32, #tpu.memory_space<vmem>>, vector<1x16xf32>,
      %add3A_375 = arith.constant 40 : i32
      %add3A_376 = arith.addi %add3A_375, %scan3A_321 : i32
      %get3A_377 = arith.index_cast %add3A_376 : i32 to index
      %get3A_378 = arith.constant 16 : index
      %get3A_379 = tpu.vector_load %arg13[%get3A_377, %get3A_378] {strides = array<i32>} : memref<80x64xi32, #tpu.memory_space<vmem>>, vector<1x16xi32>,
      %get3A_380 = vector.shape_cast %get3A_379 : vector<1x16xi32> to vector<16xi32>
      %add3A_381 = arith.constant 40 : i32
      %add3A_382 = arith.addi %add3A_381, %scan3A_321 : i32
      %get3A_383 = arith.index_cast %add3A_382 : i32 to index
      %get3A_384 = arith.constant 16 : index
      %get3A_385 = tpu.vector_load %arg15[%get3A_383, %get3A_384] {strides = array<i32>} : memref<80x64xi32, #tpu.memory_space<vmem>>, vector<1x16xi32>,
      %get3A_386 = vector.shape_cast %get3A_385 : vector<1x16xi32> to vector<16xi32>
      %get3A_387 = arith.index_cast %scan3A_321 : i32 to index
      %get3A_388 = arith.constant 16 : index
      %get3A_389 = tpu.vector_load %arg18[%get3A_387, %get3A_388] {strides = array<i32>} : memref<40x64xi32, #tpu.memory_space<vmem>>, vector<1x16xi32>,
      %get3A_390 = vector.shape_cast %get3A_389 : vector<1x16xi32> to vector<16xi32>
      %shift_left3A_391 = arith.constant 16 : i32
      %shift_left3A_392 = vector.broadcast %shift_left3A_391 : i32 to vector<16xi32>
      %shift_left3A_393 = arith.shli %get3A_380, %shift_left3A_392 : vector<16xi32>
      %bitcast_convert_type3A_394 = tpu.bitcast %shift_left3A_393 : vector<16xi32> -> vector<16xf32>
      %and3A_395 = arith.andi %get3A_380, %broadcast_in_dim3A_168 : vector<16xi32>
      %bitcast_convert_type3A_396 = tpu.bitcast %and3A_395 : vector<16xi32> -> vector<16xf32>
      %shift_left3A_397 = arith.constant 16 : i32
      %shift_left3A_398 = vector.broadcast %shift_left3A_397 : i32 to vector<16xi32>
      %shift_left3A_399 = arith.shli %get3A_386, %shift_left3A_398 : vector<16xi32>
      %bitcast_convert_type3A_400 = tpu.bitcast %shift_left3A_399 : vector<16xi32> -> vector<16xf32>
      %and3A_401 = arith.andi %get3A_386, %broadcast_in_dim3A_168 : vector<16xi32>
      %bitcast_convert_type3A_402 = tpu.bitcast %and3A_401 : vector<16xi32> -> vector<16xf32>
      %shift_left3A_403 = arith.constant 16 : i32
      %shift_left3A_404 = vector.broadcast %shift_left3A_403 : i32 to vector<16xi32>
      %shift_left3A_405 = arith.shli %get3A_390, %shift_left3A_404 : vector<16xi32>
      %bitcast_convert_type3A_406 = tpu.bitcast %shift_left3A_405 : vector<16xi32> -> vector<16xf32>
      %and3A_407 = arith.andi %get3A_390, %broadcast_in_dim3A_168 : vector<16xi32>
      %bitcast_convert_type3A_408 = tpu.bitcast %and3A_407 : vector<16xi32> -> vector<16xf32>
      %add3A_409 = arith.addf %bitcast_convert_type3A_394, %bitcast_convert_type3A_400 : vector<16xf32>
      %add3A_410 = arith.addf %add3A_409, %bitcast_convert_type3A_406 : vector<16xf32>
      %max3A_411 = arith.constant 0.000000e+00 : f32
      %max3A_412 = vector.broadcast %max3A_411 : f32 to vector<16xf32>
      %max3A_413 = arith.maximumf %add3A_410, %max3A_412 : vector<16xf32>
      %add3A_414 = arith.constant 40 : i32
      %add3A_415 = arith.addi %add3A_414, %scan3A_321 : i32
      %swap3A_416 = arith.index_cast %add3A_415 : i32 to index
      %swap3A_417 = arith.constant 32 : index
      %swap3A_418 = tpu.vector_load %arg19[%swap3A_416, %swap3A_417] {strides = array<i32>} : memref<80x144xf32, #tpu.memory_space<vmem>>, vector<1x16xf32>,
      %swap3A_419 = vector.shape_cast %swap3A_418 : vector<1x16xf32> to vector<16xf32>
      %swap3A_420 = vector.shape_cast %max3A_413 : vector<16xf32> to vector<1x16xf32>
      tpu.vector_store %arg19[%swap3A_416, %swap3A_417], %swap3A_420 {strides = array<i32>} : memref<80x144xf32, #tpu.memory_space<vmem>>, vector<1x16xf32>,
      %add3A_421 = arith.addf %bitcast_convert_type3A_396, %bitcast_convert_type3A_402 : vector<16xf32>
      %add3A_422 = arith.addf %add3A_421, %bitcast_convert_type3A_408 : vector<16xf32>
      %max3A_423 = arith.constant 0.000000e+00 : f32
      %max3A_424 = vector.broadcast %max3A_423 : f32 to vector<16xf32>
      %max3A_425 = arith.maximumf %add3A_422, %max3A_424 : vector<16xf32>
      %add3A_426 = arith.constant 40 : i32
      %add3A_427 = arith.addi %add3A_426, %scan3A_321 : i32
      %swap3A_428 = arith.index_cast %add3A_427 : i32 to index
      %swap3A_429 = arith.constant 48 : index
      %swap3A_430 = tpu.vector_load %arg19[%swap3A_428, %swap3A_429] {strides = array<i32>} : memref<80x144xf32, #tpu.memory_space<vmem>>, vector<1x16xf32>,
      %swap3A_431 = vector.shape_cast %swap3A_430 : vector<1x16xf32> to vector<16xf32>
      %swap3A_432 = vector.shape_cast %max3A_425 : vector<16xf32> to vector<1x16xf32>
      tpu.vector_store %arg19[%swap3A_428, %swap3A_429], %swap3A_432 {strides = array<i32>} : memref<80x144xf32, #tpu.memory_space<vmem>>, vector<1x16xf32>,
      %add3A_433 = arith.constant 40 : i32
      %add3A_434 = arith.addi %add3A_433, %scan3A_321 : i32
      %get3A_435 = arith.index_cast %add3A_434 : i32 to index
      %get3A_436 = arith.constant 32 : index
      %get3A_437 = tpu.vector_load %arg13[%get3A_435, %get3A_436] {strides = array<i32>} : memref<80x64xi32, #tpu.memory_space<vmem>>, vector<1x16xi32>,
      %get3A_438 = vector.shape_cast %get3A_437 : vector<1x16xi32> to vector<16xi32>
      %add3A_439 = arith.constant 40 : i32
      %add3A_440 = arith.addi %add3A_439, %scan3A_321 : i32
      %get3A_441 = arith.index_cast %add3A_440 : i32 to index
      %get3A_442 = arith.constant 32 : index
      %get3A_443 = tpu.vector_load %arg15[%get3A_441, %get3A_442] {strides = array<i32>} : memref<80x64xi32, #tpu.memory_space<vmem>>, vector<1x16xi32>,
      %get3A_444 = vector.shape_cast %get3A_443 : vector<1x16xi32> to vector<16xi32>
      %get3A_445 = arith.index_cast %scan3A_321 : i32 to index
      %get3A_446 = arith.constant 32 : index
      %get3A_447 = tpu.vector_load %arg18[%get3A_445, %get3A_446] {strides = array<i32>} : memref<40x64xi32, #tpu.memory_space<vmem>>, vector<1x16xi32>,
      %get3A_448 = vector.shape_cast %get3A_447 : vector<1x16xi32> to vector<16xi32>
      %shift_left3A_449 = arith.constant 16 : i32
      %shift_left3A_450 = vector.broadcast %shift_left3A_449 : i32 to vector<16xi32>
      %shift_left3A_451 = arith.shli %get3A_438, %shift_left3A_450 : vector<16xi32>
      %bitcast_convert_type3A_452 = tpu.bitcast %shift_left3A_451 : vector<16xi32> -> vector<16xf32>
      %and3A_453 = arith.andi %get3A_438, %broadcast_in_dim3A_168 : vector<16xi32>
      %bitcast_convert_type3A_454 = tpu.bitcast %and3A_453 : vector<16xi32> -> vector<16xf32>
      %shift_left3A_455 = arith.constant 16 : i32
      %shift_left3A_456 = vector.broadcast %shift_left3A_455 : i32 to vector<16xi32>
      %shift_left3A_457 = arith.shli %get3A_444, %shift_left3A_456 : vector<16xi32>
      %bitcast_convert_type3A_458 = tpu.bitcast %shift_left3A_457 : vector<16xi32> -> vector<16xf32>
      %and3A_459 = arith.andi %get3A_444, %broadcast_in_dim3A_168 : vector<16xi32>
      %bitcast_convert_type3A_460 = tpu.bitcast %and3A_459 : vector<16xi32> -> vector<16xf32>
      %shift_left3A_461 = arith.constant 16 : i32
      %shift_left3A_462 = vector.broadcast %shift_left3A_461 : i32 to vector<16xi32>
      %shift_left3A_463 = arith.shli %get3A_448, %shift_left3A_462 : vector<16xi32>
      %bitcast_convert_type3A_464 = tpu.bitcast %shift_left3A_463 : vector<16xi32> -> vector<16xf32>
      %and3A_465 = arith.andi %get3A_448, %broadcast_in_dim3A_168 : vector<16xi32>
      %bitcast_convert_type3A_466 = tpu.bitcast %and3A_465 : vector<16xi32> -> vector<16xf32>
      %add3A_467 = arith.addf %bitcast_convert_type3A_452, %bitcast_convert_type3A_458 : vector<16xf32>
      %add3A_468 = arith.addf %add3A_467, %bitcast_convert_type3A_464 : vector<16xf32>
      %max3A_469 = arith.constant 0.000000e+00 : f32
      %max3A_470 = vector.broadcast %max3A_469 : f32 to vector<16xf32>
      %max3A_471 = arith.maximumf %add3A_468, %max3A_470 : vector<16xf32>
      %add3A_472 = arith.constant 40 : i32
      %add3A_473 = arith.addi %add3A_472, %scan3A_321 : i32
      %swap3A_474 = arith.index_cast %add3A_473 : i32 to index
      %swap3A_475 = arith.constant 64 : index
      %swap3A_476 = tpu.vector_load %arg19[%swap3A_474, %swap3A_475] {strides = array<i32>} : memref<80x144xf32, #tpu.memory_space<vmem>>, vector<1x16xf32>,
      %swap3A_477 = vector.shape_cast %swap3A_476 : vector<1x16xf32> to vector<16xf32>
      %swap3A_478 = vector.shape_cast %max3A_471 : vector<16xf32> to vector<1x16xf32>
      tpu.vector_store %arg19[%swap3A_474, %swap3A_475], %swap3A_478 {strides = array<i32>} : memref<80x144xf32, #tpu.memory_space<vmem>>, vector<1x16xf32>,
      %add3A_479 = arith.addf %bitcast_convert_type3A_454, %bitcast_convert_type3A_460 : vector<16xf32>
      %add3A_480 = arith.addf %add3A_479, %bitcast_convert_type3A_466 : vector<16xf32>
      %max3A_481 = arith.constant 0.000000e+00 : f32
      %max3A_482 = vector.broadcast %max3A_481 : f32 to vector<16xf32>
      %max3A_483 = arith.maximumf %add3A_480, %max3A_482 : vector<16xf32>
      %add3A_484 = arith.constant 40 : i32
      %add3A_485 = arith.addi %add3A_484, %scan3A_321 : i32
      %swap3A_486 = arith.index_cast %add3A_485 : i32 to index
      %swap3A_487 = arith.constant 80 : index
      %swap3A_488 = tpu.vector_load %arg19[%swap3A_486, %swap3A_487] {strides = array<i32>} : memref<80x144xf32, #tpu.memory_space<vmem>>, vector<1x16xf32>,
      %swap3A_489 = vector.shape_cast %swap3A_488 : vector<1x16xf32> to vector<16xf32>
      %swap3A_490 = vector.shape_cast %max3A_483 : vector<16xf32> to vector<1x16xf32>
      tpu.vector_store %arg19[%swap3A_486, %swap3A_487], %swap3A_490 {strides = array<i32>} : memref<80x144xf32, #tpu.memory_space<vmem>>, vector<1x16xf32>,
      %add3A_491 = arith.constant 40 : i32
      %add3A_492 = arith.addi %add3A_491, %scan3A_321 : i32
      %get3A_493 = arith.index_cast %add3A_492 : i32 to index
      %get3A_494 = arith.constant 48 : index
      %get3A_495 = tpu.vector_load %arg13[%get3A_493, %get3A_494] {strides = array<i32>} : memref<80x64xi32, #tpu.memory_space<vmem>>, vector<1x16xi32>,
      %get3A_496 = vector.shape_cast %get3A_495 : vector<1x16xi32> to vector<16xi32>
      %add3A_497 = arith.constant 40 : i32
      %add3A_498 = arith.addi %add3A_497, %scan3A_321 : i32
      %get3A_499 = arith.index_cast %add3A_498 : i32 to index
      %get3A_500 = arith.constant 48 : index
      %get3A_501 = tpu.vector_load %arg15[%get3A_499, %get3A_500] {strides = array<i32>} : memref<80x64xi32, #tpu.memory_space<vmem>>, vector<1x16xi32>,
      %get3A_502 = vector.shape_cast %get3A_501 : vector<1x16xi32> to vector<16xi32>
      %get3A_503 = arith.index_cast %scan3A_321 : i32 to index
      %get3A_504 = arith.constant 48 : index
      %get3A_505 = tpu.vector_load %arg18[%get3A_503, %get3A_504] {strides = array<i32>} : memref<40x64xi32, #tpu.memory_space<vmem>>, vector<1x16xi32>,
      %get3A_506 = vector.shape_cast %get3A_505 : vector<1x16xi32> to vector<16xi32>
      %shift_left3A_507 = arith.constant 16 : i32
      %shift_left3A_508 = vector.broadcast %shift_left3A_507 : i32 to vector<16xi32>
      %shift_left3A_509 = arith.shli %get3A_496, %shift_left3A_508 : vector<16xi32>
      %bitcast_convert_type3A_510 = tpu.bitcast %shift_left3A_509 : vector<16xi32> -> vector<16xf32>
      %and3A_511 = arith.andi %get3A_496, %broadcast_in_dim3A_168 : vector<16xi32>
      %bitcast_convert_type3A_512 = tpu.bitcast %and3A_511 : vector<16xi32> -> vector<16xf32>
      %shift_left3A_513 = arith.constant 16 : i32
      %shift_left3A_514 = vector.broadcast %shift_left3A_513 : i32 to vector<16xi32>
      %shift_left3A_515 = arith.shli %get3A_502, %shift_left3A_514 : vector<16xi32>
      %bitcast_convert_type3A_516 = tpu.bitcast %shift_left3A_515 : vector<16xi32> -> vector<16xf32>
      %and3A_517 = arith.andi %get3A_502, %broadcast_in_dim3A_168 : vector<16xi32>
      %bitcast_convert_type3A_518 = tpu.bitcast %and3A_517 : vector<16xi32> -> vector<16xf32>
      %shift_left3A_519 = arith.constant 16 : i32
      %shift_left3A_520 = vector.broadcast %shift_left3A_519 : i32 to vector<16xi32>
      %shift_left3A_521 = arith.shli %get3A_506, %shift_left3A_520 : vector<16xi32>
      %bitcast_convert_type3A_522 = tpu.bitcast %shift_left3A_521 : vector<16xi32> -> vector<16xf32>
      %and3A_523 = arith.andi %get3A_506, %broadcast_in_dim3A_168 : vector<16xi32>
      %bitcast_convert_type3A_524 = tpu.bitcast %and3A_523 : vector<16xi32> -> vector<16xf32>
      %add3A_525 = arith.addf %bitcast_convert_type3A_510, %bitcast_convert_type3A_516 : vector<16xf32>
      %add3A_526 = arith.addf %add3A_525, %bitcast_convert_type3A_522 : vector<16xf32>
      %max3A_527 = arith.constant 0.000000e+00 : f32
      %max3A_528 = vector.broadcast %max3A_527 : f32 to vector<16xf32>
      %max3A_529 = arith.maximumf %add3A_526, %max3A_528 : vector<16xf32>
      %add3A_530 = arith.constant 40 : i32
      %add3A_531 = arith.addi %add3A_530, %scan3A_321 : i32
      %swap3A_532 = arith.index_cast %add3A_531 : i32 to index
      %swap3A_533 = arith.constant 96 : index
      %swap3A_534 = tpu.vector_load %arg19[%swap3A_532, %swap3A_533] {strides = array<i32>} : memref<80x144xf32, #tpu.memory_space<vmem>>, vector<1x16xf32>,
      %swap3A_535 = vector.shape_cast %swap3A_534 : vector<1x16xf32> to vector<16xf32>
      %swap3A_536 = vector.shape_cast %max3A_529 : vector<16xf32> to vector<1x16xf32>
      tpu.vector_store %arg19[%swap3A_532, %swap3A_533], %swap3A_536 {strides = array<i32>} : memref<80x144xf32, #tpu.memory_space<vmem>>, vector<1x16xf32>,
      %add3A_537 = arith.addf %bitcast_convert_type3A_512, %bitcast_convert_type3A_518 : vector<16xf32>
      %add3A_538 = arith.addf %add3A_537, %bitcast_convert_type3A_524 : vector<16xf32>
      %max3A_539 = arith.constant 0.000000e+00 : f32
      %max3A_540 = vector.broadcast %max3A_539 : f32 to vector<16xf32>
      %max3A_541 = arith.maximumf %add3A_538, %max3A_540 : vector<16xf32>
      %add3A_542 = arith.constant 40 : i32
      %add3A_543 = arith.addi %add3A_542, %scan3A_321 : i32
      %swap3A_544 = arith.index_cast %add3A_543 : i32 to index
      %swap3A_545 = arith.constant 112 : index
      %swap3A_546 = tpu.vector_load %arg19[%swap3A_544, %swap3A_545] {strides = array<i32>} : memref<80x144xf32, #tpu.memory_space<vmem>>, vector<1x16xf32>,
      %swap3A_547 = vector.shape_cast %swap3A_546 : vector<1x16xf32> to vector<16xf32>
      %swap3A_548 = vector.shape_cast %max3A_541 : vector<16xf32> to vector<1x16xf32>
      tpu.vector_store %arg19[%swap3A_544, %swap3A_545], %swap3A_548 {strides = array<i32>} : memref<80x144xf32, #tpu.memory_space<vmem>>, vector<1x16xf32>,
      %scan3A_549 = arith.constant 0 : i32
      scf.yield %scan3A_549 : i32
    }
    %scan3A_207 = arith.constant 40 : i32
    "tpu.region"() ({
      %run_scoped3A = tpu.sem_alloc : memref<!tpu.dma_semaphore, #tpu.memory_space<semaphore_mem>>
      %dma_start3A_321 = arith.constant 0 : i32
      %dma_start3A_322 = arith.constant 0 : i32
      %dma_start3A_323 = tpu.memref_slice %arg8[%dma_start3A_321, %dma_start3A_322] : memref<10000x144xf32, #tpu.memory_space<vmem_shared>> -> memref<10000x144xf32, #tpu.memory_space<vmem_shared>>
      tpu.enqueue_indirect_dma source(%arg19 : memref<80x144xf32, #tpu.memory_space<vmem>>) target(%dma_start3A_323 : memref<10000x144xf32, #tpu.memory_space<vmem_shared>>) offsets(%arg11 : memref<80xi32, #tpu.memory_space<vmem>>) semaphore(%run_scoped3A : memref<!tpu.dma_semaphore, #tpu.memory_space<semaphore_mem>>) {add = true}
      %dma_wait3A_324 = arith.constant 0 : i32
      %dma_wait3A_325 = arith.constant 0 : i32
      %dma_wait3A_326 = tpu.memref_slice %arg8[%dma_wait3A_324, %dma_wait3A_325] : memref<10000x144xf32, #tpu.memory_space<vmem_shared>> -> memref<10000x144xf32, #tpu.memory_space<vmem_shared>>
      tpu.wait_indirect_dma semaphore(%run_scoped3A : memref<!tpu.dma_semaphore, #tpu.memory_space<semaphore_mem>>) src(%arg19 : memref<80x144xf32, #tpu.memory_space<vmem>>) dst(%dma_wait3A_326 : memref<10000x144xf32, #tpu.memory_space<vmem_shared>>)
      tpu.yield
    }) : () -> ()
    %barrier3A_208 = arith.constant 0 : index
    tpu.barrier barrier_id(%barrier3A_208)
    %add3A_209 = arith.constant 0 : i32
    %add3A_210 = arith.addi %arg1, %add3A_209 : i32
    %lt3A_211 = arith.constant 250 : i32
    %lt3A_212 = arith.cmpi slt, %add3A_210, %lt3A_211 : i32
    %convert_element_type3A_213 = arith.extui %lt3A_212 : i1 to i32
    %cond3A_214 = arith.constant 0 : i32
    %cond3A_215 = arith.cmpi ne, %convert_element_type3A_213, %cond3A_214 : i32
    scf.if %cond3A_215 {
      %mul3A_321 = arith.constant 40 : i32
      %mul3A_322 = arith.muli %add3A_210, %mul3A_321 : i32
      "tpu.region"() ({
        %run_scoped3A = tpu.sem_alloc : memref<!tpu.dma_semaphore, #tpu.memory_space<semaphore_mem>>
        %dma_start3A_328 = arith.constant 0 : i32
        %dma_start3A_329 = arith.constant 0 : i32
        %dma_start3A_330 = tpu.memref_slice %arg19[%dma_start3A_328, %dma_start3A_329] : memref<80x144xf32, #tpu.memory_space<vmem>> -> memref<40x144xf32, #tpu.memory_space<vmem>>
        %dma_start3A_331 = arith.constant 0 : i32
        %dma_start3A_332 = tpu.memref_slice %arg8[%mul3A_322, %dma_start3A_331] : memref<10000x144xf32, #tpu.memory_space<vmem_shared>> -> memref<40x144xf32, #tpu.memory_space<vmem_shared>>
        %dma_start3A_333 = arith.constant 0 : i32
        %dma_start3A_334 = arith.constant 0 : i32
        %dma_start3A_335 = tpu.memref_slice %arg19[%dma_start3A_333, %dma_start3A_334] : memref<80x144xf32, #tpu.memory_space<vmem>> -> memref<40x144xf32, #tpu.memory_space<vmem>>
        %dma_start3A_336 = arith.constant 0 : i32
        %dma_start3A_337 = tpu.memref_slice %arg8[%mul3A_322, %dma_start3A_336] : memref<10000x144xf32, #tpu.memory_space<vmem_shared>> -> memref<40x144xf32, #tpu.memory_space<vmem_shared>>
        tpu.enqueue_dma source(%dma_start3A_337 : memref<40x144xf32, #tpu.memory_space<vmem_shared>>) target(%dma_start3A_335 : memref<40x144xf32, #tpu.memory_space<vmem>>) target_semaphore(%run_scoped3A : memref<!tpu.dma_semaphore, #tpu.memory_space<semaphore_mem>>)
        %dma_wait3A_338 = arith.constant 0 : i32
        %dma_wait3A_339 = arith.constant 0 : i32
        %dma_wait3A_340 = tpu.memref_slice %arg19[%dma_wait3A_338, %dma_wait3A_339] : memref<80x144xf32, #tpu.memory_space<vmem>> -> memref<40x144xf32, #tpu.memory_space<vmem>>
        %dma_wait3A_341 = arith.constant 0 : i32
        %dma_wait3A_342 = tpu.memref_slice %arg8[%mul3A_322, %dma_wait3A_341] : memref<10000x144xf32, #tpu.memory_space<vmem_shared>> -> memref<40x144xf32, #tpu.memory_space<vmem_shared>>
        %dma_wait3A_343 = arith.constant 0 : i32
        %dma_wait3A_344 = arith.constant 0 : i32
        %dma_wait3A_345 = tpu.memref_slice %arg19[%dma_wait3A_343, %dma_wait3A_344] : memref<80x144xf32, #tpu.memory_space<vmem>> -> memref<40x144xf32, #tpu.memory_space<vmem>>
        %dma_wait3A_346 = arith.constant 0 : i32
        %dma_wait3A_347 = tpu.memref_slice %arg8[%mul3A_322, %dma_wait3A_346] : memref<10000x144xf32, #tpu.memory_space<vmem_shared>> -> memref<40x144xf32, #tpu.memory_space<vmem_shared>>
        tpu.wait_dma2 semaphore(%run_scoped3A : memref<!tpu.dma_semaphore, #tpu.memory_space<semaphore_mem>>) src(%dma_wait3A_347 : memref<40x144xf32, #tpu.memory_space<vmem_shared>>) dst(%dma_wait3A_345 : memref<40x144xf32, #tpu.memory_space<vmem>>)
        tpu.yield
      }) : () -> ()
      %mul3A_323 = arith.constant 10000 : i32
      %mul3A_324 = arith.muli %arg0, %mul3A_323 : i32
      %mul3A_325 = arith.constant 40 : i32
      %mul3A_326 = arith.muli %add3A_210, %mul3A_325 : i32
      %add3A_327 = arith.addi %mul3A_324, %mul3A_326 : i32
      "tpu.region"() ({
        %run_scoped3A = tpu.sem_alloc : memref<!tpu.dma_semaphore, #tpu.memory_space<semaphore_mem>>
        %dma_start3A_328 = arith.constant 0 : i32
        %dma_start3A_329 = arith.constant 0 : i32
        %dma_start3A_330 = tpu.memref_slice %arg19[%dma_start3A_328, %dma_start3A_329] : memref<80x144xf32, #tpu.memory_space<vmem>> -> memref<40x144xf32, #tpu.memory_space<vmem>>
        %dma_start3A_331 = arith.constant 0 : i32
        %dma_start3A_332 = tpu.memref_slice %arg7[%add3A_327, %dma_start3A_331] : memref<20000x144xf32, #tpu.memory_space<hbm>> -> memref<40x144xf32, #tpu.memory_space<hbm>>
        %dma_start3A_333 = arith.constant 0 : i32
        %dma_start3A_334 = tpu.memref_slice %arg7[%add3A_327, %dma_start3A_333] : memref<20000x144xf32, #tpu.memory_space<hbm>> -> memref<40x144xf32, #tpu.memory_space<hbm>>
        %dma_start3A_335 = arith.constant 0 : i32
        %dma_start3A_336 = arith.constant 0 : i32
        %dma_start3A_337 = tpu.memref_slice %arg19[%dma_start3A_335, %dma_start3A_336] : memref<80x144xf32, #tpu.memory_space<vmem>> -> memref<40x144xf32, #tpu.memory_space<vmem>>
        tpu.enqueue_dma source(%dma_start3A_337 : memref<40x144xf32, #tpu.memory_space<vmem>>) target(%dma_start3A_334 : memref<40x144xf32, #tpu.memory_space<hbm>>) target_semaphore(%run_scoped3A : memref<!tpu.dma_semaphore, #tpu.memory_space<semaphore_mem>>)
        %dma_wait3A_338 = arith.constant 0 : i32
        %dma_wait3A_339 = arith.constant 0 : i32
        %dma_wait3A_340 = tpu.memref_slice %arg19[%dma_wait3A_338, %dma_wait3A_339] : memref<80x144xf32, #tpu.memory_space<vmem>> -> memref<40x144xf32, #tpu.memory_space<vmem>>
        %dma_wait3A_341 = arith.constant 0 : i32
        %dma_wait3A_342 = tpu.memref_slice %arg7[%add3A_327, %dma_wait3A_341] : memref<20000x144xf32, #tpu.memory_space<hbm>> -> memref<40x144xf32, #tpu.memory_space<hbm>>
        %dma_wait3A_343 = arith.constant 0 : i32
        %dma_wait3A_344 = tpu.memref_slice %arg7[%add3A_327, %dma_wait3A_343] : memref<20000x144xf32, #tpu.memory_space<hbm>> -> memref<40x144xf32, #tpu.memory_space<hbm>>
        %dma_wait3A_345 = arith.constant 0 : i32
        %dma_wait3A_346 = arith.constant 0 : i32
        %dma_wait3A_347 = tpu.memref_slice %arg19[%dma_wait3A_345, %dma_wait3A_346] : memref<80x144xf32, #tpu.memory_space<vmem>> -> memref<40x144xf32, #tpu.memory_space<vmem>>
        tpu.wait_dma2 semaphore(%run_scoped3A : memref<!tpu.dma_semaphore, #tpu.memory_space<semaphore_mem>>) src(%dma_wait3A_347 : memref<40x144xf32, #tpu.memory_space<vmem>>) dst(%dma_wait3A_344 : memref<40x144xf32, #tpu.memory_space<hbm>>)
        tpu.yield
      }) : () -> ()
    } else {
    }
    %add3A_216 = arith.constant 16 : i32
    %add3A_217 = arith.addi %arg1, %add3A_216 : i32
    %lt3A_218 = arith.constant 250 : i32
    %lt3A_219 = arith.cmpi slt, %add3A_217, %lt3A_218 : i32
    %convert_element_type3A_220 = arith.extui %lt3A_219 : i1 to i32
    %cond3A_221 = arith.constant 0 : i32
    %cond3A_222 = arith.cmpi ne, %convert_element_type3A_220, %cond3A_221 : i32
    scf.if %cond3A_222 {
      %mul3A_321 = arith.constant 40 : i32
      %mul3A_322 = arith.muli %add3A_217, %mul3A_321 : i32
      "tpu.region"() ({
        %run_scoped3A = tpu.sem_alloc : memref<!tpu.dma_semaphore, #tpu.memory_space<semaphore_mem>>
        %dma_start3A_328 = arith.constant 0 : i32
        %dma_start3A_329 = arith.constant 0 : i32
        %dma_start3A_330 = tpu.memref_slice %arg19[%dma_start3A_328, %dma_start3A_329] : memref<80x144xf32, #tpu.memory_space<vmem>> -> memref<40x144xf32, #tpu.memory_space<vmem>>
        %dma_start3A_331 = arith.constant 0 : i32
        %dma_start3A_332 = tpu.memref_slice %arg8[%mul3A_322, %dma_start3A_331] : memref<10000x144xf32, #tpu.memory_space<vmem_shared>> -> memref<40x144xf32, #tpu.memory_space<vmem_shared>>
        %dma_start3A_333 = arith.constant 0 : i32
        %dma_start3A_334 = arith.constant 0 : i32
        %dma_start3A_335 = tpu.memref_slice %arg19[%dma_start3A_333, %dma_start3A_334] : memref<80x144xf32, #tpu.memory_space<vmem>> -> memref<40x144xf32, #tpu.memory_space<vmem>>
        %dma_start3A_336 = arith.constant 0 : i32
        %dma_start3A_337 = tpu.memref_slice %arg8[%mul3A_322, %dma_start3A_336] : memref<10000x144xf32, #tpu.memory_space<vmem_shared>> -> memref<40x144xf32, #tpu.memory_space<vmem_shared>>
        tpu.enqueue_dma source(%dma_start3A_337 : memref<40x144xf32, #tpu.memory_space<vmem_shared>>) target(%dma_start3A_335 : memref<40x144xf32, #tpu.memory_space<vmem>>) target_semaphore(%run_scoped3A : memref<!tpu.dma_semaphore, #tpu.memory_space<semaphore_mem>>)
        %dma_wait3A_338 = arith.constant 0 : i32
        %dma_wait3A_339 = arith.constant 0 : i32
        %dma_wait3A_340 = tpu.memref_slice %arg19[%dma_wait3A_338, %dma_wait3A_339] : memref<80x144xf32, #tpu.memory_space<vmem>> -> memref<40x144xf32, #tpu.memory_space<vmem>>
        %dma_wait3A_341 = arith.constant 0 : i32
        %dma_wait3A_342 = tpu.memref_slice %arg8[%mul3A_322, %dma_wait3A_341] : memref<10000x144xf32, #tpu.memory_space<vmem_shared>> -> memref<40x144xf32, #tpu.memory_space<vmem_shared>>
        %dma_wait3A_343 = arith.constant 0 : i32
        %dma_wait3A_344 = arith.constant 0 : i32
        %dma_wait3A_345 = tpu.memref_slice %arg19[%dma_wait3A_343, %dma_wait3A_344] : memref<80x144xf32, #tpu.memory_space<vmem>> -> memref<40x144xf32, #tpu.memory_space<vmem>>
        %dma_wait3A_346 = arith.constant 0 : i32
        %dma_wait3A_347 = tpu.memref_slice %arg8[%mul3A_322, %dma_wait3A_346] : memref<10000x144xf32, #tpu.memory_space<vmem_shared>> -> memref<40x144xf32, #tpu.memory_space<vmem_shared>>
        tpu.wait_dma2 semaphore(%run_scoped3A : memref<!tpu.dma_semaphore, #tpu.memory_space<semaphore_mem>>) src(%dma_wait3A_347 : memref<40x144xf32, #tpu.memory_space<vmem_shared>>) dst(%dma_wait3A_345 : memref<40x144xf32, #tpu.memory_space<vmem>>)
        tpu.yield
      }) : () -> ()
      %mul3A_323 = arith.constant 10000 : i32
      %mul3A_324 = arith.muli %arg0, %mul3A_323 : i32
      %mul3A_325 = arith.constant 40 : i32
      %mul3A_326 = arith.muli %add3A_217, %mul3A_325 : i32
      %add3A_327 = arith.addi %mul3A_324, %mul3A_326 : i32
      "tpu.region"() ({
        %run_scoped3A = tpu.sem_alloc : memref<!tpu.dma_semaphore, #tpu.memory_space<semaphore_mem>>
        %dma_start3A_328 = arith.constant 0 : i32
        %dma_start3A_329 = arith.constant 0 : i32
        %dma_start3A_330 = tpu.memref_slice %arg19[%dma_start3A_328, %dma_start3A_329] : memref<80x144xf32, #tpu.memory_space<vmem>> -> memref<40x144xf32, #tpu.memory_space<vmem>>
        %dma_start3A_331 = arith.constant 0 : i32
        %dma_start3A_332 = tpu.memref_slice %arg7[%add3A_327, %dma_start3A_331] : memref<20000x144xf32, #tpu.memory_space<hbm>> -> memref<40x144xf32, #tpu.memory_space<hbm>>
        %dma_start3A_333 = arith.constant 0 : i32
        %dma_start3A_334 = tpu.memref_slice %arg7[%add3A_327, %dma_start3A_333] : memref<20000x144xf32, #tpu.memory_space<hbm>> -> memref<40x144xf32, #tpu.memory_space<hbm>>
        %dma_start3A_335 = arith.constant 0 : i32
        %dma_start3A_336 = arith.constant 0 : i32
        %dma_start3A_337 = tpu.memref_slice %arg19[%dma_start3A_335, %dma_start3A_336] : memref<80x144xf32, #tpu.memory_space<vmem>> -> memref<40x144xf32, #tpu.memory_space<vmem>>
        tpu.enqueue_dma source(%dma_start3A_337 : memref<40x144xf32, #tpu.memory_space<vmem>>) target(%dma_start3A_334 : memref<40x144xf32, #tpu.memory_space<hbm>>) target_semaphore(%run_scoped3A : memref<!tpu.dma_semaphore, #tpu.memory_space<semaphore_mem>>)
        %dma_wait3A_338 = arith.constant 0 : i32
        %dma_wait3A_339 = arith.constant 0 : i32
        %dma_wait3A_340 = tpu.memref_slice %arg19[%dma_wait3A_338, %dma_wait3A_339] : memref<80x144xf32, #tpu.memory_space<vmem>> -> memref<40x144xf32, #tpu.memory_space<vmem>>
        %dma_wait3A_341 = arith.constant 0 : i32
        %dma_wait3A_342 = tpu.memref_slice %arg7[%add3A_327, %dma_wait3A_341] : memref<20000x144xf32, #tpu.memory_space<hbm>> -> memref<40x144xf32, #tpu.memory_space<hbm>>
        %dma_wait3A_343 = arith.constant 0 : i32
        %dma_wait3A_344 = tpu.memref_slice %arg7[%add3A_327, %dma_wait3A_343] : memref<20000x144xf32, #tpu.memory_space<hbm>> -> memref<40x144xf32, #tpu.memory_space<hbm>>
        %dma_wait3A_345 = arith.constant 0 : i32
        %dma_wait3A_346 = arith.constant 0 : i32
        %dma_wait3A_347 = tpu.memref_slice %arg19[%dma_wait3A_345, %dma_wait3A_346] : memref<80x144xf32, #tpu.memory_space<vmem>> -> memref<40x144xf32, #tpu.memory_space<vmem>>
        tpu.wait_dma2 semaphore(%run_scoped3A : memref<!tpu.dma_semaphore, #tpu.memory_space<semaphore_mem>>) src(%dma_wait3A_347 : memref<40x144xf32, #tpu.memory_space<vmem>>) dst(%dma_wait3A_344 : memref<40x144xf32, #tpu.memory_space<hbm>>)
        tpu.yield
      }) : () -> ()
    } else {
    }
    %add3A_223 = arith.constant 32 : i32
    %add3A_224 = arith.addi %arg1, %add3A_223 : i32
    %lt3A_225 = arith.constant 250 : i32
    %lt3A_226 = arith.cmpi slt, %add3A_224, %lt3A_225 : i32
    %convert_element_type3A_227 = arith.extui %lt3A_226 : i1 to i32
    %cond3A_228 = arith.constant 0 : i32
    %cond3A_229 = arith.cmpi ne, %convert_element_type3A_227, %cond3A_228 : i32
    scf.if %cond3A_229 {
      %mul3A_321 = arith.constant 40 : i32
      %mul3A_322 = arith.muli %add3A_224, %mul3A_321 : i32
      "tpu.region"() ({
        %run_scoped3A = tpu.sem_alloc : memref<!tpu.dma_semaphore, #tpu.memory_space<semaphore_mem>>
        %dma_start3A_328 = arith.constant 0 : i32
        %dma_start3A_329 = arith.constant 0 : i32
        %dma_start3A_330 = tpu.memref_slice %arg19[%dma_start3A_328, %dma_start3A_329] : memref<80x144xf32, #tpu.memory_space<vmem>> -> memref<40x144xf32, #tpu.memory_space<vmem>>
        %dma_start3A_331 = arith.constant 0 : i32
        %dma_start3A_332 = tpu.memref_slice %arg8[%mul3A_322, %dma_start3A_331] : memref<10000x144xf32, #tpu.memory_space<vmem_shared>> -> memref<40x144xf32, #tpu.memory_space<vmem_shared>>
        %dma_start3A_333 = arith.constant 0 : i32
        %dma_start3A_334 = arith.constant 0 : i32
        %dma_start3A_335 = tpu.memref_slice %arg19[%dma_start3A_333, %dma_start3A_334] : memref<80x144xf32, #tpu.memory_space<vmem>> -> memref<40x144xf32, #tpu.memory_space<vmem>>
        %dma_start3A_336 = arith.constant 0 : i32
        %dma_start3A_337 = tpu.memref_slice %arg8[%mul3A_322, %dma_start3A_336] : memref<10000x144xf32, #tpu.memory_space<vmem_shared>> -> memref<40x144xf32, #tpu.memory_space<vmem_shared>>
        tpu.enqueue_dma source(%dma_start3A_337 : memref<40x144xf32, #tpu.memory_space<vmem_shared>>) target(%dma_start3A_335 : memref<40x144xf32, #tpu.memory_space<vmem>>) target_semaphore(%run_scoped3A : memref<!tpu.dma_semaphore, #tpu.memory_space<semaphore_mem>>)
        %dma_wait3A_338 = arith.constant 0 : i32
        %dma_wait3A_339 = arith.constant 0 : i32
        %dma_wait3A_340 = tpu.memref_slice %arg19[%dma_wait3A_338, %dma_wait3A_339] : memref<80x144xf32, #tpu.memory_space<vmem>> -> memref<40x144xf32, #tpu.memory_space<vmem>>
        %dma_wait3A_341 = arith.constant 0 : i32
        %dma_wait3A_342 = tpu.memref_slice %arg8[%mul3A_322, %dma_wait3A_341] : memref<10000x144xf32, #tpu.memory_space<vmem_shared>> -> memref<40x144xf32, #tpu.memory_space<vmem_shared>>
        %dma_wait3A_343 = arith.constant 0 : i32
        %dma_wait3A_344 = arith.constant 0 : i32
        %dma_wait3A_345 = tpu.memref_slice %arg19[%dma_wait3A_343, %dma_wait3A_344] : memref<80x144xf32, #tpu.memory_space<vmem>> -> memref<40x144xf32, #tpu.memory_space<vmem>>
        %dma_wait3A_346 = arith.constant 0 : i32
        %dma_wait3A_347 = tpu.memref_slice %arg8[%mul3A_322, %dma_wait3A_346] : memref<10000x144xf32, #tpu.memory_space<vmem_shared>> -> memref<40x144xf32, #tpu.memory_space<vmem_shared>>
        tpu.wait_dma2 semaphore(%run_scoped3A : memref<!tpu.dma_semaphore, #tpu.memory_space<semaphore_mem>>) src(%dma_wait3A_347 : memref<40x144xf32, #tpu.memory_space<vmem_shared>>) dst(%dma_wait3A_345 : memref<40x144xf32, #tpu.memory_space<vmem>>)
        tpu.yield
      }) : () -> ()
      %mul3A_323 = arith.constant 10000 : i32
      %mul3A_324 = arith.muli %arg0, %mul3A_323 : i32
      %mul3A_325 = arith.constant 40 : i32
      %mul3A_326 = arith.muli %add3A_224, %mul3A_325 : i32
      %add3A_327 = arith.addi %mul3A_324, %mul3A_326 : i32
      "tpu.region"() ({
        %run_scoped3A = tpu.sem_alloc : memref<!tpu.dma_semaphore, #tpu.memory_space<semaphore_mem>>
        %dma_start3A_328 = arith.constant 0 : i32
        %dma_start3A_329 = arith.constant 0 : i32
        %dma_start3A_330 = tpu.memref_slice %arg19[%dma_start3A_328, %dma_start3A_329] : memref<80x144xf32, #tpu.memory_space<vmem>> -> memref<40x144xf32, #tpu.memory_space<vmem>>
        %dma_start3A_331 = arith.constant 0 : i32
        %dma_start3A_332 = tpu.memref_slice %arg7[%add3A_327, %dma_start3A_331] : memref<20000x144xf32, #tpu.memory_space<hbm>> -> memref<40x144xf32, #tpu.memory_space<hbm>>
        %dma_start3A_333 = arith.constant 0 : i32
        %dma_start3A_334 = tpu.memref_slice %arg7[%add3A_327, %dma_start3A_333] : memref<20000x144xf32, #tpu.memory_space<hbm>> -> memref<40x144xf32, #tpu.memory_space<hbm>>
        %dma_start3A_335 = arith.constant 0 : i32
        %dma_start3A_336 = arith.constant 0 : i32
        %dma_start3A_337 = tpu.memref_slice %arg19[%dma_start3A_335, %dma_start3A_336] : memref<80x144xf32, #tpu.memory_space<vmem>> -> memref<40x144xf32, #tpu.memory_space<vmem>>
        tpu.enqueue_dma source(%dma_start3A_337 : memref<40x144xf32, #tpu.memory_space<vmem>>) target(%dma_start3A_334 : memref<40x144xf32, #tpu.memory_space<hbm>>) target_semaphore(%run_scoped3A : memref<!tpu.dma_semaphore, #tpu.memory_space<semaphore_mem>>)
        %dma_wait3A_338 = arith.constant 0 : i32
        %dma_wait3A_339 = arith.constant 0 : i32
        %dma_wait3A_340 = tpu.memref_slice %arg19[%dma_wait3A_338, %dma_wait3A_339] : memref<80x144xf32, #tpu.memory_space<vmem>> -> memref<40x144xf32, #tpu.memory_space<vmem>>
        %dma_wait3A_341 = arith.constant 0 : i32
        %dma_wait3A_342 = tpu.memref_slice %arg7[%add3A_327, %dma_wait3A_341] : memref<20000x144xf32, #tpu.memory_space<hbm>> -> memref<40x144xf32, #tpu.memory_space<hbm>>
        %dma_wait3A_343 = arith.constant 0 : i32
        %dma_wait3A_344 = tpu.memref_slice %arg7[%add3A_327, %dma_wait3A_343] : memref<20000x144xf32, #tpu.memory_space<hbm>> -> memref<40x144xf32, #tpu.memory_space<hbm>>
        %dma_wait3A_345 = arith.constant 0 : i32
        %dma_wait3A_346 = arith.constant 0 : i32
        %dma_wait3A_347 = tpu.memref_slice %arg19[%dma_wait3A_345, %dma_wait3A_346] : memref<80x144xf32, #tpu.memory_space<vmem>> -> memref<40x144xf32, #tpu.memory_space<vmem>>
        tpu.wait_dma2 semaphore(%run_scoped3A : memref<!tpu.dma_semaphore, #tpu.memory_space<semaphore_mem>>) src(%dma_wait3A_347 : memref<40x144xf32, #tpu.memory_space<vmem>>) dst(%dma_wait3A_344 : memref<40x144xf32, #tpu.memory_space<hbm>>)
        tpu.yield
      }) : () -> ()
    } else {
    }
    %add3A_230 = arith.constant 48 : i32
    %add3A_231 = arith.addi %arg1, %add3A_230 : i32
    %lt3A_232 = arith.constant 250 : i32
    %lt3A_233 = arith.cmpi slt, %add3A_231, %lt3A_232 : i32
    %convert_element_type3A_234 = arith.extui %lt3A_233 : i1 to i32
    %cond3A_235 = arith.constant 0 : i32
    %cond3A_236 = arith.cmpi ne, %convert_element_type3A_234, %cond3A_235 : i32
    scf.if %cond3A_236 {
      %mul3A_321 = arith.constant 40 : i32
      %mul3A_322 = arith.muli %add3A_231, %mul3A_321 : i32
      "tpu.region"() ({
        %run_scoped3A = tpu.sem_alloc : memref<!tpu.dma_semaphore, #tpu.memory_space<semaphore_mem>>
        %dma_start3A_328 = arith.constant 0 : i32
        %dma_start3A_329 = arith.constant 0 : i32
        %dma_start3A_330 = tpu.memref_slice %arg19[%dma_start3A_328, %dma_start3A_329] : memref<80x144xf32, #tpu.memory_space<vmem>> -> memref<40x144xf32, #tpu.memory_space<vmem>>
        %dma_start3A_331 = arith.constant 0 : i32
        %dma_start3A_332 = tpu.memref_slice %arg8[%mul3A_322, %dma_start3A_331] : memref<10000x144xf32, #tpu.memory_space<vmem_shared>> -> memref<40x144xf32, #tpu.memory_space<vmem_shared>>
        %dma_start3A_333 = arith.constant 0 : i32
        %dma_start3A_334 = arith.constant 0 : i32
        %dma_start3A_335 = tpu.memref_slice %arg19[%dma_start3A_333, %dma_start3A_334] : memref<80x144xf32, #tpu.memory_space<vmem>> -> memref<40x144xf32, #tpu.memory_space<vmem>>
        %dma_start3A_336 = arith.constant 0 : i32
        %dma_start3A_337 = tpu.memref_slice %arg8[%mul3A_322, %dma_start3A_336] : memref<10000x144xf32, #tpu.memory_space<vmem_shared>> -> memref<40x144xf32, #tpu.memory_space<vmem_shared>>
        tpu.enqueue_dma source(%dma_start3A_337 : memref<40x144xf32, #tpu.memory_space<vmem_shared>>) target(%dma_start3A_335 : memref<40x144xf32, #tpu.memory_space<vmem>>) target_semaphore(%run_scoped3A : memref<!tpu.dma_semaphore, #tpu.memory_space<semaphore_mem>>)
        %dma_wait3A_338 = arith.constant 0 : i32
        %dma_wait3A_339 = arith.constant 0 : i32
        %dma_wait3A_340 = tpu.memref_slice %arg19[%dma_wait3A_338, %dma_wait3A_339] : memref<80x144xf32, #tpu.memory_space<vmem>> -> memref<40x144xf32, #tpu.memory_space<vmem>>
        %dma_wait3A_341 = arith.constant 0 : i32
        %dma_wait3A_342 = tpu.memref_slice %arg8[%mul3A_322, %dma_wait3A_341] : memref<10000x144xf32, #tpu.memory_space<vmem_shared>> -> memref<40x144xf32, #tpu.memory_space<vmem_shared>>
        %dma_wait3A_343 = arith.constant 0 : i32
        %dma_wait3A_344 = arith.constant 0 : i32
        %dma_wait3A_345 = tpu.memref_slice %arg19[%dma_wait3A_343, %dma_wait3A_344] : memref<80x144xf32, #tpu.memory_space<vmem>> -> memref<40x144xf32, #tpu.memory_space<vmem>>
        %dma_wait3A_346 = arith.constant 0 : i32
        %dma_wait3A_347 = tpu.memref_slice %arg8[%mul3A_322, %dma_wait3A_346] : memref<10000x144xf32, #tpu.memory_space<vmem_shared>> -> memref<40x144xf32, #tpu.memory_space<vmem_shared>>
        tpu.wait_dma2 semaphore(%run_scoped3A : memref<!tpu.dma_semaphore, #tpu.memory_space<semaphore_mem>>) src(%dma_wait3A_347 : memref<40x144xf32, #tpu.memory_space<vmem_shared>>) dst(%dma_wait3A_345 : memref<40x144xf32, #tpu.memory_space<vmem>>)
        tpu.yield
      }) : () -> ()
      %mul3A_323 = arith.constant 10000 : i32
      %mul3A_324 = arith.muli %arg0, %mul3A_323 : i32
      %mul3A_325 = arith.constant 40 : i32
      %mul3A_326 = arith.muli %add3A_231, %mul3A_325 : i32
      %add3A_327 = arith.addi %mul3A_324, %mul3A_326 : i32
      "tpu.region"() ({
        %run_scoped3A = tpu.sem_alloc : memref<!tpu.dma_semaphore, #tpu.memory_space<semaphore_mem>>
        %dma_start3A_328 = arith.constant 0 : i32
        %dma_start3A_329 = arith.constant 0 : i32
        %dma_start3A_330 = tpu.memref_slice %arg19[%dma_start3A_328, %dma_start3A_329] : memref<80x144xf32, #tpu.memory_space<vmem>> -> memref<40x144xf32, #tpu.memory_space<vmem>>
        %dma_start3A_331 = arith.constant 0 : i32
        %dma_start3A_332 = tpu.memref_slice %arg7[%add3A_327, %dma_start3A_331] : memref<20000x144xf32, #tpu.memory_space<hbm>> -> memref<40x144xf32, #tpu.memory_space<hbm>>
        %dma_start3A_333 = arith.constant 0 : i32
        %dma_start3A_334 = tpu.memref_slice %arg7[%add3A_327, %dma_start3A_333] : memref<20000x144xf32, #tpu.memory_space<hbm>> -> memref<40x144xf32, #tpu.memory_space<hbm>>
        %dma_start3A_335 = arith.constant 0 : i32
        %dma_start3A_336 = arith.constant 0 : i32
        %dma_start3A_337 = tpu.memref_slice %arg19[%dma_start3A_335, %dma_start3A_336] : memref<80x144xf32, #tpu.memory_space<vmem>> -> memref<40x144xf32, #tpu.memory_space<vmem>>
        tpu.enqueue_dma source(%dma_start3A_337 : memref<40x144xf32, #tpu.memory_space<vmem>>) target(%dma_start3A_334 : memref<40x144xf32, #tpu.memory_space<hbm>>) target_semaphore(%run_scoped3A : memref<!tpu.dma_semaphore, #tpu.memory_space<semaphore_mem>>)
        %dma_wait3A_338 = arith.constant 0 : i32
        %dma_wait3A_339 = arith.constant 0 : i32
        %dma_wait3A_340 = tpu.memref_slice %arg19[%dma_wait3A_338, %dma_wait3A_339] : memref<80x144xf32, #tpu.memory_space<vmem>> -> memref<40x144xf32, #tpu.memory_space<vmem>>
        %dma_wait3A_341 = arith.constant 0 : i32
        %dma_wait3A_342 = tpu.memref_slice %arg7[%add3A_327, %dma_wait3A_341] : memref<20000x144xf32, #tpu.memory_space<hbm>> -> memref<40x144xf32, #tpu.memory_space<hbm>>
        %dma_wait3A_343 = arith.constant 0 : i32
        %dma_wait3A_344 = tpu.memref_slice %arg7[%add3A_327, %dma_wait3A_343] : memref<20000x144xf32, #tpu.memory_space<hbm>> -> memref<40x144xf32, #tpu.memory_space<hbm>>
        %dma_wait3A_345 = arith.constant 0 : i32
        %dma_wait3A_346 = arith.constant 0 : i32
        %dma_wait3A_347 = tpu.memref_slice %arg19[%dma_wait3A_345, %dma_wait3A_346] : memref<80x144xf32, #tpu.memory_space<vmem>> -> memref<40x144xf32, #tpu.memory_space<vmem>>
        tpu.wait_dma2 semaphore(%run_scoped3A : memref<!tpu.dma_semaphore, #tpu.memory_space<semaphore_mem>>) src(%dma_wait3A_347 : memref<40x144xf32, #tpu.memory_space<vmem>>) dst(%dma_wait3A_344 : memref<40x144xf32, #tpu.memory_space<hbm>>)
        tpu.yield
      }) : () -> ()
    } else {
    }
    %add3A_237 = arith.constant 64 : i32
    %add3A_238 = arith.addi %arg1, %add3A_237 : i32
    %lt3A_239 = arith.constant 250 : i32
    %lt3A_240 = arith.cmpi slt, %add3A_238, %lt3A_239 : i32
    %convert_element_type3A_241 = arith.extui %lt3A_240 : i1 to i32
    %cond3A_242 = arith.constant 0 : i32
    %cond3A_243 = arith.cmpi ne, %convert_element_type3A_241, %cond3A_242 : i32
    scf.if %cond3A_243 {
      %mul3A_321 = arith.constant 40 : i32
      %mul3A_322 = arith.muli %add3A_238, %mul3A_321 : i32
      "tpu.region"() ({
        %run_scoped3A = tpu.sem_alloc : memref<!tpu.dma_semaphore, #tpu.memory_space<semaphore_mem>>
        %dma_start3A_328 = arith.constant 0 : i32
        %dma_start3A_329 = arith.constant 0 : i32
        %dma_start3A_330 = tpu.memref_slice %arg19[%dma_start3A_328, %dma_start3A_329] : memref<80x144xf32, #tpu.memory_space<vmem>> -> memref<40x144xf32, #tpu.memory_space<vmem>>
        %dma_start3A_331 = arith.constant 0 : i32
        %dma_start3A_332 = tpu.memref_slice %arg8[%mul3A_322, %dma_start3A_331] : memref<10000x144xf32, #tpu.memory_space<vmem_shared>> -> memref<40x144xf32, #tpu.memory_space<vmem_shared>>
        %dma_start3A_333 = arith.constant 0 : i32
        %dma_start3A_334 = arith.constant 0 : i32
        %dma_start3A_335 = tpu.memref_slice %arg19[%dma_start3A_333, %dma_start3A_334] : memref<80x144xf32, #tpu.memory_space<vmem>> -> memref<40x144xf32, #tpu.memory_space<vmem>>
        %dma_start3A_336 = arith.constant 0 : i32
        %dma_start3A_337 = tpu.memref_slice %arg8[%mul3A_322, %dma_start3A_336] : memref<10000x144xf32, #tpu.memory_space<vmem_shared>> -> memref<40x144xf32, #tpu.memory_space<vmem_shared>>
        tpu.enqueue_dma source(%dma_start3A_337 : memref<40x144xf32, #tpu.memory_space<vmem_shared>>) target(%dma_start3A_335 : memref<40x144xf32, #tpu.memory_space<vmem>>) target_semaphore(%run_scoped3A : memref<!tpu.dma_semaphore, #tpu.memory_space<semaphore_mem>>)
        %dma_wait3A_338 = arith.constant 0 : i32
        %dma_wait3A_339 = arith.constant 0 : i32
        %dma_wait3A_340 = tpu.memref_slice %arg19[%dma_wait3A_338, %dma_wait3A_339] : memref<80x144xf32, #tpu.memory_space<vmem>> -> memref<40x144xf32, #tpu.memory_space<vmem>>
        %dma_wait3A_341 = arith.constant 0 : i32
        %dma_wait3A_342 = tpu.memref_slice %arg8[%mul3A_322, %dma_wait3A_341] : memref<10000x144xf32, #tpu.memory_space<vmem_shared>> -> memref<40x144xf32, #tpu.memory_space<vmem_shared>>
        %dma_wait3A_343 = arith.constant 0 : i32
        %dma_wait3A_344 = arith.constant 0 : i32
        %dma_wait3A_345 = tpu.memref_slice %arg19[%dma_wait3A_343, %dma_wait3A_344] : memref<80x144xf32, #tpu.memory_space<vmem>> -> memref<40x144xf32, #tpu.memory_space<vmem>>
        %dma_wait3A_346 = arith.constant 0 : i32
        %dma_wait3A_347 = tpu.memref_slice %arg8[%mul3A_322, %dma_wait3A_346] : memref<10000x144xf32, #tpu.memory_space<vmem_shared>> -> memref<40x144xf32, #tpu.memory_space<vmem_shared>>
        tpu.wait_dma2 semaphore(%run_scoped3A : memref<!tpu.dma_semaphore, #tpu.memory_space<semaphore_mem>>) src(%dma_wait3A_347 : memref<40x144xf32, #tpu.memory_space<vmem_shared>>) dst(%dma_wait3A_345 : memref<40x144xf32, #tpu.memory_space<vmem>>)
        tpu.yield
      }) : () -> ()
      %mul3A_323 = arith.constant 10000 : i32
      %mul3A_324 = arith.muli %arg0, %mul3A_323 : i32
      %mul3A_325 = arith.constant 40 : i32
      %mul3A_326 = arith.muli %add3A_238, %mul3A_325 : i32
      %add3A_327 = arith.addi %mul3A_324, %mul3A_326 : i32
      "tpu.region"() ({
        %run_scoped3A = tpu.sem_alloc : memref<!tpu.dma_semaphore, #tpu.memory_space<semaphore_mem>>
        %dma_start3A_328 = arith.constant 0 : i32
        %dma_start3A_329 = arith.constant 0 : i32
        %dma_start3A_330 = tpu.memref_slice %arg19[%dma_start3A_328, %dma_start3A_329] : memref<80x144xf32, #tpu.memory_space<vmem>> -> memref<40x144xf32, #tpu.memory_space<vmem>>
        %dma_start3A_331 = arith.constant 0 : i32
        %dma_start3A_332 = tpu.memref_slice %arg7[%add3A_327, %dma_start3A_331] : memref<20000x144xf32, #tpu.memory_space<hbm>> -> memref<40x144xf32, #tpu.memory_space<hbm>>
        %dma_start3A_333 = arith.constant 0 : i32
        %dma_start3A_334 = tpu.memref_slice %arg7[%add3A_327, %dma_start3A_333] : memref<20000x144xf32, #tpu.memory_space<hbm>> -> memref<40x144xf32, #tpu.memory_space<hbm>>
        %dma_start3A_335 = arith.constant 0 : i32
        %dma_start3A_336 = arith.constant 0 : i32
        %dma_start3A_337 = tpu.memref_slice %arg19[%dma_start3A_335, %dma_start3A_336] : memref<80x144xf32, #tpu.memory_space<vmem>> -> memref<40x144xf32, #tpu.memory_space<vmem>>
        tpu.enqueue_dma source(%dma_start3A_337 : memref<40x144xf32, #tpu.memory_space<vmem>>) target(%dma_start3A_334 : memref<40x144xf32, #tpu.memory_space<hbm>>) target_semaphore(%run_scoped3A : memref<!tpu.dma_semaphore, #tpu.memory_space<semaphore_mem>>)
        %dma_wait3A_338 = arith.constant 0 : i32
        %dma_wait3A_339 = arith.constant 0 : i32
        %dma_wait3A_340 = tpu.memref_slice %arg19[%dma_wait3A_338, %dma_wait3A_339] : memref<80x144xf32, #tpu.memory_space<vmem>> -> memref<40x144xf32, #tpu.memory_space<vmem>>
        %dma_wait3A_341 = arith.constant 0 : i32
        %dma_wait3A_342 = tpu.memref_slice %arg7[%add3A_327, %dma_wait3A_341] : memref<20000x144xf32, #tpu.memory_space<hbm>> -> memref<40x144xf32, #tpu.memory_space<hbm>>
        %dma_wait3A_343 = arith.constant 0 : i32
        %dma_wait3A_344 = tpu.memref_slice %arg7[%add3A_327, %dma_wait3A_343] : memref<20000x144xf32, #tpu.memory_space<hbm>> -> memref<40x144xf32, #tpu.memory_space<hbm>>
        %dma_wait3A_345 = arith.constant 0 : i32
        %dma_wait3A_346 = arith.constant 0 : i32
        %dma_wait3A_347 = tpu.memref_slice %arg19[%dma_wait3A_345, %dma_wait3A_346] : memref<80x144xf32, #tpu.memory_space<vmem>> -> memref<40x144xf32, #tpu.memory_space<vmem>>
        tpu.wait_dma2 semaphore(%run_scoped3A : memref<!tpu.dma_semaphore, #tpu.memory_space<semaphore_mem>>) src(%dma_wait3A_347 : memref<40x144xf32, #tpu.memory_space<vmem>>) dst(%dma_wait3A_344 : memref<40x144xf32, #tpu.memory_space<hbm>>)
        tpu.yield
      }) : () -> ()
    } else {
    }
    %add3A_244 = arith.constant 80 : i32
    %add3A_245 = arith.addi %arg1, %add3A_244 : i32
    %lt3A_246 = arith.constant 250 : i32
    %lt3A_247 = arith.cmpi slt, %add3A_245, %lt3A_246 : i32
    %convert_element_type3A_248 = arith.extui %lt3A_247 : i1 to i32
    %cond3A_249 = arith.constant 0 : i32
    %cond3A_250 = arith.cmpi ne, %convert_element_type3A_248, %cond3A_249 : i32
    scf.if %cond3A_250 {
      %mul3A_321 = arith.constant 40 : i32
      %mul3A_322 = arith.muli %add3A_245, %mul3A_321 : i32
      "tpu.region"() ({
        %run_scoped3A = tpu.sem_alloc : memref<!tpu.dma_semaphore, #tpu.memory_space<semaphore_mem>>
        %dma_start3A_328 = arith.constant 0 : i32
        %dma_start3A_329 = arith.constant 0 : i32
        %dma_start3A_330 = tpu.memref_slice %arg19[%dma_start3A_328, %dma_start3A_329] : memref<80x144xf32, #tpu.memory_space<vmem>> -> memref<40x144xf32, #tpu.memory_space<vmem>>
        %dma_start3A_331 = arith.constant 0 : i32
        %dma_start3A_332 = tpu.memref_slice %arg8[%mul3A_322, %dma_start3A_331] : memref<10000x144xf32, #tpu.memory_space<vmem_shared>> -> memref<40x144xf32, #tpu.memory_space<vmem_shared>>
        %dma_start3A_333 = arith.constant 0 : i32
        %dma_start3A_334 = arith.constant 0 : i32
        %dma_start3A_335 = tpu.memref_slice %arg19[%dma_start3A_333, %dma_start3A_334] : memref<80x144xf32, #tpu.memory_space<vmem>> -> memref<40x144xf32, #tpu.memory_space<vmem>>
        %dma_start3A_336 = arith.constant 0 : i32
        %dma_start3A_337 = tpu.memref_slice %arg8[%mul3A_322, %dma_start3A_336] : memref<10000x144xf32, #tpu.memory_space<vmem_shared>> -> memref<40x144xf32, #tpu.memory_space<vmem_shared>>
        tpu.enqueue_dma source(%dma_start3A_337 : memref<40x144xf32, #tpu.memory_space<vmem_shared>>) target(%dma_start3A_335 : memref<40x144xf32, #tpu.memory_space<vmem>>) target_semaphore(%run_scoped3A : memref<!tpu.dma_semaphore, #tpu.memory_space<semaphore_mem>>)
        %dma_wait3A_338 = arith.constant 0 : i32
        %dma_wait3A_339 = arith.constant 0 : i32
        %dma_wait3A_340 = tpu.memref_slice %arg19[%dma_wait3A_338, %dma_wait3A_339] : memref<80x144xf32, #tpu.memory_space<vmem>> -> memref<40x144xf32, #tpu.memory_space<vmem>>
        %dma_wait3A_341 = arith.constant 0 : i32
        %dma_wait3A_342 = tpu.memref_slice %arg8[%mul3A_322, %dma_wait3A_341] : memref<10000x144xf32, #tpu.memory_space<vmem_shared>> -> memref<40x144xf32, #tpu.memory_space<vmem_shared>>
        %dma_wait3A_343 = arith.constant 0 : i32
        %dma_wait3A_344 = arith.constant 0 : i32
        %dma_wait3A_345 = tpu.memref_slice %arg19[%dma_wait3A_343, %dma_wait3A_344] : memref<80x144xf32, #tpu.memory_space<vmem>> -> memref<40x144xf32, #tpu.memory_space<vmem>>
        %dma_wait3A_346 = arith.constant 0 : i32
        %dma_wait3A_347 = tpu.memref_slice %arg8[%mul3A_322, %dma_wait3A_346] : memref<10000x144xf32, #tpu.memory_space<vmem_shared>> -> memref<40x144xf32, #tpu.memory_space<vmem_shared>>
        tpu.wait_dma2 semaphore(%run_scoped3A : memref<!tpu.dma_semaphore, #tpu.memory_space<semaphore_mem>>) src(%dma_wait3A_347 : memref<40x144xf32, #tpu.memory_space<vmem_shared>>) dst(%dma_wait3A_345 : memref<40x144xf32, #tpu.memory_space<vmem>>)
        tpu.yield
      }) : () -> ()
      %mul3A_323 = arith.constant 10000 : i32
      %mul3A_324 = arith.muli %arg0, %mul3A_323 : i32
      %mul3A_325 = arith.constant 40 : i32
      %mul3A_326 = arith.muli %add3A_245, %mul3A_325 : i32
      %add3A_327 = arith.addi %mul3A_324, %mul3A_326 : i32
      "tpu.region"() ({
        %run_scoped3A = tpu.sem_alloc : memref<!tpu.dma_semaphore, #tpu.memory_space<semaphore_mem>>
        %dma_start3A_328 = arith.constant 0 : i32
        %dma_start3A_329 = arith.constant 0 : i32
        %dma_start3A_330 = tpu.memref_slice %arg19[%dma_start3A_328, %dma_start3A_329] : memref<80x144xf32, #tpu.memory_space<vmem>> -> memref<40x144xf32, #tpu.memory_space<vmem>>
        %dma_start3A_331 = arith.constant 0 : i32
        %dma_start3A_332 = tpu.memref_slice %arg7[%add3A_327, %dma_start3A_331] : memref<20000x144xf32, #tpu.memory_space<hbm>> -> memref<40x144xf32, #tpu.memory_space<hbm>>
        %dma_start3A_333 = arith.constant 0 : i32
        %dma_start3A_334 = tpu.memref_slice %arg7[%add3A_327, %dma_start3A_333] : memref<20000x144xf32, #tpu.memory_space<hbm>> -> memref<40x144xf32, #tpu.memory_space<hbm>>
        %dma_start3A_335 = arith.constant 0 : i32
        %dma_start3A_336 = arith.constant 0 : i32
        %dma_start3A_337 = tpu.memref_slice %arg19[%dma_start3A_335, %dma_start3A_336] : memref<80x144xf32, #tpu.memory_space<vmem>> -> memref<40x144xf32, #tpu.memory_space<vmem>>
        tpu.enqueue_dma source(%dma_start3A_337 : memref<40x144xf32, #tpu.memory_space<vmem>>) target(%dma_start3A_334 : memref<40x144xf32, #tpu.memory_space<hbm>>) target_semaphore(%run_scoped3A : memref<!tpu.dma_semaphore, #tpu.memory_space<semaphore_mem>>)
        %dma_wait3A_338 = arith.constant 0 : i32
        %dma_wait3A_339 = arith.constant 0 : i32
        %dma_wait3A_340 = tpu.memref_slice %arg19[%dma_wait3A_338, %dma_wait3A_339] : memref<80x144xf32, #tpu.memory_space<vmem>> -> memref<40x144xf32, #tpu.memory_space<vmem>>
        %dma_wait3A_341 = arith.constant 0 : i32
        %dma_wait3A_342 = tpu.memref_slice %arg7[%add3A_327, %dma_wait3A_341] : memref<20000x144xf32, #tpu.memory_space<hbm>> -> memref<40x144xf32, #tpu.memory_space<hbm>>
        %dma_wait3A_343 = arith.constant 0 : i32
        %dma_wait3A_344 = tpu.memref_slice %arg7[%add3A_327, %dma_wait3A_343] : memref<20000x144xf32, #tpu.memory_space<hbm>> -> memref<40x144xf32, #tpu.memory_space<hbm>>
        %dma_wait3A_345 = arith.constant 0 : i32
        %dma_wait3A_346 = arith.constant 0 : i32
        %dma_wait3A_347 = tpu.memref_slice %arg19[%dma_wait3A_345, %dma_wait3A_346] : memref<80x144xf32, #tpu.memory_space<vmem>> -> memref<40x144xf32, #tpu.memory_space<vmem>>
        tpu.wait_dma2 semaphore(%run_scoped3A : memref<!tpu.dma_semaphore, #tpu.memory_space<semaphore_mem>>) src(%dma_wait3A_347 : memref<40x144xf32, #tpu.memory_space<vmem>>) dst(%dma_wait3A_344 : memref<40x144xf32, #tpu.memory_space<hbm>>)
        tpu.yield
      }) : () -> ()
    } else {
    }
    %add3A_251 = arith.constant 96 : i32
    %add3A_252 = arith.addi %arg1, %add3A_251 : i32
    %lt3A_253 = arith.constant 250 : i32
    %lt3A_254 = arith.cmpi slt, %add3A_252, %lt3A_253 : i32
    %convert_element_type3A_255 = arith.extui %lt3A_254 : i1 to i32
    %cond3A_256 = arith.constant 0 : i32
    %cond3A_257 = arith.cmpi ne, %convert_element_type3A_255, %cond3A_256 : i32
    scf.if %cond3A_257 {
      %mul3A_321 = arith.constant 40 : i32
      %mul3A_322 = arith.muli %add3A_252, %mul3A_321 : i32
      "tpu.region"() ({
        %run_scoped3A = tpu.sem_alloc : memref<!tpu.dma_semaphore, #tpu.memory_space<semaphore_mem>>
        %dma_start3A_328 = arith.constant 0 : i32
        %dma_start3A_329 = arith.constant 0 : i32
        %dma_start3A_330 = tpu.memref_slice %arg19[%dma_start3A_328, %dma_start3A_329] : memref<80x144xf32, #tpu.memory_space<vmem>> -> memref<40x144xf32, #tpu.memory_space<vmem>>
        %dma_start3A_331 = arith.constant 0 : i32
        %dma_start3A_332 = tpu.memref_slice %arg8[%mul3A_322, %dma_start3A_331] : memref<10000x144xf32, #tpu.memory_space<vmem_shared>> -> memref<40x144xf32, #tpu.memory_space<vmem_shared>>
        %dma_start3A_333 = arith.constant 0 : i32
        %dma_start3A_334 = arith.constant 0 : i32
        %dma_start3A_335 = tpu.memref_slice %arg19[%dma_start3A_333, %dma_start3A_334] : memref<80x144xf32, #tpu.memory_space<vmem>> -> memref<40x144xf32, #tpu.memory_space<vmem>>
        %dma_start3A_336 = arith.constant 0 : i32
        %dma_start3A_337 = tpu.memref_slice %arg8[%mul3A_322, %dma_start3A_336] : memref<10000x144xf32, #tpu.memory_space<vmem_shared>> -> memref<40x144xf32, #tpu.memory_space<vmem_shared>>
        tpu.enqueue_dma source(%dma_start3A_337 : memref<40x144xf32, #tpu.memory_space<vmem_shared>>) target(%dma_start3A_335 : memref<40x144xf32, #tpu.memory_space<vmem>>) target_semaphore(%run_scoped3A : memref<!tpu.dma_semaphore, #tpu.memory_space<semaphore_mem>>)
        %dma_wait3A_338 = arith.constant 0 : i32
        %dma_wait3A_339 = arith.constant 0 : i32
        %dma_wait3A_340 = tpu.memref_slice %arg19[%dma_wait3A_338, %dma_wait3A_339] : memref<80x144xf32, #tpu.memory_space<vmem>> -> memref<40x144xf32, #tpu.memory_space<vmem>>
        %dma_wait3A_341 = arith.constant 0 : i32
        %dma_wait3A_342 = tpu.memref_slice %arg8[%mul3A_322, %dma_wait3A_341] : memref<10000x144xf32, #tpu.memory_space<vmem_shared>> -> memref<40x144xf32, #tpu.memory_space<vmem_shared>>
        %dma_wait3A_343 = arith.constant 0 : i32
        %dma_wait3A_344 = arith.constant 0 : i32
        %dma_wait3A_345 = tpu.memref_slice %arg19[%dma_wait3A_343, %dma_wait3A_344] : memref<80x144xf32, #tpu.memory_space<vmem>> -> memref<40x144xf32, #tpu.memory_space<vmem>>
        %dma_wait3A_346 = arith.constant 0 : i32
        %dma_wait3A_347 = tpu.memref_slice %arg8[%mul3A_322, %dma_wait3A_346] : memref<10000x144xf32, #tpu.memory_space<vmem_shared>> -> memref<40x144xf32, #tpu.memory_space<vmem_shared>>
        tpu.wait_dma2 semaphore(%run_scoped3A : memref<!tpu.dma_semaphore, #tpu.memory_space<semaphore_mem>>) src(%dma_wait3A_347 : memref<40x144xf32, #tpu.memory_space<vmem_shared>>) dst(%dma_wait3A_345 : memref<40x144xf32, #tpu.memory_space<vmem>>)
        tpu.yield
      }) : () -> ()
      %mul3A_323 = arith.constant 10000 : i32
      %mul3A_324 = arith.muli %arg0, %mul3A_323 : i32
      %mul3A_325 = arith.constant 40 : i32
      %mul3A_326 = arith.muli %add3A_252, %mul3A_325 : i32
      %add3A_327 = arith.addi %mul3A_324, %mul3A_326 : i32
      "tpu.region"() ({
        %run_scoped3A = tpu.sem_alloc : memref<!tpu.dma_semaphore, #tpu.memory_space<semaphore_mem>>
        %dma_start3A_328 = arith.constant 0 : i32
        %dma_start3A_329 = arith.constant 0 : i32
        %dma_start3A_330 = tpu.memref_slice %arg19[%dma_start3A_328, %dma_start3A_329] : memref<80x144xf32, #tpu.memory_space<vmem>> -> memref<40x144xf32, #tpu.memory_space<vmem>>
        %dma_start3A_331 = arith.constant 0 : i32
        %dma_start3A_332 = tpu.memref_slice %arg7[%add3A_327, %dma_start3A_331] : memref<20000x144xf32, #tpu.memory_space<hbm>> -> memref<40x144xf32, #tpu.memory_space<hbm>>
        %dma_start3A_333 = arith.constant 0 : i32
        %dma_start3A_334 = tpu.memref_slice %arg7[%add3A_327, %dma_start3A_333] : memref<20000x144xf32, #tpu.memory_space<hbm>> -> memref<40x144xf32, #tpu.memory_space<hbm>>
        %dma_start3A_335 = arith.constant 0 : i32
        %dma_start3A_336 = arith.constant 0 : i32
        %dma_start3A_337 = tpu.memref_slice %arg19[%dma_start3A_335, %dma_start3A_336] : memref<80x144xf32, #tpu.memory_space<vmem>> -> memref<40x144xf32, #tpu.memory_space<vmem>>
        tpu.enqueue_dma source(%dma_start3A_337 : memref<40x144xf32, #tpu.memory_space<vmem>>) target(%dma_start3A_334 : memref<40x144xf32, #tpu.memory_space<hbm>>) target_semaphore(%run_scoped3A : memref<!tpu.dma_semaphore, #tpu.memory_space<semaphore_mem>>)
        %dma_wait3A_338 = arith.constant 0 : i32
        %dma_wait3A_339 = arith.constant 0 : i32
        %dma_wait3A_340 = tpu.memref_slice %arg19[%dma_wait3A_338, %dma_wait3A_339] : memref<80x144xf32, #tpu.memory_space<vmem>> -> memref<40x144xf32, #tpu.memory_space<vmem>>
        %dma_wait3A_341 = arith.constant 0 : i32
        %dma_wait3A_342 = tpu.memref_slice %arg7[%add3A_327, %dma_wait3A_341] : memref<20000x144xf32, #tpu.memory_space<hbm>> -> memref<40x144xf32, #tpu.memory_space<hbm>>
        %dma_wait3A_343 = arith.constant 0 : i32
        %dma_wait3A_344 = tpu.memref_slice %arg7[%add3A_327, %dma_wait3A_343] : memref<20000x144xf32, #tpu.memory_space<hbm>> -> memref<40x144xf32, #tpu.memory_space<hbm>>
        %dma_wait3A_345 = arith.constant 0 : i32
        %dma_wait3A_346 = arith.constant 0 : i32
        %dma_wait3A_347 = tpu.memref_slice %arg19[%dma_wait3A_345, %dma_wait3A_346] : memref<80x144xf32, #tpu.memory_space<vmem>> -> memref<40x144xf32, #tpu.memory_space<vmem>>
        tpu.wait_dma2 semaphore(%run_scoped3A : memref<!tpu.dma_semaphore, #tpu.memory_space<semaphore_mem>>) src(%dma_wait3A_347 : memref<40x144xf32, #tpu.memory_space<vmem>>) dst(%dma_wait3A_344 : memref<40x144xf32, #tpu.memory_space<hbm>>)
        tpu.yield
      }) : () -> ()
    } else {
    }
    %add3A_258 = arith.constant 112 : i32
    %add3A_259 = arith.addi %arg1, %add3A_258 : i32
    %lt3A_260 = arith.constant 250 : i32
    %lt3A_261 = arith.cmpi slt, %add3A_259, %lt3A_260 : i32
    %convert_element_type3A_262 = arith.extui %lt3A_261 : i1 to i32
    %cond3A_263 = arith.constant 0 : i32
    %cond3A_264 = arith.cmpi ne, %convert_element_type3A_262, %cond3A_263 : i32
    scf.if %cond3A_264 {
      %mul3A_321 = arith.constant 40 : i32
      %mul3A_322 = arith.muli %add3A_259, %mul3A_321 : i32
      "tpu.region"() ({
        %run_scoped3A = tpu.sem_alloc : memref<!tpu.dma_semaphore, #tpu.memory_space<semaphore_mem>>
        %dma_start3A_328 = arith.constant 0 : i32
        %dma_start3A_329 = arith.constant 0 : i32
        %dma_start3A_330 = tpu.memref_slice %arg19[%dma_start3A_328, %dma_start3A_329] : memref<80x144xf32, #tpu.memory_space<vmem>> -> memref<40x144xf32, #tpu.memory_space<vmem>>
        %dma_start3A_331 = arith.constant 0 : i32
        %dma_start3A_332 = tpu.memref_slice %arg8[%mul3A_322, %dma_start3A_331] : memref<10000x144xf32, #tpu.memory_space<vmem_shared>> -> memref<40x144xf32, #tpu.memory_space<vmem_shared>>
        %dma_start3A_333 = arith.constant 0 : i32
        %dma_start3A_334 = arith.constant 0 : i32
        %dma_start3A_335 = tpu.memref_slice %arg19[%dma_start3A_333, %dma_start3A_334] : memref<80x144xf32, #tpu.memory_space<vmem>> -> memref<40x144xf32, #tpu.memory_space<vmem>>
        %dma_start3A_336 = arith.constant 0 : i32
        %dma_start3A_337 = tpu.memref_slice %arg8[%mul3A_322, %dma_start3A_336] : memref<10000x144xf32, #tpu.memory_space<vmem_shared>> -> memref<40x144xf32, #tpu.memory_space<vmem_shared>>
        tpu.enqueue_dma source(%dma_start3A_337 : memref<40x144xf32, #tpu.memory_space<vmem_shared>>) target(%dma_start3A_335 : memref<40x144xf32, #tpu.memory_space<vmem>>) target_semaphore(%run_scoped3A : memref<!tpu.dma_semaphore, #tpu.memory_space<semaphore_mem>>)
        %dma_wait3A_338 = arith.constant 0 : i32
        %dma_wait3A_339 = arith.constant 0 : i32
        %dma_wait3A_340 = tpu.memref_slice %arg19[%dma_wait3A_338, %dma_wait3A_339] : memref<80x144xf32, #tpu.memory_space<vmem>> -> memref<40x144xf32, #tpu.memory_space<vmem>>
        %dma_wait3A_341 = arith.constant 0 : i32
        %dma_wait3A_342 = tpu.memref_slice %arg8[%mul3A_322, %dma_wait3A_341] : memref<10000x144xf32, #tpu.memory_space<vmem_shared>> -> memref<40x144xf32, #tpu.memory_space<vmem_shared>>
        %dma_wait3A_343 = arith.constant 0 : i32
        %dma_wait3A_344 = arith.constant 0 : i32
        %dma_wait3A_345 = tpu.memref_slice %arg19[%dma_wait3A_343, %dma_wait3A_344] : memref<80x144xf32, #tpu.memory_space<vmem>> -> memref<40x144xf32, #tpu.memory_space<vmem>>
        %dma_wait3A_346 = arith.constant 0 : i32
        %dma_wait3A_347 = tpu.memref_slice %arg8[%mul3A_322, %dma_wait3A_346] : memref<10000x144xf32, #tpu.memory_space<vmem_shared>> -> memref<40x144xf32, #tpu.memory_space<vmem_shared>>
        tpu.wait_dma2 semaphore(%run_scoped3A : memref<!tpu.dma_semaphore, #tpu.memory_space<semaphore_mem>>) src(%dma_wait3A_347 : memref<40x144xf32, #tpu.memory_space<vmem_shared>>) dst(%dma_wait3A_345 : memref<40x144xf32, #tpu.memory_space<vmem>>)
        tpu.yield
      }) : () -> ()
      %mul3A_323 = arith.constant 10000 : i32
      %mul3A_324 = arith.muli %arg0, %mul3A_323 : i32
      %mul3A_325 = arith.constant 40 : i32
      %mul3A_326 = arith.muli %add3A_259, %mul3A_325 : i32
      %add3A_327 = arith.addi %mul3A_324, %mul3A_326 : i32
      "tpu.region"() ({
        %run_scoped3A = tpu.sem_alloc : memref<!tpu.dma_semaphore, #tpu.memory_space<semaphore_mem>>
        %dma_start3A_328 = arith.constant 0 : i32
        %dma_start3A_329 = arith.constant 0 : i32
        %dma_start3A_330 = tpu.memref_slice %arg19[%dma_start3A_328, %dma_start3A_329] : memref<80x144xf32, #tpu.memory_space<vmem>> -> memref<40x144xf32, #tpu.memory_space<vmem>>
        %dma_start3A_331 = arith.constant 0 : i32
        %dma_start3A_332 = tpu.memref_slice %arg7[%add3A_327, %dma_start3A_331] : memref<20000x144xf32, #tpu.memory_space<hbm>> -> memref<40x144xf32, #tpu.memory_space<hbm>>
        %dma_start3A_333 = arith.constant 0 : i32
        %dma_start3A_334 = tpu.memref_slice %arg7[%add3A_327, %dma_start3A_333] : memref<20000x144xf32, #tpu.memory_space<hbm>> -> memref<40x144xf32, #tpu.memory_space<hbm>>
        %dma_start3A_335 = arith.constant 0 : i32
        %dma_start3A_336 = arith.constant 0 : i32
        %dma_start3A_337 = tpu.memref_slice %arg19[%dma_start3A_335, %dma_start3A_336] : memref<80x144xf32, #tpu.memory_space<vmem>> -> memref<40x144xf32, #tpu.memory_space<vmem>>
        tpu.enqueue_dma source(%dma_start3A_337 : memref<40x144xf32, #tpu.memory_space<vmem>>) target(%dma_start3A_334 : memref<40x144xf32, #tpu.memory_space<hbm>>) target_semaphore(%run_scoped3A : memref<!tpu.dma_semaphore, #tpu.memory_space<semaphore_mem>>)
        %dma_wait3A_338 = arith.constant 0 : i32
        %dma_wait3A_339 = arith.constant 0 : i32
        %dma_wait3A_340 = tpu.memref_slice %arg19[%dma_wait3A_338, %dma_wait3A_339] : memref<80x144xf32, #tpu.memory_space<vmem>> -> memref<40x144xf32, #tpu.memory_space<vmem>>
        %dma_wait3A_341 = arith.constant 0 : i32
        %dma_wait3A_342 = tpu.memref_slice %arg7[%add3A_327, %dma_wait3A_341] : memref<20000x144xf32, #tpu.memory_space<hbm>> -> memref<40x144xf32, #tpu.memory_space<hbm>>
        %dma_wait3A_343 = arith.constant 0 : i32
        %dma_wait3A_344 = tpu.memref_slice %arg7[%add3A_327, %dma_wait3A_343] : memref<20000x144xf32, #tpu.memory_space<hbm>> -> memref<40x144xf32, #tpu.memory_space<hbm>>
        %dma_wait3A_345 = arith.constant 0 : i32
        %dma_wait3A_346 = arith.constant 0 : i32
        %dma_wait3A_347 = tpu.memref_slice %arg19[%dma_wait3A_345, %dma_wait3A_346] : memref<80x144xf32, #tpu.memory_space<vmem>> -> memref<40x144xf32, #tpu.memory_space<vmem>>
        tpu.wait_dma2 semaphore(%run_scoped3A : memref<!tpu.dma_semaphore, #tpu.memory_space<semaphore_mem>>) src(%dma_wait3A_347 : memref<40x144xf32, #tpu.memory_space<vmem>>) dst(%dma_wait3A_344 : memref<40x144xf32, #tpu.memory_space<hbm>>)
        tpu.yield
      }) : () -> ()
    } else {
    }
    %add3A_265 = arith.constant 128 : i32
    %add3A_266 = arith.addi %arg1, %add3A_265 : i32
    %lt3A_267 = arith.constant 250 : i32
    %lt3A_268 = arith.cmpi slt, %add3A_266, %lt3A_267 : i32
    %convert_element_type3A_269 = arith.extui %lt3A_268 : i1 to i32
    %cond3A_270 = arith.constant 0 : i32
    %cond3A_271 = arith.cmpi ne, %convert_element_type3A_269, %cond3A_270 : i32
    scf.if %cond3A_271 {
      %mul3A_321 = arith.constant 40 : i32
      %mul3A_322 = arith.muli %add3A_266, %mul3A_321 : i32
      "tpu.region"() ({
        %run_scoped3A = tpu.sem_alloc : memref<!tpu.dma_semaphore, #tpu.memory_space<semaphore_mem>>
        %dma_start3A_328 = arith.constant 0 : i32
        %dma_start3A_329 = arith.constant 0 : i32
        %dma_start3A_330 = tpu.memref_slice %arg19[%dma_start3A_328, %dma_start3A_329] : memref<80x144xf32, #tpu.memory_space<vmem>> -> memref<40x144xf32, #tpu.memory_space<vmem>>
        %dma_start3A_331 = arith.constant 0 : i32
        %dma_start3A_332 = tpu.memref_slice %arg8[%mul3A_322, %dma_start3A_331] : memref<10000x144xf32, #tpu.memory_space<vmem_shared>> -> memref<40x144xf32, #tpu.memory_space<vmem_shared>>
        %dma_start3A_333 = arith.constant 0 : i32
        %dma_start3A_334 = arith.constant 0 : i32
        %dma_start3A_335 = tpu.memref_slice %arg19[%dma_start3A_333, %dma_start3A_334] : memref<80x144xf32, #tpu.memory_space<vmem>> -> memref<40x144xf32, #tpu.memory_space<vmem>>
        %dma_start3A_336 = arith.constant 0 : i32
        %dma_start3A_337 = tpu.memref_slice %arg8[%mul3A_322, %dma_start3A_336] : memref<10000x144xf32, #tpu.memory_space<vmem_shared>> -> memref<40x144xf32, #tpu.memory_space<vmem_shared>>
        tpu.enqueue_dma source(%dma_start3A_337 : memref<40x144xf32, #tpu.memory_space<vmem_shared>>) target(%dma_start3A_335 : memref<40x144xf32, #tpu.memory_space<vmem>>) target_semaphore(%run_scoped3A : memref<!tpu.dma_semaphore, #tpu.memory_space<semaphore_mem>>)
        %dma_wait3A_338 = arith.constant 0 : i32
        %dma_wait3A_339 = arith.constant 0 : i32
        %dma_wait3A_340 = tpu.memref_slice %arg19[%dma_wait3A_338, %dma_wait3A_339] : memref<80x144xf32, #tpu.memory_space<vmem>> -> memref<40x144xf32, #tpu.memory_space<vmem>>
        %dma_wait3A_341 = arith.constant 0 : i32
        %dma_wait3A_342 = tpu.memref_slice %arg8[%mul3A_322, %dma_wait3A_341] : memref<10000x144xf32, #tpu.memory_space<vmem_shared>> -> memref<40x144xf32, #tpu.memory_space<vmem_shared>>
        %dma_wait3A_343 = arith.constant 0 : i32
        %dma_wait3A_344 = arith.constant 0 : i32
        %dma_wait3A_345 = tpu.memref_slice %arg19[%dma_wait3A_343, %dma_wait3A_344] : memref<80x144xf32, #tpu.memory_space<vmem>> -> memref<40x144xf32, #tpu.memory_space<vmem>>
        %dma_wait3A_346 = arith.constant 0 : i32
        %dma_wait3A_347 = tpu.memref_slice %arg8[%mul3A_322, %dma_wait3A_346] : memref<10000x144xf32, #tpu.memory_space<vmem_shared>> -> memref<40x144xf32, #tpu.memory_space<vmem_shared>>
        tpu.wait_dma2 semaphore(%run_scoped3A : memref<!tpu.dma_semaphore, #tpu.memory_space<semaphore_mem>>) src(%dma_wait3A_347 : memref<40x144xf32, #tpu.memory_space<vmem_shared>>) dst(%dma_wait3A_345 : memref<40x144xf32, #tpu.memory_space<vmem>>)
        tpu.yield
      }) : () -> ()
      %mul3A_323 = arith.constant 10000 : i32
      %mul3A_324 = arith.muli %arg0, %mul3A_323 : i32
      %mul3A_325 = arith.constant 40 : i32
      %mul3A_326 = arith.muli %add3A_266, %mul3A_325 : i32
      %add3A_327 = arith.addi %mul3A_324, %mul3A_326 : i32
      "tpu.region"() ({
        %run_scoped3A = tpu.sem_alloc : memref<!tpu.dma_semaphore, #tpu.memory_space<semaphore_mem>>
        %dma_start3A_328 = arith.constant 0 : i32
        %dma_start3A_329 = arith.constant 0 : i32
        %dma_start3A_330 = tpu.memref_slice %arg19[%dma_start3A_328, %dma_start3A_329] : memref<80x144xf32, #tpu.memory_space<vmem>> -> memref<40x144xf32, #tpu.memory_space<vmem>>
        %dma_start3A_331 = arith.constant 0 : i32
        %dma_start3A_332 = tpu.memref_slice %arg7[%add3A_327, %dma_start3A_331] : memref<20000x144xf32, #tpu.memory_space<hbm>> -> memref<40x144xf32, #tpu.memory_space<hbm>>
        %dma_start3A_333 = arith.constant 0 : i32
        %dma_start3A_334 = tpu.memref_slice %arg7[%add3A_327, %dma_start3A_333] : memref<20000x144xf32, #tpu.memory_space<hbm>> -> memref<40x144xf32, #tpu.memory_space<hbm>>
        %dma_start3A_335 = arith.constant 0 : i32
        %dma_start3A_336 = arith.constant 0 : i32
        %dma_start3A_337 = tpu.memref_slice %arg19[%dma_start3A_335, %dma_start3A_336] : memref<80x144xf32, #tpu.memory_space<vmem>> -> memref<40x144xf32, #tpu.memory_space<vmem>>
        tpu.enqueue_dma source(%dma_start3A_337 : memref<40x144xf32, #tpu.memory_space<vmem>>) target(%dma_start3A_334 : memref<40x144xf32, #tpu.memory_space<hbm>>) target_semaphore(%run_scoped3A : memref<!tpu.dma_semaphore, #tpu.memory_space<semaphore_mem>>)
        %dma_wait3A_338 = arith.constant 0 : i32
        %dma_wait3A_339 = arith.constant 0 : i32
        %dma_wait3A_340 = tpu.memref_slice %arg19[%dma_wait3A_338, %dma_wait3A_339] : memref<80x144xf32, #tpu.memory_space<vmem>> -> memref<40x144xf32, #tpu.memory_space<vmem>>
        %dma_wait3A_341 = arith.constant 0 : i32
        %dma_wait3A_342 = tpu.memref_slice %arg7[%add3A_327, %dma_wait3A_341] : memref<20000x144xf32, #tpu.memory_space<hbm>> -> memref<40x144xf32, #tpu.memory_space<hbm>>
        %dma_wait3A_343 = arith.constant 0 : i32
        %dma_wait3A_344 = tpu.memref_slice %arg7[%add3A_327, %dma_wait3A_343] : memref<20000x144xf32, #tpu.memory_space<hbm>> -> memref<40x144xf32, #tpu.memory_space<hbm>>
        %dma_wait3A_345 = arith.constant 0 : i32
        %dma_wait3A_346 = arith.constant 0 : i32
        %dma_wait3A_347 = tpu.memref_slice %arg19[%dma_wait3A_345, %dma_wait3A_346] : memref<80x144xf32, #tpu.memory_space<vmem>> -> memref<40x144xf32, #tpu.memory_space<vmem>>
        tpu.wait_dma2 semaphore(%run_scoped3A : memref<!tpu.dma_semaphore, #tpu.memory_space<semaphore_mem>>) src(%dma_wait3A_347 : memref<40x144xf32, #tpu.memory_space<vmem>>) dst(%dma_wait3A_344 : memref<40x144xf32, #tpu.memory_space<hbm>>)
        tpu.yield
      }) : () -> ()
    } else {
    }
    %add3A_272 = arith.constant 144 : i32
    %add3A_273 = arith.addi %arg1, %add3A_272 : i32
    %lt3A_274 = arith.constant 250 : i32
    %lt3A_275 = arith.cmpi slt, %add3A_273, %lt3A_274 : i32
    %convert_element_type3A_276 = arith.extui %lt3A_275 : i1 to i32
    %cond3A_277 = arith.constant 0 : i32
    %cond3A_278 = arith.cmpi ne, %convert_element_type3A_276, %cond3A_277 : i32
    scf.if %cond3A_278 {
      %mul3A_321 = arith.constant 40 : i32
      %mul3A_322 = arith.muli %add3A_273, %mul3A_321 : i32
      "tpu.region"() ({
        %run_scoped3A = tpu.sem_alloc : memref<!tpu.dma_semaphore, #tpu.memory_space<semaphore_mem>>
        %dma_start3A_328 = arith.constant 0 : i32
        %dma_start3A_329 = arith.constant 0 : i32
        %dma_start3A_330 = tpu.memref_slice %arg19[%dma_start3A_328, %dma_start3A_329] : memref<80x144xf32, #tpu.memory_space<vmem>> -> memref<40x144xf32, #tpu.memory_space<vmem>>
        %dma_start3A_331 = arith.constant 0 : i32
        %dma_start3A_332 = tpu.memref_slice %arg8[%mul3A_322, %dma_start3A_331] : memref<10000x144xf32, #tpu.memory_space<vmem_shared>> -> memref<40x144xf32, #tpu.memory_space<vmem_shared>>
        %dma_start3A_333 = arith.constant 0 : i32
        %dma_start3A_334 = arith.constant 0 : i32
        %dma_start3A_335 = tpu.memref_slice %arg19[%dma_start3A_333, %dma_start3A_334] : memref<80x144xf32, #tpu.memory_space<vmem>> -> memref<40x144xf32, #tpu.memory_space<vmem>>
        %dma_start3A_336 = arith.constant 0 : i32
        %dma_start3A_337 = tpu.memref_slice %arg8[%mul3A_322, %dma_start3A_336] : memref<10000x144xf32, #tpu.memory_space<vmem_shared>> -> memref<40x144xf32, #tpu.memory_space<vmem_shared>>
        tpu.enqueue_dma source(%dma_start3A_337 : memref<40x144xf32, #tpu.memory_space<vmem_shared>>) target(%dma_start3A_335 : memref<40x144xf32, #tpu.memory_space<vmem>>) target_semaphore(%run_scoped3A : memref<!tpu.dma_semaphore, #tpu.memory_space<semaphore_mem>>)
        %dma_wait3A_338 = arith.constant 0 : i32
        %dma_wait3A_339 = arith.constant 0 : i32
        %dma_wait3A_340 = tpu.memref_slice %arg19[%dma_wait3A_338, %dma_wait3A_339] : memref<80x144xf32, #tpu.memory_space<vmem>> -> memref<40x144xf32, #tpu.memory_space<vmem>>
        %dma_wait3A_341 = arith.constant 0 : i32
        %dma_wait3A_342 = tpu.memref_slice %arg8[%mul3A_322, %dma_wait3A_341] : memref<10000x144xf32, #tpu.memory_space<vmem_shared>> -> memref<40x144xf32, #tpu.memory_space<vmem_shared>>
        %dma_wait3A_343 = arith.constant 0 : i32
        %dma_wait3A_344 = arith.constant 0 : i32
        %dma_wait3A_345 = tpu.memref_slice %arg19[%dma_wait3A_343, %dma_wait3A_344] : memref<80x144xf32, #tpu.memory_space<vmem>> -> memref<40x144xf32, #tpu.memory_space<vmem>>
        %dma_wait3A_346 = arith.constant 0 : i32
        %dma_wait3A_347 = tpu.memref_slice %arg8[%mul3A_322, %dma_wait3A_346] : memref<10000x144xf32, #tpu.memory_space<vmem_shared>> -> memref<40x144xf32, #tpu.memory_space<vmem_shared>>
        tpu.wait_dma2 semaphore(%run_scoped3A : memref<!tpu.dma_semaphore, #tpu.memory_space<semaphore_mem>>) src(%dma_wait3A_347 : memref<40x144xf32, #tpu.memory_space<vmem_shared>>) dst(%dma_wait3A_345 : memref<40x144xf32, #tpu.memory_space<vmem>>)
        tpu.yield
      }) : () -> ()
      %mul3A_323 = arith.constant 10000 : i32
      %mul3A_324 = arith.muli %arg0, %mul3A_323 : i32
      %mul3A_325 = arith.constant 40 : i32
      %mul3A_326 = arith.muli %add3A_273, %mul3A_325 : i32
      %add3A_327 = arith.addi %mul3A_324, %mul3A_326 : i32
      "tpu.region"() ({
        %run_scoped3A = tpu.sem_alloc : memref<!tpu.dma_semaphore, #tpu.memory_space<semaphore_mem>>
        %dma_start3A_328 = arith.constant 0 : i32
        %dma_start3A_329 = arith.constant 0 : i32
        %dma_start3A_330 = tpu.memref_slice %arg19[%dma_start3A_328, %dma_start3A_329] : memref<80x144xf32, #tpu.memory_space<vmem>> -> memref<40x144xf32, #tpu.memory_space<vmem>>
        %dma_start3A_331 = arith.constant 0 : i32
        %dma_start3A_332 = tpu.memref_slice %arg7[%add3A_327, %dma_start3A_331] : memref<20000x144xf32, #tpu.memory_space<hbm>> -> memref<40x144xf32, #tpu.memory_space<hbm>>
        %dma_start3A_333 = arith.constant 0 : i32
        %dma_start3A_334 = tpu.memref_slice %arg7[%add3A_327, %dma_start3A_333] : memref<20000x144xf32, #tpu.memory_space<hbm>> -> memref<40x144xf32, #tpu.memory_space<hbm>>
        %dma_start3A_335 = arith.constant 0 : i32
        %dma_start3A_336 = arith.constant 0 : i32
        %dma_start3A_337 = tpu.memref_slice %arg19[%dma_start3A_335, %dma_start3A_336] : memref<80x144xf32, #tpu.memory_space<vmem>> -> memref<40x144xf32, #tpu.memory_space<vmem>>
        tpu.enqueue_dma source(%dma_start3A_337 : memref<40x144xf32, #tpu.memory_space<vmem>>) target(%dma_start3A_334 : memref<40x144xf32, #tpu.memory_space<hbm>>) target_semaphore(%run_scoped3A : memref<!tpu.dma_semaphore, #tpu.memory_space<semaphore_mem>>)
        %dma_wait3A_338 = arith.constant 0 : i32
        %dma_wait3A_339 = arith.constant 0 : i32
        %dma_wait3A_340 = tpu.memref_slice %arg19[%dma_wait3A_338, %dma_wait3A_339] : memref<80x144xf32, #tpu.memory_space<vmem>> -> memref<40x144xf32, #tpu.memory_space<vmem>>
        %dma_wait3A_341 = arith.constant 0 : i32
        %dma_wait3A_342 = tpu.memref_slice %arg7[%add3A_327, %dma_wait3A_341] : memref<20000x144xf32, #tpu.memory_space<hbm>> -> memref<40x144xf32, #tpu.memory_space<hbm>>
        %dma_wait3A_343 = arith.constant 0 : i32
        %dma_wait3A_344 = tpu.memref_slice %arg7[%add3A_327, %dma_wait3A_343] : memref<20000x144xf32, #tpu.memory_space<hbm>> -> memref<40x144xf32, #tpu.memory_space<hbm>>
        %dma_wait3A_345 = arith.constant 0 : i32
        %dma_wait3A_346 = arith.constant 0 : i32
        %dma_wait3A_347 = tpu.memref_slice %arg19[%dma_wait3A_345, %dma_wait3A_346] : memref<80x144xf32, #tpu.memory_space<vmem>> -> memref<40x144xf32, #tpu.memory_space<vmem>>
        tpu.wait_dma2 semaphore(%run_scoped3A : memref<!tpu.dma_semaphore, #tpu.memory_space<semaphore_mem>>) src(%dma_wait3A_347 : memref<40x144xf32, #tpu.memory_space<vmem>>) dst(%dma_wait3A_344 : memref<40x144xf32, #tpu.memory_space<hbm>>)
        tpu.yield
      }) : () -> ()
    } else {
    }
    %add3A_279 = arith.constant 160 : i32
    %add3A_280 = arith.addi %arg1, %add3A_279 : i32
    %lt3A_281 = arith.constant 250 : i32
    %lt3A_282 = arith.cmpi slt, %add3A_280, %lt3A_281 : i32
    %convert_element_type3A_283 = arith.extui %lt3A_282 : i1 to i32
    %cond3A_284 = arith.constant 0 : i32
    %cond3A_285 = arith.cmpi ne, %convert_element_type3A_283, %cond3A_284 : i32
    scf.if %cond3A_285 {
      %mul3A_321 = arith.constant 40 : i32
      %mul3A_322 = arith.muli %add3A_280, %mul3A_321 : i32
      "tpu.region"() ({
        %run_scoped3A = tpu.sem_alloc : memref<!tpu.dma_semaphore, #tpu.memory_space<semaphore_mem>>
        %dma_start3A_328 = arith.constant 0 : i32
        %dma_start3A_329 = arith.constant 0 : i32
        %dma_start3A_330 = tpu.memref_slice %arg19[%dma_start3A_328, %dma_start3A_329] : memref<80x144xf32, #tpu.memory_space<vmem>> -> memref<40x144xf32, #tpu.memory_space<vmem>>
        %dma_start3A_331 = arith.constant 0 : i32
        %dma_start3A_332 = tpu.memref_slice %arg8[%mul3A_322, %dma_start3A_331] : memref<10000x144xf32, #tpu.memory_space<vmem_shared>> -> memref<40x144xf32, #tpu.memory_space<vmem_shared>>
        %dma_start3A_333 = arith.constant 0 : i32
        %dma_start3A_334 = arith.constant 0 : i32
        %dma_start3A_335 = tpu.memref_slice %arg19[%dma_start3A_333, %dma_start3A_334] : memref<80x144xf32, #tpu.memory_space<vmem>> -> memref<40x144xf32, #tpu.memory_space<vmem>>
        %dma_start3A_336 = arith.constant 0 : i32
        %dma_start3A_337 = tpu.memref_slice %arg8[%mul3A_322, %dma_start3A_336] : memref<10000x144xf32, #tpu.memory_space<vmem_shared>> -> memref<40x144xf32, #tpu.memory_space<vmem_shared>>
        tpu.enqueue_dma source(%dma_start3A_337 : memref<40x144xf32, #tpu.memory_space<vmem_shared>>) target(%dma_start3A_335 : memref<40x144xf32, #tpu.memory_space<vmem>>) target_semaphore(%run_scoped3A : memref<!tpu.dma_semaphore, #tpu.memory_space<semaphore_mem>>)
        %dma_wait3A_338 = arith.constant 0 : i32
        %dma_wait3A_339 = arith.constant 0 : i32
        %dma_wait3A_340 = tpu.memref_slice %arg19[%dma_wait3A_338, %dma_wait3A_339] : memref<80x144xf32, #tpu.memory_space<vmem>> -> memref<40x144xf32, #tpu.memory_space<vmem>>
        %dma_wait3A_341 = arith.constant 0 : i32
        %dma_wait3A_342 = tpu.memref_slice %arg8[%mul3A_322, %dma_wait3A_341] : memref<10000x144xf32, #tpu.memory_space<vmem_shared>> -> memref<40x144xf32, #tpu.memory_space<vmem_shared>>
        %dma_wait3A_343 = arith.constant 0 : i32
        %dma_wait3A_344 = arith.constant 0 : i32
        %dma_wait3A_345 = tpu.memref_slice %arg19[%dma_wait3A_343, %dma_wait3A_344] : memref<80x144xf32, #tpu.memory_space<vmem>> -> memref<40x144xf32, #tpu.memory_space<vmem>>
        %dma_wait3A_346 = arith.constant 0 : i32
        %dma_wait3A_347 = tpu.memref_slice %arg8[%mul3A_322, %dma_wait3A_346] : memref<10000x144xf32, #tpu.memory_space<vmem_shared>> -> memref<40x144xf32, #tpu.memory_space<vmem_shared>>
        tpu.wait_dma2 semaphore(%run_scoped3A : memref<!tpu.dma_semaphore, #tpu.memory_space<semaphore_mem>>) src(%dma_wait3A_347 : memref<40x144xf32, #tpu.memory_space<vmem_shared>>) dst(%dma_wait3A_345 : memref<40x144xf32, #tpu.memory_space<vmem>>)
        tpu.yield
      }) : () -> ()
      %mul3A_323 = arith.constant 10000 : i32
      %mul3A_324 = arith.muli %arg0, %mul3A_323 : i32
      %mul3A_325 = arith.constant 40 : i32
      %mul3A_326 = arith.muli %add3A_280, %mul3A_325 : i32
      %add3A_327 = arith.addi %mul3A_324, %mul3A_326 : i32
      "tpu.region"() ({
        %run_scoped3A = tpu.sem_alloc : memref<!tpu.dma_semaphore, #tpu.memory_space<semaphore_mem>>
        %dma_start3A_328 = arith.constant 0 : i32
        %dma_start3A_329 = arith.constant 0 : i32
        %dma_start3A_330 = tpu.memref_slice %arg19[%dma_start3A_328, %dma_start3A_329] : memref<80x144xf32, #tpu.memory_space<vmem>> -> memref<40x144xf32, #tpu.memory_space<vmem>>
        %dma_start3A_331 = arith.constant 0 : i32
        %dma_start3A_332 = tpu.memref_slice %arg7[%add3A_327, %dma_start3A_331] : memref<20000x144xf32, #tpu.memory_space<hbm>> -> memref<40x144xf32, #tpu.memory_space<hbm>>
        %dma_start3A_333 = arith.constant 0 : i32
        %dma_start3A_334 = tpu.memref_slice %arg7[%add3A_327, %dma_start3A_333] : memref<20000x144xf32, #tpu.memory_space<hbm>> -> memref<40x144xf32, #tpu.memory_space<hbm>>
        %dma_start3A_335 = arith.constant 0 : i32
        %dma_start3A_336 = arith.constant 0 : i32
        %dma_start3A_337 = tpu.memref_slice %arg19[%dma_start3A_335, %dma_start3A_336] : memref<80x144xf32, #tpu.memory_space<vmem>> -> memref<40x144xf32, #tpu.memory_space<vmem>>
        tpu.enqueue_dma source(%dma_start3A_337 : memref<40x144xf32, #tpu.memory_space<vmem>>) target(%dma_start3A_334 : memref<40x144xf32, #tpu.memory_space<hbm>>) target_semaphore(%run_scoped3A : memref<!tpu.dma_semaphore, #tpu.memory_space<semaphore_mem>>)
        %dma_wait3A_338 = arith.constant 0 : i32
        %dma_wait3A_339 = arith.constant 0 : i32
        %dma_wait3A_340 = tpu.memref_slice %arg19[%dma_wait3A_338, %dma_wait3A_339] : memref<80x144xf32, #tpu.memory_space<vmem>> -> memref<40x144xf32, #tpu.memory_space<vmem>>
        %dma_wait3A_341 = arith.constant 0 : i32
        %dma_wait3A_342 = tpu.memref_slice %arg7[%add3A_327, %dma_wait3A_341] : memref<20000x144xf32, #tpu.memory_space<hbm>> -> memref<40x144xf32, #tpu.memory_space<hbm>>
        %dma_wait3A_343 = arith.constant 0 : i32
        %dma_wait3A_344 = tpu.memref_slice %arg7[%add3A_327, %dma_wait3A_343] : memref<20000x144xf32, #tpu.memory_space<hbm>> -> memref<40x144xf32, #tpu.memory_space<hbm>>
        %dma_wait3A_345 = arith.constant 0 : i32
        %dma_wait3A_346 = arith.constant 0 : i32
        %dma_wait3A_347 = tpu.memref_slice %arg19[%dma_wait3A_345, %dma_wait3A_346] : memref<80x144xf32, #tpu.memory_space<vmem>> -> memref<40x144xf32, #tpu.memory_space<vmem>>
        tpu.wait_dma2 semaphore(%run_scoped3A : memref<!tpu.dma_semaphore, #tpu.memory_space<semaphore_mem>>) src(%dma_wait3A_347 : memref<40x144xf32, #tpu.memory_space<vmem>>) dst(%dma_wait3A_344 : memref<40x144xf32, #tpu.memory_space<hbm>>)
        tpu.yield
      }) : () -> ()
    } else {
    }
    %add3A_286 = arith.constant 176 : i32
    %add3A_287 = arith.addi %arg1, %add3A_286 : i32
    %lt3A_288 = arith.constant 250 : i32
    %lt3A_289 = arith.cmpi slt, %add3A_287, %lt3A_288 : i32
    %convert_element_type3A_290 = arith.extui %lt3A_289 : i1 to i32
    %cond3A_291 = arith.constant 0 : i32
    %cond3A_292 = arith.cmpi ne, %convert_element_type3A_290, %cond3A_291 : i32
    scf.if %cond3A_292 {
      %mul3A_321 = arith.constant 40 : i32
      %mul3A_322 = arith.muli %add3A_287, %mul3A_321 : i32
      "tpu.region"() ({
        %run_scoped3A = tpu.sem_alloc : memref<!tpu.dma_semaphore, #tpu.memory_space<semaphore_mem>>
        %dma_start3A_328 = arith.constant 0 : i32
        %dma_start3A_329 = arith.constant 0 : i32
        %dma_start3A_330 = tpu.memref_slice %arg19[%dma_start3A_328, %dma_start3A_329] : memref<80x144xf32, #tpu.memory_space<vmem>> -> memref<40x144xf32, #tpu.memory_space<vmem>>
        %dma_start3A_331 = arith.constant 0 : i32
        %dma_start3A_332 = tpu.memref_slice %arg8[%mul3A_322, %dma_start3A_331] : memref<10000x144xf32, #tpu.memory_space<vmem_shared>> -> memref<40x144xf32, #tpu.memory_space<vmem_shared>>
        %dma_start3A_333 = arith.constant 0 : i32
        %dma_start3A_334 = arith.constant 0 : i32
        %dma_start3A_335 = tpu.memref_slice %arg19[%dma_start3A_333, %dma_start3A_334] : memref<80x144xf32, #tpu.memory_space<vmem>> -> memref<40x144xf32, #tpu.memory_space<vmem>>
        %dma_start3A_336 = arith.constant 0 : i32
        %dma_start3A_337 = tpu.memref_slice %arg8[%mul3A_322, %dma_start3A_336] : memref<10000x144xf32, #tpu.memory_space<vmem_shared>> -> memref<40x144xf32, #tpu.memory_space<vmem_shared>>
        tpu.enqueue_dma source(%dma_start3A_337 : memref<40x144xf32, #tpu.memory_space<vmem_shared>>) target(%dma_start3A_335 : memref<40x144xf32, #tpu.memory_space<vmem>>) target_semaphore(%run_scoped3A : memref<!tpu.dma_semaphore, #tpu.memory_space<semaphore_mem>>)
        %dma_wait3A_338 = arith.constant 0 : i32
        %dma_wait3A_339 = arith.constant 0 : i32
        %dma_wait3A_340 = tpu.memref_slice %arg19[%dma_wait3A_338, %dma_wait3A_339] : memref<80x144xf32, #tpu.memory_space<vmem>> -> memref<40x144xf32, #tpu.memory_space<vmem>>
        %dma_wait3A_341 = arith.constant 0 : i32
        %dma_wait3A_342 = tpu.memref_slice %arg8[%mul3A_322, %dma_wait3A_341] : memref<10000x144xf32, #tpu.memory_space<vmem_shared>> -> memref<40x144xf32, #tpu.memory_space<vmem_shared>>
        %dma_wait3A_343 = arith.constant 0 : i32
        %dma_wait3A_344 = arith.constant 0 : i32
        %dma_wait3A_345 = tpu.memref_slice %arg19[%dma_wait3A_343, %dma_wait3A_344] : memref<80x144xf32, #tpu.memory_space<vmem>> -> memref<40x144xf32, #tpu.memory_space<vmem>>
        %dma_wait3A_346 = arith.constant 0 : i32
        %dma_wait3A_347 = tpu.memref_slice %arg8[%mul3A_322, %dma_wait3A_346] : memref<10000x144xf32, #tpu.memory_space<vmem_shared>> -> memref<40x144xf32, #tpu.memory_space<vmem_shared>>
        tpu.wait_dma2 semaphore(%run_scoped3A : memref<!tpu.dma_semaphore, #tpu.memory_space<semaphore_mem>>) src(%dma_wait3A_347 : memref<40x144xf32, #tpu.memory_space<vmem_shared>>) dst(%dma_wait3A_345 : memref<40x144xf32, #tpu.memory_space<vmem>>)
        tpu.yield
      }) : () -> ()
      %mul3A_323 = arith.constant 10000 : i32
      %mul3A_324 = arith.muli %arg0, %mul3A_323 : i32
      %mul3A_325 = arith.constant 40 : i32
      %mul3A_326 = arith.muli %add3A_287, %mul3A_325 : i32
      %add3A_327 = arith.addi %mul3A_324, %mul3A_326 : i32
      "tpu.region"() ({
        %run_scoped3A = tpu.sem_alloc : memref<!tpu.dma_semaphore, #tpu.memory_space<semaphore_mem>>
        %dma_start3A_328 = arith.constant 0 : i32
        %dma_start3A_329 = arith.constant 0 : i32
        %dma_start3A_330 = tpu.memref_slice %arg19[%dma_start3A_328, %dma_start3A_329] : memref<80x144xf32, #tpu.memory_space<vmem>> -> memref<40x144xf32, #tpu.memory_space<vmem>>
        %dma_start3A_331 = arith.constant 0 : i32
        %dma_start3A_332 = tpu.memref_slice %arg7[%add3A_327, %dma_start3A_331] : memref<20000x144xf32, #tpu.memory_space<hbm>> -> memref<40x144xf32, #tpu.memory_space<hbm>>
        %dma_start3A_333 = arith.constant 0 : i32
        %dma_start3A_334 = tpu.memref_slice %arg7[%add3A_327, %dma_start3A_333] : memref<20000x144xf32, #tpu.memory_space<hbm>> -> memref<40x144xf32, #tpu.memory_space<hbm>>
        %dma_start3A_335 = arith.constant 0 : i32
        %dma_start3A_336 = arith.constant 0 : i32
        %dma_start3A_337 = tpu.memref_slice %arg19[%dma_start3A_335, %dma_start3A_336] : memref<80x144xf32, #tpu.memory_space<vmem>> -> memref<40x144xf32, #tpu.memory_space<vmem>>
        tpu.enqueue_dma source(%dma_start3A_337 : memref<40x144xf32, #tpu.memory_space<vmem>>) target(%dma_start3A_334 : memref<40x144xf32, #tpu.memory_space<hbm>>) target_semaphore(%run_scoped3A : memref<!tpu.dma_semaphore, #tpu.memory_space<semaphore_mem>>)
        %dma_wait3A_338 = arith.constant 0 : i32
        %dma_wait3A_339 = arith.constant 0 : i32
        %dma_wait3A_340 = tpu.memref_slice %arg19[%dma_wait3A_338, %dma_wait3A_339] : memref<80x144xf32, #tpu.memory_space<vmem>> -> memref<40x144xf32, #tpu.memory_space<vmem>>
        %dma_wait3A_341 = arith.constant 0 : i32
        %dma_wait3A_342 = tpu.memref_slice %arg7[%add3A_327, %dma_wait3A_341] : memref<20000x144xf32, #tpu.memory_space<hbm>> -> memref<40x144xf32, #tpu.memory_space<hbm>>
        %dma_wait3A_343 = arith.constant 0 : i32
        %dma_wait3A_344 = tpu.memref_slice %arg7[%add3A_327, %dma_wait3A_343] : memref<20000x144xf32, #tpu.memory_space<hbm>> -> memref<40x144xf32, #tpu.memory_space<hbm>>
        %dma_wait3A_345 = arith.constant 0 : i32
        %dma_wait3A_346 = arith.constant 0 : i32
        %dma_wait3A_347 = tpu.memref_slice %arg19[%dma_wait3A_345, %dma_wait3A_346] : memref<80x144xf32, #tpu.memory_space<vmem>> -> memref<40x144xf32, #tpu.memory_space<vmem>>
        tpu.wait_dma2 semaphore(%run_scoped3A : memref<!tpu.dma_semaphore, #tpu.memory_space<semaphore_mem>>) src(%dma_wait3A_347 : memref<40x144xf32, #tpu.memory_space<vmem>>) dst(%dma_wait3A_344 : memref<40x144xf32, #tpu.memory_space<hbm>>)
        tpu.yield
      }) : () -> ()
    } else {
    }
    %add3A_293 = arith.constant 192 : i32
    %add3A_294 = arith.addi %arg1, %add3A_293 : i32
    %lt3A_295 = arith.constant 250 : i32
    %lt3A_296 = arith.cmpi slt, %add3A_294, %lt3A_295 : i32
    %convert_element_type3A_297 = arith.extui %lt3A_296 : i1 to i32
    %cond3A_298 = arith.constant 0 : i32
    %cond3A_299 = arith.cmpi ne, %convert_element_type3A_297, %cond3A_298 : i32
    scf.if %cond3A_299 {
      %mul3A_321 = arith.constant 40 : i32
      %mul3A_322 = arith.muli %add3A_294, %mul3A_321 : i32
      "tpu.region"() ({
        %run_scoped3A = tpu.sem_alloc : memref<!tpu.dma_semaphore, #tpu.memory_space<semaphore_mem>>
        %dma_start3A_328 = arith.constant 0 : i32
        %dma_start3A_329 = arith.constant 0 : i32
        %dma_start3A_330 = tpu.memref_slice %arg19[%dma_start3A_328, %dma_start3A_329] : memref<80x144xf32, #tpu.memory_space<vmem>> -> memref<40x144xf32, #tpu.memory_space<vmem>>
        %dma_start3A_331 = arith.constant 0 : i32
        %dma_start3A_332 = tpu.memref_slice %arg8[%mul3A_322, %dma_start3A_331] : memref<10000x144xf32, #tpu.memory_space<vmem_shared>> -> memref<40x144xf32, #tpu.memory_space<vmem_shared>>
        %dma_start3A_333 = arith.constant 0 : i32
        %dma_start3A_334 = arith.constant 0 : i32
        %dma_start3A_335 = tpu.memref_slice %arg19[%dma_start3A_333, %dma_start3A_334] : memref<80x144xf32, #tpu.memory_space<vmem>> -> memref<40x144xf32, #tpu.memory_space<vmem>>
        %dma_start3A_336 = arith.constant 0 : i32
        %dma_start3A_337 = tpu.memref_slice %arg8[%mul3A_322, %dma_start3A_336] : memref<10000x144xf32, #tpu.memory_space<vmem_shared>> -> memref<40x144xf32, #tpu.memory_space<vmem_shared>>
        tpu.enqueue_dma source(%dma_start3A_337 : memref<40x144xf32, #tpu.memory_space<vmem_shared>>) target(%dma_start3A_335 : memref<40x144xf32, #tpu.memory_space<vmem>>) target_semaphore(%run_scoped3A : memref<!tpu.dma_semaphore, #tpu.memory_space<semaphore_mem>>)
        %dma_wait3A_338 = arith.constant 0 : i32
        %dma_wait3A_339 = arith.constant 0 : i32
        %dma_wait3A_340 = tpu.memref_slice %arg19[%dma_wait3A_338, %dma_wait3A_339] : memref<80x144xf32, #tpu.memory_space<vmem>> -> memref<40x144xf32, #tpu.memory_space<vmem>>
        %dma_wait3A_341 = arith.constant 0 : i32
        %dma_wait3A_342 = tpu.memref_slice %arg8[%mul3A_322, %dma_wait3A_341] : memref<10000x144xf32, #tpu.memory_space<vmem_shared>> -> memref<40x144xf32, #tpu.memory_space<vmem_shared>>
        %dma_wait3A_343 = arith.constant 0 : i32
        %dma_wait3A_344 = arith.constant 0 : i32
        %dma_wait3A_345 = tpu.memref_slice %arg19[%dma_wait3A_343, %dma_wait3A_344] : memref<80x144xf32, #tpu.memory_space<vmem>> -> memref<40x144xf32, #tpu.memory_space<vmem>>
        %dma_wait3A_346 = arith.constant 0 : i32
        %dma_wait3A_347 = tpu.memref_slice %arg8[%mul3A_322, %dma_wait3A_346] : memref<10000x144xf32, #tpu.memory_space<vmem_shared>> -> memref<40x144xf32, #tpu.memory_space<vmem_shared>>
        tpu.wait_dma2 semaphore(%run_scoped3A : memref<!tpu.dma_semaphore, #tpu.memory_space<semaphore_mem>>) src(%dma_wait3A_347 : memref<40x144xf32, #tpu.memory_space<vmem_shared>>) dst(%dma_wait3A_345 : memref<40x144xf32, #tpu.memory_space<vmem>>)
        tpu.yield
      }) : () -> ()
      %mul3A_323 = arith.constant 10000 : i32
      %mul3A_324 = arith.muli %arg0, %mul3A_323 : i32
      %mul3A_325 = arith.constant 40 : i32
      %mul3A_326 = arith.muli %add3A_294, %mul3A_325 : i32
      %add3A_327 = arith.addi %mul3A_324, %mul3A_326 : i32
      "tpu.region"() ({
        %run_scoped3A = tpu.sem_alloc : memref<!tpu.dma_semaphore, #tpu.memory_space<semaphore_mem>>
        %dma_start3A_328 = arith.constant 0 : i32
        %dma_start3A_329 = arith.constant 0 : i32
        %dma_start3A_330 = tpu.memref_slice %arg19[%dma_start3A_328, %dma_start3A_329] : memref<80x144xf32, #tpu.memory_space<vmem>> -> memref<40x144xf32, #tpu.memory_space<vmem>>
        %dma_start3A_331 = arith.constant 0 : i32
        %dma_start3A_332 = tpu.memref_slice %arg7[%add3A_327, %dma_start3A_331] : memref<20000x144xf32, #tpu.memory_space<hbm>> -> memref<40x144xf32, #tpu.memory_space<hbm>>
        %dma_start3A_333 = arith.constant 0 : i32
        %dma_start3A_334 = tpu.memref_slice %arg7[%add3A_327, %dma_start3A_333] : memref<20000x144xf32, #tpu.memory_space<hbm>> -> memref<40x144xf32, #tpu.memory_space<hbm>>
        %dma_start3A_335 = arith.constant 0 : i32
        %dma_start3A_336 = arith.constant 0 : i32
        %dma_start3A_337 = tpu.memref_slice %arg19[%dma_start3A_335, %dma_start3A_336] : memref<80x144xf32, #tpu.memory_space<vmem>> -> memref<40x144xf32, #tpu.memory_space<vmem>>
        tpu.enqueue_dma source(%dma_start3A_337 : memref<40x144xf32, #tpu.memory_space<vmem>>) target(%dma_start3A_334 : memref<40x144xf32, #tpu.memory_space<hbm>>) target_semaphore(%run_scoped3A : memref<!tpu.dma_semaphore, #tpu.memory_space<semaphore_mem>>)
        %dma_wait3A_338 = arith.constant 0 : i32
        %dma_wait3A_339 = arith.constant 0 : i32
        %dma_wait3A_340 = tpu.memref_slice %arg19[%dma_wait3A_338, %dma_wait3A_339] : memref<80x144xf32, #tpu.memory_space<vmem>> -> memref<40x144xf32, #tpu.memory_space<vmem>>
        %dma_wait3A_341 = arith.constant 0 : i32
        %dma_wait3A_342 = tpu.memref_slice %arg7[%add3A_327, %dma_wait3A_341] : memref<20000x144xf32, #tpu.memory_space<hbm>> -> memref<40x144xf32, #tpu.memory_space<hbm>>
        %dma_wait3A_343 = arith.constant 0 : i32
        %dma_wait3A_344 = tpu.memref_slice %arg7[%add3A_327, %dma_wait3A_343] : memref<20000x144xf32, #tpu.memory_space<hbm>> -> memref<40x144xf32, #tpu.memory_space<hbm>>
        %dma_wait3A_345 = arith.constant 0 : i32
        %dma_wait3A_346 = arith.constant 0 : i32
        %dma_wait3A_347 = tpu.memref_slice %arg19[%dma_wait3A_345, %dma_wait3A_346] : memref<80x144xf32, #tpu.memory_space<vmem>> -> memref<40x144xf32, #tpu.memory_space<vmem>>
        tpu.wait_dma2 semaphore(%run_scoped3A : memref<!tpu.dma_semaphore, #tpu.memory_space<semaphore_mem>>) src(%dma_wait3A_347 : memref<40x144xf32, #tpu.memory_space<vmem>>) dst(%dma_wait3A_344 : memref<40x144xf32, #tpu.memory_space<hbm>>)
        tpu.yield
      }) : () -> ()
    } else {
    }
    %add3A_300 = arith.constant 208 : i32
    %add3A_301 = arith.addi %arg1, %add3A_300 : i32
    %lt3A_302 = arith.constant 250 : i32
    %lt3A_303 = arith.cmpi slt, %add3A_301, %lt3A_302 : i32
    %convert_element_type3A_304 = arith.extui %lt3A_303 : i1 to i32
    %cond3A_305 = arith.constant 0 : i32
    %cond3A_306 = arith.cmpi ne, %convert_element_type3A_304, %cond3A_305 : i32
    scf.if %cond3A_306 {
      %mul3A_321 = arith.constant 40 : i32
      %mul3A_322 = arith.muli %add3A_301, %mul3A_321 : i32
      "tpu.region"() ({
        %run_scoped3A = tpu.sem_alloc : memref<!tpu.dma_semaphore, #tpu.memory_space<semaphore_mem>>
        %dma_start3A_328 = arith.constant 0 : i32
        %dma_start3A_329 = arith.constant 0 : i32
        %dma_start3A_330 = tpu.memref_slice %arg19[%dma_start3A_328, %dma_start3A_329] : memref<80x144xf32, #tpu.memory_space<vmem>> -> memref<40x144xf32, #tpu.memory_space<vmem>>
        %dma_start3A_331 = arith.constant 0 : i32
        %dma_start3A_332 = tpu.memref_slice %arg8[%mul3A_322, %dma_start3A_331] : memref<10000x144xf32, #tpu.memory_space<vmem_shared>> -> memref<40x144xf32, #tpu.memory_space<vmem_shared>>
        %dma_start3A_333 = arith.constant 0 : i32
        %dma_start3A_334 = arith.constant 0 : i32
        %dma_start3A_335 = tpu.memref_slice %arg19[%dma_start3A_333, %dma_start3A_334] : memref<80x144xf32, #tpu.memory_space<vmem>> -> memref<40x144xf32, #tpu.memory_space<vmem>>
        %dma_start3A_336 = arith.constant 0 : i32
        %dma_start3A_337 = tpu.memref_slice %arg8[%mul3A_322, %dma_start3A_336] : memref<10000x144xf32, #tpu.memory_space<vmem_shared>> -> memref<40x144xf32, #tpu.memory_space<vmem_shared>>
        tpu.enqueue_dma source(%dma_start3A_337 : memref<40x144xf32, #tpu.memory_space<vmem_shared>>) target(%dma_start3A_335 : memref<40x144xf32, #tpu.memory_space<vmem>>) target_semaphore(%run_scoped3A : memref<!tpu.dma_semaphore, #tpu.memory_space<semaphore_mem>>)
        %dma_wait3A_338 = arith.constant 0 : i32
        %dma_wait3A_339 = arith.constant 0 : i32
        %dma_wait3A_340 = tpu.memref_slice %arg19[%dma_wait3A_338, %dma_wait3A_339] : memref<80x144xf32, #tpu.memory_space<vmem>> -> memref<40x144xf32, #tpu.memory_space<vmem>>
        %dma_wait3A_341 = arith.constant 0 : i32
        %dma_wait3A_342 = tpu.memref_slice %arg8[%mul3A_322, %dma_wait3A_341] : memref<10000x144xf32, #tpu.memory_space<vmem_shared>> -> memref<40x144xf32, #tpu.memory_space<vmem_shared>>
        %dma_wait3A_343 = arith.constant 0 : i32
        %dma_wait3A_344 = arith.constant 0 : i32
        %dma_wait3A_345 = tpu.memref_slice %arg19[%dma_wait3A_343, %dma_wait3A_344] : memref<80x144xf32, #tpu.memory_space<vmem>> -> memref<40x144xf32, #tpu.memory_space<vmem>>
        %dma_wait3A_346 = arith.constant 0 : i32
        %dma_wait3A_347 = tpu.memref_slice %arg8[%mul3A_322, %dma_wait3A_346] : memref<10000x144xf32, #tpu.memory_space<vmem_shared>> -> memref<40x144xf32, #tpu.memory_space<vmem_shared>>
        tpu.wait_dma2 semaphore(%run_scoped3A : memref<!tpu.dma_semaphore, #tpu.memory_space<semaphore_mem>>) src(%dma_wait3A_347 : memref<40x144xf32, #tpu.memory_space<vmem_shared>>) dst(%dma_wait3A_345 : memref<40x144xf32, #tpu.memory_space<vmem>>)
        tpu.yield
      }) : () -> ()
      %mul3A_323 = arith.constant 10000 : i32
      %mul3A_324 = arith.muli %arg0, %mul3A_323 : i32
      %mul3A_325 = arith.constant 40 : i32
      %mul3A_326 = arith.muli %add3A_301, %mul3A_325 : i32
      %add3A_327 = arith.addi %mul3A_324, %mul3A_326 : i32
      "tpu.region"() ({
        %run_scoped3A = tpu.sem_alloc : memref<!tpu.dma_semaphore, #tpu.memory_space<semaphore_mem>>
        %dma_start3A_328 = arith.constant 0 : i32
        %dma_start3A_329 = arith.constant 0 : i32
        %dma_start3A_330 = tpu.memref_slice %arg19[%dma_start3A_328, %dma_start3A_329] : memref<80x144xf32, #tpu.memory_space<vmem>> -> memref<40x144xf32, #tpu.memory_space<vmem>>
        %dma_start3A_331 = arith.constant 0 : i32
        %dma_start3A_332 = tpu.memref_slice %arg7[%add3A_327, %dma_start3A_331] : memref<20000x144xf32, #tpu.memory_space<hbm>> -> memref<40x144xf32, #tpu.memory_space<hbm>>
        %dma_start3A_333 = arith.constant 0 : i32
        %dma_start3A_334 = tpu.memref_slice %arg7[%add3A_327, %dma_start3A_333] : memref<20000x144xf32, #tpu.memory_space<hbm>> -> memref<40x144xf32, #tpu.memory_space<hbm>>
        %dma_start3A_335 = arith.constant 0 : i32
        %dma_start3A_336 = arith.constant 0 : i32
        %dma_start3A_337 = tpu.memref_slice %arg19[%dma_start3A_335, %dma_start3A_336] : memref<80x144xf32, #tpu.memory_space<vmem>> -> memref<40x144xf32, #tpu.memory_space<vmem>>
        tpu.enqueue_dma source(%dma_start3A_337 : memref<40x144xf32, #tpu.memory_space<vmem>>) target(%dma_start3A_334 : memref<40x144xf32, #tpu.memory_space<hbm>>) target_semaphore(%run_scoped3A : memref<!tpu.dma_semaphore, #tpu.memory_space<semaphore_mem>>)
        %dma_wait3A_338 = arith.constant 0 : i32
        %dma_wait3A_339 = arith.constant 0 : i32
        %dma_wait3A_340 = tpu.memref_slice %arg19[%dma_wait3A_338, %dma_wait3A_339] : memref<80x144xf32, #tpu.memory_space<vmem>> -> memref<40x144xf32, #tpu.memory_space<vmem>>
        %dma_wait3A_341 = arith.constant 0 : i32
        %dma_wait3A_342 = tpu.memref_slice %arg7[%add3A_327, %dma_wait3A_341] : memref<20000x144xf32, #tpu.memory_space<hbm>> -> memref<40x144xf32, #tpu.memory_space<hbm>>
        %dma_wait3A_343 = arith.constant 0 : i32
        %dma_wait3A_344 = tpu.memref_slice %arg7[%add3A_327, %dma_wait3A_343] : memref<20000x144xf32, #tpu.memory_space<hbm>> -> memref<40x144xf32, #tpu.memory_space<hbm>>
        %dma_wait3A_345 = arith.constant 0 : i32
        %dma_wait3A_346 = arith.constant 0 : i32
        %dma_wait3A_347 = tpu.memref_slice %arg19[%dma_wait3A_345, %dma_wait3A_346] : memref<80x144xf32, #tpu.memory_space<vmem>> -> memref<40x144xf32, #tpu.memory_space<vmem>>
        tpu.wait_dma2 semaphore(%run_scoped3A : memref<!tpu.dma_semaphore, #tpu.memory_space<semaphore_mem>>) src(%dma_wait3A_347 : memref<40x144xf32, #tpu.memory_space<vmem>>) dst(%dma_wait3A_344 : memref<40x144xf32, #tpu.memory_space<hbm>>)
        tpu.yield
      }) : () -> ()
    } else {
    }
    %add3A_307 = arith.constant 224 : i32
    %add3A_308 = arith.addi %arg1, %add3A_307 : i32
    %lt3A_309 = arith.constant 250 : i32
    %lt3A_310 = arith.cmpi slt, %add3A_308, %lt3A_309 : i32
    %convert_element_type3A_311 = arith.extui %lt3A_310 : i1 to i32
    %cond3A_312 = arith.constant 0 : i32
    %cond3A_313 = arith.cmpi ne, %convert_element_type3A_311, %cond3A_312 : i32
    scf.if %cond3A_313 {
      %mul3A_321 = arith.constant 40 : i32
      %mul3A_322 = arith.muli %add3A_308, %mul3A_321 : i32
      "tpu.region"() ({
        %run_scoped3A = tpu.sem_alloc : memref<!tpu.dma_semaphore, #tpu.memory_space<semaphore_mem>>
        %dma_start3A_328 = arith.constant 0 : i32
        %dma_start3A_329 = arith.constant 0 : i32
        %dma_start3A_330 = tpu.memref_slice %arg19[%dma_start3A_328, %dma_start3A_329] : memref<80x144xf32, #tpu.memory_space<vmem>> -> memref<40x144xf32, #tpu.memory_space<vmem>>
        %dma_start3A_331 = arith.constant 0 : i32
        %dma_start3A_332 = tpu.memref_slice %arg8[%mul3A_322, %dma_start3A_331] : memref<10000x144xf32, #tpu.memory_space<vmem_shared>> -> memref<40x144xf32, #tpu.memory_space<vmem_shared>>
        %dma_start3A_333 = arith.constant 0 : i32
        %dma_start3A_334 = arith.constant 0 : i32
        %dma_start3A_335 = tpu.memref_slice %arg19[%dma_start3A_333, %dma_start3A_334] : memref<80x144xf32, #tpu.memory_space<vmem>> -> memref<40x144xf32, #tpu.memory_space<vmem>>
        %dma_start3A_336 = arith.constant 0 : i32
        %dma_start3A_337 = tpu.memref_slice %arg8[%mul3A_322, %dma_start3A_336] : memref<10000x144xf32, #tpu.memory_space<vmem_shared>> -> memref<40x144xf32, #tpu.memory_space<vmem_shared>>
        tpu.enqueue_dma source(%dma_start3A_337 : memref<40x144xf32, #tpu.memory_space<vmem_shared>>) target(%dma_start3A_335 : memref<40x144xf32, #tpu.memory_space<vmem>>) target_semaphore(%run_scoped3A : memref<!tpu.dma_semaphore, #tpu.memory_space<semaphore_mem>>)
        %dma_wait3A_338 = arith.constant 0 : i32
        %dma_wait3A_339 = arith.constant 0 : i32
        %dma_wait3A_340 = tpu.memref_slice %arg19[%dma_wait3A_338, %dma_wait3A_339] : memref<80x144xf32, #tpu.memory_space<vmem>> -> memref<40x144xf32, #tpu.memory_space<vmem>>
        %dma_wait3A_341 = arith.constant 0 : i32
        %dma_wait3A_342 = tpu.memref_slice %arg8[%mul3A_322, %dma_wait3A_341] : memref<10000x144xf32, #tpu.memory_space<vmem_shared>> -> memref<40x144xf32, #tpu.memory_space<vmem_shared>>
        %dma_wait3A_343 = arith.constant 0 : i32
        %dma_wait3A_344 = arith.constant 0 : i32
        %dma_wait3A_345 = tpu.memref_slice %arg19[%dma_wait3A_343, %dma_wait3A_344] : memref<80x144xf32, #tpu.memory_space<vmem>> -> memref<40x144xf32, #tpu.memory_space<vmem>>
        %dma_wait3A_346 = arith.constant 0 : i32
        %dma_wait3A_347 = tpu.memref_slice %arg8[%mul3A_322, %dma_wait3A_346] : memref<10000x144xf32, #tpu.memory_space<vmem_shared>> -> memref<40x144xf32, #tpu.memory_space<vmem_shared>>
        tpu.wait_dma2 semaphore(%run_scoped3A : memref<!tpu.dma_semaphore, #tpu.memory_space<semaphore_mem>>) src(%dma_wait3A_347 : memref<40x144xf32, #tpu.memory_space<vmem_shared>>) dst(%dma_wait3A_345 : memref<40x144xf32, #tpu.memory_space<vmem>>)
        tpu.yield
      }) : () -> ()
      %mul3A_323 = arith.constant 10000 : i32
      %mul3A_324 = arith.muli %arg0, %mul3A_323 : i32
      %mul3A_325 = arith.constant 40 : i32
      %mul3A_326 = arith.muli %add3A_308, %mul3A_325 : i32
      %add3A_327 = arith.addi %mul3A_324, %mul3A_326 : i32
      "tpu.region"() ({
        %run_scoped3A = tpu.sem_alloc : memref<!tpu.dma_semaphore, #tpu.memory_space<semaphore_mem>>
        %dma_start3A_328 = arith.constant 0 : i32
        %dma_start3A_329 = arith.constant 0 : i32
        %dma_start3A_330 = tpu.memref_slice %arg19[%dma_start3A_328, %dma_start3A_329] : memref<80x144xf32, #tpu.memory_space<vmem>> -> memref<40x144xf32, #tpu.memory_space<vmem>>
        %dma_start3A_331 = arith.constant 0 : i32
        %dma_start3A_332 = tpu.memref_slice %arg7[%add3A_327, %dma_start3A_331] : memref<20000x144xf32, #tpu.memory_space<hbm>> -> memref<40x144xf32, #tpu.memory_space<hbm>>
        %dma_start3A_333 = arith.constant 0 : i32
        %dma_start3A_334 = tpu.memref_slice %arg7[%add3A_327, %dma_start3A_333] : memref<20000x144xf32, #tpu.memory_space<hbm>> -> memref<40x144xf32, #tpu.memory_space<hbm>>
        %dma_start3A_335 = arith.constant 0 : i32
        %dma_start3A_336 = arith.constant 0 : i32
        %dma_start3A_337 = tpu.memref_slice %arg19[%dma_start3A_335, %dma_start3A_336] : memref<80x144xf32, #tpu.memory_space<vmem>> -> memref<40x144xf32, #tpu.memory_space<vmem>>
        tpu.enqueue_dma source(%dma_start3A_337 : memref<40x144xf32, #tpu.memory_space<vmem>>) target(%dma_start3A_334 : memref<40x144xf32, #tpu.memory_space<hbm>>) target_semaphore(%run_scoped3A : memref<!tpu.dma_semaphore, #tpu.memory_space<semaphore_mem>>)
        %dma_wait3A_338 = arith.constant 0 : i32
        %dma_wait3A_339 = arith.constant 0 : i32
        %dma_wait3A_340 = tpu.memref_slice %arg19[%dma_wait3A_338, %dma_wait3A_339] : memref<80x144xf32, #tpu.memory_space<vmem>> -> memref<40x144xf32, #tpu.memory_space<vmem>>
        %dma_wait3A_341 = arith.constant 0 : i32
        %dma_wait3A_342 = tpu.memref_slice %arg7[%add3A_327, %dma_wait3A_341] : memref<20000x144xf32, #tpu.memory_space<hbm>> -> memref<40x144xf32, #tpu.memory_space<hbm>>
        %dma_wait3A_343 = arith.constant 0 : i32
        %dma_wait3A_344 = tpu.memref_slice %arg7[%add3A_327, %dma_wait3A_343] : memref<20000x144xf32, #tpu.memory_space<hbm>> -> memref<40x144xf32, #tpu.memory_space<hbm>>
        %dma_wait3A_345 = arith.constant 0 : i32
        %dma_wait3A_346 = arith.constant 0 : i32
        %dma_wait3A_347 = tpu.memref_slice %arg19[%dma_wait3A_345, %dma_wait3A_346] : memref<80x144xf32, #tpu.memory_space<vmem>> -> memref<40x144xf32, #tpu.memory_space<vmem>>
        tpu.wait_dma2 semaphore(%run_scoped3A : memref<!tpu.dma_semaphore, #tpu.memory_space<semaphore_mem>>) src(%dma_wait3A_347 : memref<40x144xf32, #tpu.memory_space<vmem>>) dst(%dma_wait3A_344 : memref<40x144xf32, #tpu.memory_space<hbm>>)
        tpu.yield
      }) : () -> ()
    } else {
    }
    %add3A_314 = arith.constant 240 : i32
    %add3A_315 = arith.addi %arg1, %add3A_314 : i32
    %lt3A_316 = arith.constant 250 : i32
    %lt3A_317 = arith.cmpi slt, %add3A_315, %lt3A_316 : i32
    %convert_element_type3A_318 = arith.extui %lt3A_317 : i1 to i32
    %cond3A_319 = arith.constant 0 : i32
    %cond3A_320 = arith.cmpi ne, %convert_element_type3A_318, %cond3A_319 : i32
    scf.if %cond3A_320 {
      %mul3A_321 = arith.constant 40 : i32
      %mul3A_322 = arith.muli %add3A_315, %mul3A_321 : i32
      "tpu.region"() ({
        %run_scoped3A = tpu.sem_alloc : memref<!tpu.dma_semaphore, #tpu.memory_space<semaphore_mem>>
        %dma_start3A_328 = arith.constant 0 : i32
        %dma_start3A_329 = arith.constant 0 : i32
        %dma_start3A_330 = tpu.memref_slice %arg19[%dma_start3A_328, %dma_start3A_329] : memref<80x144xf32, #tpu.memory_space<vmem>> -> memref<40x144xf32, #tpu.memory_space<vmem>>
        %dma_start3A_331 = arith.constant 0 : i32
        %dma_start3A_332 = tpu.memref_slice %arg8[%mul3A_322, %dma_start3A_331] : memref<10000x144xf32, #tpu.memory_space<vmem_shared>> -> memref<40x144xf32, #tpu.memory_space<vmem_shared>>
        %dma_start3A_333 = arith.constant 0 : i32
        %dma_start3A_334 = arith.constant 0 : i32
        %dma_start3A_335 = tpu.memref_slice %arg19[%dma_start3A_333, %dma_start3A_334] : memref<80x144xf32, #tpu.memory_space<vmem>> -> memref<40x144xf32, #tpu.memory_space<vmem>>
        %dma_start3A_336 = arith.constant 0 : i32
        %dma_start3A_337 = tpu.memref_slice %arg8[%mul3A_322, %dma_start3A_336] : memref<10000x144xf32, #tpu.memory_space<vmem_shared>> -> memref<40x144xf32, #tpu.memory_space<vmem_shared>>
        tpu.enqueue_dma source(%dma_start3A_337 : memref<40x144xf32, #tpu.memory_space<vmem_shared>>) target(%dma_start3A_335 : memref<40x144xf32, #tpu.memory_space<vmem>>) target_semaphore(%run_scoped3A : memref<!tpu.dma_semaphore, #tpu.memory_space<semaphore_mem>>)
        %dma_wait3A_338 = arith.constant 0 : i32
        %dma_wait3A_339 = arith.constant 0 : i32
        %dma_wait3A_340 = tpu.memref_slice %arg19[%dma_wait3A_338, %dma_wait3A_339] : memref<80x144xf32, #tpu.memory_space<vmem>> -> memref<40x144xf32, #tpu.memory_space<vmem>>
        %dma_wait3A_341 = arith.constant 0 : i32
        %dma_wait3A_342 = tpu.memref_slice %arg8[%mul3A_322, %dma_wait3A_341] : memref<10000x144xf32, #tpu.memory_space<vmem_shared>> -> memref<40x144xf32, #tpu.memory_space<vmem_shared>>
        %dma_wait3A_343 = arith.constant 0 : i32
        %dma_wait3A_344 = arith.constant 0 : i32
        %dma_wait3A_345 = tpu.memref_slice %arg19[%dma_wait3A_343, %dma_wait3A_344] : memref<80x144xf32, #tpu.memory_space<vmem>> -> memref<40x144xf32, #tpu.memory_space<vmem>>
        %dma_wait3A_346 = arith.constant 0 : i32
        %dma_wait3A_347 = tpu.memref_slice %arg8[%mul3A_322, %dma_wait3A_346] : memref<10000x144xf32, #tpu.memory_space<vmem_shared>> -> memref<40x144xf32, #tpu.memory_space<vmem_shared>>
        tpu.wait_dma2 semaphore(%run_scoped3A : memref<!tpu.dma_semaphore, #tpu.memory_space<semaphore_mem>>) src(%dma_wait3A_347 : memref<40x144xf32, #tpu.memory_space<vmem_shared>>) dst(%dma_wait3A_345 : memref<40x144xf32, #tpu.memory_space<vmem>>)
        tpu.yield
      }) : () -> ()
      %mul3A_323 = arith.constant 10000 : i32
      %mul3A_324 = arith.muli %arg0, %mul3A_323 : i32
      %mul3A_325 = arith.constant 40 : i32
      %mul3A_326 = arith.muli %add3A_315, %mul3A_325 : i32
      %add3A_327 = arith.addi %mul3A_324, %mul3A_326 : i32
      "tpu.region"() ({
        %run_scoped3A = tpu.sem_alloc : memref<!tpu.dma_semaphore, #tpu.memory_space<semaphore_mem>>
        %dma_start3A_328 = arith.constant 0 : i32
        %dma_start3A_329 = arith.constant 0 : i32
        %dma_start3A_330 = tpu.memref_slice %arg19[%dma_start3A_328, %dma_start3A_329] : memref<80x144xf32, #tpu.memory_space<vmem>> -> memref<40x144xf32, #tpu.memory_space<vmem>>
        %dma_start3A_331 = arith.constant 0 : i32
        %dma_start3A_332 = tpu.memref_slice %arg7[%add3A_327, %dma_start3A_331] : memref<20000x144xf32, #tpu.memory_space<hbm>> -> memref<40x144xf32, #tpu.memory_space<hbm>>
        %dma_start3A_333 = arith.constant 0 : i32
        %dma_start3A_334 = tpu.memref_slice %arg7[%add3A_327, %dma_start3A_333] : memref<20000x144xf32, #tpu.memory_space<hbm>> -> memref<40x144xf32, #tpu.memory_space<hbm>>
        %dma_start3A_335 = arith.constant 0 : i32
        %dma_start3A_336 = arith.constant 0 : i32
        %dma_start3A_337 = tpu.memref_slice %arg19[%dma_start3A_335, %dma_start3A_336] : memref<80x144xf32, #tpu.memory_space<vmem>> -> memref<40x144xf32, #tpu.memory_space<vmem>>
        tpu.enqueue_dma source(%dma_start3A_337 : memref<40x144xf32, #tpu.memory_space<vmem>>) target(%dma_start3A_334 : memref<40x144xf32, #tpu.memory_space<hbm>>) target_semaphore(%run_scoped3A : memref<!tpu.dma_semaphore, #tpu.memory_space<semaphore_mem>>)
        %dma_wait3A_338 = arith.constant 0 : i32
        %dma_wait3A_339 = arith.constant 0 : i32
        %dma_wait3A_340 = tpu.memref_slice %arg19[%dma_wait3A_338, %dma_wait3A_339] : memref<80x144xf32, #tpu.memory_space<vmem>> -> memref<40x144xf32, #tpu.memory_space<vmem>>
        %dma_wait3A_341 = arith.constant 0 : i32
        %dma_wait3A_342 = tpu.memref_slice %arg7[%add3A_327, %dma_wait3A_341] : memref<20000x144xf32, #tpu.memory_space<hbm>> -> memref<40x144xf32, #tpu.memory_space<hbm>>
        %dma_wait3A_343 = arith.constant 0 : i32
        %dma_wait3A_344 = tpu.memref_slice %arg7[%add3A_327, %dma_wait3A_343] : memref<20000x144xf32, #tpu.memory_space<hbm>> -> memref<40x144xf32, #tpu.memory_space<hbm>>
        %dma_wait3A_345 = arith.constant 0 : i32
        %dma_wait3A_346 = arith.constant 0 : i32
        %dma_wait3A_347 = tpu.memref_slice %arg19[%dma_wait3A_345, %dma_wait3A_346] : memref<80x144xf32, #tpu.memory_space<vmem>> -> memref<40x144xf32, #tpu.memory_space<vmem>>
        tpu.wait_dma2 semaphore(%run_scoped3A : memref<!tpu.dma_semaphore, #tpu.memory_space<semaphore_mem>>) src(%dma_wait3A_347 : memref<40x144xf32, #tpu.memory_space<vmem>>) dst(%dma_wait3A_344 : memref<40x144xf32, #tpu.memory_space<hbm>>)
        tpu.yield
      }) : () -> ()
    } else {
    }
    return
  }
}

module attributes {stable_mosaic.version = 14 : i64} {
  func.func @_pq_body(%arg0: i32, %arg1: memref<2000x128xf32, #tpu.memory_space<vmem>>, %arg2: memref<128x64xf32, #tpu.memory_space<vmem>>, %arg3: memref<128x64xf32, #tpu.memory_space<vmem>>, %arg4: memref<128x64xf32, #tpu.memory_space<vmem>>, %arg5: memref<128x64xf32, #tpu.memory_space<vmem>>, %arg6: memref<2000x64xi32, #tpu.memory_space<vmem>>, %arg7: memref<2000x64xi32, #tpu.memory_space<vmem>>) attributes {dimension_semantics = [#tpu.dimension_semantics<arbitrary>], iteration_bounds = array<i64: 5>, scalar_prefetch = 0 : i64, scratch_operands = 0 : i64, tpu.core_type = #tpu.core_type<tc>, window_params = [{transform_indices = @transform_0, window_bounds = array<i64: 2000, 128>}, {pipeline_mode = #tpu.pipeline_mode<synchronous>, transform_indices = @transform_1, window_bounds = array<i64: 128, 64>}, {pipeline_mode = #tpu.pipeline_mode<synchronous>, transform_indices = @transform_2, window_bounds = array<i64: 128, 64>}, {pipeline_mode = #tpu.pipeline_mode<synchronous>, transform_indices = @transform_3, window_bounds = array<i64: 128, 64>}, {pipeline_mode = #tpu.pipeline_mode<synchronous>, transform_indices = @transform_4, window_bounds = array<i64: 128, 64>}, {transform_indices = @transform_5, window_bounds = array<i64: 2000, 64>}, {transform_indices = @transform_6, window_bounds = array<i64: 2000, 64>}]} {
    %get3A = arith.constant 0 : index
    %get3A_0 = arith.constant 0 : index
    %get3A_1 = vector.load %arg1[%get3A, %get3A_0] : memref<2000x128xf32, #tpu.memory_space<vmem>>, vector<2000x128xf32>
    %get3A_2 = arith.constant 0 : index
    %get3A_3 = arith.constant 0 : index
    %get3A_4 = vector.load %arg2[%get3A_2, %get3A_3] : memref<128x64xf32, #tpu.memory_space<vmem>>, vector<128x64xf32>
    %dot_general3A = arith.constant dense<0.000000e+00> : vector<2000x64xf32>
    %dot_general3A_5 = tpu.matmul %get3A_1, %get3A_4, %dot_general3A {dimension_numbers = #tpu.dot_dimension_numbers<[1], [0], [0], [1], [0, 0, 1, 1], [], []>, transpose_lhs_hint = false} : vector<2000x128xf32>, vector<128x64xf32>, vector<2000x64xf32> -> vector<2000x64xf32>
    %bitcast_convert_type3A = tpu.bitcast %dot_general3A_5 : vector<2000x64xf32> -> vector<2000x64xi32>
    %add3A = arith.constant 32767 : i32
    %add3A_6 = vector.broadcast %add3A : i32 to vector<2000x64xi32>
    %add3A_7 = arith.addi %bitcast_convert_type3A, %add3A_6 : vector<2000x64xi32>
    %shift_right_arithmetic3A = arith.constant 16 : i32
    %shift_right_arithmetic3A_8 = vector.broadcast %shift_right_arithmetic3A : i32 to vector<2000x64xi32>
    %shift_right_arithmetic3A_9 = arith.shrsi %bitcast_convert_type3A, %shift_right_arithmetic3A_8 : vector<2000x64xi32>
    %and3A = arith.constant 1 : i32
    %and3A_10 = vector.broadcast %and3A : i32 to vector<2000x64xi32>
    %and3A_11 = arith.andi %shift_right_arithmetic3A_9, %and3A_10 : vector<2000x64xi32>
    %add3A_12 = arith.addi %add3A_7, %and3A_11 : vector<2000x64xi32>
    %shift_right_arithmetic3A_13 = arith.constant 16 : i32
    %shift_right_arithmetic3A_14 = vector.broadcast %shift_right_arithmetic3A_13 : i32 to vector<2000x64xi32>
    %shift_right_arithmetic3A_15 = arith.shrsi %add3A_12, %shift_right_arithmetic3A_14 : vector<2000x64xi32>
    %get3A_16 = arith.constant 0 : index
    %get3A_17 = arith.constant 0 : index
    %get3A_18 = vector.load %arg3[%get3A_16, %get3A_17] : memref<128x64xf32, #tpu.memory_space<vmem>>, vector<128x64xf32>
    %dot_general3A_19 = arith.constant dense<0.000000e+00> : vector<2000x64xf32>
    %dot_general3A_20 = tpu.matmul %get3A_1, %get3A_18, %dot_general3A_19 {dimension_numbers = #tpu.dot_dimension_numbers<[1], [0], [0], [1], [0, 0, 1, 1], [], []>, transpose_lhs_hint = false} : vector<2000x128xf32>, vector<128x64xf32>, vector<2000x64xf32> -> vector<2000x64xf32>
    %bitcast_convert_type3A_21 = tpu.bitcast %dot_general3A_20 : vector<2000x64xf32> -> vector<2000x64xi32>
    %add3A_22 = arith.constant 32767 : i32
    %add3A_23 = vector.broadcast %add3A_22 : i32 to vector<2000x64xi32>
    %add3A_24 = arith.addi %bitcast_convert_type3A_21, %add3A_23 : vector<2000x64xi32>
    %shift_right_arithmetic3A_25 = arith.constant 16 : i32
    %shift_right_arithmetic3A_26 = vector.broadcast %shift_right_arithmetic3A_25 : i32 to vector<2000x64xi32>
    %shift_right_arithmetic3A_27 = arith.shrsi %bitcast_convert_type3A_21, %shift_right_arithmetic3A_26 : vector<2000x64xi32>
    %and3A_28 = arith.constant 1 : i32
    %and3A_29 = vector.broadcast %and3A_28 : i32 to vector<2000x64xi32>
    %and3A_30 = arith.andi %shift_right_arithmetic3A_27, %and3A_29 : vector<2000x64xi32>
    %add3A_31 = arith.addi %add3A_24, %and3A_30 : vector<2000x64xi32>
    %shift_right_arithmetic3A_32 = arith.constant 16 : i32
    %shift_right_arithmetic3A_33 = vector.broadcast %shift_right_arithmetic3A_32 : i32 to vector<2000x64xi32>
    %shift_right_arithmetic3A_34 = arith.shrsi %add3A_31, %shift_right_arithmetic3A_33 : vector<2000x64xi32>
    %shift_left3A = arith.constant 16 : i32
    %shift_left3A_35 = vector.broadcast %shift_left3A : i32 to vector<2000x64xi32>
    %shift_left3A_36 = arith.shli %shift_right_arithmetic3A_34, %shift_left3A_35 : vector<2000x64xi32>
    %and3A_37 = arith.constant 65535 : i32
    %and3A_38 = vector.broadcast %and3A_37 : i32 to vector<2000x64xi32>
    %and3A_39 = arith.andi %shift_right_arithmetic3A_15, %and3A_38 : vector<2000x64xi32>
    %or3A = arith.ori %shift_left3A_36, %and3A_39 : vector<2000x64xi32>
    %swap3A = arith.constant 0 : index
    %swap3A_40 = arith.constant 0 : index
    %swap3A_41 = vector.load %arg6[%swap3A, %swap3A_40] : memref<2000x64xi32, #tpu.memory_space<vmem>>, vector<2000x64xi32>
    tpu.vector_store %arg6[%swap3A, %swap3A_40], %or3A {strides = array<i32>} : memref<2000x64xi32, #tpu.memory_space<vmem>>, vector<2000x64xi32>,
    %get3A_42 = arith.constant 0 : index
    %get3A_43 = arith.constant 0 : index
    %get3A_44 = vector.load %arg4[%get3A_42, %get3A_43] : memref<128x64xf32, #tpu.memory_space<vmem>>, vector<128x64xf32>
    %dot_general3A_45 = arith.constant dense<0.000000e+00> : vector<2000x64xf32>
    %dot_general3A_46 = tpu.matmul %get3A_1, %get3A_44, %dot_general3A_45 {dimension_numbers = #tpu.dot_dimension_numbers<[1], [0], [0], [1], [0, 0, 1, 1], [], []>, transpose_lhs_hint = false} : vector<2000x128xf32>, vector<128x64xf32>, vector<2000x64xf32> -> vector<2000x64xf32>
    %bitcast_convert_type3A_47 = tpu.bitcast %dot_general3A_46 : vector<2000x64xf32> -> vector<2000x64xi32>
    %add3A_48 = arith.constant 32767 : i32
    %add3A_49 = vector.broadcast %add3A_48 : i32 to vector<2000x64xi32>
    %add3A_50 = arith.addi %bitcast_convert_type3A_47, %add3A_49 : vector<2000x64xi32>
    %shift_right_arithmetic3A_51 = arith.constant 16 : i32
    %shift_right_arithmetic3A_52 = vector.broadcast %shift_right_arithmetic3A_51 : i32 to vector<2000x64xi32>
    %shift_right_arithmetic3A_53 = arith.shrsi %bitcast_convert_type3A_47, %shift_right_arithmetic3A_52 : vector<2000x64xi32>
    %and3A_54 = arith.constant 1 : i32
    %and3A_55 = vector.broadcast %and3A_54 : i32 to vector<2000x64xi32>
    %and3A_56 = arith.andi %shift_right_arithmetic3A_53, %and3A_55 : vector<2000x64xi32>
    %add3A_57 = arith.addi %add3A_50, %and3A_56 : vector<2000x64xi32>
    %shift_right_arithmetic3A_58 = arith.constant 16 : i32
    %shift_right_arithmetic3A_59 = vector.broadcast %shift_right_arithmetic3A_58 : i32 to vector<2000x64xi32>
    %shift_right_arithmetic3A_60 = arith.shrsi %add3A_57, %shift_right_arithmetic3A_59 : vector<2000x64xi32>
    %get3A_61 = arith.constant 0 : index
    %get3A_62 = arith.constant 0 : index
    %get3A_63 = vector.load %arg5[%get3A_61, %get3A_62] : memref<128x64xf32, #tpu.memory_space<vmem>>, vector<128x64xf32>
    %dot_general3A_64 = arith.constant dense<0.000000e+00> : vector<2000x64xf32>
    %dot_general3A_65 = tpu.matmul %get3A_1, %get3A_63, %dot_general3A_64 {dimension_numbers = #tpu.dot_dimension_numbers<[1], [0], [0], [1], [0, 0, 1, 1], [], []>, transpose_lhs_hint = false} : vector<2000x128xf32>, vector<128x64xf32>, vector<2000x64xf32> -> vector<2000x64xf32>
    %bitcast_convert_type3A_66 = tpu.bitcast %dot_general3A_65 : vector<2000x64xf32> -> vector<2000x64xi32>
    %add3A_67 = arith.constant 32767 : i32
    %add3A_68 = vector.broadcast %add3A_67 : i32 to vector<2000x64xi32>
    %add3A_69 = arith.addi %bitcast_convert_type3A_66, %add3A_68 : vector<2000x64xi32>
    %shift_right_arithmetic3A_70 = arith.constant 16 : i32
    %shift_right_arithmetic3A_71 = vector.broadcast %shift_right_arithmetic3A_70 : i32 to vector<2000x64xi32>
    %shift_right_arithmetic3A_72 = arith.shrsi %bitcast_convert_type3A_66, %shift_right_arithmetic3A_71 : vector<2000x64xi32>
    %and3A_73 = arith.constant 1 : i32
    %and3A_74 = vector.broadcast %and3A_73 : i32 to vector<2000x64xi32>
    %and3A_75 = arith.andi %shift_right_arithmetic3A_72, %and3A_74 : vector<2000x64xi32>
    %add3A_76 = arith.addi %add3A_69, %and3A_75 : vector<2000x64xi32>
    %shift_right_arithmetic3A_77 = arith.constant 16 : i32
    %shift_right_arithmetic3A_78 = vector.broadcast %shift_right_arithmetic3A_77 : i32 to vector<2000x64xi32>
    %shift_right_arithmetic3A_79 = arith.shrsi %add3A_76, %shift_right_arithmetic3A_78 : vector<2000x64xi32>
    %shift_left3A_80 = arith.constant 16 : i32
    %shift_left3A_81 = vector.broadcast %shift_left3A_80 : i32 to vector<2000x64xi32>
    %shift_left3A_82 = arith.shli %shift_right_arithmetic3A_79, %shift_left3A_81 : vector<2000x64xi32>
    %and3A_83 = arith.constant 65535 : i32
    %and3A_84 = vector.broadcast %and3A_83 : i32 to vector<2000x64xi32>
    %and3A_85 = arith.andi %shift_right_arithmetic3A_60, %and3A_84 : vector<2000x64xi32>
    %or3A_86 = arith.ori %shift_left3A_82, %and3A_85 : vector<2000x64xi32>
    %swap3A_87 = arith.constant 0 : index
    %swap3A_88 = arith.constant 0 : index
    %swap3A_89 = vector.load %arg7[%swap3A_87, %swap3A_88] : memref<2000x64xi32, #tpu.memory_space<vmem>>, vector<2000x64xi32>
    tpu.vector_store %arg7[%swap3A_87, %swap3A_88], %or3A_86 {strides = array<i32>} : memref<2000x64xi32, #tpu.memory_space<vmem>>, vector<2000x64xi32>,
    return
  }
  func.func @transform_0(%arg0: i32) -> (i32, i32) {
    %c0_i32 = arith.constant 0 : i32
    %c0_i32_0 = arith.constant 0 : i32
    return %arg0, %c0_i32 : i32, i32
  }
  func.func @transform_1(%arg0: i32) -> (i32, i32) {
    %c0_i32 = arith.constant 0 : i32
    %c0_i32_0 = arith.constant 0 : i32
    %c0_i32_1 = arith.constant 0 : i32
    return %c0_i32, %c0_i32_0 : i32, i32
  }
  func.func @transform_2(%arg0: i32) -> (i32, i32) {
    %c0_i32 = arith.constant 0 : i32
    %c0_i32_0 = arith.constant 0 : i32
    %c0_i32_1 = arith.constant 0 : i32
    return %c0_i32, %c0_i32_0 : i32, i32
  }
  func.func @transform_3(%arg0: i32) -> (i32, i32) {
    %c0_i32 = arith.constant 0 : i32
    %c0_i32_0 = arith.constant 0 : i32
    %c0_i32_1 = arith.constant 0 : i32
    return %c0_i32, %c0_i32_0 : i32, i32
  }
  func.func @transform_4(%arg0: i32) -> (i32, i32) {
    %c0_i32 = arith.constant 0 : i32
    %c0_i32_0 = arith.constant 0 : i32
    %c0_i32_1 = arith.constant 0 : i32
    return %c0_i32, %c0_i32_0 : i32, i32
  }
  func.func @transform_5(%arg0: i32) -> (i32, i32) {
    %c0_i32 = arith.constant 0 : i32
    %c0_i32_0 = arith.constant 0 : i32
    return %arg0, %c0_i32 : i32, i32
  }
  func.func @transform_6(%arg0: i32) -> (i32, i32) {
    %c0_i32 = arith.constant 0 : i32
    %c0_i32_0 = arith.constant 0 : i32
    return %arg0, %c0_i32 : i32, i32
  }
}

module attributes {stable_mosaic.version = 14 : i64} {
  func.func @_r_body(%arg0: i32, %arg1: memref<4000x16xf32, #tpu.memory_space<vmem>>, %arg2: memref<16x64xf32, #tpu.memory_space<vmem>>, %arg3: memref<16x64xf32, #tpu.memory_space<vmem>>, %arg4: memref<1x64xf32, #tpu.memory_space<vmem>>, %arg5: memref<1x64xf32, #tpu.memory_space<vmem>>, %arg6: memref<4000x64xi32, #tpu.memory_space<vmem>>) attributes {dimension_semantics = [#tpu.dimension_semantics<arbitrary>], iteration_bounds = array<i64: 80>, scalar_prefetch = 0 : i64, scratch_operands = 0 : i64, tpu.core_type = #tpu.core_type<tc>, window_params = [{transform_indices = @transform_0, window_bounds = array<i64: 4000, 16>}, {pipeline_mode = #tpu.pipeline_mode<synchronous>, transform_indices = @transform_1, window_bounds = array<i64: 16, 64>}, {pipeline_mode = #tpu.pipeline_mode<synchronous>, transform_indices = @transform_2, window_bounds = array<i64: 16, 64>}, {pipeline_mode = #tpu.pipeline_mode<synchronous>, transform_indices = @transform_3, window_bounds = array<i64: 1, 64>}, {pipeline_mode = #tpu.pipeline_mode<synchronous>, transform_indices = @transform_4, window_bounds = array<i64: 1, 64>}, {transform_indices = @transform_5, window_bounds = array<i64: 4000, 64>}]} {
    %get3A = arith.constant 0 : index
    %get3A_0 = arith.constant 0 : index
    %get3A_1 = vector.load %arg1[%get3A, %get3A_0] : memref<4000x16xf32, #tpu.memory_space<vmem>>, vector<4000x16xf32>
    %get3A_2 = arith.constant 0 : index
    %get3A_3 = arith.constant 0 : index
    %get3A_4 = vector.load %arg2[%get3A_2, %get3A_3] : memref<16x64xf32, #tpu.memory_space<vmem>>, vector<16x64xf32>
    %dot_general3A = arith.constant dense<0.000000e+00> : vector<4000x64xf32>
    %dot_general3A_5 = tpu.matmul %get3A_1, %get3A_4, %dot_general3A {dimension_numbers = #tpu.dot_dimension_numbers<[1], [0], [0], [1], [0, 0, 1, 1], [], []>, transpose_lhs_hint = false} : vector<4000x16xf32>, vector<16x64xf32>, vector<4000x64xf32> -> vector<4000x64xf32>
    %get3A_6 = arith.constant 0 : index
    %get3A_7 = arith.constant 0 : index
    %get3A_8 = vector.load %arg4[%get3A_6, %get3A_7] : memref<1x64xf32, #tpu.memory_space<vmem>>, vector<1x64xf32>
    %add3A = vector.broadcast %get3A_8 : vector<1x64xf32> to vector<4000x64xf32>
    %add3A_9 = arith.addf %dot_general3A_5, %add3A : vector<4000x64xf32>
    %bitcast_convert_type3A = tpu.bitcast %add3A_9 : vector<4000x64xf32> -> vector<4000x64xi32>
    %add3A_10 = arith.constant 32767 : i32
    %add3A_11 = vector.broadcast %add3A_10 : i32 to vector<4000x64xi32>
    %add3A_12 = arith.addi %bitcast_convert_type3A, %add3A_11 : vector<4000x64xi32>
    %shift_right_arithmetic3A = arith.constant 16 : i32
    %shift_right_arithmetic3A_13 = vector.broadcast %shift_right_arithmetic3A : i32 to vector<4000x64xi32>
    %shift_right_arithmetic3A_14 = arith.shrsi %bitcast_convert_type3A, %shift_right_arithmetic3A_13 : vector<4000x64xi32>
    %and3A = arith.constant 1 : i32
    %and3A_15 = vector.broadcast %and3A : i32 to vector<4000x64xi32>
    %and3A_16 = arith.andi %shift_right_arithmetic3A_14, %and3A_15 : vector<4000x64xi32>
    %add3A_17 = arith.addi %add3A_12, %and3A_16 : vector<4000x64xi32>
    %shift_right_arithmetic3A_18 = arith.constant 16 : i32
    %shift_right_arithmetic3A_19 = vector.broadcast %shift_right_arithmetic3A_18 : i32 to vector<4000x64xi32>
    %shift_right_arithmetic3A_20 = arith.shrsi %add3A_17, %shift_right_arithmetic3A_19 : vector<4000x64xi32>
    %get3A_21 = arith.constant 0 : index
    %get3A_22 = arith.constant 0 : index
    %get3A_23 = vector.load %arg3[%get3A_21, %get3A_22] : memref<16x64xf32, #tpu.memory_space<vmem>>, vector<16x64xf32>
    %dot_general3A_24 = arith.constant dense<0.000000e+00> : vector<4000x64xf32>
    %dot_general3A_25 = tpu.matmul %get3A_1, %get3A_23, %dot_general3A_24 {dimension_numbers = #tpu.dot_dimension_numbers<[1], [0], [0], [1], [0, 0, 1, 1], [], []>, transpose_lhs_hint = false} : vector<4000x16xf32>, vector<16x64xf32>, vector<4000x64xf32> -> vector<4000x64xf32>
    %get3A_26 = arith.constant 0 : index
    %get3A_27 = arith.constant 0 : index
    %get3A_28 = vector.load %arg5[%get3A_26, %get3A_27] : memref<1x64xf32, #tpu.memory_space<vmem>>, vector<1x64xf32>
    %add3A_29 = vector.broadcast %get3A_28 : vector<1x64xf32> to vector<4000x64xf32>
    %add3A_30 = arith.addf %dot_general3A_25, %add3A_29 : vector<4000x64xf32>
    %bitcast_convert_type3A_31 = tpu.bitcast %add3A_30 : vector<4000x64xf32> -> vector<4000x64xi32>
    %add3A_32 = arith.constant 32767 : i32
    %add3A_33 = vector.broadcast %add3A_32 : i32 to vector<4000x64xi32>
    %add3A_34 = arith.addi %bitcast_convert_type3A_31, %add3A_33 : vector<4000x64xi32>
    %shift_right_arithmetic3A_35 = arith.constant 16 : i32
    %shift_right_arithmetic3A_36 = vector.broadcast %shift_right_arithmetic3A_35 : i32 to vector<4000x64xi32>
    %shift_right_arithmetic3A_37 = arith.shrsi %bitcast_convert_type3A_31, %shift_right_arithmetic3A_36 : vector<4000x64xi32>
    %and3A_38 = arith.constant 1 : i32
    %and3A_39 = vector.broadcast %and3A_38 : i32 to vector<4000x64xi32>
    %and3A_40 = arith.andi %shift_right_arithmetic3A_37, %and3A_39 : vector<4000x64xi32>
    %add3A_41 = arith.addi %add3A_34, %and3A_40 : vector<4000x64xi32>
    %shift_right_arithmetic3A_42 = arith.constant 16 : i32
    %shift_right_arithmetic3A_43 = vector.broadcast %shift_right_arithmetic3A_42 : i32 to vector<4000x64xi32>
    %shift_right_arithmetic3A_44 = arith.shrsi %add3A_41, %shift_right_arithmetic3A_43 : vector<4000x64xi32>
    %shift_left3A = arith.constant 16 : i32
    %shift_left3A_45 = vector.broadcast %shift_left3A : i32 to vector<4000x64xi32>
    %shift_left3A_46 = arith.shli %shift_right_arithmetic3A_44, %shift_left3A_45 : vector<4000x64xi32>
    %and3A_47 = arith.constant 65535 : i32
    %and3A_48 = vector.broadcast %and3A_47 : i32 to vector<4000x64xi32>
    %and3A_49 = arith.andi %shift_right_arithmetic3A_20, %and3A_48 : vector<4000x64xi32>
    %or3A = arith.ori %shift_left3A_46, %and3A_49 : vector<4000x64xi32>
    %swap3A = arith.constant 0 : index
    %swap3A_50 = arith.constant 0 : index
    %swap3A_51 = vector.load %arg6[%swap3A, %swap3A_50] : memref<4000x64xi32, #tpu.memory_space<vmem>>, vector<4000x64xi32>
    tpu.vector_store %arg6[%swap3A, %swap3A_50], %or3A {strides = array<i32>} : memref<4000x64xi32, #tpu.memory_space<vmem>>, vector<4000x64xi32>,
    return
  }
  func.func @transform_0(%arg0: i32) -> (i32, i32) {
    %c0_i32 = arith.constant 0 : i32
    %c0_i32_0 = arith.constant 0 : i32
    return %arg0, %c0_i32 : i32, i32
  }
  func.func @transform_1(%arg0: i32) -> (i32, i32) {
    %c0_i32 = arith.constant 0 : i32
    %c0_i32_0 = arith.constant 0 : i32
    %c0_i32_1 = arith.constant 0 : i32
    return %c0_i32, %c0_i32_0 : i32, i32
  }
  func.func @transform_2(%arg0: i32) -> (i32, i32) {
    %c0_i32 = arith.constant 0 : i32
    %c0_i32_0 = arith.constant 0 : i32
    %c0_i32_1 = arith.constant 0 : i32
    return %c0_i32, %c0_i32_0 : i32, i32
  }
  func.func @transform_3(%arg0: i32) -> (i32, i32) {
    %c0_i32 = arith.constant 0 : i32
    %c0_i32_0 = arith.constant 0 : i32
    %c0_i32_1 = arith.constant 0 : i32
    return %c0_i32, %c0_i32_0 : i32, i32
  }
  func.func @transform_4(%arg0: i32) -> (i32, i32) {
    %c0_i32 = arith.constant 0 : i32
    %c0_i32_0 = arith.constant 0 : i32
    %c0_i32_1 = arith.constant 0 : i32
    return %c0_i32, %c0_i32_0 : i32, i32
  }
  func.func @transform_5(%arg0: i32) -> (i32, i32) {
    %c0_i32 = arith.constant 0 : i32
    %c0_i32_0 = arith.constant 0 : i32
    return %arg0, %c0_i32 : i32, i32
  }
}

module attributes {stable_mosaic.version = 14 : i64} {
  func.func @_node_body(%arg0: i32, %arg1: memref<2000x128xf32, #tpu.memory_space<vmem>>, %arg2: memref<2000x144xf32, #tpu.memory_space<vmem>>, %arg3: memref<2000x144xf32, #tpu.memory_space<vmem>>, %arg4: memref<128x128xf32, #tpu.memory_space<vmem>>, %arg5: memref<1x128xf32, #tpu.memory_space<vmem>>, %arg6: memref<128x128xf32, #tpu.memory_space<vmem>>, %arg7: memref<128x128xf32, #tpu.memory_space<vmem>>, %arg8: memref<1x128xf32, #tpu.memory_space<vmem>>, %arg9: memref<128x128xf32, #tpu.memory_space<vmem>>, %arg10: memref<1x128xf32, #tpu.memory_space<vmem>>, %arg11: memref<1x128xf32, #tpu.memory_space<vmem>>, %arg12: memref<1x128xf32, #tpu.memory_space<vmem>>, %arg13: memref<2000x128xf32, #tpu.memory_space<vmem>>) attributes {dimension_semantics = [#tpu.dimension_semantics<arbitrary>], iteration_bounds = array<i64: 5>, scalar_prefetch = 0 : i64, scratch_operands = 0 : i64, tpu.core_type = #tpu.core_type<tc>, window_params = [{transform_indices = @transform_0, window_bounds = array<i64: 2000, 128>}, {transform_indices = @transform_1, window_bounds = array<i64: 2000, 144>}, {transform_indices = @transform_2, window_bounds = array<i64: 2000, 144>}, {pipeline_mode = #tpu.pipeline_mode<synchronous>, transform_indices = @transform_3, window_bounds = array<i64: 128, 128>}, {pipeline_mode = #tpu.pipeline_mode<synchronous>, transform_indices = @transform_4, window_bounds = array<i64: 1, 128>}, {pipeline_mode = #tpu.pipeline_mode<synchronous>, transform_indices = @transform_5, window_bounds = array<i64: 128, 128>}, {pipeline_mode = #tpu.pipeline_mode<synchronous>, transform_indices = @transform_6, window_bounds = array<i64: 128, 128>}, {pipeline_mode = #tpu.pipeline_mode<synchronous>, transform_indices = @transform_7, window_bounds = array<i64: 1, 128>}, {pipeline_mode = #tpu.pipeline_mode<synchronous>, transform_indices = @transform_8, window_bounds = array<i64: 128, 128>}, {pipeline_mode = #tpu.pipeline_mode<synchronous>, transform_indices = @transform_9, window_bounds = array<i64: 1, 128>}, {pipeline_mode = #tpu.pipeline_mode<synchronous>, transform_indices = @transform_10, window_bounds = array<i64: 1, 128>}, {pipeline_mode = #tpu.pipeline_mode<synchronous>, transform_indices = @transform_11, window_bounds = array<i64: 1, 128>}, {transform_indices = @transform_12, window_bounds = array<i64: 2000, 128>}]} {
    %get3A = arith.constant 0 : index
    %get3A_0 = arith.constant 0 : index
    %get3A_1 = vector.load %arg2[%get3A, %get3A_0] : memref<2000x144xf32, #tpu.memory_space<vmem>>, vector<2000x144xf32>
    %get3A_2 = arith.constant 0 : index
    %get3A_3 = arith.constant 0 : index
    %get3A_4 = vector.load %arg3[%get3A_2, %get3A_3] : memref<2000x144xf32, #tpu.memory_space<vmem>>, vector<2000x144xf32>
    %add3A = arith.addf %get3A_1, %get3A_4 : vector<2000x144xf32>
    %slice3A = vector.extract_strided_slice %add3A {offsets = [0, 0], sizes = [2000, 128], strides = [1, 1]} : vector<2000x144xf32> to vector<2000x128xf32>
    %slice3A_5 = vector.extract_strided_slice %add3A {offsets = [0, 128], sizes = [2000, 1], strides = [1, 1]} : vector<2000x144xf32> to vector<2000x1xf32>
    %get3A_6 = arith.constant 0 : index
    %get3A_7 = arith.constant 0 : index
    %get3A_8 = vector.load %arg4[%get3A_6, %get3A_7] : memref<128x128xf32, #tpu.memory_space<vmem>>, vector<128x128xf32>
    %dot_general3A = arith.constant dense<0.000000e+00> : vector<2000x128xf32>
    %dot_general3A_9 = tpu.matmul %slice3A, %get3A_8, %dot_general3A {dimension_numbers = #tpu.dot_dimension_numbers<[1], [0], [0], [1], [0, 0, 1, 1], [], []>, transpose_lhs_hint = false} : vector<2000x128xf32>, vector<128x128xf32>, vector<2000x128xf32> -> vector<2000x128xf32>
    %get3A_10 = arith.constant 0 : index
    %get3A_11 = arith.constant 0 : index
    %get3A_12 = vector.load %arg5[%get3A_10, %get3A_11] : memref<1x128xf32, #tpu.memory_space<vmem>>, vector<1x128xf32>
    %mul3A = vector.broadcast %slice3A_5 : vector<2000x1xf32> to vector<2000x128xf32>
    %mul3A_13 = vector.broadcast %get3A_12 : vector<1x128xf32> to vector<2000x128xf32>
    %mul3A_14 = arith.mulf %mul3A, %mul3A_13 : vector<2000x128xf32>
    %add3A_15 = arith.addf %dot_general3A_9, %mul3A_14 : vector<2000x128xf32>
    %get3A_16 = arith.constant 0 : index
    %get3A_17 = arith.constant 0 : index
    %get3A_18 = vector.load %arg1[%get3A_16, %get3A_17] : memref<2000x128xf32, #tpu.memory_space<vmem>>, vector<2000x128xf32>
    %get3A_19 = arith.constant 0 : index
    %get3A_20 = arith.constant 0 : index
    %get3A_21 = vector.load %arg6[%get3A_19, %get3A_20] : memref<128x128xf32, #tpu.memory_space<vmem>>, vector<128x128xf32>
    %dot_general3A_22 = arith.constant dense<0.000000e+00> : vector<2000x128xf32>
    %dot_general3A_23 = tpu.matmul %get3A_18, %get3A_21, %dot_general3A_22 {dimension_numbers = #tpu.dot_dimension_numbers<[1], [0], [0], [1], [0, 0, 1, 1], [], []>, transpose_lhs_hint = false} : vector<2000x128xf32>, vector<128x128xf32>, vector<2000x128xf32> -> vector<2000x128xf32>
    %get3A_24 = arith.constant 0 : index
    %get3A_25 = arith.constant 0 : index
    %get3A_26 = vector.load %arg7[%get3A_24, %get3A_25] : memref<128x128xf32, #tpu.memory_space<vmem>>, vector<128x128xf32>
    %dot_general3A_27 = arith.constant dense<0.000000e+00> : vector<2000x128xf32>
    %dot_general3A_28 = tpu.matmul %add3A_15, %get3A_26, %dot_general3A_27 {dimension_numbers = #tpu.dot_dimension_numbers<[1], [0], [0], [1], [0, 0, 1, 1], [], []>, transpose_lhs_hint = false} : vector<2000x128xf32>, vector<128x128xf32>, vector<2000x128xf32> -> vector<2000x128xf32>
    %add3A_29 = arith.addf %dot_general3A_23, %dot_general3A_28 : vector<2000x128xf32>
    %get3A_30 = arith.constant 0 : index
    %get3A_31 = arith.constant 0 : index
    %get3A_32 = vector.load %arg8[%get3A_30, %get3A_31] : memref<1x128xf32, #tpu.memory_space<vmem>>, vector<1x128xf32>
    %add3A_33 = vector.broadcast %get3A_32 : vector<1x128xf32> to vector<2000x128xf32>
    %add3A_34 = arith.addf %add3A_29, %add3A_33 : vector<2000x128xf32>
    %max3A = arith.constant 0.000000e+00 : f32
    %max3A_35 = vector.broadcast %max3A : f32 to vector<2000x128xf32>
    %max3A_36 = arith.maximumf %add3A_34, %max3A_35 : vector<2000x128xf32>
    %get3A_37 = arith.constant 0 : index
    %get3A_38 = arith.constant 0 : index
    %get3A_39 = vector.load %arg9[%get3A_37, %get3A_38] : memref<128x128xf32, #tpu.memory_space<vmem>>, vector<128x128xf32>
    %dot_general3A_40 = arith.constant dense<0.000000e+00> : vector<2000x128xf32>
    %dot_general3A_41 = tpu.matmul %max3A_36, %get3A_39, %dot_general3A_40 {dimension_numbers = #tpu.dot_dimension_numbers<[1], [0], [0], [1], [0, 0, 1, 1], [], []>, transpose_lhs_hint = false} : vector<2000x128xf32>, vector<128x128xf32>, vector<2000x128xf32> -> vector<2000x128xf32>
    %get3A_42 = arith.constant 0 : index
    %get3A_43 = arith.constant 0 : index
    %get3A_44 = vector.load %arg10[%get3A_42, %get3A_43] : memref<1x128xf32, #tpu.memory_space<vmem>>, vector<1x128xf32>
    %add3A_45 = vector.broadcast %get3A_44 : vector<1x128xf32> to vector<2000x128xf32>
    %add3A_46 = arith.addf %dot_general3A_41, %add3A_45 : vector<2000x128xf32>
    %add3A_47 = arith.addf %get3A_18, %add3A_46 : vector<2000x128xf32>
    %reduce_sum3A = arith.constant dense<0.000000e+00> : vector<2000xf32>
    %reduce_sum3A_48 = vector.multi_reduction <add>, %add3A_47, %reduce_sum3A [1] : vector<2000x128xf32> to vector<2000xf32>
    %broadcast_in_dim3A = vector.shape_cast %reduce_sum3A_48 : vector<2000xf32> to vector<2000x1xf32>
    %div3A = arith.constant 1.280000e+02 : f32
    %div3A_49 = vector.broadcast %div3A : f32 to vector<2000x1xf32>
    %div3A_50 = arith.divf %broadcast_in_dim3A, %div3A_49 : vector<2000x1xf32>
    %sub3A = vector.broadcast %div3A_50 : vector<2000x1xf32> to vector<2000x128xf32>
    %sub3A_51 = arith.subf %add3A_47, %sub3A : vector<2000x128xf32>
    %mul3A_52 = arith.mulf %sub3A_51, %sub3A_51 : vector<2000x128xf32>
    %reduce_sum3A_53 = arith.constant dense<0.000000e+00> : vector<2000xf32>
    %reduce_sum3A_54 = vector.multi_reduction <add>, %mul3A_52, %reduce_sum3A_53 [1] : vector<2000x128xf32> to vector<2000xf32>
    %broadcast_in_dim3A_55 = vector.shape_cast %reduce_sum3A_54 : vector<2000xf32> to vector<2000x1xf32>
    %div3A_56 = arith.constant 1.280000e+02 : f32
    %div3A_57 = vector.broadcast %div3A_56 : f32 to vector<2000x1xf32>
    %div3A_58 = arith.divf %broadcast_in_dim3A_55, %div3A_57 : vector<2000x1xf32>
    %add3A_59 = arith.constant 9.99999974E-6 : f32
    %add3A_60 = vector.broadcast %add3A_59 : f32 to vector<2000x1xf32>
    %add3A_61 = arith.addf %div3A_58, %add3A_60 : vector<2000x1xf32>
    %rsqrt3A = math.rsqrt %add3A_61 : vector<2000x1xf32>
    %mul3A_62 = vector.broadcast %rsqrt3A : vector<2000x1xf32> to vector<2000x128xf32>
    %mul3A_63 = arith.mulf %sub3A_51, %mul3A_62 : vector<2000x128xf32>
    %get3A_64 = arith.constant 0 : index
    %get3A_65 = arith.constant 0 : index
    %get3A_66 = vector.load %arg11[%get3A_64, %get3A_65] : memref<1x128xf32, #tpu.memory_space<vmem>>, vector<1x128xf32>
    %mul3A_67 = vector.broadcast %get3A_66 : vector<1x128xf32> to vector<2000x128xf32>
    %mul3A_68 = arith.mulf %mul3A_63, %mul3A_67 : vector<2000x128xf32>
    %get3A_69 = arith.constant 0 : index
    %get3A_70 = arith.constant 0 : index
    %get3A_71 = vector.load %arg12[%get3A_69, %get3A_70] : memref<1x128xf32, #tpu.memory_space<vmem>>, vector<1x128xf32>
    %add3A_72 = vector.broadcast %get3A_71 : vector<1x128xf32> to vector<2000x128xf32>
    %add3A_73 = arith.addf %mul3A_68, %add3A_72 : vector<2000x128xf32>
    %swap3A = arith.constant 0 : index
    %swap3A_74 = arith.constant 0 : index
    %swap3A_75 = vector.load %arg13[%swap3A, %swap3A_74] : memref<2000x128xf32, #tpu.memory_space<vmem>>, vector<2000x128xf32>
    tpu.vector_store %arg13[%swap3A, %swap3A_74], %add3A_73 {strides = array<i32>} : memref<2000x128xf32, #tpu.memory_space<vmem>>, vector<2000x128xf32>,
    return
  }
  func.func @transform_0(%arg0: i32) -> (i32, i32) {
    %c0_i32 = arith.constant 0 : i32
    %c0_i32_0 = arith.constant 0 : i32
    return %arg0, %c0_i32 : i32, i32
  }
  func.func @transform_1(%arg0: i32) -> (i32, i32) {
    %c0_i32 = arith.constant 0 : i32
    %c0_i32_0 = arith.constant 0 : i32
    return %arg0, %c0_i32 : i32, i32
  }
  func.func @transform_2(%arg0: i32) -> (i32, i32) {
    %add3A = arith.constant 5 : i32
    %add3A_0 = arith.addi %arg0, %add3A : i32
    %c0_i32 = arith.constant 0 : i32
    %c0_i32_1 = arith.constant 0 : i32
    return %add3A_0, %c0_i32 : i32, i32
  }
  func.func @transform_3(%arg0: i32) -> (i32, i32) {
    %c0_i32 = arith.constant 0 : i32
    %c0_i32_0 = arith.constant 0 : i32
    %c0_i32_1 = arith.constant 0 : i32
    return %c0_i32, %c0_i32_0 : i32, i32
  }
  func.func @transform_4(%arg0: i32) -> (i32, i32) {
    %c0_i32 = arith.constant 0 : i32
    %c0_i32_0 = arith.constant 0 : i32
    %c0_i32_1 = arith.constant 0 : i32
    return %c0_i32, %c0_i32_0 : i32, i32
  }
  func.func @transform_5(%arg0: i32) -> (i32, i32) {
    %c0_i32 = arith.constant 0 : i32
    %c0_i32_0 = arith.constant 0 : i32
    %c0_i32_1 = arith.constant 0 : i32
    return %c0_i32, %c0_i32_0 : i32, i32
  }
  func.func @transform_6(%arg0: i32) -> (i32, i32) {
    %c0_i32 = arith.constant 0 : i32
    %c0_i32_0 = arith.constant 0 : i32
    %c0_i32_1 = arith.constant 0 : i32
    return %c0_i32, %c0_i32_0 : i32, i32
  }
  func.func @transform_7(%arg0: i32) -> (i32, i32) {
    %c0_i32 = arith.constant 0 : i32
    %c0_i32_0 = arith.constant 0 : i32
    %c0_i32_1 = arith.constant 0 : i32
    return %c0_i32, %c0_i32_0 : i32, i32
  }
  func.func @transform_8(%arg0: i32) -> (i32, i32) {
    %c0_i32 = arith.constant 0 : i32
    %c0_i32_0 = arith.constant 0 : i32
    %c0_i32_1 = arith.constant 0 : i32
    return %c0_i32, %c0_i32_0 : i32, i32
  }
  func.func @transform_9(%arg0: i32) -> (i32, i32) {
    %c0_i32 = arith.constant 0 : i32
    %c0_i32_0 = arith.constant 0 : i32
    %c0_i32_1 = arith.constant 0 : i32
    return %c0_i32, %c0_i32_0 : i32, i32
  }
  func.func @transform_10(%arg0: i32) -> (i32, i32) {
    %c0_i32 = arith.constant 0 : i32
    %c0_i32_0 = arith.constant 0 : i32
    %c0_i32_1 = arith.constant 0 : i32
    return %c0_i32, %c0_i32_0 : i32, i32
  }
  func.func @transform_11(%arg0: i32) -> (i32, i32) {
    %c0_i32 = arith.constant 0 : i32
    %c0_i32_0 = arith.constant 0 : i32
    %c0_i32_1 = arith.constant 0 : i32
    return %c0_i32, %c0_i32_0 : i32, i32
  }
  func.func @transform_12(%arg0: i32) -> (i32, i32) {
    %c0_i32 = arith.constant 0 : i32
    %c0_i32_0 = arith.constant 0 : i32
    return %arg0, %c0_i32 : i32, i32
  }
}

</mosaic_0001>

<sc_bundles>
// kernel: kernel.6.cloned.1.call-start
scs
__scs_entry_jumppad:
0x0: {  	(pc) =	sbr.rel $0x88, $3  }
0x1: {  	(tag) =	ssettag $0x0;
	lr =	simm.s32 $0x1  }
0x2: {  	[smem:$0x3F94] =	sst lr;
	_ =	strace $0xD0000000  }
0x3: {  	_ = 	snop  }
0x4: {  	_ = 	snop  }
0x5: {  	_ = 	snop  }
0x6: {  	_ = 	snop  }
0x7: {  	_ = 	snop  }
__scs_overlays_trampoline_lowered:
0x8: {  	[smem:$0x3FA3] =	sst s0  }
0x9: {  	[smem:$0x3FA4] =	sst s1  }
0xa: {  	[smem:$0x3FA5] =	sst s2  }
0xb: {  	[smem:$0x3FA6] =	sst s3  }
0xc: {  	[smem:$0x3FA7] =	sst s4  }
0xd: {  	[smem:$0x3FA8] =	sst s5  }
0xe: {  	[smem:$0x3FA9] =	sst s6  }
0xf: {  	[smem:$0x3FAA] =	sst s7  }
0x10: {  	[smem:$0x3FAB] =	sst s8  }
0x11: {  	[smem:$0x3FAC] =	sst s9;
	s0 =	simm.s32 @!p0 $0x0  }
0x12: {  	s1 =	sld [smem:$0x3F92];
	s0 =	simm.s32 @p0 $0x1  }
0x13: {  	[smem:$0x3FAD] =	sst s0;
	s0 =	simm.s32 @!p1 $0x0  }
0x14: {  	s2 =	sld [smem:$0x3F91];
	s0 =	simm.s32 @p1 $0x1  }
0x15: {  	[smem:$0x3FAE] =	sst s0;
	s0 =	simm.s32 @!p2 $0x0  }
0x16: {  	s3 =	sld [smem:$0x3FDB];
	s0 =	simm.s32 @p2 $0x1  }
0x17: {  	s4 =	simm.s32 $0x1BF5;
	[smem:$0x3FB0] =	sst s0  }
0x18: {  	s0 =	sld [smem:$0x3F93];
	_ =	swait.ge [sflag:s4], $0x0  }
0x19: {  	s7 =	sld [smem:$0x3F94]  }
0x1a: {  	s8 =	sadd.s32 $0xFFFFE003, lr  }
0x1b: {  	s9 =	sadd.s32 $0xFFFFFEF7, lr;
	s5 =	simm.s32 $0xFFFFFFFF;
	p2 =	slt.u32 s8, $0xFFFFF086  }
0x1c: {  	p1 =	slt.u32 s9, $0xF7A;
	s5 =	simm.s32 @!p2 $0x0  }
0x1d: {  	s5 =	simm.s32 @p1 $0x1;
	p0 =	seq.s32 s7, s2  }
0x1e: {  	s7 =	smul.u32 @!p0 $0xF7A, s2;
	p2 =	seq.s32 @!p0 s5, $0x0  }
0x1f: {  	s9 =	smul.u32 $0xF7A, s1;
	s8 =	simm.s32 @!p0 $0x1BF5;
	p2 =	por !p2, p0  }
0x20: {  	[sflag:s8] =	ssyncset.s32 @!p0 $0xFFFFF086;
	s6 =	sadd.s32 @!p0 s3, s7;
	s7 =	simm.s32 @!p0 $0x108  }
0x21: {  	s3 =	sadd.s32 s3, s9;
	s6 =	sadd.s32 @!p0 $0x88, s6;
	s7 =	simm.s32 @p2 $0x1082  }
0x22: {  	[simem:s7], [sflag:s8] =	dma.local @!p0 [hbm:s6], $0xF7A  }
0x23: {  	s9 =	sor.u32 $0xD0000000, s2;
	s6 =	simm.s32 $0x108;
	_ =	swait.ge @!p0 [sflag:s8], $0x0  }
0x24: {  	s3 =	sadd.s32 $0x88, s3;
	s6 =	simm.s32 @!p1 $0x1082;
	[sflag:s4] =	ssyncset.s32 $0xFFFFF086  }
0x25: {  	[simem:s6], [sflag:s4] =	dma.local [hbm:s3], $0xF7A  }
0x26: {  	[smem:$0x3F94] =	sst s1;
	(tag) =	ssettag s2;
	_ =	strace s9  }
0x27: {  	s1 =	sld [smem:$0x3FA4]  }
0x28: {  	s2 =	sld [smem:$0x3FA5]  }
0x29: {  	s4 =	sld [smem:$0x3FA7]  }
0x2a: {  	p0 =	seq.s32 s5, $0x0;
	s5 =	sld [smem:$0x3FA8]  }
0x2b: {  	s6 =	sld [smem:$0x3FA9]  }
0x2c: {  	s7 =	sld [smem:$0x3FAA]  }
0x2d: {  	s3 =	simm.s32 $0x108;
	s8 =	sld [smem:$0x3FAB]  }
0x2e: {  	s3 =	simm.s32 @!p0 $0x1082;
	s9 =	sld [smem:$0x3FAC]  }
0x2f: {  	lr =	sadd.s32 s0, s3;
	s0 =	sld [smem:$0x3FA3]  }
0x30: {  	s3 =	sld [smem:$0x3FA6]  }
0x31: {  	[smem:$0x3FAF] =	sst s10  }
0x32: {  	s10 =	sld [smem:$0x3FAD];
	_ =	sdelay $0x3  }
0x33: {  	p0 =	seq.s32 s10, $0x1;
	s10 =	sld [smem:$0x3FAF];
	_ =	sdelay $0x3  }
0x34: {  	[smem:$0x3FAF] =	sst s10  }
0x35: {  	s10 =	sld [smem:$0x3FAE];
	_ =	sdelay $0x3  }
0x36: {  	p1 =	seq.s32 s10, $0x1;
	s10 =	sld [smem:$0x3FAF];
	_ =	sdelay $0x3  }
0x37: {  	[smem:$0x3FAF] =	sst s10  }
0x38: {  	s10 =	sld [smem:$0x3FB0]  }
0x39: {  	_ = 	snop;
	(pc) =	sbr.ind lr, $3  }
0x3a: {  	_ = 	snop  }
0x3b: {  	_ = 	snop  }
0x3c: {  	p2 =	seq.s32 s10, $0x1;
	s10 =	sld [smem:$0x3FAF]  }
0x3d: {  	_ =	shalt  }
0x3e: {  	_ =	shalt  }
0x3f: {  	_ =	shalt  }
0x40: {  	_ =	shalt  }
0x41: {  	_ =	shalt  }
0x42: {  	_ =	shalt  }
0x43: {  	_ =	shalt  }
0x44: {  	_ =	shalt  }
0x45: {  	_ =	shalt  }
0x46: {  	_ =	shalt  }
0x47: {  	_ =	shalt  }
0x48: {  	_ =	shalt  }
0x49: {  	_ =	shalt  }
0x4a: {  	_ =	shalt  }
0x4b: {  	_ =	shalt  }
0x4c: {  	_ =	shalt  }
0x4d: {  	_ =	shalt  }
0x4e: {  	_ =	shalt  }
0x4f: {  	_ =	shalt  }
0x50: {  	_ =	shalt  }
0x51: {  	_ =	shalt  }
0x52: {  	_ =	shalt  }
0x53: {  	_ =	shalt  }
0x54: {  	_ =	shalt  }
0x55: {  	_ =	shalt  }
0x56: {  	_ =	shalt  }
0x57: {  	_ =	shalt  }
0x58: {  	_ =	shalt  }
0x59: {  	_ =	shalt  }
0x5a: {  	_ =	shalt  }
0x5b: {  	_ =	shalt  }
0x5c: {  	_ =	shalt  }
0x5d: {  	_ =	shalt  }
0x5e: {  	_ =	shalt  }
0x5f: {  	_ =	shalt  }
0x60: {  	_ =	shalt  }
0x61: {  	_ =	shalt  }
0x62: {  	_ =	shalt  }
0x63: {  	_ =	shalt  }
0x64: {  	_ =	shalt  }
0x65: {  	_ =	shalt  }
0x66: {  	_ =	shalt  }
0x67: {  	_ =	shalt  }
0x68: {  	_ =	shalt  }
0x69: {  	_ =	shalt  }
0x6a: {  	_ =	shalt  }
0x6b: {  	_ =	shalt  }
0x6c: {  	_ =	shalt  }
0x6d: {  	_ =	shalt  }
0x6e: {  	_ =	shalt  }
0x6f: {  	_ =	shalt  }
0x70: {  	_ =	shalt  }
0x71: {  	_ =	shalt  }
0x72: {  	_ =	shalt  }
0x73: {  	_ =	shalt  }
0x74: {  	_ =	shalt  }
0x75: {  	_ =	shalt  }
0x76: {  	_ =	shalt  }
0x77: {  	_ =	shalt  }
0x78: {  	_ =	shalt  }
0x79: {  	_ =	shalt  }
0x7a: {  	_ =	shalt  }
0x7b: {  	_ =	shalt  }
0x7c: {  	_ =	shalt  }
0x7d: {  	_ =	shalt  }
0x7e: {  	_ =	shalt  }
0x7f: {  	_ =	shalt  }
0x80: {  	_ =	shalt  }
0x81: {  	_ =	shalt  }
0x82: {  	_ =	shalt  }
0x83: {  	_ =	shalt  }
0x84: {  	_ =	shalt  }
0x85: {  	_ =	shalt  }
0x86: {  	_ =	shalt  }
0x87: {  	_ =	shalt  }
.Lfunc_end0:
.L_simem_size_0:
called_computation_lowered:
.L_overlay_start_0:
0x88: {  	s2 =	sld [smem:$0x3FD9]  }
0x89: {  	s3 =	sld [smem:$0x3FFE];
	_ =	sdelay $0x1  }
0x8a: {  	s1 =	srdreg.scid  }
0x8b: {  	s0 =	sand.u32 $0x1, s1  }
0x8c: {  	s17 =	sshll.u32 s0, $0xA;
	s2 =	sadd.s32 s3, s2  }
0x8d: {  	s2 =	sadd.s32 s2, s17  }
0x8e: {  	[smem:$0x3FBB] =	sst s2  }
0x8f: {  	_ = 	snop  }
0x90: {  	s2 =	sld [smem:$0x3FD0];
	(tm) =	ssettm $0x1  }
0x91: {  	s18 =	sld [smem:$0x3FFB];
	_ =	sdelay $0x3  }
0x92: {  	_ =	strace s18  }
0x93: {  	s3 =	sld [smem:$0x3FFC];
	_ =	sdelay $0x3  }
0x94: {  	_ =	strace s3  }
0x95: {  	s3 =	sld [smem:$0x3FFD];
	_ =	sdelay $0x3  }
0x96: {  	_ =	strace s3  }
0x97: {  	_ =	strace $0x8FFFFFFF  }
0x98: {  	s19 =	sld [smem:$0x3FDB];
	_ =	sdelay $0x1  }
0x99: {  	s4 =	simm.s32 $_scs_section_size  }
0x9a: {  	s5 =	simm.s32 $_size__tile_overlayer_lowered;
	s6 =	simm.s32 $_tile_overlayer_lowered  }
0x9b: {  	s22 =	simm.s32 $0x1BFF;
	s21 =	sshll.u32 s6, $0x1;
	s3 =	sadd.s32 s4, s19  }
0x9c: {  	s7 =	simm.s32 $0x0;
	s20 =	sshll.u32 s5, $0x1;
	s5 =	sadd.s32 s21, s3  }
0x9d: {  	[timem:s7], [sflag:s22] =	dma.local [hbm:s5], s20  }
0x9e: {  	_ =	swait.ge [sflag:s22], s20  }
0x9f: {  	s4 =	ssub.s32 $0x0, s20;
	[sflag:s22] =	ssyncset.done $0x0  }
0xa0: {  	[sflag:s22] =	ssyncadd.s32 s4;
	_ =	sdelay $0x1  }
0xa1: {  	s23 =	simm.s32 $0x1B8B  }
0xa2: {  	_ =	swait.ge [sflag:s23], $0x1  }
0xa3: {  	[sflag:s23] =	ssyncset.done $0x0  }
0xa4: {  	s25 =	simm.s32 $0x1B8E;
	s24 =	sld [smem:$0x3FFE];
	[sflag:s23] =	ssyncadd.s32 $0xFFFFFFFF  }
0xa5: {  	s26 =	simm.s32 $execute0_lowered;
	[smem:$0x3FD2] =	sst s25  }
0xa6: {  	s5 =	sshll.u32 s26, $0x1;
	_ =	strace $0x80000046;
	[dreg:$0x1] =	wrdreg $0xFFFFFFFF  }
0xa7: {  	s28 =	simm.s32 $_size_execute0_lowered;
	s3 =	sadd.s32 s3, s5;
	[dreg:$0x0] =	wrdreg $0x0  }
0xa8: {  	s5 =	sshll.u32 s28, $0x1;
	[dreg:$0x2] =	wrdreg s3  }
0xa9: {  	[dreg:$0x3] =	wrdreg s5  }
0xaa: {  	[dreg:$0x4] =	wrdreg $0xC0  }
0xab: {  	_ =	task [dreg:s7], $0x5FFFF  }
0xac: {  	[dreg:$0x1] =	wrdreg $0xFFFFFFFF  }
0xad: {  	[dreg:$0x0] =	wrdreg $0x60  }
0xae: {  	[dreg:$0x2] =	wrdreg s2  }
0xaf: {  	[dreg:$0x3] =	wrdreg s24  }
0xb0: {  	[dreg:$0x4] =	wrdreg $0x0  }
0xb1: {  	[dreg:$0x5] =	wrdreg $0x9  }
0xb2: {  	_ =	task.clear_ibuf [dreg:s7], $0x6FFFF;
	_ =	strace $0x90000046  }
0xb3: {  	s29 =	simm.s32 $0x9;
	_ =	strace $0x80000048  }
0xb4: {  	_ =	swait.ge [sflag:s29], $0x1  }
0xb5: {  	[sflag:s29] =	ssyncadd.s32 $0xFFFFFFFF  }
0xb6: {  	_ =	strace $0x90000048  }
0xb7: {  	_ =	sfence  }
0xb8: {  	s30 =	sld [smem:$0x0];
	_ =	sdelay $0x2  }
0xb9: {  	s31 =	sshll.u32 s1, $0xD;
	s1 =	sshrl.u32 s1, $0x2  }
0xba: {  	s3 =	sand.u32 $0x4000, s31;
	s1 =	sadd.s32 s1, s30  }
0xbb: {  	s0 =	sor.u32 s3, s0;
	s1 =	sshll.u32 s1, $0x11  }
0xbc: {  	s0 =	sor.u32 s1, s0  }
0xbd: {  	s0 =	sadd.s32 $0x8F2B, s0  }
0xbe: {  	[sflag:s0] =	ssyncadd.remote.s32 $0x1  }
0xbf: {  	_ =	sfence.sel $0xFFFF  }
0xc0: {  	[dreg:$0x0] =	wrdreg $0xFFFFFFFF;
	(pc) =	sbr.abs _section_cstart, $3  }
0xc1: {  	[dreg:$0x1] =	wrdreg $0xFFFFFFFF  }
0xc2: {  	_ =	task.clear_ibuf [dreg:s7], $0x2FFFF;
	_ =	strace $0x9FFFFFFF  }
0xc3: {  	(tm) =	ssettm $0x7FFFFFFF  }
tec
execute0_lowered:
.L_overlay_start_1:
0x0: {  	(tag) =	ssettag $0x1  }
0x1: {  	s8 =	stileid.u32  }
0x2: {  	s0 =	srdreg.scid;
	s1 =	sor.u32 $0x10, s8;
	s20 =	smul.u32 $0x28, s8  }
0x3: {  	s2 =	sand.u32 $0x1, s0;
	s19 =	smul.u32 $0x5A00, s1  }
0x4: {  	s3 =	smul.u32 $0x2710, s2  }
0x5: {  	s4 =	sor.u32 $0x20, s8;
	s1 =	smul.u32 $0x28, s1  }
0x6: {  	s10 =	sor.u32 $0x70, s8;
	s6 =	smul.u32 $0x28, s4  }
0x7: {  	s7 =	sor.u32 $0x80, s8;
	s16 =	smul.u32 $0x28, s10  }
0x8: {  	s17 =	smul.u32 $0x28, s7;
	s0 =	sadd.s32 s20, s3  }
0x9: {  	s21 =	sadd.s32 s3, s1;
	s22 =	smul.u32 $0x12, s0  }
0xa: {  	[smem:$0x7EE] =	sst s19;
	s19 =	sor.u32 $0x30, s8;
	s0 =	smul.u32 $0x12, s21  }
0xb: {  	[smem:$0x7ED] =	sst s4;
	s20 =	sor.u32 $0x40, s8;
	s24 =	smul.u32 $0x28, s19  }
0xc: {  	s23 =	sadd.s32 s3, s6;
	s6 =	sor.u32 $0x60, s8;
	s25 =	smul.u32 $0x28, s20  }
0xd: {  	s28 =	sadd.s32 s3, s16;
	s16 =	sor.u32 $0xD0, s8;
	s4 =	smul.u32 $0x28, s6  }
0xe: {  	s30 =	sadd.s32 s3, s17;
	s17 =	sor.u32 $0xE0, s8;
	s31 =	smul.u32 $0x28, s16  }
0xf: {  	s21 =	sor.u32 $0x50, s8;
	s5 =	smul.u32 $0x28, s17  }
0x10: {  	s9 =	smul.u32 $0x28, s21  }
0x11: {  	s13 =	sor.u32 $0xA0, s8;
	[smem:$0x7EA] =	sst s0;
	s0 =	smul.u32 $0x12, s23  }
0x12: {  	s26 =	sadd.s32 s3, s25;
	s25 =	smul.u32 $0x28, s13  }
0x13: {  	s23 =	smul.u32 $0x12, s26;
	[smem:$0x7EB] =	sst s0;
	s0 =	sadd.s32 s3, s24  }
0x14: {  	s1 =	ssub.s32 $0x2, s2;
	s29 =	sadd.s32 s3, s9;
	s0 =	smul.u32 $0x12, s0  }
0x15: {  	s14 =	sshll.u32 s8, $0x1;
	s12 =	sshrl.u32 s1, $0x1;
	s24 =	smul.u32 $0x12, s29  }
0x16: {  	[smem:$0x7EC] =	sst s0;
	s0 =	ssub.s32 s1, s12;
	s12 =	sor.u32 $0x90, s8  }
0x17: {  	s9 =	sor.u32 s2, s14;
	s14 =	sor.u32 $0xB0, s8;
	s18 =	smul.u32 $0x28, s12  }
0x18: {  	s15 =	sor.u32 $0xC0, s8;
	s2 =	sadd.s32 s3, s4;
	s26 =	smul.u32 $0x28, s14  }
0x19: {  	s29 =	smul.u32 $0x28, s15;
	s4 =	sadd.s32 s3, s18;
	s18 =	sor.u32 $0xF0, s8  }
0x1a: {  	s31 =	sadd.s32 s3, s31;
	s11 =	smul.u32 $0x28, s18  }
0x1b: {  	s5 =	sadd.s32 s3, s5;
	s25 =	sadd.s32 s3, s25;
	s26 =	sadd.s32 s3, s26  }
0x1c: {  	s29 =	sadd.s32 s3, s29;
	s3 =	sadd.s32 s3, s11;
	s11 =	rddreg [dreg:$0x1]  }
0x1d: {  	s1 =	simm.s32 $0x0;
	[smem:$0x7FC] =	sst s0;
	s0 =	sadd.s32 $0x29A600, s11  }
0x1e: {  	[smem:$0x7FF] =	sst s1;
	s22 =	sadd.s32 s0, s22  }
0x1f: {  	[dreg:$0x4] =	wrdreg s22  }
0x20: {  	s2 =	smul.u32 $0x12, s2;
	s23 =	sadd.s32 s0, s23;
	s22 =	sld [smem:$0x7EA]  }
0x21: {  	s24 =	sadd.s32 s0, s24;
	[dreg:$0x8] =	wrdreg s23  }
0x22: {  	s2 =	sadd.s32 s0, s2;
	[dreg:$0x9] =	wrdreg s24  }
0x23: {  	s4 =	smul.u32 $0x12, s4;
	[dreg:$0xa] =	wrdreg s2;
	s22 =	sadd.s32 s0, s22  }
0x24: {  	[dreg:$0x5] =	wrdreg s22  }
0x25: {  	s30 =	smul.u32 $0x12, s30;
	s4 =	sadd.s32 s0, s4;
	s22 =	sld [smem:$0x7EB]  }
0x26: {  	s29 =	smul.u32 $0x12, s29;
	[dreg:$0xd] =	wrdreg s4  }
0x27: {  	s2 =	smul.u32 $0x12, s26;
	s26 =	sadd.s32 s0, s30;
	s23 =	sld [smem:$0x7ED]  }
0x28: {  	s28 =	smul.u32 $0x12, s28;
	[dreg:$0xc] =	wrdreg s26;
	s22 =	sadd.s32 s0, s22  }
0x29: {  	s26 =	sadd.s32 s0, s29;
	s29 =	smul.u32 $0x12, s5;
	[dreg:$0x6] =	wrdreg s22  }
0x2a: {  	s3 =	smul.u32 $0x12, s3;
	s2 =	sadd.s32 s0, s2;
	s22 =	sld [smem:$0x7EC]  }
0x2b: {  	s5 =	smul.u32 $0x5A00, s8;
	[dreg:$0xf] =	wrdreg s2;
	s2 =	sadd.s32 s0, s29  }
0x2c: {  	p0 =	sgt.u32 s8, $0x9;
	s29 =	smul.u32 $0x5A00, s20;
	[dreg:$0x12] =	wrdreg s2  }
0x2d: {  	s2 =	sshrl.u32 s5, $0x2;
	s5 =	smul.u32 $0x5A00, s21;
	s22 =	sadd.s32 s0, s22  }
0x2e: {  	s30 =	simm.s32 $0x16080;
	[dreg:$0x7] =	wrdreg s22;
	s22 =	smul.u32 $0x12, s25  }
0x2f: {  	[dreg:$0x10] =	wrdreg s26;
	s21 =	smul.u32 $0x5A00, s6;
	s25 =	sadd.s32 s0, s28  }
0x30: {  	[dreg:$0xb] =	wrdreg s25;
	s25 =	smul.u32 $0x12, s31;
	s24 =	sadd.s32 s0, s22  }
0x31: {  	s6 =	smul.u32 $0x5A00, s12;
	s28 =	simm.s32 $0x1BAD0;
	[dreg:$0xe] =	wrdreg s24  }
0x32: {  	s4 =	sadd.s32 s0, s25;
	s0 =	sadd.s32 s0, s3;
	s24 =	smul.u32 $0x5A00, s19  }
0x33: {  	s31 =	simm.s32 $0x2;
	[dreg:$0x13] =	wrdreg s0;
	s0 =	smul.u32 $0x5A00, s23  }
0x34: {  	s22 =	rddreg [dreg:$0x2];
	s23 =	sshrl.u32 s29, $0x2;
	s29 =	smul.u32 $0x5A00, s7  }
0x35: {  	[dreg:$0x11] =	wrdreg s4;
	s20 =	sshrl.u32 s24, $0x2;
	s24 =	smul.u32 $0x5A00, s10  }
0x36: {  	s19 =	sadd.s32 s2, s22;
	_ =	strace $0x80000047;
	s10 =	smul.u32 $0x5A00, s13  }
0x37: {  	s13 =	smul.u32 $0x5A00, s14;
	s14 =	sshrl.u32 s6, $0x2;
	[dreg:$0x14] =	wrdreg s19  }
0x38: {  	s26 =	sld [smem:$0x7EE];
	s0 =	sshrl.u32 s0, $0x2;
	s12 =	sshrl.u32 s29, $0x2  }
0x39: {  	s29 =	smul.u32 $0x5A00, s18;
	s0 =	sadd.s32 s0, s22;
	s7 =	sshrl.u32 s24, $0x2  }
0x3a: {  	[dreg:$0x16] =	wrdreg s0;
	s0 =	sadd.s32 s20, s22;
	s20 =	smul.u32 $0x5A00, s15  }
0x3b: {  	s24 =	sshrl.u32 s13, $0x2;
	s15 =	smul.u32 $0x9C400, s9;
	s2 =	sshrl.u32 s26, $0x2  }
0x3c: {  	[dreg:$0x17] =	wrdreg s0;
	s0 =	sadd.s32 s23, s22;
	s26 =	sshrl.u32 s5, $0x2  }
0x3d: {  	s5 =	sshrl.u32 s21, $0x2;
	s21 =	sshrl.u32 s10, $0x2;
	s23 =	smul.u32 $0x5A00, s16  }
0x3e: {  	s10 =	sshrl.u32 s29, $0x2;
	s29 =	sld [smem:$0x7FC];
	s25 =	sadd.s32 s2, s22  }
0x3f: {  	[dreg:$0x18] =	wrdreg s0;
	s0 =	sadd.s32 s26, s22;
	s26 =	smul.u32 $0x5A00, s17  }
0x40: {  	s3 =	sshrl.u32 s20, $0x2;
	s13 =	sadd.s32 s10, s22;
	s17 =	smul.u32 $0x13880, s9  }
0x41: {  	s2 =	sshrl.u32 s15, $0x3;
	s10 =	sadd.s32 $0x15A00, s11;
	s15 =	simm.s32 $0x15F90  }
0x42: {  	[dreg:$0x19] =	wrdreg s0;
	s0 =	sadd.s32 s5, s22;
	s4 =	sshrl.u32 s23, $0x2  }
0x43: {  	s3 =	sadd.s32 s3, s22;
	[smem:$0x7F2] =	sst s13;
	s20 =	sadd.s32 s10, s2  }
0x44: {  	s13 =	simm.s32 $0x1C4D0;
	s5 =	simm.s32 $0x9;
	[dreg:$0x15] =	wrdreg s25  }
0x45: {  	s2 =	simm.s32 $0x6;
	[dreg:$0x1a] =	wrdreg s0;
	s0 =	sadd.s32 s7, s22  }
0x46: {  	[smem:$0x7EF] =	sst s3;
	s6 =	sadd.s32 s4, s22;
	s7 =	sshrl.u32 s26, $0x2  }
0x47: {  	s3 =	simm.s32 $0x5;
	s4 =	simm.s32 $0x7;
	[dreg:$0x1b] =	wrdreg s0  }
0x48: {  	s0 =	sadd.s32 s12, s22;
	[smem:$0x7F0] =	sst s6;
	s12 =	smul.u32 $0x2710, s9  }
0x49: {  	s6 =	sadd.s32 $0x290800, s11;
	[dreg:$0x1c] =	wrdreg s0;
	s0 =	sadd.s32 s14, s22  }
0x4a: {  	[dreg:$0x1d] =	wrdreg s0;
	s0 =	sadd.s32 s21, s22;
	s14 =	sshrl.u32 s12, $0x3  }
0x4b: {  	s18 =	sadd.s32 $0x50, s12;
	s26 =	sadd.s32 $0xF0, s12;
	[dreg:$0x1e] =	wrdreg s0  }
0x4c: {  	s0 =	sadd.s32 s24, s22;
	s16 =	sadd.s32 s6, s14;
	[smem:$0x7F6] =	sst s18  }
0x4d: {  	s21 =	sshrl.u32 s18, $0x3;
	s18 =	sadd.s32 $0x2000, s11;
	[smem:$0x7FB] =	sst s26  }
0x4e: {  	s24 =	sadd.s32 $0xA0, s12;
	s12 =	simm.s32 $0x16030;
	[dreg:$0x1f] =	wrdreg s0  }
0x4f: {  	s0 =	sadd.s32 s7, s22;
	s7 =	sadd.s32 $0x286A00, s11;
	[smem:$0x7F3] =	sst s16  }
0x50: {  	s22 =	sadd.s32 s6, s21;
	[smem:$0x7FA] =	sst s24;
	s16 =	simm.s32 $0x4  }
0x51: {  	s24 =	simm.s32 $0x8;
	[smem:$0x7F1] =	sst s0;
	s0 =	sadd.s32 s7, s14  }
0x52: {  	[smem:$0x7F8] =	sst s22;
	s23 =	sadd.s32 s7, s21;
	s14 =	simm.s32 $0xB  }
0x53: {  	s21 =	simm.s32 $0x1;
	s22 =	simm.s32 $0x3;
	[smem:$0x7F4] =	sst s0  }
0x54: {  	s0 =	sadd.s32 s10, s17;
	[smem:$0x7F9] =	sst s23;
	s23 =	simm.s32 $0x50  }
0x55: {  	s17 =	simm.s32 $0x0;
	[smem:$0x7F5] =	sst s0;
	s0 =	sadd.s32 $0x140, s20  }
0x56: {  	s20 =	sadd.s32 $0x15B40, s11;
	[smem:$0x7F7] =	sst s0;
	s0 =	smax.u32 s29, $0x1  }
0x57: {  	v0 =	vimm.f32 $0.0e+00;
	v1 =	vimm.f32 $1.000000000e+00;
	s11 =	simm.s32 $0x15FE0;
	[smem:$0x7FD] =	sst s0;
	s0 =	simm.s32 $0xA  }
.LBB2_1:
0x58: {  	s8 =	simm.s32 $0x0;
	s9 =	simm.s32 $0x240  }
.LBB2_2:
0x59: {  	p1 =	sne.s32 s9, $0x57C0;
	[tilespmem:s8+$0x1C550] =	vst v0  }
0x5a: {  	[tilespmem:s8+$0x1C4D0] =	vst v0  }
0x5b: {  	[tilespmem:s8+$0x1C4E0] =	vst v0  }
0x5c: {  	[tilespmem:s8+$0x1C4F0] =	vst v0  }
.Ltmp0:
0x5d: {  	[tilespmem:s8+$0x1C500] =	vst v0;
	(pc) =	sbr.rel @p1 .LBB2_2-.Ltmp0, $4  }
0x5e: {  	[tilespmem:s8+$0x1C510] =	vst v0  }
0x5f: {  	[tilespmem:s8+$0x1C520] =	vst v0  }
0x60: {  	[tilespmem:s8+$0x1C530] =	vst v0  }
0x61: {  	[tilespmem:s8+$0x1C540] =	vst v0;
	s8 =	sshra.s32 s9, $0x2;
	s9 =	sadd.s32 $0x240, s9  }
0x62: {  	[tilespmem:s8+$0x1C550] =	vst v0  }
0x63: {  	[tilespmem:s8+$0x1C4D0] =	vst v0  }
0x64: {  	[tilespmem:s8+$0x1C4E0] =	vst v0  }
0x65: {  	[tilespmem:s8+$0x1C4F0] =	vst v0  }
0x66: {  	[tilespmem:s8+$0x1C500] =	vst v0  }
0x67: {  	[tilespmem:s8+$0x1C510] =	vst v0  }
0x68: {  	[tilespmem:s8+$0x1C520] =	vst v0  }
0x69: {  	[tilespmem:s8+$0x1C530] =	vst v0  }
0x6a: {  	[tilespmem:s8+$0x1C540] =	vst v0  }
0x6b: {  	[spmem:s19] =	stream.linear.scatter [tilespmem:s13], [sflag:$0xB], $0x1680, $0x38;
	[tilespmem:$0x1F1D0] =	vst v63  }
0x6c: {  	_ =	swait.ge [sflag:s14], $0x1680  }
0x6d: {  	[sflag:s14] =	ssyncset.done $0x0  }
0x6e: {  	[sflag:s14] =	ssyncadd.s32 $0xFFFFE980  }
0x6f: {  	[spmem:s25] =	stream.linear.scatter [tilespmem:s13], [sflag:$0xB], $0x1680, $0x38;
	[tilespmem:$0x1F1D0] =	vst v63  }
0x70: {  	_ =	swait.ge [sflag:s14], $0x1680  }
0x71: {  	[sflag:s14] =	ssyncset.done $0x0  }
0x72: {  	s25 =	rddreg [dreg:$0x16];
	[sflag:s14] =	ssyncadd.s32 $0xFFFFE980  }
0x73: {  	[spmem:s25] =	stream.linear.scatter [tilespmem:s13], [sflag:$0xB], $0x1680, $0x38;
	[tilespmem:$0x1F1D0] =	vst v63  }
0x74: {  	_ =	swait.ge [sflag:s14], $0x1680  }
0x75: {  	[sflag:s14] =	ssyncset.done $0x0  }
0x76: {  	s26 =	rddreg [dreg:$0x17];
	[sflag:s14] =	ssyncadd.s32 $0xFFFFE980  }
0x77: {  	[spmem:s26] =	stream.linear.scatter [tilespmem:s13], [sflag:$0xB], $0x1680, $0x38;
	[tilespmem:$0x1F1D0] =	vst v63  }
0x78: {  	_ =	swait.ge [sflag:s14], $0x1680  }
0x79: {  	[sflag:s14] =	ssyncset.done $0x0  }
0x7a: {  	s29 =	rddreg [dreg:$0x18];
	[sflag:s14] =	ssyncadd.s32 $0xFFFFE980  }
0x7b: {  	[spmem:s29] =	stream.linear.scatter [tilespmem:s13], [sflag:$0xB], $0x1680, $0x38;
	[tilespmem:$0x1F1D0] =	vst v63  }
0x7c: {  	_ =	swait.ge [sflag:s14], $0x1680  }
0x7d: {  	[sflag:s14] =	ssyncset.done $0x0  }
0x7e: {  	s9 =	rddreg [dreg:$0x19];
	[sflag:s14] =	ssyncadd.s32 $0xFFFFE980  }
0x7f: {  	[spmem:s9] =	stream.linear.scatter [tilespmem:s13], [sflag:$0xB], $0x1680, $0x38;
	[tilespmem:$0x1F1D0] =	vst v63  }
0x80: {  	_ =	swait.ge [sflag:s14], $0x1680  }
0x81: {  	[sflag:s14] =	ssyncset.done $0x0  }
0x82: {  	s19 =	rddreg [dreg:$0x1a];
	[sflag:s14] =	ssyncadd.s32 $0xFFFFE980  }
0x83: {  	[spmem:s19] =	stream.linear.scatter [tilespmem:s13], [sflag:$0xB], $0x1680, $0x38;
	[tilespmem:$0x1F1D0] =	vst v63  }
0x84: {  	_ =	swait.ge [sflag:s14], $0x1680  }
0x85: {  	[sflag:s14] =	ssyncset.done $0x0  }
0x86: {  	s25 =	rddreg [dreg:$0x1b];
	[sflag:s14] =	ssyncadd.s32 $0xFFFFE980  }
0x87: {  	[spmem:s25] =	stream.linear.scatter [tilespmem:s13], [sflag:$0xB], $0x1680, $0x38;
	[tilespmem:$0x1F1D0] =	vst v63  }
0x88: {  	_ =	swait.ge [sflag:s14], $0x1680  }
0x89: {  	[sflag:s14] =	ssyncset.done $0x0  }
0x8a: {  	s26 =	rddreg [dreg:$0x1c];
	[sflag:s14] =	ssyncadd.s32 $0xFFFFE980  }
0x8b: {  	[spmem:s26] =	stream.linear.scatter [tilespmem:s13], [sflag:$0xB], $0x1680, $0x38;
	[tilespmem:$0x1F1D0] =	vst v63  }
0x8c: {  	_ =	swait.ge [sflag:s14], $0x1680  }
0x8d: {  	[sflag:s14] =	ssyncset.done $0x0  }
0x8e: {  	s29 =	rddreg [dreg:$0x1d];
	[sflag:s14] =	ssyncadd.s32 $0xFFFFE980  }
0x8f: {  	[spmem:s29] =	stream.linear.scatter [tilespmem:s13], [sflag:$0xB], $0x1680, $0x38;
	[tilespmem:$0x1F1D0] =	vst v63  }
0x90: {  	_ =	swait.ge [sflag:s14], $0x1680  }
0x91: {  	[sflag:s14] =	ssyncset.done $0x0  }
0x92: {  	s9 =	rddreg [dreg:$0x1e];
	[sflag:s14] =	ssyncadd.s32 $0xFFFFE980  }
0x93: {  	[spmem:s9] =	stream.linear.scatter [tilespmem:s13], [sflag:$0xB], $0x1680, $0x38;
	[tilespmem:$0x1F1D0] =	vst v63  }
0x94: {  	_ =	swait.ge [sflag:s14], $0x1680  }
0x95: {  	[sflag:s14] =	ssyncset.done $0x0  }
0x96: {  	s19 =	rddreg [dreg:$0x1f];
	[sflag:s14] =	ssyncadd.s32 $0xFFFFE980  }
0x97: {  	[spmem:s19] =	stream.linear.scatter [tilespmem:s13], [sflag:$0xB], $0x1680, $0x38;
	[tilespmem:$0x1F1D0] =	vst v63  }
0x98: {  	_ =	swait.ge [sflag:s14], $0x1680  }
0x99: {  	s25 =	sld [smem:$0x7EF]  }
0x9a: {  	[sflag:s14] =	ssyncset.done $0x0  }
0x9b: {  	[sflag:s14] =	ssyncadd.s32 $0xFFFFE980  }
0x9c: {  	[spmem:s25] =	stream.linear.scatter [tilespmem:s13], [sflag:$0xB], $0x1680, $0x38;
	[tilespmem:$0x1F1D0] =	vst v63  }
0x9d: {  	_ =	swait.ge [sflag:s14], $0x1680  }
0x9e: {  	s26 =	sld [smem:$0x7F0]  }
0x9f: {  	[sflag:s14] =	ssyncset.done $0x0  }
0xa0: {  	[sflag:s14] =	ssyncadd.s32 $0xFFFFE980  }
0xa1: {  	[spmem:s26] =	stream.linear.scatter [tilespmem:s13], [sflag:$0xB], $0x1680, $0x38;
	[tilespmem:$0x1F1D0] =	vst v63  }
0xa2: {  	_ =	swait.ge [sflag:s14], $0x1680  }
0xa3: {  	s29 =	sld [smem:$0x7F1]  }
0xa4: {  	[sflag:s14] =	ssyncset.done $0x0  }
0xa5: {  	[sflag:s14] =	ssyncadd.s32 $0xFFFFE980  }
0xa6: {  	[spmem:s29] =	stream.linear.scatter [tilespmem:s13], [sflag:$0xB], $0x1680, $0x38;
	[tilespmem:$0x1F1D0] =	vst v63  }
0xa7: {  	_ =	swait.ge [sflag:s14], $0x1680  }
0xa8: {  	s9 =	sld [smem:$0x7F2]  }
0xa9: {  	[sflag:s14] =	ssyncset.done $0x0  }
0xaa: {  	s8 =	simm.s32 @!p0 $0x1C4D0;
	[sflag:s14] =	ssyncadd.s32 $0xFFFFE980  }
0xab: {  	[spmem:s9] =	stream.linear.scatter @!p0 [tilespmem:s8], [sflag:$0xB], $0x1680, $0x38;
	[tilespmem:$0x1F1D0] =	vst v63  }
0xac: {  	s8 =	simm.s32 @!p0 $0xB  }
0xad: {  	_ =	swait.ge @!p0 [sflag:s8], $0x1680  }
0xae: {  	[sflag:s8] =	ssyncset.done @!p0 $0x0  }
0xaf: {  	s9 =	simm.s32 $0x80;
	[sflag:s8] =	ssyncadd.s32 @!p0 $0xFFFFE980;
	s8 =	simm.s32 $0x440  }
.LBB2_4:
0xb0: {  	p1 =	sne.s32 s8, $0xB3C0;
	[tilespmem:s9+$0x1C4D0] =	vst v1;
	s9 =	smov.u32 s8;
	s8 =	sadd.s32 $0x240, s8  }
.Ltmp1:
0xb1: {  	(pc) =	sbr.rel @p1 .LBB2_4-.Ltmp1, $2  }
0xb2: {  	_ =	sdelay $0x2  }
0xb3: {  	s9 =	sshra.s32 s9, $0x2  }
0xb4: {  	[smem:$0x7E9] =	sst s17;
	[tilespmem:s9+$0x1C4D0] =	vst v1  }
0xb5: {  	[bflag:$0x0] =	sbarrier.arrive $0xFFFF  }
0xb6: {  	s8 =	sld [smem:$0x7F3];
	_ =	sdelay $0x1  }
0xb7: {  	s25 =	simm.s32 $0x0;
	s17 =	sld [smem:$0x7F4]  }
0xb8: {  	[tilespmem:s15], [sflag:$0x1] =	stream.linear.gather [hbm4b:s8+s25], $0x50, $0x38;
	[tilespmem:$0x1F1D0] =	vst v63  }
0xb9: {  	_ = 	snop  }
0xba: {  	[tilespmem:s12], [sflag:$0x3] =	stream.linear.gather [hbm4b:s17+s25], $0x50, $0x38;
	[tilespmem:$0x1F1D0] =	vst v63  }
0xbb: {  	_ =	swait.ge [sflag:s21], $0x50  }
0xbc: {  	[sflag:s21] =	ssyncset.done $0x0  }
0xbd: {  	[sflag:s21] =	ssyncadd.s32 $0xFFFFFFB0  }
0xbe: {  	_ =	swait.ge [sflag:s22], $0x50  }
0xbf: {  	[sflag:s22] =	ssyncset.done $0x0  }
0xc0: {  	[sflag:s22] =	ssyncadd.s32 $0xFFFFFFB0  }
0xc1: {  	s26 =	simm.s32 $0x160D0;
	s19 =	rddreg [dreg:$0x0]  }
0xc2: {  	[tilespmem:s26], [sflag:$0x5] =	stream.indirect.gather [hbm4b:s19+s23], $0x40, s15, s23, $0xb8;
	[tilespmem:$0x1F1D0] =	vst v63  }
0xc3: {  	s29 =	simm.s32 $0x188D0;
	s9 =	sld [smem:$0x7F5]  }
0xc4: {  	[tilespmem:s29], [sflag:$0x7] =	stream.indirect.gather [hbm4b:s18+s23], $0x40, s12, s23, $0xb8;
	[tilespmem:$0x1F1D0] =	vst v63  }
0xc5: {  	s17 =	simm.s32 $0x1B0D0;
	s19 =	sld [smem:$0x7F7]  }
0xc6: {  	[tilespmem:s17], [sflag:$0x9] =	stream.linear.gather [hbm4b:s9+s25], $0xA00, $0x38;
	[tilespmem:$0x1F1D0] =	vst v63  }
0xc7: {  	s26 =	sld [smem:$0x7F8]  }
0xc8: {  	[tilespmem:s28], [sflag:$0xA] =	stream.linear.gather [hbm4b:s19+s25], $0xA00, $0x38;
	[tilespmem:$0x1F1D0] =	vst v63  }
0xc9: {  	s29 =	sld [smem:$0x7F9]  }
0xca: {  	[tilespmem:s11], [sflag:$0x2] =	stream.linear.gather [hbm4b:s26+s25], $0x50, $0x38;
	[tilespmem:$0x1F1D0] =	vst v63  }
0xcb: {  	_ = 	snop  }
0xcc: {  	[tilespmem:s30], [sflag:$0x4] =	stream.linear.gather [hbm4b:s29+s25], $0x50, $0x38;
	[tilespmem:$0x1F1D0] =	vst v63  }
.LBB2_6:
0xcd: {  	_ =	swait.ge [sflag:s31], $0x50  }
0xce: {  	[sflag:s31] =	ssyncset.done $0x0  }
0xcf: {  	[sflag:s31] =	ssyncadd.s32 $0xFFFFFFB0  }
0xd0: {  	_ =	swait.ge [sflag:s16], $0x50  }
0xd1: {  	[sflag:s16] =	ssyncset.done $0x0  }
0xd2: {  	[sflag:s16] =	ssyncadd.s32 $0xFFFFFFB0  }
0xd3: {  	s9 =	simm.s32 $0x174D0;
	s8 =	rddreg [dreg:$0x0]  }
0xd4: {  	[tilespmem:s9], [sflag:$0x6] =	stream.indirect.gather [hbm4b:s8+s23], $0x40, s11, s23, $0xb8;
	[tilespmem:$0x1F1D0] =	vst v63  }
0xd5: {  	s29 =	simm.s32 $0x19CD0  }
0xd6: {  	[tilespmem:s29], [sflag:$0x8] =	stream.indirect.gather [hbm4b:s18+s23], $0x40, s30, s23, $0xb8;
	[tilespmem:$0x1F1D0] =	vst v63  }
0xd7: {  	_ =	swait.ge [sflag:s3], $0x1400  }
0xd8: {  	[sflag:s3] =	ssyncset.done $0x0  }
0xd9: {  	[sflag:s3] =	ssyncadd.s32 $0xFFFFEC00  }
0xda: {  	_ =	swait.ge [sflag:s4], $0x1400  }
0xdb: {  	[sflag:s4] =	ssyncset.done $0x0  }
0xdc: {  	[sflag:s4] =	ssyncadd.s32 $0xFFFFEC00  }
0xdd: {  	_ =	swait.ge [sflag:s5], $0xA00  }
0xde: {  	[sflag:s5] =	ssyncset.done $0x0  }
0xdf: {  	s9 =	simm.s32 $0x0;
	[sflag:s5] =	ssyncadd.s32 $0xFFFFF600  }
0xe0: {  	v2 =	vld [tilespmem:s9+$0x160D0]  }
0xe1: {  	v3 =	vld [tilespmem:s9+$0x188D0];
	_ =	sdelay $0x1  }
0xe2: {  	v4 =	vld [tilespmem:s9+$0x1B0D0];
	_ =	sdelay $0x2  }
0xe3: {  	v5 =	vshll.u32 v2, $0x10;
	v6 =	vshll.u32 v3, $0x10  }
0xe4: {  	v2 =	vand.u32 $0xFFFF0000, v2;
	v3 =	vand.u32 $0xFFFF0000, v3;
	v5 =	vadd.f32 v6, v5  }
0xe5: {  	v2 =	vadd.f32 v3, v2;
	v3 =	vshll.u32 v4, $0x10  }
0xe6: {  	v4 =	vand.u32 $0xFFFF0000, v4;
	v3 =	vadd.f32 v3, v5  }
0xe7: {  	v2 =	vadd.f32 v4, v2  }
0xe8: {  	s17 =	simm.s32 $0x1C510;
	v3 =	vmax.f32 v3, $0.0e+00  }
0xe9: {  	v2 =	vmax.f32 v2, $0.0e+00;
	[tilespmem:s17+$0xFFFFFFC0] =	vst v3  }
0xea: {  	[tilespmem:s17+$0xFFFFFFD0] =	vst v2  }
0xeb: {  	v2 =	vld [tilespmem:s9+$0x160E0]  }
0xec: {  	v3 =	vld [tilespmem:s9+$0x188E0];
	_ =	sdelay $0x1  }
0xed: {  	v58 =	vld [tilespmem:s9+$0x1B0E0];
	_ =	sdelay $0x2  }
0xee: {  	v59 =	vshll.u32 v2, $0x10;
	v60 =	vshll.u32 v3, $0x10  }
0xef: {  	v2 =	vand.u32 $0xFFFF0000, v2;
	v3 =	vand.u32 $0xFFFF0000, v3;
	v5 =	vadd.f32 v60, v59  }
0xf0: {  	v2 =	vadd.f32 v3, v2;
	v3 =	vshll.u32 v58, $0x10  }
0xf1: {  	v4 =	vand.u32 $0xFFFF0000, v58;
	v3 =	vadd.f32 v3, v5  }
0xf2: {  	v2 =	vadd.f32 v4, v2  }
0xf3: {  	v3 =	vmax.f32 v3, $0.0e+00  }
0xf4: {  	v2 =	vmax.f32 v2, $0.0e+00;
	[tilespmem:s17+$0xFFFFFFE0] =	vst v3  }
0xf5: {  	[tilespmem:s17+$0xFFFFFFF0] =	vst v2  }
0xf6: {  	v2 =	vld [tilespmem:s9+$0x160F0]  }
0xf7: {  	v3 =	vld [tilespmem:s9+$0x188F0];
	_ =	sdelay $0x1  }
0xf8: {  	v61 =	vld [tilespmem:s9+$0x1B0F0];
	_ =	sdelay $0x2  }
0xf9: {  	v62 =	vshll.u32 v2, $0x10;
	v63 =	vshll.u32 v3, $0x10  }
0xfa: {  	v2 =	vand.u32 $0xFFFF0000, v2;
	v3 =	vand.u32 $0xFFFF0000, v3;
	v5 =	vadd.f32 v63, v62  }
0xfb: {  	v2 =	vadd.f32 v3, v2;
	v3 =	vshll.u32 v61, $0x10  }
0xfc: {  	v4 =	vand.u32 $0xFFFF0000, v61;
	v3 =	vadd.f32 v3, v5  }
0xfd: {  	v2 =	vadd.f32 v4, v2  }
0xfe: {  	v3 =	vmax.f32 v3, $0.0e+00  }
0xff: {  	v2 =	vmax.f32 v2, $0.0e+00;
	[tilespmem:s17+$0x0] =	vst v3  }
0x100: {  	[tilespmem:s17+$0x10] =	vst v2  }
0x101: {  	s8 =	simm.s32 $0x100;
	s11 =	simm.s32 $0x1C510;
	v2 =	vld [tilespmem:s9+$0x16100]  }
.LBB2_7:
0x102: {  	p1 =	sne.s32 s8, $0x2700  }
0x103: {  	v3 =	vld [tilespmem:s9+$0x18900];
	s17 =	sadd.s32 $0x90, s17;
	s19 =	smov.u32 s8;
	s8 =	sadd.s32 $0x100, s8  }
0x104: {  	v4 =	vld [tilespmem:s9+$0x1B100];
	_ =	sdelay $0x2  }
0x105: {  	v5 =	vshll.u32 v2, $0x10;
	v2 =	vand.u32 $0xFFFF0000, v2  }
0x106: {  	v6 =	vshll.u32 v3, $0x10;
	v3 =	vand.u32 $0xFFFF0000, v3  }
0x107: {  	v5 =	vadd.f32 v6, v5;
	v2 =	vadd.f32 v3, v2  }
0x108: {  	v3 =	vshll.u32 v4, $0x10;
	v4 =	vand.u32 $0xFFFF0000, v4  }
0x109: {  	s9 =	sshra.s32 s19, $0x2;
	v3 =	vadd.f32 v3, v5;
	v2 =	vadd.f32 v4, v2;
	_ =	sdelay $0x1  }
0x10a: {  	v3 =	vmax.f32 v3, $0.0e+00;
	v2 =	vmax.f32 v2, $0.0e+00  }
0x10b: {  	[tilespmem:s11+$0x20] =	vst v3  }
0x10c: {  	[tilespmem:s11+$0x30] =	vst v2;
	s11 =	smov.u32 s17  }
0x10d: {  	v2 =	vld [tilespmem:s9+$0x160D0]  }
0x10e: {  	v3 =	vld [tilespmem:s9+$0x188D0]  }
0x10f: {  	v4 =	vld [tilespmem:s9+$0x1B0D0];
	_ =	sdelay $0x2  }
0x110: {  	v5 =	vshll.u32 v2, $0x10  }
0x111: {  	v2 =	vand.u32 $0xFFFF0000, v2;
	v6 =	vshll.u32 v3, $0x10;
	v3 =	vand.u32 $0xFFFF0000, v3  }
0x112: {  	v7 =	vand.u32 $0xFFFF0000, v4;
	v5 =	vadd.f32 v6, v5;
	v2 =	vadd.f32 v3, v2  }
0x113: {  	v3 =	vshll.u32 v4, $0x10  }
0x114: {  	v3 =	vadd.f32 v3, v5;
	v2 =	vadd.f32 v7, v2;
	_ =	sdelay $0x1  }
0x115: {  	v3 =	vmax.f32 v3, $0.0e+00;
	v2 =	vmax.f32 v2, $0.0e+00  }
0x116: {  	[tilespmem:s17+$0xFFFFFFC0] =	vst v3  }
0x117: {  	[tilespmem:s17+$0xFFFFFFD0] =	vst v2  }
0x118: {  	v2 =	vld [tilespmem:s9+$0x160E0]  }
0x119: {  	v3 =	vld [tilespmem:s9+$0x188E0]  }
0x11a: {  	v4 =	vld [tilespmem:s9+$0x1B0E0];
	_ =	sdelay $0x2  }
0x11b: {  	v5 =	vand.u32 $0xFFFF0000, v2  }
0x11c: {  	v2 =	vshll.u32 v2, $0x10;
	v6 =	vshll.u32 v3, $0x10;
	v3 =	vand.u32 $0xFFFF0000, v3  }
0x11d: {  	v2 =	vadd.f32 v6, v2;
	v3 =	vadd.f32 v3, v5  }
0x11e: {  	v5 =	vshll.u32 v4, $0x10;
	v4 =	vand.u32 $0xFFFF0000, v4  }
0x11f: {  	v2 =	vadd.f32 v5, v2;
	v3 =	vadd.f32 v4, v3;
	_ =	sdelay $0x1  }
0x120: {  	v2 =	vmax.f32 v2, $0.0e+00;
	v3 =	vmax.f32 v3, $0.0e+00  }
0x121: {  	[tilespmem:s17+$0xFFFFFFE0] =	vst v2  }
0x122: {  	[tilespmem:s17+$0xFFFFFFF0] =	vst v3  }
0x123: {  	v2 =	vld [tilespmem:s9+$0x160F0]  }
0x124: {  	v3 =	vld [tilespmem:s9+$0x188F0]  }
0x125: {  	v4 =	vld [tilespmem:s9+$0x1B0F0];
	_ =	sdelay $0x2  }
0x126: {  	v5 =	vshll.u32 v2, $0x10;
	v2 =	vand.u32 $0xFFFF0000, v2  }
0x127: {  	v6 =	vshll.u32 v3, $0x10;
	v3 =	vand.u32 $0xFFFF0000, v3  }
0x128: {  	v5 =	vadd.f32 v6, v5;
	v2 =	vadd.f32 v3, v2  }
0x129: {  	v3 =	vshll.u32 v4, $0x10;
	v4 =	vand.u32 $0xFFFF0000, v4  }
0x12a: {  	v3 =	vadd.f32 v3, v5;
	v2 =	vadd.f32 v4, v2  }
.Ltmp2:
0x12b: {  	(pc) =	sbr.rel @p1 .LBB2_7-.Ltmp2, $4  }
0x12c: {  	v3 =	vmax.f32 v3, $0.0e+00;
	v2 =	vmax.f32 v2, $0.0e+00  }
0x12d: {  	[tilespmem:s17+$0x0] =	vst v3  }
0x12e: {  	[tilespmem:s17+$0x10] =	vst v2  }
0x12f: {  	v2 =	vld [tilespmem:s9+$0x16100]  }
0x130: {  	v3 =	vld [tilespmem:s9+$0x18900];
	_ =	sdelay $0x1  }
0x131: {  	v4 =	vld [tilespmem:s9+$0x1B100];
	_ =	sdelay $0x2  }
0x132: {  	v5 =	vshll.u32 v2, $0x10;
	v6 =	vshll.u32 v3, $0x10  }
0x133: {  	s8 =	sld [smem:$0x7F6];
	v2 =	vand.u32 $0xFFFF0000, v2;
	v3 =	vand.u32 $0xFFFF0000, v3;
	v5 =	vadd.f32 v6, v5  }
0x134: {  	s9 =	smul.u32 $0xA0, s25;
	v2 =	vadd.f32 v3, v2;
	v3 =	vshll.u32 v4, $0x10  }
0x135: {  	v4 =	vand.u32 $0xFFFF0000, v4;
	v3 =	vadd.f32 v3, v5  }
0x136: {  	s8 =	sadd.s32 s8, s9;
	v2 =	vadd.f32 v4, v2  }
0x137: {  	s17 =	sshll.u32 s8, $0x3;
	v3 =	vmax.f32 v3, $0.0e+00  }
0x138: {  	s8 =	sand.u32 $0x1FFFFF80, s17;
	v2 =	vmax.f32 v2, $0.0e+00;
	[tilespmem:s11+$0x20] =	vst v3  }
0x139: {  	s26 =	simm.s32 $0x0;
	s19 =	simm.s32 $0x1B0D0;
	s8 =	sadd.s32 s10, s8;
	[tilespmem:s11+$0x30] =	vst v2  }
0x13a: {  	[tilespmem:s19], [sflag:$0x9] =	stream.linear.gather [hbm4b:s8+s26], $0xA00, $0x38;
	[tilespmem:$0x1F1D0] =	vst v63  }
0x13b: {  	_ =	swait.ge [sflag:s0], $0xA00  }
0x13c: {  	[sflag:s0] =	ssyncset.done $0x0  }
0x13d: {  	s19 =	simm.s32 $0x0;
	[sflag:s0] =	ssyncadd.s32 $0xFFFFF600  }
0x13e: {  	v2 =	vld [tilespmem:s19+$0x16AD0]  }
0x13f: {  	v3 =	vld [tilespmem:s19+$0x192D0];
	_ =	sdelay $0x1  }
0x140: {  	v55 =	vld [tilespmem:s19+$0x1BAD0];
	_ =	sdelay $0x2  }
0x141: {  	v56 =	vshll.u32 v2, $0x10;
	v57 =	vshll.u32 v3, $0x10  }
0x142: {  	v2 =	vand.u32 $0xFFFF0000, v2;
	v3 =	vand.u32 $0xFFFF0000, v3;
	v5 =	vadd.f32 v57, v56  }
0x143: {  	v2 =	vadd.f32 v3, v2;
	v3 =	vshll.u32 v55, $0x10  }
0x144: {  	v4 =	vand.u32 $0xFFFF0000, v55;
	v3 =	vadd.f32 v3, v5  }
0x145: {  	v2 =	vadd.f32 v4, v2  }
0x146: {  	s11 =	simm.s32 $0x1DBC0;
	v3 =	vmax.f32 v3, $0.0e+00  }
0x147: {  	v2 =	vmax.f32 v2, $0.0e+00;
	[tilespmem:s11+$0xFFFFFF90] =	vst v3  }
0x148: {  	[tilespmem:s11+$0xFFFFFFA0] =	vst v2  }
0x149: {  	v2 =	vld [tilespmem:s19+$0x16AE0]  }
0x14a: {  	v3 =	vld [tilespmem:s19+$0x192E0];
	_ =	sdelay $0x1  }
0x14b: {  	v58 =	vld [tilespmem:s19+$0x1BAE0];
	_ =	sdelay $0x2  }
0x14c: {  	v59 =	vshll.u32 v2, $0x10;
	v60 =	vshll.u32 v3, $0x10  }
0x14d: {  	v2 =	vand.u32 $0xFFFF0000, v2;
	v3 =	vand.u32 $0xFFFF0000, v3;
	v5 =	vadd.f32 v60, v59  }
0x14e: {  	v2 =	vadd.f32 v3, v2;
	v3 =	vshll.u32 v58, $0x10  }
0x14f: {  	v4 =	vand.u32 $0xFFFF0000, v58;
	v3 =	vadd.f32 v3, v5  }
0x150: {  	v2 =	vadd.f32 v4, v2  }
0x151: {  	v3 =	vmax.f32 v3, $0.0e+00  }
0x152: {  	v2 =	vmax.f32 v2, $0.0e+00;
	[tilespmem:s11+$0xFFFFFFB0] =	vst v3  }
0x153: {  	[tilespmem:s11+$0xFFFFFFC0] =	vst v2  }
0x154: {  	v2 =	vld [tilespmem:s19+$0x16AF0]  }
0x155: {  	v3 =	vld [tilespmem:s19+$0x192F0];
	_ =	sdelay $0x1  }
0x156: {  	v61 =	vld [tilespmem:s19+$0x1BAF0];
	_ =	sdelay $0x2  }
0x157: {  	v62 =	vshll.u32 v2, $0x10;
	v63 =	vshll.u32 v3, $0x10  }
0x158: {  	v2 =	vand.u32 $0xFFFF0000, v2;
	v3 =	vand.u32 $0xFFFF0000, v3;
	v5 =	vadd.f32 v63, v62  }
0x159: {  	v2 =	vadd.f32 v3, v2;
	v3 =	vshll.u32 v61, $0x10  }
0x15a: {  	v4 =	vand.u32 $0xFFFF0000, v61;
	v3 =	vadd.f32 v3, v5  }
0x15b: {  	v2 =	vadd.f32 v4, v2  }
0x15c: {  	v3 =	vmax.f32 v3, $0.0e+00  }
0x15d: {  	v2 =	vmax.f32 v2, $0.0e+00;
	[tilespmem:s11+$0xFFFFFFD0] =	vst v3  }
0x15e: {  	[tilespmem:s11+$0xFFFFFFE0] =	vst v2  }
0x15f: {  	s29 =	simm.s32 $0x100;
	s8 =	simm.s32 $0x1DBC0;
	v2 =	vld [tilespmem:s19+$0x16B00]  }
.LBB2_9:
0x160: {  	p1 =	sne.s32 s29, $0x2700  }
0x161: {  	v3 =	vld [tilespmem:s19+$0x19300];
	s11 =	sadd.s32 $0x90, s11;
	s26 =	smov.u32 s29;
	s29 =	sadd.s32 $0x100, s29  }
0x162: {  	v4 =	vld [tilespmem:s19+$0x1BB00];
	_ =	sdelay $0x2  }
0x163: {  	v5 =	vshll.u32 v2, $0x10;
	v2 =	vand.u32 $0xFFFF0000, v2  }
0x164: {  	v6 =	vshll.u32 v3, $0x10;
	v3 =	vand.u32 $0xFFFF0000, v3  }
0x165: {  	v5 =	vadd.f32 v6, v5;
	v2 =	vadd.f32 v3, v2  }
0x166: {  	v3 =	vshll.u32 v4, $0x10;
	v4 =	vand.u32 $0xFFFF0000, v4  }
0x167: {  	s19 =	sshra.s32 s26, $0x2;
	v3 =	vadd.f32 v3, v5;
	v2 =	vadd.f32 v4, v2;
	_ =	sdelay $0x1  }
0x168: {  	v3 =	vmax.f32 v3, $0.0e+00;
	v2 =	vmax.f32 v2, $0.0e+00  }
0x169: {  	[tilespmem:s8+$0xFFFFFFF0] =	vst v3  }
0x16a: {  	[tilespmem:s8+$0x0] =	vst v2;
	s8 =	smov.u32 s11  }
0x16b: {  	v2 =	vld [tilespmem:s19+$0x16AD0]  }
0x16c: {  	v3 =	vld [tilespmem:s19+$0x192D0]  }
0x16d: {  	v4 =	vld [tilespmem:s19+$0x1BAD0];
	_ =	sdelay $0x2  }
0x16e: {  	v5 =	vshll.u32 v2, $0x10  }
0x16f: {  	v2 =	vand.u32 $0xFFFF0000, v2;
	v6 =	vshll.u32 v3, $0x10;
	v3 =	vand.u32 $0xFFFF0000, v3  }
0x170: {  	v7 =	vand.u32 $0xFFFF0000, v4;
	v5 =	vadd.f32 v6, v5;
	v2 =	vadd.f32 v3, v2  }
0x171: {  	v3 =	vshll.u32 v4, $0x10  }
0x172: {  	v3 =	vadd.f32 v3, v5;
	v2 =	vadd.f32 v7, v2;
	_ =	sdelay $0x1  }
0x173: {  	v3 =	vmax.f32 v3, $0.0e+00;
	v2 =	vmax.f32 v2, $0.0e+00  }
0x174: {  	[tilespmem:s11+$0xFFFFFF90] =	vst v3  }
0x175: {  	[tilespmem:s11+$0xFFFFFFA0] =	vst v2  }
0x176: {  	v2 =	vld [tilespmem:s19+$0x16AE0]  }
0x177: {  	v3 =	vld [tilespmem:s19+$0x192E0]  }
0x178: {  	v4 =	vld [tilespmem:s19+$0x1BAE0];
	_ =	sdelay $0x2  }
0x179: {  	v5 =	vand.u32 $0xFFFF0000, v2  }
0x17a: {  	v2 =	vshll.u32 v2, $0x10;
	v6 =	vshll.u32 v3, $0x10;
	v3 =	vand.u32 $0xFFFF0000, v3  }
0x17b: {  	v2 =	vadd.f32 v6, v2;
	v3 =	vadd.f32 v3, v5  }
0x17c: {  	v5 =	vshll.u32 v4, $0x10;
	v4 =	vand.u32 $0xFFFF0000, v4  }
0x17d: {  	v2 =	vadd.f32 v5, v2;
	v3 =	vadd.f32 v4, v3;
	_ =	sdelay $0x1  }
0x17e: {  	v2 =	vmax.f32 v2, $0.0e+00;
	v3 =	vmax.f32 v3, $0.0e+00  }
0x17f: {  	[tilespmem:s11+$0xFFFFFFB0] =	vst v2  }
0x180: {  	[tilespmem:s11+$0xFFFFFFC0] =	vst v3  }
0x181: {  	v2 =	vld [tilespmem:s19+$0x16AF0]  }
0x182: {  	v3 =	vld [tilespmem:s19+$0x192F0]  }
0x183: {  	v4 =	vld [tilespmem:s19+$0x1BAF0];
	_ =	sdelay $0x2  }
0x184: {  	v5 =	vshll.u32 v2, $0x10;
	v2 =	vand.u32 $0xFFFF0000, v2  }
0x185: {  	v6 =	vshll.u32 v3, $0x10;
	v3 =	vand.u32 $0xFFFF0000, v3  }
0x186: {  	v5 =	vadd.f32 v6, v5;
	v2 =	vadd.f32 v3, v2  }
0x187: {  	v3 =	vshll.u32 v4, $0x10;
	v4 =	vand.u32 $0xFFFF0000, v4  }
0x188: {  	v3 =	vadd.f32 v3, v5;
	v2 =	vadd.f32 v4, v2  }
.Ltmp3:
0x189: {  	(pc) =	sbr.rel @p1 .LBB2_9-.Ltmp3, $4  }
0x18a: {  	v3 =	vmax.f32 v3, $0.0e+00;
	v2 =	vmax.f32 v2, $0.0e+00  }
0x18b: {  	[tilespmem:s11+$0xFFFFFFD0] =	vst v3  }
0x18c: {  	[tilespmem:s11+$0xFFFFFFE0] =	vst v2  }
0x18d: {  	v2 =	vld [tilespmem:s19+$0x16B00]  }
0x18e: {  	v3 =	vld [tilespmem:s19+$0x19300];
	_ =	sdelay $0x1  }
0x18f: {  	v4 =	vld [tilespmem:s19+$0x1BB00];
	_ =	sdelay $0x2  }
0x190: {  	v5 =	vshll.u32 v2, $0x10;
	v6 =	vshll.u32 v3, $0x10  }
0x191: {  	v2 =	vand.u32 $0xFFFF0000, v2;
	v3 =	vand.u32 $0xFFFF0000, v3;
	v5 =	vadd.f32 v6, v5  }
0x192: {  	v2 =	vadd.f32 v3, v2;
	v3 =	vshll.u32 v4, $0x10  }
0x193: {  	v4 =	vand.u32 $0xFFFF0000, v4;
	v3 =	vadd.f32 v3, v5  }
0x194: {  	v2 =	vadd.f32 v4, v2  }
0x195: {  	v3 =	vmax.f32 v3, $0.0e+00  }
0x196: {  	v2 =	vmax.f32 v2, $0.0e+00;
	[tilespmem:s8+$0xFFFFFFF0] =	vst v3  }
0x197: {  	s26 =	sadd.s32 s17, s20;
	s11 =	simm.s32 $0x0;
	[tilespmem:s8+$0x0] =	vst v2  }
0x198: {  	[tilespmem:s28], [sflag:$0xA] =	stream.linear.gather [hbm4b:s26+s11], $0xA00, $0x38;
	[tilespmem:$0x1F1D0] =	vst v63  }
0x199: {  	s17 =	rddreg [dreg:$0x2]  }
0x19a: {  	[spmem:s17] =	stream.indirect.scatter.add.f32 [tilespmem:s13], [sflag:$0xB], $0x90, s12, s23, $0xb8;
	[tilespmem:$0x1F1D0] =	vst v63  }
0x19b: {  	_ =	swait.ge [sflag:s14], $0x2D00  }
0x19c: {  	s19 =	sld [smem:$0x7FA];
	_ =	sdelay $0x2  }
0x19d: {  	s17 =	sadd.s32 s9, s19  }
0x19e: {  	[sflag:s14] =	ssyncset.done $0x0;
	s8 =	sshrl.u32 s17, $0x3  }
0x19f: {  	[sflag:s14] =	ssyncadd.s32 $0xFFFFD300;
	s26 =	sadd.s32 s6, s8  }
0x1a0: {  	[tilespmem:s15], [sflag:$0x1] =	stream.linear.gather [hbm4b:s26+s11], $0x50, $0x38;
	[tilespmem:$0x1F1D0] =	vst v63  }
0x1a1: {  	s8 =	sadd.s32 s7, s8  }
0x1a2: {  	[tilespmem:s12], [sflag:$0x3] =	stream.linear.gather [hbm4b:s8+s11], $0x50, $0x38;
	[tilespmem:$0x1F1D0] =	vst v63  }
0x1a3: {  	_ =	swait.ge [sflag:s21], $0x50  }
0x1a4: {  	[sflag:s21] =	ssyncset.done $0x0  }
0x1a5: {  	[sflag:s21] =	ssyncadd.s32 $0xFFFFFFB0  }
0x1a6: {  	_ =	swait.ge [sflag:s22], $0x50  }
0x1a7: {  	[sflag:s22] =	ssyncset.done $0x0  }
0x1a8: {  	[sflag:s22] =	ssyncadd.s32 $0xFFFFFFB0  }
0x1a9: {  	s19 =	simm.s32 $0x160D0;
	s11 =	rddreg [dreg:$0x0]  }
0x1aa: {  	[tilespmem:s19], [sflag:$0x5] =	stream.indirect.gather [hbm4b:s11+s23], $0x40, s15, s23, $0xb8;
	[tilespmem:$0x1F1D0] =	vst v63  }
0x1ab: {  	s26 =	simm.s32 $0x188D0  }
0x1ac: {  	[tilespmem:s26], [sflag:$0x7] =	stream.indirect.gather [hbm4b:s18+s23], $0x40, s12, s23, $0xb8;
	[tilespmem:$0x1F1D0] =	vst v63  }
0x1ad: {  	_ =	swait.ge [sflag:s2], $0x1400  }
0x1ae: {  	[sflag:s2] =	ssyncset.done $0x0  }
0x1af: {  	[sflag:s2] =	ssyncadd.s32 $0xFFFFEC00  }
0x1b0: {  	_ =	swait.ge [sflag:s24], $0x1400  }
0x1b1: {  	[sflag:s24] =	ssyncset.done $0x0  }
0x1b2: {  	[sflag:s24] =	ssyncadd.s32 $0xFFFFEC00  }
0x1b3: {  	_ =	swait.ge [sflag:s5], $0xA00  }
0x1b4: {  	[sflag:s5] =	ssyncset.done $0x0  }
0x1b5: {  	s19 =	simm.s32 $0x0;
	[sflag:s5] =	ssyncadd.s32 $0xFFFFF600  }
0x1b6: {  	v2 =	vld [tilespmem:s19+$0x174D0]  }
0x1b7: {  	v3 =	vld [tilespmem:s19+$0x19CD0];
	_ =	sdelay $0x1  }
0x1b8: {  	v55 =	vld [tilespmem:s19+$0x1B0D0];
	_ =	sdelay $0x2  }
0x1b9: {  	v56 =	vshll.u32 v2, $0x10;
	v57 =	vshll.u32 v3, $0x10  }
0x1ba: {  	v2 =	vand.u32 $0xFFFF0000, v2;
	v3 =	vand.u32 $0xFFFF0000, v3;
	v5 =	vadd.f32 v57, v56  }
0x1bb: {  	v2 =	vadd.f32 v3, v2;
	v3 =	vshll.u32 v55, $0x10  }
0x1bc: {  	v4 =	vand.u32 $0xFFFF0000, v55;
	v3 =	vadd.f32 v3, v5  }
0x1bd: {  	v2 =	vadd.f32 v4, v2  }
0x1be: {  	s11 =	simm.s32 $0x1C510;
	v3 =	vmax.f32 v3, $0.0e+00  }
0x1bf: {  	v2 =	vmax.f32 v2, $0.0e+00;
	[tilespmem:s11+$0xFFFFFFC0] =	vst v3  }
0x1c0: {  	[tilespmem:s11+$0xFFFFFFD0] =	vst v2  }
0x1c1: {  	v2 =	vld [tilespmem:s19+$0x174E0]  }
0x1c2: {  	v3 =	vld [tilespmem:s19+$0x19CE0];
	_ =	sdelay $0x1  }
0x1c3: {  	v58 =	vld [tilespmem:s19+$0x1B0E0];
	_ =	sdelay $0x2  }
0x1c4: {  	v59 =	vshll.u32 v2, $0x10;
	v60 =	vshll.u32 v3, $0x10  }
0x1c5: {  	v2 =	vand.u32 $0xFFFF0000, v2;
	v3 =	vand.u32 $0xFFFF0000, v3;
	v5 =	vadd.f32 v60, v59  }
0x1c6: {  	v2 =	vadd.f32 v3, v2;
	v3 =	vshll.u32 v58, $0x10  }
0x1c7: {  	v4 =	vand.u32 $0xFFFF0000, v58;
	v3 =	vadd.f32 v3, v5  }
0x1c8: {  	v2 =	vadd.f32 v4, v2  }
0x1c9: {  	v3 =	vmax.f32 v3, $0.0e+00  }
0x1ca: {  	v2 =	vmax.f32 v2, $0.0e+00;
	[tilespmem:s11+$0xFFFFFFE0] =	vst v3  }
0x1cb: {  	[tilespmem:s11+$0xFFFFFFF0] =	vst v2  }
0x1cc: {  	v2 =	vld [tilespmem:s19+$0x174F0]  }
0x1cd: {  	v3 =	vld [tilespmem:s19+$0x19CF0];
	_ =	sdelay $0x1  }
0x1ce: {  	v61 =	vld [tilespmem:s19+$0x1B0F0];
	_ =	sdelay $0x2  }
0x1cf: {  	v62 =	vshll.u32 v2, $0x10;
	v63 =	vshll.u32 v3, $0x10  }
0x1d0: {  	v2 =	vand.u32 $0xFFFF0000, v2;
	v3 =	vand.u32 $0xFFFF0000, v3;
	v5 =	vadd.f32 v63, v62  }
0x1d1: {  	v2 =	vadd.f32 v3, v2;
	v3 =	vshll.u32 v61, $0x10  }
0x1d2: {  	v4 =	vand.u32 $0xFFFF0000, v61;
	v3 =	vadd.f32 v3, v5  }
0x1d3: {  	v2 =	vadd.f32 v4, v2  }
0x1d4: {  	v3 =	vmax.f32 v3, $0.0e+00  }
0x1d5: {  	v2 =	vmax.f32 v2, $0.0e+00;
	[tilespmem:s11+$0x0] =	vst v3  }
0x1d6: {  	[tilespmem:s11+$0x10] =	vst v2  }
0x1d7: {  	s29 =	simm.s32 $0x100;
	s8 =	simm.s32 $0x1C510;
	v2 =	vld [tilespmem:s19+$0x17500]  }
.LBB2_11:
0x1d8: {  	p1 =	sne.s32 s29, $0x2700  }
0x1d9: {  	v3 =	vld [tilespmem:s19+$0x19D00];
	s11 =	sadd.s32 $0x90, s11;
	s26 =	smov.u32 s29;
	s29 =	sadd.s32 $0x100, s29  }
0x1da: {  	v4 =	vld [tilespmem:s19+$0x1B100];
	_ =	sdelay $0x2  }
0x1db: {  	v5 =	vshll.u32 v2, $0x10;
	v2 =	vand.u32 $0xFFFF0000, v2  }
0x1dc: {  	v6 =	vshll.u32 v3, $0x10;
	v3 =	vand.u32 $0xFFFF0000, v3  }
0x1dd: {  	v5 =	vadd.f32 v6, v5;
	v2 =	vadd.f32 v3, v2  }
0x1de: {  	v3 =	vshll.u32 v4, $0x10;
	v4 =	vand.u32 $0xFFFF0000, v4  }
0x1df: {  	s19 =	sshra.s32 s26, $0x2;
	v3 =	vadd.f32 v3, v5;
	v2 =	vadd.f32 v4, v2;
	_ =	sdelay $0x1  }
0x1e0: {  	v3 =	vmax.f32 v3, $0.0e+00;
	v2 =	vmax.f32 v2, $0.0e+00  }
0x1e1: {  	[tilespmem:s8+$0x20] =	vst v3  }
0x1e2: {  	[tilespmem:s8+$0x30] =	vst v2;
	s8 =	smov.u32 s11  }
0x1e3: {  	v2 =	vld [tilespmem:s19+$0x174D0]  }
0x1e4: {  	v3 =	vld [tilespmem:s19+$0x19CD0]  }
0x1e5: {  	v4 =	vld [tilespmem:s19+$0x1B0D0];
	_ =	sdelay $0x2  }
0x1e6: {  	v5 =	vshll.u32 v2, $0x10  }
0x1e7: {  	v2 =	vand.u32 $0xFFFF0000, v2;
	v6 =	vshll.u32 v3, $0x10;
	v3 =	vand.u32 $0xFFFF0000, v3  }
0x1e8: {  	v7 =	vand.u32 $0xFFFF0000, v4;
	v5 =	vadd.f32 v6, v5;
	v2 =	vadd.f32 v3, v2  }
0x1e9: {  	v3 =	vshll.u32 v4, $0x10  }
0x1ea: {  	v3 =	vadd.f32 v3, v5;
	v2 =	vadd.f32 v7, v2;
	_ =	sdelay $0x1  }
0x1eb: {  	v3 =	vmax.f32 v3, $0.0e+00;
	v2 =	vmax.f32 v2, $0.0e+00  }
0x1ec: {  	[tilespmem:s11+$0xFFFFFFC0] =	vst v3  }
0x1ed: {  	[tilespmem:s11+$0xFFFFFFD0] =	vst v2  }
0x1ee: {  	v2 =	vld [tilespmem:s19+$0x174E0]  }
0x1ef: {  	v3 =	vld [tilespmem:s19+$0x19CE0]  }
0x1f0: {  	v4 =	vld [tilespmem:s19+$0x1B0E0];
	_ =	sdelay $0x2  }
0x1f1: {  	v5 =	vand.u32 $0xFFFF0000, v2  }
0x1f2: {  	v2 =	vshll.u32 v2, $0x10;
	v6 =	vshll.u32 v3, $0x10;
	v3 =	vand.u32 $0xFFFF0000, v3  }
0x1f3: {  	v2 =	vadd.f32 v6, v2;
	v3 =	vadd.f32 v3, v5  }
0x1f4: {  	v5 =	vshll.u32 v4, $0x10;
	v4 =	vand.u32 $0xFFFF0000, v4  }
0x1f5: {  	v2 =	vadd.f32 v5, v2;
	v3 =	vadd.f32 v4, v3;
	_ =	sdelay $0x1  }
0x1f6: {  	v2 =	vmax.f32 v2, $0.0e+00;
	v3 =	vmax.f32 v3, $0.0e+00  }
0x1f7: {  	[tilespmem:s11+$0xFFFFFFE0] =	vst v2  }
0x1f8: {  	[tilespmem:s11+$0xFFFFFFF0] =	vst v3  }
0x1f9: {  	v2 =	vld [tilespmem:s19+$0x174F0]  }
0x1fa: {  	v3 =	vld [tilespmem:s19+$0x19CF0]  }
0x1fb: {  	v4 =	vld [tilespmem:s19+$0x1B0F0];
	_ =	sdelay $0x2  }
0x1fc: {  	v5 =	vshll.u32 v2, $0x10;
	v2 =	vand.u32 $0xFFFF0000, v2  }
0x1fd: {  	v6 =	vshll.u32 v3, $0x10;
	v3 =	vand.u32 $0xFFFF0000, v3  }
0x1fe: {  	v5 =	vadd.f32 v6, v5;
	v2 =	vadd.f32 v3, v2  }
0x1ff: {  	v3 =	vshll.u32 v4, $0x10;
	v4 =	vand.u32 $0xFFFF0000, v4  }
0x200: {  	v3 =	vadd.f32 v3, v5;
	v2 =	vadd.f32 v4, v2  }
.Ltmp4:
0x201: {  	(pc) =	sbr.rel @p1 .LBB2_11-.Ltmp4, $4  }
0x202: {  	v3 =	vmax.f32 v3, $0.0e+00;
	v2 =	vmax.f32 v2, $0.0e+00  }
0x203: {  	[tilespmem:s11+$0x0] =	vst v3  }
0x204: {  	[tilespmem:s11+$0x10] =	vst v2  }
0x205: {  	v2 =	vld [tilespmem:s19+$0x17500]  }
0x206: {  	v3 =	vld [tilespmem:s19+$0x19D00];
	_ =	sdelay $0x1  }
0x207: {  	v4 =	vld [tilespmem:s19+$0x1B100];
	_ =	sdelay $0x2  }
0x208: {  	v5 =	vshll.u32 v2, $0x10;
	v6 =	vshll.u32 v3, $0x10  }
0x209: {  	v2 =	vand.u32 $0xFFFF0000, v2;
	v3 =	vand.u32 $0xFFFF0000, v3;
	v5 =	vadd.f32 v6, v5  }
0x20a: {  	v2 =	vadd.f32 v3, v2;
	v3 =	vshll.u32 v4, $0x10  }
0x20b: {  	v4 =	vand.u32 $0xFFFF0000, v4;
	v3 =	vadd.f32 v3, v5  }
0x20c: {  	v2 =	vadd.f32 v4, v2  }
0x20d: {  	s17 =	sshll.u32 s17, $0x3;
	v3 =	vmax.f32 v3, $0.0e+00  }
0x20e: {  	s11 =	sand.u32 $0x1FFFFF80, s17;
	v2 =	vmax.f32 v2, $0.0e+00;
	[tilespmem:s8+$0x20] =	vst v3  }
0x20f: {  	s19 =	simm.s32 $0x0;
	s26 =	simm.s32 $0x1B0D0;
	s11 =	sadd.s32 s10, s11;
	[tilespmem:s8+$0x30] =	vst v2  }
0x210: {  	[tilespmem:s26], [sflag:$0x9] =	stream.linear.gather [hbm4b:s11+s19], $0xA00, $0x38;
	[tilespmem:$0x1F1D0] =	vst v63  }
0x211: {  	_ =	swait.ge [sflag:s0], $0xA00  }
0x212: {  	[sflag:s0] =	ssyncset.done $0x0  }
0x213: {  	s19 =	simm.s32 $0x0;
	[sflag:s0] =	ssyncadd.s32 $0xFFFFF600  }
0x214: {  	v2 =	vld [tilespmem:s19+$0x17ED0]  }
0x215: {  	v3 =	vld [tilespmem:s19+$0x1A6D0];
	_ =	sdelay $0x1  }
0x216: {  	v55 =	vld [tilespmem:s19+$0x1BAD0];
	_ =	sdelay $0x2  }
0x217: {  	v56 =	vshll.u32 v2, $0x10;
	v57 =	vshll.u32 v3, $0x10  }
0x218: {  	v2 =	vand.u32 $0xFFFF0000, v2;
	v3 =	vand.u32 $0xFFFF0000, v3;
	v5 =	vadd.f32 v57, v56  }
0x219: {  	v2 =	vadd.f32 v3, v2;
	v3 =	vshll.u32 v55, $0x10  }
0x21a: {  	v4 =	vand.u32 $0xFFFF0000, v55;
	v3 =	vadd.f32 v3, v5  }
0x21b: {  	v2 =	vadd.f32 v4, v2  }
0x21c: {  	s11 =	simm.s32 $0x1DBC0;
	v3 =	vmax.f32 v3, $0.0e+00  }
0x21d: {  	v2 =	vmax.f32 v2, $0.0e+00;
	[tilespmem:s11+$0xFFFFFF90] =	vst v3  }
0x21e: {  	[tilespmem:s11+$0xFFFFFFA0] =	vst v2  }
0x21f: {  	v2 =	vld [tilespmem:s19+$0x17EE0]  }
0x220: {  	v3 =	vld [tilespmem:s19+$0x1A6E0];
	_ =	sdelay $0x1  }
0x221: {  	v58 =	vld [tilespmem:s19+$0x1BAE0];
	_ =	sdelay $0x2  }
0x222: {  	v59 =	vshll.u32 v2, $0x10;
	v60 =	vshll.u32 v3, $0x10  }
0x223: {  	v2 =	vand.u32 $0xFFFF0000, v2;
	v3 =	vand.u32 $0xFFFF0000, v3;
	v5 =	vadd.f32 v60, v59  }
0x224: {  	v2 =	vadd.f32 v3, v2;
	v3 =	vshll.u32 v58, $0x10  }
0x225: {  	v4 =	vand.u32 $0xFFFF0000, v58;
	v3 =	vadd.f32 v3, v5  }
0x226: {  	v2 =	vadd.f32 v4, v2  }
0x227: {  	v3 =	vmax.f32 v3, $0.0e+00  }
0x228: {  	v2 =	vmax.f32 v2, $0.0e+00;
	[tilespmem:s11+$0xFFFFFFB0] =	vst v3  }
0x229: {  	[tilespmem:s11+$0xFFFFFFC0] =	vst v2  }
0x22a: {  	v2 =	vld [tilespmem:s19+$0x17EF0]  }
0x22b: {  	v3 =	vld [tilespmem:s19+$0x1A6F0];
	_ =	sdelay $0x1  }
0x22c: {  	v61 =	vld [tilespmem:s19+$0x1BAF0];
	_ =	sdelay $0x2  }
0x22d: {  	v62 =	vshll.u32 v2, $0x10;
	v63 =	vshll.u32 v3, $0x10  }
0x22e: {  	v2 =	vand.u32 $0xFFFF0000, v2;
	v3 =	vand.u32 $0xFFFF0000, v3;
	v5 =	vadd.f32 v63, v62  }
0x22f: {  	v2 =	vadd.f32 v3, v2;
	v3 =	vshll.u32 v61, $0x10  }
0x230: {  	v4 =	vand.u32 $0xFFFF0000, v61;
	v3 =	vadd.f32 v3, v5  }
0x231: {  	v2 =	vadd.f32 v4, v2  }
0x232: {  	v3 =	vmax.f32 v3, $0.0e+00  }
0x233: {  	v2 =	vmax.f32 v2, $0.0e+00;
	[tilespmem:s11+$0xFFFFFFD0] =	vst v3  }
0x234: {  	[tilespmem:s11+$0xFFFFFFE0] =	vst v2  }
0x235: {  	s29 =	simm.s32 $0x100;
	s8 =	simm.s32 $0x1DBC0;
	v2 =	vld [tilespmem:s19+$0x17F00]  }
.LBB2_13:
0x236: {  	p1 =	sne.s32 s29, $0x2700  }
0x237: {  	v3 =	vld [tilespmem:s19+$0x1A700];
	s11 =	sadd.s32 $0x90, s11;
	s26 =	smov.u32 s29;
	s29 =	sadd.s32 $0x100, s29  }
0x238: {  	v4 =	vld [tilespmem:s19+$0x1BB00];
	_ =	sdelay $0x2  }
0x239: {  	v5 =	vshll.u32 v2, $0x10;
	v2 =	vand.u32 $0xFFFF0000, v2  }
0x23a: {  	v6 =	vshll.u32 v3, $0x10;
	v3 =	vand.u32 $0xFFFF0000, v3  }
0x23b: {  	v5 =	vadd.f32 v6, v5;
	v2 =	vadd.f32 v3, v2  }
0x23c: {  	v3 =	vshll.u32 v4, $0x10;
	v4 =	vand.u32 $0xFFFF0000, v4  }
0x23d: {  	s19 =	sshra.s32 s26, $0x2;
	v3 =	vadd.f32 v3, v5;
	v2 =	vadd.f32 v4, v2;
	_ =	sdelay $0x1  }
0x23e: {  	v3 =	vmax.f32 v3, $0.0e+00;
	v2 =	vmax.f32 v2, $0.0e+00  }
0x23f: {  	[tilespmem:s8+$0xFFFFFFF0] =	vst v3  }
0x240: {  	[tilespmem:s8+$0x0] =	vst v2;
	s8 =	smov.u32 s11  }
0x241: {  	v2 =	vld [tilespmem:s19+$0x17ED0]  }
0x242: {  	v3 =	vld [tilespmem:s19+$0x1A6D0]  }
0x243: {  	v4 =	vld [tilespmem:s19+$0x1BAD0];
	_ =	sdelay $0x2  }
0x244: {  	v5 =	vshll.u32 v2, $0x10  }
0x245: {  	v2 =	vand.u32 $0xFFFF0000, v2;
	v6 =	vshll.u32 v3, $0x10;
	v3 =	vand.u32 $0xFFFF0000, v3  }
0x246: {  	v7 =	vand.u32 $0xFFFF0000, v4;
	v5 =	vadd.f32 v6, v5;
	v2 =	vadd.f32 v3, v2  }
0x247: {  	v3 =	vshll.u32 v4, $0x10  }
0x248: {  	v3 =	vadd.f32 v3, v5;
	v2 =	vadd.f32 v7, v2;
	_ =	sdelay $0x1  }
0x249: {  	v3 =	vmax.f32 v3, $0.0e+00;
	v2 =	vmax.f32 v2, $0.0e+00  }
0x24a: {  	[tilespmem:s11+$0xFFFFFF90] =	vst v3  }
0x24b: {  	[tilespmem:s11+$0xFFFFFFA0] =	vst v2  }
0x24c: {  	v2 =	vld [tilespmem:s19+$0x17EE0]  }
0x24d: {  	v3 =	vld [tilespmem:s19+$0x1A6E0]  }
0x24e: {  	v4 =	vld [tilespmem:s19+$0x1BAE0];
	_ =	sdelay $0x2  }
0x24f: {  	v5 =	vand.u32 $0xFFFF0000, v2  }
0x250: {  	v2 =	vshll.u32 v2, $0x10;
	v6 =	vshll.u32 v3, $0x10;
	v3 =	vand.u32 $0xFFFF0000, v3  }
0x251: {  	v2 =	vadd.f32 v6, v2;
	v3 =	vadd.f32 v3, v5  }
0x252: {  	v5 =	vshll.u32 v4, $0x10;
	v4 =	vand.u32 $0xFFFF0000, v4  }
0x253: {  	v2 =	vadd.f32 v5, v2;
	v3 =	vadd.f32 v4, v3;
	_ =	sdelay $0x1  }
0x254: {  	v2 =	vmax.f32 v2, $0.0e+00;
	v3 =	vmax.f32 v3, $0.0e+00  }
0x255: {  	[tilespmem:s11+$0xFFFFFFB0] =	vst v2  }
0x256: {  	[tilespmem:s11+$0xFFFFFFC0] =	vst v3  }
0x257: {  	v2 =	vld [tilespmem:s19+$0x17EF0]  }
0x258: {  	v3 =	vld [tilespmem:s19+$0x1A6F0]  }
0x259: {  	v4 =	vld [tilespmem:s19+$0x1BAF0];
	_ =	sdelay $0x2  }
0x25a: {  	v5 =	vshll.u32 v2, $0x10;
	v2 =	vand.u32 $0xFFFF0000, v2  }
0x25b: {  	v6 =	vshll.u32 v3, $0x10;
	v3 =	vand.u32 $0xFFFF0000, v3  }
0x25c: {  	v5 =	vadd.f32 v6, v5;
	v2 =	vadd.f32 v3, v2  }
0x25d: {  	v3 =	vshll.u32 v4, $0x10;
	v4 =	vand.u32 $0xFFFF0000, v4  }
0x25e: {  	v3 =	vadd.f32 v3, v5;
	v2 =	vadd.f32 v4, v2  }
.Ltmp5:
0x25f: {  	(pc) =	sbr.rel @p1 .LBB2_13-.Ltmp5, $4  }
0x260: {  	v3 =	vmax.f32 v3, $0.0e+00;
	v2 =	vmax.f32 v2, $0.0e+00  }
0x261: {  	[tilespmem:s11+$0xFFFFFFD0] =	vst v3  }
0x262: {  	[tilespmem:s11+$0xFFFFFFE0] =	vst v2  }
0x263: {  	v2 =	vld [tilespmem:s19+$0x17F00]  }
0x264: {  	v3 =	vld [tilespmem:s19+$0x1A700];
	_ =	sdelay $0x1  }
0x265: {  	v4 =	vld [tilespmem:s19+$0x1BB00];
	_ =	sdelay $0x2  }
0x266: {  	v5 =	vshll.u32 v2, $0x10;
	v6 =	vshll.u32 v3, $0x10  }
0x267: {  	v2 =	vand.u32 $0xFFFF0000, v2;
	v3 =	vand.u32 $0xFFFF0000, v3;
	v5 =	vadd.f32 v6, v5  }
0x268: {  	v2 =	vadd.f32 v3, v2;
	v3 =	vshll.u32 v4, $0x10  }
0x269: {  	v4 =	vand.u32 $0xFFFF0000, v4;
	v3 =	vadd.f32 v3, v5  }
0x26a: {  	v2 =	vadd.f32 v4, v2  }
0x26b: {  	v3 =	vmax.f32 v3, $0.0e+00  }
0x26c: {  	v2 =	vmax.f32 v2, $0.0e+00;
	[tilespmem:s8+$0xFFFFFFF0] =	vst v3  }
0x26d: {  	s26 =	sadd.s32 s17, s20;
	p1 =	seq.s32 s25, $0x3D;
	[tilespmem:s8+$0x0] =	vst v2  }
0x26e: {  	[tilespmem:s28], [sflag:$0xA] =	stream.linear.gather [hbm4b:s26+s1], $0xA00, $0x38;
	[tilespmem:$0x1F1D0] =	vst v63  }
.Ltmp6:
0x26f: {  	s29 =	rddreg [dreg:$0x2];
	(pc) =	sbr.rel @p1 .LBB2_16-.Ltmp6, $4  }
0x270: {  	[spmem:s29] =	stream.indirect.scatter.add.f32 [tilespmem:s13], [sflag:$0xB], $0x90, s30, s23, $0xb8;
	[tilespmem:$0x1F1D0] =	vst v63  }
0x271: {  	_ =	swait.ge [sflag:s14], $0x2D00  }
0x272: {  	[sflag:s14] =	ssyncset.done $0x0  }
0x273: {  	[sflag:s14] =	ssyncadd.s32 $0xFFFFD300  }
0x274: {  	s8 =	sld [smem:$0x7FB];
	_ =	sdelay $0x2  }
0x275: {  	s8 =	sadd.s32 s9, s8  }
.Ltmp7:
0x276: {  	s8 =	sshrl.u32 s8, $0x3;
	(pc) =	sbr.rel .LBB2_6-.Ltmp7, $4  }
0x277: {  	s11 =	simm.s32 $0x15FE0;
	s29 =	sadd.s32 s6, s8  }
0x278: {  	[tilespmem:s11], [sflag:$0x2] =	stream.linear.gather [hbm4b:s29+s1], $0x50, $0x38;
	[tilespmem:$0x1F1D0] =	vst v63  }
0x279: {  	s25 =	sadd.s32 $0x1, s25;
	s8 =	sadd.s32 s7, s8  }
0x27a: {  	[tilespmem:s30], [sflag:$0x4] =	stream.linear.gather [hbm4b:s8+s1], $0x50, $0x38;
	[tilespmem:$0x1F1D0] =	vst v63  }
.LBB2_16:
0x27b: {  	_ =	swait.ge [sflag:s3], $0x1400  }
0x27c: {  	[sflag:s3] =	ssyncset.done $0x0  }
0x27d: {  	[sflag:s3] =	ssyncadd.s32 $0xFFFFEC00  }
0x27e: {  	_ =	swait.ge [sflag:s4], $0x1400  }
0x27f: {  	[sflag:s4] =	ssyncset.done $0x0  }
0x280: {  	[sflag:s4] =	ssyncadd.s32 $0xFFFFEC00  }
0x281: {  	_ =	swait.ge [sflag:s5], $0xA00  }
0x282: {  	[sflag:s5] =	ssyncset.done $0x0  }
0x283: {  	s9 =	simm.s32 $0x0;
	[sflag:s5] =	ssyncadd.s32 $0xFFFFF600  }
0x284: {  	v2 =	vld [tilespmem:s9+$0x160D0]  }
0x285: {  	v3 =	vld [tilespmem:s9+$0x188D0];
	_ =	sdelay $0x1  }
0x286: {  	v4 =	vld [tilespmem:s9+$0x1B0D0];
	_ =	sdelay $0x2  }
0x287: {  	v5 =	vshll.u32 v2, $0x10;
	v6 =	vshll.u32 v3, $0x10  }
0x288: {  	v2 =	vand.u32 $0xFFFF0000, v2;
	v3 =	vand.u32 $0xFFFF0000, v3;
	v5 =	vadd.f32 v6, v5  }
0x289: {  	v2 =	vadd.f32 v3, v2;
	v3 =	vshll.u32 v4, $0x10  }
0x28a: {  	v4 =	vand.u32 $0xFFFF0000, v4;
	v3 =	vadd.f32 v3, v5  }
0x28b: {  	v2 =	vadd.f32 v4, v2  }
0x28c: {  	s11 =	simm.s32 $0x1C510;
	v3 =	vmax.f32 v3, $0.0e+00  }
0x28d: {  	v2 =	vmax.f32 v2, $0.0e+00;
	[tilespmem:s11+$0xFFFFFFC0] =	vst v3  }
0x28e: {  	[tilespmem:s11+$0xFFFFFFD0] =	vst v2  }
0x28f: {  	v2 =	vld [tilespmem:s9+$0x160E0]  }
0x290: {  	v3 =	vld [tilespmem:s9+$0x188E0];
	_ =	sdelay $0x1  }
0x291: {  	v58 =	vld [tilespmem:s9+$0x1B0E0];
	_ =	sdelay $0x2  }
0x292: {  	v59 =	vshll.u32 v2, $0x10;
	v60 =	vshll.u32 v3, $0x10  }
0x293: {  	v2 =	vand.u32 $0xFFFF0000, v2;
	v3 =	vand.u32 $0xFFFF0000, v3;
	v5 =	vadd.f32 v60, v59  }
0x294: {  	v2 =	vadd.f32 v3, v2;
	v3 =	vshll.u32 v58, $0x10  }
0x295: {  	v4 =	vand.u32 $0xFFFF0000, v58;
	v3 =	vadd.f32 v3, v5  }
0x296: {  	v2 =	vadd.f32 v4, v2  }
0x297: {  	v3 =	vmax.f32 v3, $0.0e+00  }
0x298: {  	v2 =	vmax.f32 v2, $0.0e+00;
	[tilespmem:s11+$0xFFFFFFE0] =	vst v3  }
0x299: {  	[tilespmem:s11+$0xFFFFFFF0] =	vst v2  }
0x29a: {  	v2 =	vld [tilespmem:s9+$0x160F0]  }
0x29b: {  	v3 =	vld [tilespmem:s9+$0x188F0];
	_ =	sdelay $0x1  }
0x29c: {  	v61 =	vld [tilespmem:s9+$0x1B0F0];
	_ =	sdelay $0x2  }
0x29d: {  	v62 =	vshll.u32 v2, $0x10;
	v63 =	vshll.u32 v3, $0x10  }
0x29e: {  	v2 =	vand.u32 $0xFFFF0000, v2;
	v3 =	vand.u32 $0xFFFF0000, v3;
	v5 =	vadd.f32 v63, v62  }
0x29f: {  	v2 =	vadd.f32 v3, v2;
	v3 =	vshll.u32 v61, $0x10  }
0x2a0: {  	v4 =	vand.u32 $0xFFFF0000, v61;
	v3 =	vadd.f32 v3, v5  }
0x2a1: {  	v2 =	vadd.f32 v4, v2  }
0x2a2: {  	v3 =	vmax.f32 v3, $0.0e+00  }
0x2a3: {  	v2 =	vmax.f32 v2, $0.0e+00;
	[tilespmem:s11+$0x0] =	vst v3  }
0x2a4: {  	[tilespmem:s11+$0x10] =	vst v2  }
0x2a5: {  	s17 =	simm.s32 $0x100;
	s8 =	simm.s32 $0x1C510;
	v2 =	vld [tilespmem:s9+$0x16100]  }
.LBB2_17:
0x2a6: {  	p1 =	sne.s32 s17, $0x2700  }
0x2a7: {  	v3 =	vld [tilespmem:s9+$0x18900];
	s11 =	sadd.s32 $0x90, s11;
	s19 =	smov.u32 s17;
	s17 =	sadd.s32 $0x100, s17  }
0x2a8: {  	v4 =	vld [tilespmem:s9+$0x1B100];
	_ =	sdelay $0x2  }
0x2a9: {  	v5 =	vshll.u32 v2, $0x10;
	v2 =	vand.u32 $0xFFFF0000, v2  }
0x2aa: {  	v6 =	vshll.u32 v3, $0x10;
	v3 =	vand.u32 $0xFFFF0000, v3  }
0x2ab: {  	v5 =	vadd.f32 v6, v5;
	v2 =	vadd.f32 v3, v2  }
0x2ac: {  	v3 =	vshll.u32 v4, $0x10;
	v4 =	vand.u32 $0xFFFF0000, v4  }
0x2ad: {  	s9 =	sshra.s32 s19, $0x2;
	v3 =	vadd.f32 v3, v5;
	v2 =	vadd.f32 v4, v2;
	_ =	sdelay $0x1  }
0x2ae: {  	v3 =	vmax.f32 v3, $0.0e+00;
	v2 =	vmax.f32 v2, $0.0e+00  }
0x2af: {  	[tilespmem:s8+$0x20] =	vst v3  }
0x2b0: {  	[tilespmem:s8+$0x30] =	vst v2;
	s8 =	smov.u32 s11  }
0x2b1: {  	v2 =	vld [tilespmem:s9+$0x160D0]  }
0x2b2: {  	v3 =	vld [tilespmem:s9+$0x188D0]  }
0x2b3: {  	v4 =	vld [tilespmem:s9+$0x1B0D0];
	_ =	sdelay $0x2  }
0x2b4: {  	v5 =	vshll.u32 v2, $0x10  }
0x2b5: {  	v2 =	vand.u32 $0xFFFF0000, v2;
	v6 =	vshll.u32 v3, $0x10;
	v3 =	vand.u32 $0xFFFF0000, v3  }
0x2b6: {  	v7 =	vand.u32 $0xFFFF0000, v4;
	v5 =	vadd.f32 v6, v5;
	v2 =	vadd.f32 v3, v2  }
0x2b7: {  	v3 =	vshll.u32 v4, $0x10  }
0x2b8: {  	v3 =	vadd.f32 v3, v5;
	v2 =	vadd.f32 v7, v2;
	_ =	sdelay $0x1  }
0x2b9: {  	v3 =	vmax.f32 v3, $0.0e+00;
	v2 =	vmax.f32 v2, $0.0e+00  }
0x2ba: {  	[tilespmem:s11+$0xFFFFFFC0] =	vst v3  }
0x2bb: {  	[tilespmem:s11+$0xFFFFFFD0] =	vst v2  }
0x2bc: {  	v2 =	vld [tilespmem:s9+$0x160E0]  }
0x2bd: {  	v3 =	vld [tilespmem:s9+$0x188E0]  }
0x2be: {  	v4 =	vld [tilespmem:s9+$0x1B0E0];
	_ =	sdelay $0x2  }
0x2bf: {  	v5 =	vand.u32 $0xFFFF0000, v2  }
0x2c0: {  	v2 =	vshll.u32 v2, $0x10;
	v6 =	vshll.u32 v3, $0x10;
	v3 =	vand.u32 $0xFFFF0000, v3  }
0x2c1: {  	v2 =	vadd.f32 v6, v2;
	v3 =	vadd.f32 v3, v5  }
0x2c2: {  	v5 =	vshll.u32 v4, $0x10;
	v4 =	vand.u32 $0xFFFF0000, v4  }
0x2c3: {  	v2 =	vadd.f32 v5, v2;
	v3 =	vadd.f32 v4, v3;
	_ =	sdelay $0x1  }
0x2c4: {  	v2 =	vmax.f32 v2, $0.0e+00;
	v3 =	vmax.f32 v3, $0.0e+00  }
0x2c5: {  	[tilespmem:s11+$0xFFFFFFE0] =	vst v2  }
0x2c6: {  	[tilespmem:s11+$0xFFFFFFF0] =	vst v3  }
0x2c7: {  	v2 =	vld [tilespmem:s9+$0x160F0]  }
0x2c8: {  	v3 =	vld [tilespmem:s9+$0x188F0]  }
0x2c9: {  	v4 =	vld [tilespmem:s9+$0x1B0F0];
	_ =	sdelay $0x2  }
0x2ca: {  	v5 =	vshll.u32 v2, $0x10;
	v2 =	vand.u32 $0xFFFF0000, v2  }
0x2cb: {  	v6 =	vshll.u32 v3, $0x10;
	v3 =	vand.u32 $0xFFFF0000, v3  }
0x2cc: {  	v5 =	vadd.f32 v6, v5;
	v2 =	vadd.f32 v3, v2  }
0x2cd: {  	v3 =	vshll.u32 v4, $0x10;
	v4 =	vand.u32 $0xFFFF0000, v4  }
0x2ce: {  	v3 =	vadd.f32 v3, v5;
	v2 =	vadd.f32 v4, v2  }
.Ltmp8:
0x2cf: {  	(pc) =	sbr.rel @p1 .LBB2_17-.Ltmp8, $4  }
0x2d0: {  	v3 =	vmax.f32 v3, $0.0e+00;
	v2 =	vmax.f32 v2, $0.0e+00  }
0x2d1: {  	[tilespmem:s11+$0x0] =	vst v3  }
0x2d2: {  	[tilespmem:s11+$0x10] =	vst v2  }
0x2d3: {  	v2 =	vld [tilespmem:s9+$0x16100]  }
0x2d4: {  	v3 =	vld [tilespmem:s9+$0x18900];
	_ =	sdelay $0x1  }
0x2d5: {  	v4 =	vld [tilespmem:s9+$0x1B100];
	_ =	sdelay $0x2  }
0x2d6: {  	v5 =	vshll.u32 v2, $0x10;
	v6 =	vshll.u32 v3, $0x10  }
0x2d7: {  	v2 =	vand.u32 $0xFFFF0000, v2;
	v3 =	vand.u32 $0xFFFF0000, v3;
	v5 =	vadd.f32 v6, v5  }
0x2d8: {  	v2 =	vadd.f32 v3, v2;
	v3 =	vshll.u32 v4, $0x10  }
0x2d9: {  	v4 =	vand.u32 $0xFFFF0000, v4;
	v3 =	vadd.f32 v3, v5  }
0x2da: {  	v2 =	vadd.f32 v4, v2  }
0x2db: {  	v3 =	vmax.f32 v3, $0.0e+00  }
0x2dc: {  	v2 =	vmax.f32 v2, $0.0e+00;
	[tilespmem:s8+$0x20] =	vst v3  }
0x2dd: {  	[tilespmem:s8+$0x30] =	vst v2  }
0x2de: {  	_ =	swait.ge [sflag:s0], $0xA00  }
0x2df: {  	[sflag:s0] =	ssyncset.done $0x0  }
0x2e0: {  	s9 =	simm.s32 $0x0;
	[sflag:s0] =	ssyncadd.s32 $0xFFFFF600  }
0x2e1: {  	v2 =	vld [tilespmem:s9+$0x16AD0]  }
0x2e2: {  	v3 =	vld [tilespmem:s9+$0x192D0];
	_ =	sdelay $0x1  }
0x2e3: {  	v55 =	vld [tilespmem:s9+$0x1BAD0];
	_ =	sdelay $0x2  }
0x2e4: {  	v56 =	vshll.u32 v2, $0x10;
	v57 =	vshll.u32 v3, $0x10  }
0x2e5: {  	v2 =	vand.u32 $0xFFFF0000, v2;
	v3 =	vand.u32 $0xFFFF0000, v3;
	v5 =	vadd.f32 v57, v56  }
0x2e6: {  	v2 =	vadd.f32 v3, v2;
	v3 =	vshll.u32 v55, $0x10  }
0x2e7: {  	v4 =	vand.u32 $0xFFFF0000, v55;
	v3 =	vadd.f32 v3, v5  }
0x2e8: {  	v2 =	vadd.f32 v4, v2  }
0x2e9: {  	s11 =	simm.s32 $0x1DBC0;
	v3 =	vmax.f32 v3, $0.0e+00  }
0x2ea: {  	v2 =	vmax.f32 v2, $0.0e+00;
	[tilespmem:s11+$0xFFFFFF90] =	vst v3  }
0x2eb: {  	[tilespmem:s11+$0xFFFFFFA0] =	vst v2  }
0x2ec: {  	v2 =	vld [tilespmem:s9+$0x16AE0]  }
0x2ed: {  	v3 =	vld [tilespmem:s9+$0x192E0];
	_ =	sdelay $0x1  }
0x2ee: {  	v58 =	vld [tilespmem:s9+$0x1BAE0];
	_ =	sdelay $0x2  }
0x2ef: {  	v59 =	vshll.u32 v2, $0x10;
	v60 =	vshll.u32 v3, $0x10  }
0x2f0: {  	v2 =	vand.u32 $0xFFFF0000, v2;
	v3 =	vand.u32 $0xFFFF0000, v3;
	v5 =	vadd.f32 v60, v59  }
0x2f1: {  	v2 =	vadd.f32 v3, v2;
	v3 =	vshll.u32 v58, $0x10  }
0x2f2: {  	v4 =	vand.u32 $0xFFFF0000, v58;
	v3 =	vadd.f32 v3, v5  }
0x2f3: {  	v2 =	vadd.f32 v4, v2  }
0x2f4: {  	v3 =	vmax.f32 v3, $0.0e+00  }
0x2f5: {  	v2 =	vmax.f32 v2, $0.0e+00;
	[tilespmem:s11+$0xFFFFFFB0] =	vst v3  }
0x2f6: {  	[tilespmem:s11+$0xFFFFFFC0] =	vst v2  }
0x2f7: {  	v2 =	vld [tilespmem:s9+$0x16AF0]  }
0x2f8: {  	v3 =	vld [tilespmem:s9+$0x192F0];
	_ =	sdelay $0x1  }
0x2f9: {  	v61 =	vld [tilespmem:s9+$0x1BAF0];
	_ =	sdelay $0x2  }
0x2fa: {  	v62 =	vshll.u32 v2, $0x10;
	v63 =	vshll.u32 v3, $0x10  }
0x2fb: {  	v2 =	vand.u32 $0xFFFF0000, v2;
	v3 =	vand.u32 $0xFFFF0000, v3;
	v5 =	vadd.f32 v63, v62  }
0x2fc: {  	v2 =	vadd.f32 v3, v2;
	v3 =	vshll.u32 v61, $0x10  }
0x2fd: {  	v4 =	vand.u32 $0xFFFF0000, v61;
	v3 =	vadd.f32 v3, v5  }
0x2fe: {  	v2 =	vadd.f32 v4, v2  }
0x2ff: {  	v3 =	vmax.f32 v3, $0.0e+00  }
0x300: {  	v2 =	vmax.f32 v2, $0.0e+00;
	[tilespmem:s11+$0xFFFFFFD0] =	vst v3  }
0x301: {  	[tilespmem:s11+$0xFFFFFFE0] =	vst v2  }
0x302: {  	s17 =	simm.s32 $0x100;
	s8 =	simm.s32 $0x1DBC0;
	s25 =	rddreg [dreg:$0x15];
	v2 =	vld [tilespmem:s9+$0x16B00]  }
.LBB2_19:
0x303: {  	p1 =	sne.s32 s17, $0x2700  }
0x304: {  	v3 =	vld [tilespmem:s9+$0x19300];
	s11 =	sadd.s32 $0x90, s11;
	s19 =	smov.u32 s17;
	s17 =	sadd.s32 $0x100, s17  }
0x305: {  	v4 =	vld [tilespmem:s9+$0x1BB00];
	_ =	sdelay $0x2  }
0x306: {  	v5 =	vshll.u32 v2, $0x10;
	v2 =	vand.u32 $0xFFFF0000, v2  }
0x307: {  	v6 =	vshll.u32 v3, $0x10;
	v3 =	vand.u32 $0xFFFF0000, v3  }
0x308: {  	v5 =	vadd.f32 v6, v5;
	v2 =	vadd.f32 v3, v2  }
0x309: {  	v3 =	vshll.u32 v4, $0x10;
	v4 =	vand.u32 $0xFFFF0000, v4  }
0x30a: {  	s9 =	sshra.s32 s19, $0x2;
	v3 =	vadd.f32 v3, v5;
	v2 =	vadd.f32 v4, v2;
	_ =	sdelay $0x1  }
0x30b: {  	v3 =	vmax.f32 v3, $0.0e+00;
	v2 =	vmax.f32 v2, $0.0e+00  }
0x30c: {  	[tilespmem:s8+$0xFFFFFFF0] =	vst v3  }
0x30d: {  	[tilespmem:s8+$0x0] =	vst v2;
	s8 =	smov.u32 s11  }
0x30e: {  	v2 =	vld [tilespmem:s9+$0x16AD0]  }
0x30f: {  	v3 =	vld [tilespmem:s9+$0x192D0]  }
0x310: {  	v4 =	vld [tilespmem:s9+$0x1BAD0];
	_ =	sdelay $0x2  }
0x311: {  	v5 =	vshll.u32 v2, $0x10  }
0x312: {  	v2 =	vand.u32 $0xFFFF0000, v2;
	v6 =	vshll.u32 v3, $0x10;
	v3 =	vand.u32 $0xFFFF0000, v3  }
0x313: {  	v7 =	vand.u32 $0xFFFF0000, v4;
	v5 =	vadd.f32 v6, v5;
	v2 =	vadd.f32 v3, v2  }
0x314: {  	v3 =	vshll.u32 v4, $0x10  }
0x315: {  	v3 =	vadd.f32 v3, v5;
	v2 =	vadd.f32 v7, v2;
	_ =	sdelay $0x1  }
0x316: {  	v3 =	vmax.f32 v3, $0.0e+00;
	v2 =	vmax.f32 v2, $0.0e+00  }
0x317: {  	[tilespmem:s11+$0xFFFFFF90] =	vst v3  }
0x318: {  	[tilespmem:s11+$0xFFFFFFA0] =	vst v2  }
0x319: {  	v2 =	vld [tilespmem:s9+$0x16AE0]  }
0x31a: {  	v3 =	vld [tilespmem:s9+$0x192E0]  }
0x31b: {  	v4 =	vld [tilespmem:s9+$0x1BAE0];
	_ =	sdelay $0x2  }
0x31c: {  	v5 =	vand.u32 $0xFFFF0000, v2  }
0x31d: {  	v2 =	vshll.u32 v2, $0x10;
	v6 =	vshll.u32 v3, $0x10;
	v3 =	vand.u32 $0xFFFF0000, v3  }
0x31e: {  	v2 =	vadd.f32 v6, v2;
	v3 =	vadd.f32 v3, v5  }
0x31f: {  	v5 =	vshll.u32 v4, $0x10;
	v4 =	vand.u32 $0xFFFF0000, v4  }
0x320: {  	v2 =	vadd.f32 v5, v2;
	v3 =	vadd.f32 v4, v3;
	_ =	sdelay $0x1  }
0x321: {  	v2 =	vmax.f32 v2, $0.0e+00;
	v3 =	vmax.f32 v3, $0.0e+00  }
0x322: {  	[tilespmem:s11+$0xFFFFFFB0] =	vst v2  }
0x323: {  	[tilespmem:s11+$0xFFFFFFC0] =	vst v3  }
0x324: {  	v2 =	vld [tilespmem:s9+$0x16AF0]  }
0x325: {  	v3 =	vld [tilespmem:s9+$0x192F0]  }
0x326: {  	v4 =	vld [tilespmem:s9+$0x1BAF0];
	_ =	sdelay $0x2  }
0x327: {  	v5 =	vshll.u32 v2, $0x10;
	v2 =	vand.u32 $0xFFFF0000, v2  }
0x328: {  	v6 =	vshll.u32 v3, $0x10;
	v3 =	vand.u32 $0xFFFF0000, v3  }
0x329: {  	v5 =	vadd.f32 v6, v5;
	v2 =	vadd.f32 v3, v2  }
0x32a: {  	v3 =	vshll.u32 v4, $0x10;
	v4 =	vand.u32 $0xFFFF0000, v4  }
0x32b: {  	v3 =	vadd.f32 v3, v5;
	v2 =	vadd.f32 v4, v2  }
.Ltmp9:
0x32c: {  	(pc) =	sbr.rel @p1 .LBB2_19-.Ltmp9, $4  }
0x32d: {  	v3 =	vmax.f32 v3, $0.0e+00;
	v2 =	vmax.f32 v2, $0.0e+00  }
0x32e: {  	[tilespmem:s11+$0xFFFFFFD0] =	vst v3  }
0x32f: {  	[tilespmem:s11+$0xFFFFFFE0] =	vst v2  }
0x330: {  	v2 =	vld [tilespmem:s9+$0x16B00]  }
0x331: {  	v3 =	vld [tilespmem:s9+$0x19300];
	_ =	sdelay $0x1  }
0x332: {  	v4 =	vld [tilespmem:s9+$0x1BB00];
	_ =	sdelay $0x2  }
0x333: {  	v5 =	vshll.u32 v2, $0x10;
	v6 =	vshll.u32 v3, $0x10  }
0x334: {  	v2 =	vand.u32 $0xFFFF0000, v2;
	v3 =	vand.u32 $0xFFFF0000, v3;
	v5 =	vadd.f32 v6, v5  }
0x335: {  	v2 =	vadd.f32 v3, v2;
	v3 =	vshll.u32 v4, $0x10  }
0x336: {  	v4 =	vand.u32 $0xFFFF0000, v4;
	v3 =	vadd.f32 v3, v5  }
0x337: {  	v2 =	vadd.f32 v4, v2  }
0x338: {  	v3 =	vmax.f32 v3, $0.0e+00  }
0x339: {  	v2 =	vmax.f32 v2, $0.0e+00;
	[tilespmem:s8+$0xFFFFFFF0] =	vst v3  }
0x33a: {  	s29 =	rddreg [dreg:$0x2];
	[tilespmem:s8+$0x0] =	vst v2  }
0x33b: {  	[spmem:s29] =	stream.indirect.scatter.add.f32 [tilespmem:s13], [sflag:$0xB], $0x90, s12, s23, $0xb8;
	[tilespmem:$0x1F1D0] =	vst v63  }
0x33c: {  	_ =	swait.ge [sflag:s14], $0x2D00  }
0x33d: {  	[sflag:s14] =	ssyncset.done $0x0  }
0x33e: {  	[sflag:s14] =	ssyncadd.s32 $0xFFFFD300  }
0x33f: {  	[bflag:$0x0] =	sbarrier.arrive $0xFFFF  }
0x340: {  	s19 =	rddreg [dreg:$0x14]  }
0x341: {  	[tilespmem:s13], [sflag:$0xB] =	stream.linear.gather [spmem:s19], $0x1680, $0x38;
	[tilespmem:$0x1F1D0] =	vst v63  }
0x342: {  	_ =	swait.ge [sflag:s14], $0x1680  }
0x343: {  	[sflag:s14] =	ssyncset.done $0x0  }
0x344: {  	s9 =	rddreg [dreg:$0x4];
	[sflag:s14] =	ssyncadd.s32 $0xFFFFE980  }
0x345: {  	[hbm4b:s9+s1] =	stream.linear.scatter [tilespmem:s13], [sflag:$0xB], $0x1680, $0x38;
	[tilespmem:$0x1F1D0] =	vst v63  }
0x346: {  	_ =	swait.ge [sflag:s14], $0x1680  }
0x347: {  	[sflag:s14] =	ssyncset.done $0x0  }
0x348: {  	[sflag:s14] =	ssyncadd.s32 $0xFFFFE980  }
0x349: {  	[tilespmem:s13], [sflag:$0xB] =	stream.linear.gather [spmem:s25], $0x1680, $0x38;
	[tilespmem:$0x1F1D0] =	vst v63  }
0x34a: {  	_ =	swait.ge [sflag:s14], $0x1680  }
0x34b: {  	[sflag:s14] =	ssyncset.done $0x0  }
0x34c: {  	s11 =	rddreg [dreg:$0x5];
	[sflag:s14] =	ssyncadd.s32 $0xFFFFE980  }
0x34d: {  	[hbm4b:s11+s1] =	stream.linear.scatter [tilespmem:s13], [sflag:$0xB], $0x1680, $0x38;
	[tilespmem:$0x1F1D0] =	vst v63  }
0x34e: {  	_ =	swait.ge [sflag:s14], $0x1680  }
0x34f: {  	[sflag:s14] =	ssyncset.done $0x0  }
0x350: {  	s17 =	rddreg [dreg:$0x16];
	[sflag:s14] =	ssyncadd.s32 $0xFFFFE980  }
0x351: {  	[tilespmem:s13], [sflag:$0xB] =	stream.linear.gather [spmem:s17], $0x1680, $0x38;
	[tilespmem:$0x1F1D0] =	vst v63  }
0x352: {  	_ =	swait.ge [sflag:s14], $0x1680  }
0x353: {  	[sflag:s14] =	ssyncset.done $0x0  }
0x354: {  	s26 =	rddreg [dreg:$0x6];
	[sflag:s14] =	ssyncadd.s32 $0xFFFFE980  }
0x355: {  	[hbm4b:s26+s1] =	stream.linear.scatter [tilespmem:s13], [sflag:$0xB], $0x1680, $0x38;
	[tilespmem:$0x1F1D0] =	vst v63  }
0x356: {  	_ =	swait.ge [sflag:s14], $0x1680  }
0x357: {  	[sflag:s14] =	ssyncset.done $0x0  }
0x358: {  	s29 =	rddreg [dreg:$0x17];
	[sflag:s14] =	ssyncadd.s32 $0xFFFFE980  }
0x359: {  	[tilespmem:s13], [sflag:$0xB] =	stream.linear.gather [spmem:s29], $0x1680, $0x38;
	[tilespmem:$0x1F1D0] =	vst v63  }
0x35a: {  	_ =	swait.ge [sflag:s14], $0x1680  }
0x35b: {  	[sflag:s14] =	ssyncset.done $0x0  }
0x35c: {  	s9 =	rddreg [dreg:$0x7];
	[sflag:s14] =	ssyncadd.s32 $0xFFFFE980  }
0x35d: {  	[hbm4b:s9+s1] =	stream.linear.scatter [tilespmem:s13], [sflag:$0xB], $0x1680, $0x38;
	[tilespmem:$0x1F1D0] =	vst v63  }
0x35e: {  	_ =	swait.ge [sflag:s14], $0x1680  }
0x35f: {  	[sflag:s14] =	ssyncset.done $0x0  }
0x360: {  	s11 =	rddreg [dreg:$0x18];
	[sflag:s14] =	ssyncadd.s32 $0xFFFFE980  }
0x361: {  	[tilespmem:s13], [sflag:$0xB] =	stream.linear.gather [spmem:s11], $0x1680, $0x38;
	[tilespmem:$0x1F1D0] =	vst v63  }
0x362: {  	_ =	swait.ge [sflag:s14], $0x1680  }
0x363: {  	[sflag:s14] =	ssyncset.done $0x0  }
0x364: {  	s17 =	rddreg [dreg:$0x8];
	[sflag:s14] =	ssyncadd.s32 $0xFFFFE980  }
0x365: {  	[hbm4b:s17+s1] =	stream.linear.scatter [tilespmem:s13], [sflag:$0xB], $0x1680, $0x38;
	[tilespmem:$0x1F1D0] =	vst v63  }
0x366: {  	_ =	swait.ge [sflag:s14], $0x1680  }
0x367: {  	[sflag:s14] =	ssyncset.done $0x0  }
0x368: {  	s26 =	rddreg [dreg:$0x19];
	[sflag:s14] =	ssyncadd.s32 $0xFFFFE980  }
0x369: {  	[tilespmem:s13], [sflag:$0xB] =	stream.linear.gather [spmem:s26], $0x1680, $0x38;
	[tilespmem:$0x1F1D0] =	vst v63  }
0x36a: {  	_ =	swait.ge [sflag:s14], $0x1680  }
0x36b: {  	[sflag:s14] =	ssyncset.done $0x0  }
0x36c: {  	s29 =	rddreg [dreg:$0x9];
	[sflag:s14] =	ssyncadd.s32 $0xFFFFE980  }
0x36d: {  	[hbm4b:s29+s1] =	stream.linear.scatter [tilespmem:s13], [sflag:$0xB], $0x1680, $0x38;
	[tilespmem:$0x1F1D0] =	vst v63  }
0x36e: {  	_ =	swait.ge [sflag:s14], $0x1680  }
0x36f: {  	[sflag:s14] =	ssyncset.done $0x0  }
0x370: {  	s9 =	rddreg [dreg:$0x1a];
	[sflag:s14] =	ssyncadd.s32 $0xFFFFE980  }
0x371: {  	[tilespmem:s13], [sflag:$0xB] =	stream.linear.gather [spmem:s9], $0x1680, $0x38;
	[tilespmem:$0x1F1D0] =	vst v63  }
0x372: {  	_ =	swait.ge [sflag:s14], $0x1680  }
0x373: {  	[sflag:s14] =	ssyncset.done $0x0  }
0x374: {  	s11 =	rddreg [dreg:$0xa];
	[sflag:s14] =	ssyncadd.s32 $0xFFFFE980  }
0x375: {  	[hbm4b:s11+s1] =	stream.linear.scatter [tilespmem:s13], [sflag:$0xB], $0x1680, $0x38;
	[tilespmem:$0x1F1D0] =	vst v63  }
0x376: {  	_ =	swait.ge [sflag:s14], $0x1680  }
0x377: {  	[sflag:s14] =	ssyncset.done $0x0  }
0x378: {  	s17 =	rddreg [dreg:$0x1b];
	[sflag:s14] =	ssyncadd.s32 $0xFFFFE980  }
0x379: {  	[tilespmem:s13], [sflag:$0xB] =	stream.linear.gather [spmem:s17], $0x1680, $0x38;
	[tilespmem:$0x1F1D0] =	vst v63  }
0x37a: {  	_ =	swait.ge [sflag:s14], $0x1680  }
0x37b: {  	[sflag:s14] =	ssyncset.done $0x0  }
0x37c: {  	s26 =	rddreg [dreg:$0xb];
	[sflag:s14] =	ssyncadd.s32 $0xFFFFE980  }
0x37d: {  	[hbm4b:s26+s1] =	stream.linear.scatter [tilespmem:s13], [sflag:$0xB], $0x1680, $0x38;
	[tilespmem:$0x1F1D0] =	vst v63  }
0x37e: {  	_ =	swait.ge [sflag:s14], $0x1680  }
0x37f: {  	[sflag:s14] =	ssyncset.done $0x0  }
0x380: {  	s29 =	rddreg [dreg:$0x1c];
	[sflag:s14] =	ssyncadd.s32 $0xFFFFE980  }
0x381: {  	[tilespmem:s13], [sflag:$0xB] =	stream.linear.gather [spmem:s29], $0x1680, $0x38;
	[tilespmem:$0x1F1D0] =	vst v63  }
0x382: {  	_ =	swait.ge [sflag:s14], $0x1680  }
0x383: {  	[sflag:s14] =	ssyncset.done $0x0  }
0x384: {  	s9 =	rddreg [dreg:$0xc];
	[sflag:s14] =	ssyncadd.s32 $0xFFFFE980  }
0x385: {  	[hbm4b:s9+s1] =	stream.linear.scatter [tilespmem:s13], [sflag:$0xB], $0x1680, $0x38;
	[tilespmem:$0x1F1D0] =	vst v63  }
0x386: {  	_ =	swait.ge [sflag:s14], $0x1680  }
0x387: {  	[sflag:s14] =	ssyncset.done $0x0  }
0x388: {  	s11 =	rddreg [dreg:$0x1d];
	[sflag:s14] =	ssyncadd.s32 $0xFFFFE980  }
0x389: {  	[tilespmem:s13], [sflag:$0xB] =	stream.linear.gather [spmem:s11], $0x1680, $0x38;
	[tilespmem:$0x1F1D0] =	vst v63  }
0x38a: {  	_ =	swait.ge [sflag:s14], $0x1680  }
0x38b: {  	[sflag:s14] =	ssyncset.done $0x0  }
0x38c: {  	s17 =	rddreg [dreg:$0xd];
	[sflag:s14] =	ssyncadd.s32 $0xFFFFE980  }
0x38d: {  	[hbm4b:s17+s1] =	stream.linear.scatter [tilespmem:s13], [sflag:$0xB], $0x1680, $0x38;
	[tilespmem:$0x1F1D0] =	vst v63  }
0x38e: {  	_ =	swait.ge [sflag:s14], $0x1680  }
0x38f: {  	[sflag:s14] =	ssyncset.done $0x0  }
0x390: {  	s26 =	rddreg [dreg:$0x1e];
	[sflag:s14] =	ssyncadd.s32 $0xFFFFE980  }
0x391: {  	[tilespmem:s13], [sflag:$0xB] =	stream.linear.gather [spmem:s26], $0x1680, $0x38;
	[tilespmem:$0x1F1D0] =	vst v63  }
0x392: {  	_ =	swait.ge [sflag:s14], $0x1680  }
0x393: {  	[sflag:s14] =	ssyncset.done $0x0  }
0x394: {  	s29 =	rddreg [dreg:$0xe];
	[sflag:s14] =	ssyncadd.s32 $0xFFFFE980  }
0x395: {  	[hbm4b:s29+s1] =	stream.linear.scatter [tilespmem:s13], [sflag:$0xB], $0x1680, $0x38;
	[tilespmem:$0x1F1D0] =	vst v63  }
0x396: {  	_ =	swait.ge [sflag:s14], $0x1680  }
0x397: {  	[sflag:s14] =	ssyncset.done $0x0  }
0x398: {  	s9 =	rddreg [dreg:$0x1f];
	[sflag:s14] =	ssyncadd.s32 $0xFFFFE980  }
0x399: {  	[tilespmem:s13], [sflag:$0xB] =	stream.linear.gather [spmem:s9], $0x1680, $0x38;
	[tilespmem:$0x1F1D0] =	vst v63  }
0x39a: {  	_ =	swait.ge [sflag:s14], $0x1680  }
0x39b: {  	[sflag:s14] =	ssyncset.done $0x0  }
0x39c: {  	s11 =	rddreg [dreg:$0xf];
	[sflag:s14] =	ssyncadd.s32 $0xFFFFE980  }
0x39d: {  	[hbm4b:s11+s1] =	stream.linear.scatter [tilespmem:s13], [sflag:$0xB], $0x1680, $0x38;
	[tilespmem:$0x1F1D0] =	vst v63  }
0x39e: {  	_ =	swait.ge [sflag:s14], $0x1680  }
0x39f: {  	s17 =	sld [smem:$0x7EF]  }
0x3a0: {  	[sflag:s14] =	ssyncset.done $0x0  }
0x3a1: {  	[sflag:s14] =	ssyncadd.s32 $0xFFFFE980  }
0x3a2: {  	[tilespmem:s13], [sflag:$0xB] =	stream.linear.gather [spmem:s17], $0x1680, $0x38;
	[tilespmem:$0x1F1D0] =	vst v63  }
0x3a3: {  	_ =	swait.ge [sflag:s14], $0x1680  }
0x3a4: {  	[sflag:s14] =	ssyncset.done $0x0  }
0x3a5: {  	s26 =	rddreg [dreg:$0x10];
	[sflag:s14] =	ssyncadd.s32 $0xFFFFE980  }
0x3a6: {  	[hbm4b:s26+s1] =	stream.linear.scatter [tilespmem:s13], [sflag:$0xB], $0x1680, $0x38;
	[tilespmem:$0x1F1D0] =	vst v63  }
0x3a7: {  	_ =	swait.ge [sflag:s14], $0x1680  }
0x3a8: {  	s29 =	sld [smem:$0x7F0]  }
0x3a9: {  	[sflag:s14] =	ssyncset.done $0x0  }
0x3aa: {  	[sflag:s14] =	ssyncadd.s32 $0xFFFFE980  }
0x3ab: {  	[tilespmem:s13], [sflag:$0xB] =	stream.linear.gather [spmem:s29], $0x1680, $0x38;
	[tilespmem:$0x1F1D0] =	vst v63  }
0x3ac: {  	_ =	swait.ge [sflag:s14], $0x1680  }
0x3ad: {  	[sflag:s14] =	ssyncset.done $0x0  }
0x3ae: {  	s9 =	rddreg [dreg:$0x11];
	[sflag:s14] =	ssyncadd.s32 $0xFFFFE980  }
0x3af: {  	[hbm4b:s9+s1] =	stream.linear.scatter [tilespmem:s13], [sflag:$0xB], $0x1680, $0x38;
	[tilespmem:$0x1F1D0] =	vst v63  }
0x3b0: {  	_ =	swait.ge [sflag:s14], $0x1680  }
0x3b1: {  	s11 =	sld [smem:$0x7F1]  }
0x3b2: {  	[sflag:s14] =	ssyncset.done $0x0  }
0x3b3: {  	[sflag:s14] =	ssyncadd.s32 $0xFFFFE980  }
0x3b4: {  	[tilespmem:s13], [sflag:$0xB] =	stream.linear.gather [spmem:s11], $0x1680, $0x38;
	[tilespmem:$0x1F1D0] =	vst v63  }
0x3b5: {  	_ =	swait.ge [sflag:s14], $0x1680  }
0x3b6: {  	[sflag:s14] =	ssyncset.done $0x0  }
0x3b7: {  	s17 =	rddreg [dreg:$0x12];
	[sflag:s14] =	ssyncadd.s32 $0xFFFFE980  }
0x3b8: {  	[hbm4b:s17+s1] =	stream.linear.scatter [tilespmem:s13], [sflag:$0xB], $0x1680, $0x38;
	[tilespmem:$0x1F1D0] =	vst v63  }
0x3b9: {  	_ =	swait.ge [sflag:s14], $0x1680  }
0x3ba: {  	s9 =	sld [smem:$0x7F2]  }
0x3bb: {  	[sflag:s14] =	ssyncset.done $0x0  }
0x3bc: {  	s8 =	simm.s32 @!p0 $0x1C4D0;
	[sflag:s14] =	ssyncadd.s32 $0xFFFFE980  }
0x3bd: {  	[tilespmem:s8], [sflag:$0xB] =	stream.linear.gather @!p0 [spmem:s9], $0x1680, $0x38;
	[tilespmem:$0x1F1D0] =	vst v63  }
0x3be: {  	s9 =	simm.s32 @!p0 $0xB  }
0x3bf: {  	_ =	swait.ge @!p0 [sflag:s9], $0x1680  }
0x3c0: {  	[sflag:s9] =	ssyncset.done @!p0 $0x0  }
0x3c1: {  	s11 =	simm.s32 @!p0 $0x0;
	s17 =	rddreg [dreg:$0x13];
	[sflag:s9] =	ssyncadd.s32 @!p0 $0xFFFFE980  }
0x3c2: {  	[hbm4b:s17+s11] =	stream.linear.scatter @!p0 [tilespmem:s8], [sflag:$0xB], $0x1680, $0x38;
	[tilespmem:$0x1F1D0] =	vst v63  }
0x3c3: {  	_ =	swait.ge @!p0 [sflag:s9], $0x1680  }
0x3c4: {  	s26 =	sld [smem:$0x7E9]  }
0x3c5: {  	s29 =	sld [smem:$0x7FD];
	_ =	sdelay $0x1  }
0x3c6: {  	s17 =	sadd.s32 $0x1, s26  }
0x3c7: {  	p1 =	sne.s32 s17, s29  }
.Ltmp10:
0x3c8: {  	_ = 	snop;
	(pc) =	sbr.rel @p1 .LBB2_1-.Ltmp10, $3  }
0x3c9: {  	_ =	sdelay $0x1  }
0x3ca: {  	[sflag:s9] =	ssyncset.done @!p0 $0x0  }
0x3cb: {  	s11 =	simm.s32 $0x15FE0;
	[sflag:s9] =	ssyncadd.s32 @!p0 $0xFFFFE980  }
0x3cc: {  	_ =	sfence.sel $0x180000  }
0x3cd: {  	[bflag:$0x0] =	sbarrier.arrive $0xFFFF  }
0x3ce: {  	_ =	strace $0x90000047  }
0x3cf: {  	s0 =	stileid.u32;
	[bflag:$0x2] =	sbarrier.arrive $0xFFFF  }
0x3d0: {  	p0 =	sne.s32 s0, $0x0;
	s0 =	rddreg [dreg:$0x3]  }
0x3d1: {  	s0 =	sadd.s32 @!p0 $0x100000, s0  }
0x3d2: {  	[sflag:s0] =	ssyncadd.tile.s32 @!p0 $0x1;
	_ =	shalt  }
.Lfunc_end2:
_tile_overlayer_lowered:
.L_overlay_start_2:
0x3d3: {  	(tag) =	ssettag $0x2  }
0x3d4: {  	s0 =	rddreg [dreg:$0x0];
	s2 =	stileid.u32  }
0x3d5: {  	s1 =	rddreg [dreg:$0x1];
	p0 =	sne.s32 s2, $0x0  }
0x3d6: {  	s3 =	rddreg [dreg:$0x2];
	[bflag:$0x3] =	sbarrier.arrive $0xFFFF;
	s2 =	simm.s32 @!p0 $0x1C0B  }
0x3d7: {  	[timem:s3], [sflag:s2] =	dma.local @!p0 [hbm:s0], s1  }
0x3d8: {  	s0 =	simm.s32 @!p0 $0xB  }
0x3d9: {  	_ =	swait.ge @!p0 [sflag:s0], s1  }
0x3da: {  	s1 =	ssub.s32 @!p0 $0x0, s1;
	[sflag:s0] =	ssyncset.done @!p0 $0x0  }
0x3db: {  	[sflag:s0] =	ssyncadd.s32 @!p0 s1  }
0x3dc: {  	[bflag:$0x3] =	sbarrier.arrive $0xFFFF  }
0x3dd: {  	_ =	shalt  }

</sc_bundles>
